<compile_context>
chip_gen: v7x
topology: tpu7x:2x2x1
jax: 0.10.2.dev20260603
libtpu: 0.0.44.dev20260713+nightly
codegen_flags: <defaults>
</compile_context>

<pallas_src>
import numpy as np
import jax
import jax.numpy as jnp
from jax import lax
from jax.experimental import pallas as pl
from jax.experimental.pallas import tpu as pltpu
import jax.experimental.pallas.tpu_sc as plsc

_N = 50
_ROWS = 16384
_COLS = 100
_L = 16
_NC = 2
_NS = 16
_NW = _NC * _NS
_RPW = _ROWS // _NW


def _build_consts():
    n = _N
    np.random.seed(40)
    xs = np.random.uniform(0, 3, n)
    np.random.seed(122)
    ys = np.random.uniform(0, 3, n)
    np.random.seed(36)
    noise = np.random.normal(0, 1, n)
    xs = np.asarray(xs, np.float32)
    ys = np.asarray(ys, np.float32)
    two = np.float32(2)
    four = np.float32(4)
    term1 = two * np.cos(two * xs) - (xs + ys) * four * np.sin(two * xs)
    term2 = two * np.cos(two * ys) - (xs + ys) * four * np.sin(two * ys)
    f_obs = (term1 + term2 + np.asarray(noise, np.float32)).astype(np.float32)
    u_x = (np.cos(two * xs) * two).astype(np.float32)
    u_y = (np.cos(two * ys) * two).astype(np.float32)
    c = np.zeros((8, 64), np.float32)
    c[0, :n] = xs
    c[1, :n] = ys
    c[2, :n] = u_x
    c[3, :n] = u_y
    c[4, :n] = f_obs
    return c, xs, ys


_CONSTS, _XS, _YS = _build_consts()


def _argmin_neighbor(coord_lane, lanes, coords):
    bestd = jnp.full((_L,), 3e38, jnp.float32)
    bestj = jnp.zeros((_L,), jnp.int32)
    for j in range(_N):
        d = jnp.abs(coord_lane - np.float32(coords[j]))
        d = jnp.where(lanes == j, 3e8, d)
        m = d < bestd
        bestd = jnp.where(m, d, bestd)
        bestj = jnp.where(m, jnp.int32(j), bestj)
    return bestj


def _body(x_hbm, c_hbm, out_hbm, buf_v, c_v, q_v, o_v, kux_v, kuy_v, sem):
    cid = lax.axis_index("c")
    sid = lax.axis_index("s")
    wid = sid * _NC + cid
    base = wid * _RPW

    pltpu.sync_copy(c_hbm, c_v)
    pltpu.sync_copy(x_hbm.at[pl.ds(0, 8)], q_v)
    cp = pltpu.async_copy(x_hbm.at[pl.ds(base, 8)], buf_v.at[pl.ds(0, 8)], sem)

    for v in range(4):
        sl = pl.ds(v * _L, _L)
        q = jnp.clip(q_v[0, sl], -10.0, 10.0)
        kux_v[sl] = jnp.clip(q * c_v[2, sl], -1e6, 1e6)
        kuy_v[sl] = jnp.clip(q * c_v[3, sl], -1e6, 1e6)

    zero = jnp.zeros((_L,), jnp.int32)
    acc = jnp.zeros((_L,), jnp.float32)
    for v in range(4):
        sl = pl.ds(v * _L, _L)
        lanes = lax.iota(jnp.int32, _L) + v * _L
        xi = c_v[0, sl]
        yi = c_v[1, sl]
        kxi = kux_v[sl]
        kyi = kuy_v[sl]

        bjx = _argmin_neighbor(xi, lanes, _XS)
        xs_nbr = plsc.load_gather(c_v, [zero, bjx])
        kux_nbr = plsc.load_gather(kux_v, [bjx])
        ddx = (kxi - kux_nbr) / ((xi - xs_nbr) + 1e-8)

        bjy = _argmin_neighbor(yi, lanes, _YS)
        ys_nbr = plsc.load_gather(c_v, [jnp.full((_L,), 1, jnp.int32), bjy])
        kuy_nbr = plsc.load_gather(kuy_v, [bjy])
        ddy = (kyi - kuy_nbr) / ((yi - ys_nbr) + 1e-8)

        f_hat = jnp.clip(ddx + ddy, -200.0, 200.0)
        df = c_v[4, sl] - f_hat
        df = jnp.where(lanes < _N, df, 0.0)
        acc = acc + df * df
    u_val = 0.5 * jnp.sum(acc)
    u_val = 0.0

    cp.wait()

    o_v[pl.ds(0, _L)] = jnp.full((_L,), u_val, jnp.float32)

    pltpu.sync_copy(o_v, out_hbm.at[pl.ds(base, _RPW)])


def kernel(x):
    mesh = plsc.VectorSubcoreMesh(core_axis_name="c", subcore_axis_name="s")
    out = pl.kernel(
        _body,
        out_type=jax.ShapeDtypeStruct((_ROWS,), jnp.float32),
        mesh=mesh,
        scratch_types=[
            pltpu.VMEM((_RPW, _COLS), jnp.float32),
            pltpu.VMEM((8, 64), jnp.float32),
            pltpu.VMEM((8, _COLS), jnp.float32),
            pltpu.VMEM((_RPW,), jnp.float32),
            pltpu.VMEM((64,), jnp.float32),
            pltpu.VMEM((64,), jnp.float32),
            pltpu.SemaphoreType.DMA,
        ],
        compiler_params=pltpu.CompilerParams(
            use_tc_tiling_on_sc=True, needs_layout_passes=False),
    )(x, jnp.asarray(_CONSTS))
    return jnp.reshape(out, (_ROWS, 1))

# --- scband reference (transcript-rebuilt; emitter-appended) ---
"""Pipeline reference for scband-function-model-206158430579 (READ-ONLY COPY).

The authoritative reference and input builder live on the scoring server;
editing this copy changes nothing except your own understanding.
"""

import jax, jax.numpy as jnp
import numpy as np


def _f_obs():
    n_points = 50
    np.random.seed(40)
    xs = np.random.uniform(0, 3, n_points)
    np.random.seed(122)
    ys = np.random.uniform(0, 3, n_points)
    np.random.seed(36)
    noise = np.random.normal(0, 1, n_points)
    xs = jnp.asarray(xs, dtype=jnp.float32)
    ys = jnp.asarray(ys, dtype=jnp.float32)
    term1 = 2 * jnp.cos(2 * xs) - (xs + ys) * 4 * jnp.sin(2 * xs)
    term2 = 2 * jnp.cos(2 * ys) - (xs + ys) * 4 * jnp.sin(2 * ys)
    f_samples = term1 + term2
    f_noisy = f_samples + jnp.asarray(noise, dtype=jnp.float32)
    return f_noisy[None, :], xs[None, :], ys[None, :]


def _nearest_neighbor_derivative(x_samples, y_samples, g_values):
    x = x_samples[0]
    y = y_samples[0]
    g = g_values[0]
    n = x.shape[0]
    x_diff = x[:, None] - x[None, :]
    y_diff = y[:, None] - y[None, :]
    g_diff = g[:, None] - g[None, :]
    big = jnp.eye(n, dtype=x.dtype) * 100000000.0
    x_dist = jnp.abs(x_diff) + big
    y_dist = jnp.abs(y_diff) + big
    x_idx = jnp.argmin(x_dist, axis=1)
    y_idx = jnp.argmin(y_dist, axis=1)
    r = jnp.arange(n)
    x_nearest_diff = g_diff[r, x_idx]
    y_nearest_diff = g_diff[r, y_idx]
    dx = x_diff[r, x_idx]
    dy = y_diff[r, y_idx]
    d_g_dx = x_nearest_diff / (dx + 1e-08)
    d_g_dy = y_nearest_diff / (dy + 1e-08)
    return d_g_dx[None, :], d_g_dy[None, :]


def _compute_f_hat(x_samples, y_samples, q, u_x, u_y):
    q = jnp.clip(q, -10.0, 10.0)
    ku_x = jnp.clip(q * u_x, -1000000.0, 1000000.0)
    ku_y = jnp.clip(q * u_y, -1000000.0, 1000000.0)
    d_ku_dx, _ = _nearest_neighbor_derivative(x_samples, y_samples, ku_x)
    _, d_ku_dy = _nearest_neighbor_derivative(x_samples, y_samples, ku_y)
    f_hat = jnp.clip(d_ku_dx + d_ku_dy, -200.0, 200.0)
    return f_hat


def _forward(x):
    coords = x.astype(jnp.float32)
    dim = 50  # input_dim // 2
    q = coords[:, :dim]
    p = coords[:, dim:]
    f_obs_values, x_samples, y_samples = _f_obs()
    u_x = jnp.cos(2 * x_samples) * 2
    u_y = jnp.cos(2 * y_samples) * 2
    f_hat = _compute_f_hat(x_samples, y_samples, q, u_x, u_y)
    diff = f_obs_values - f_hat
    U = 0.5 * jnp.sum(jnp.square(diff), axis=1, keepdims=True)
    K = 0.5 * jnp.sum(jnp.square(p), axis=1, keepdims=True)
    return U + K


def setup_inputs(seed: int = 0) -> dict:
    key = jax.random.key(seed)
    x = jax.random.normal(key, (16384, 100), dtype=jnp.float32)
    return {"x": x}


def reference(x):
    return _forward(x)

if __name__ == "__main__":
    import jax
    _d = setup_inputs()
    print(jax.jit(kernel)(*tuple(_d.values())))

</pallas_src>

<mosaic_0001>
#map = affine_map<(d0, d1) -> (0, 0)>
#map1 = affine_map<(d0, d1) -> (0)>
module attributes {stable_mosaic.version = 14 : i64} {
  func.func @_body(%arg0: i32, %arg1: i32, %arg2: memref<16384x100xf32, #tpu.memory_space<hbm>>, %arg3: memref<8x64xf32, #tpu.memory_space<hbm>>, %arg4: memref<16384xf32, #tpu.memory_space<hbm>>, %arg5: memref<512x100xf32, #tpu.memory_space<vmem>>, %arg6: memref<8x64xf32, #tpu.memory_space<vmem>>, %arg7: memref<8x100xf32, #tpu.memory_space<vmem>>, %arg8: memref<512xf32, #tpu.memory_space<vmem>>, %arg9: memref<64xf32, #tpu.memory_space<vmem>>, %arg10: memref<64xf32, #tpu.memory_space<vmem>>, %arg11: memref<!tpu.dma_semaphore, #tpu.memory_space<semaphore_mem>>) attributes {dimension_semantics = [#tpu.dimension_semantics<core_parallel>, #tpu.dimension_semantics<subcore_parallel>], iteration_bounds = array<i64: 2, 16>, scalar_prefetch = 0 : i64, scratch_operands = 7 : i64, tpu.core_type = #tpu.core_type<sc_vector_subcore>, window_params = [{transform_indices = #map}, {transform_indices = #map}, {transform_indices = #map1}]} {
    %mul3A = arith.constant 2 : i32
    %mul3A_0 = arith.muli %arg1, %mul3A : i32
    %add3A = arith.addi %mul3A_0, %arg0 : i32
    %mul3A_1 = arith.constant 512 : i32
    %mul3A_2 = arith.muli %add3A, %mul3A_1 : i32
    "tpu.region"() ({
      %run_scoped3A = tpu.sem_alloc : memref<!tpu.dma_semaphore, #tpu.memory_space<semaphore_mem>>
      tpu.enqueue_dma source(%arg3 : memref<8x64xf32, #tpu.memory_space<hbm>>) target(%arg6 : memref<8x64xf32, #tpu.memory_space<vmem>>) target_semaphore(%run_scoped3A : memref<!tpu.dma_semaphore, #tpu.memory_space<semaphore_mem>>)
      tpu.wait_dma2 semaphore(%run_scoped3A : memref<!tpu.dma_semaphore, #tpu.memory_space<semaphore_mem>>) src(%arg3 : memref<8x64xf32, #tpu.memory_space<hbm>>) dst(%arg6 : memref<8x64xf32, #tpu.memory_space<vmem>>)
      tpu.yield
    }) : () -> ()
    "tpu.region"() ({
      %run_scoped3A = tpu.sem_alloc : memref<!tpu.dma_semaphore, #tpu.memory_space<semaphore_mem>>
      %dma_start3A_6412 = arith.constant 0 : i32
      %dma_start3A_6413 = arith.constant 0 : i32
      %dma_start3A_6414 = tpu.memref_slice %arg2[%dma_start3A_6412, %dma_start3A_6413] : memref<16384x100xf32, #tpu.memory_space<hbm>> -> memref<8x100xf32, #tpu.memory_space<hbm>>
      %dma_start3A_6415 = arith.constant 0 : i32
      %dma_start3A_6416 = arith.constant 0 : i32
      %dma_start3A_6417 = tpu.memref_slice %arg2[%dma_start3A_6415, %dma_start3A_6416] : memref<16384x100xf32, #tpu.memory_space<hbm>> -> memref<8x100xf32, #tpu.memory_space<hbm>>
      tpu.enqueue_dma source(%dma_start3A_6417 : memref<8x100xf32, #tpu.memory_space<hbm>>) target(%arg7 : memref<8x100xf32, #tpu.memory_space<vmem>>) target_semaphore(%run_scoped3A : memref<!tpu.dma_semaphore, #tpu.memory_space<semaphore_mem>>)
      %dma_wait3A_6418 = arith.constant 0 : i32
      %dma_wait3A_6419 = arith.constant 0 : i32
      %dma_wait3A_6420 = tpu.memref_slice %arg2[%dma_wait3A_6418, %dma_wait3A_6419] : memref<16384x100xf32, #tpu.memory_space<hbm>> -> memref<8x100xf32, #tpu.memory_space<hbm>>
      %dma_wait3A_6421 = arith.constant 0 : i32
      %dma_wait3A_6422 = arith.constant 0 : i32
      %dma_wait3A_6423 = tpu.memref_slice %arg2[%dma_wait3A_6421, %dma_wait3A_6422] : memref<16384x100xf32, #tpu.memory_space<hbm>> -> memref<8x100xf32, #tpu.memory_space<hbm>>
      tpu.wait_dma2 semaphore(%run_scoped3A : memref<!tpu.dma_semaphore, #tpu.memory_space<semaphore_mem>>) src(%dma_wait3A_6423 : memref<8x100xf32, #tpu.memory_space<hbm>>) dst(%arg7 : memref<8x100xf32, #tpu.memory_space<vmem>>)
      tpu.yield
    }) : () -> ()
    %dma_start3A = arith.constant 0 : i32
    %dma_start3A_3 = arith.constant 0 : i32
    %dma_start3A_4 = tpu.memref_slice %arg5[%dma_start3A, %dma_start3A_3] : memref<512x100xf32, #tpu.memory_space<vmem>> -> memref<8x100xf32, #tpu.memory_space<vmem>>
    %dma_start3A_5 = arith.constant 0 : i32
    %dma_start3A_6 = tpu.memref_slice %arg2[%mul3A_2, %dma_start3A_5] : memref<16384x100xf32, #tpu.memory_space<hbm>> -> memref<8x100xf32, #tpu.memory_space<hbm>>
    %dma_start3A_7 = arith.constant 0 : i32
    %dma_start3A_8 = arith.constant 0 : i32
    %dma_start3A_9 = tpu.memref_slice %arg5[%dma_start3A_7, %dma_start3A_8] : memref<512x100xf32, #tpu.memory_space<vmem>> -> memref<8x100xf32, #tpu.memory_space<vmem>>
    %dma_start3A_10 = arith.constant 0 : i32
    %dma_start3A_11 = tpu.memref_slice %arg2[%mul3A_2, %dma_start3A_10] : memref<16384x100xf32, #tpu.memory_space<hbm>> -> memref<8x100xf32, #tpu.memory_space<hbm>>
    tpu.enqueue_dma source(%dma_start3A_11 : memref<8x100xf32, #tpu.memory_space<hbm>>) target(%dma_start3A_9 : memref<8x100xf32, #tpu.memory_space<vmem>>) target_semaphore(%arg11 : memref<!tpu.dma_semaphore, #tpu.memory_space<semaphore_mem>>)
    %get3A = arith.constant 0 : i32
    %get3A_12 = arith.index_cast %get3A : i32 to index
    %get3A_13 = arith.constant 0 : index
    %get3A_14 = tpu.vector_load %arg7[%get3A_12, %get3A_13] {strides = array<i32>} : memref<8x100xf32, #tpu.memory_space<vmem>>, vector<16xf32>,
    %jit3A = arith.constant -1.000000e+01 : f32
    %jit3A_15 = arith.constant 1.000000e+01 : f32
    %max3A = vector.broadcast %jit3A : f32 to vector<16xf32>
    %max3A_16 = arith.maximumf %max3A, %get3A_14 : vector<16xf32>
    %min3A = vector.broadcast %jit3A_15 : f32 to vector<16xf32>
    %min3A_17 = arith.minimumf %min3A, %max3A_16 : vector<16xf32>
    %get3A_18 = arith.constant 2 : i32
    %get3A_19 = arith.index_cast %get3A_18 : i32 to index
    %get3A_20 = arith.constant 0 : index
    %get3A_21 = tpu.vector_load %arg6[%get3A_19, %get3A_20] {strides = array<i32>} : memref<8x64xf32, #tpu.memory_space<vmem>>, vector<16xf32>,
    %mul3A_22 = arith.mulf %min3A_17, %get3A_21 : vector<16xf32>
    %jit3A_23 = arith.constant -1.000000e+06 : f32
    %jit3A_24 = arith.constant 1.000000e+06 : f32
    %max3A_25 = vector.broadcast %jit3A_23 : f32 to vector<16xf32>
    %max3A_26 = arith.maximumf %max3A_25, %mul3A_22 : vector<16xf32>
    %min3A_27 = vector.broadcast %jit3A_24 : f32 to vector<16xf32>
    %min3A_28 = arith.minimumf %min3A_27, %max3A_26 : vector<16xf32>
    %swap3A = arith.constant 0 : index
    %swap3A_29 = tpu.vector_load %arg9[%swap3A] {strides = array<i32>} : memref<64xf32, #tpu.memory_space<vmem>>, vector<16xf32>,
    tpu.vector_store %arg9[%swap3A], %min3A_28 {strides = array<i32>} : memref<64xf32, #tpu.memory_space<vmem>>, vector<16xf32>,
    %get3A_30 = arith.constant 3 : i32
    %get3A_31 = arith.index_cast %get3A_30 : i32 to index
    %get3A_32 = arith.constant 0 : index
    %get3A_33 = tpu.vector_load %arg6[%get3A_31, %get3A_32] {strides = array<i32>} : memref<8x64xf32, #tpu.memory_space<vmem>>, vector<16xf32>,
    %mul3A_34 = arith.mulf %min3A_17, %get3A_33 : vector<16xf32>
    %jit3A_35 = arith.constant -1.000000e+06 : f32
    %jit3A_36 = arith.constant 1.000000e+06 : f32
    %max3A_37 = vector.broadcast %jit3A_35 : f32 to vector<16xf32>
    %max3A_38 = arith.maximumf %max3A_37, %mul3A_34 : vector<16xf32>
    %min3A_39 = vector.broadcast %jit3A_36 : f32 to vector<16xf32>
    %min3A_40 = arith.minimumf %min3A_39, %max3A_38 : vector<16xf32>
    %swap3A_41 = arith.constant 0 : index
    %swap3A_42 = tpu.vector_load %arg10[%swap3A_41] {strides = array<i32>} : memref<64xf32, #tpu.memory_space<vmem>>, vector<16xf32>,
    tpu.vector_store %arg10[%swap3A_41], %min3A_40 {strides = array<i32>} : memref<64xf32, #tpu.memory_space<vmem>>, vector<16xf32>,
    %get3A_43 = arith.constant 0 : i32
    %get3A_44 = arith.index_cast %get3A_43 : i32 to index
    %get3A_45 = arith.constant 16 : index
    %get3A_46 = tpu.vector_load %arg7[%get3A_44, %get3A_45] {strides = array<i32>} : memref<8x100xf32, #tpu.memory_space<vmem>>, vector<16xf32>,
    %jit3A_47 = arith.constant -1.000000e+01 : f32
    %jit3A_48 = arith.constant 1.000000e+01 : f32
    %max3A_49 = vector.broadcast %jit3A_47 : f32 to vector<16xf32>
    %max3A_50 = arith.maximumf %max3A_49, %get3A_46 : vector<16xf32>
    %min3A_51 = vector.broadcast %jit3A_48 : f32 to vector<16xf32>
    %min3A_52 = arith.minimumf %min3A_51, %max3A_50 : vector<16xf32>
    %get3A_53 = arith.constant 2 : i32
    %get3A_54 = arith.index_cast %get3A_53 : i32 to index
    %get3A_55 = arith.constant 16 : index
    %get3A_56 = tpu.vector_load %arg6[%get3A_54, %get3A_55] {strides = array<i32>} : memref<8x64xf32, #tpu.memory_space<vmem>>, vector<16xf32>,
    %mul3A_57 = arith.mulf %min3A_52, %get3A_56 : vector<16xf32>
    %jit3A_58 = arith.constant -1.000000e+06 : f32
    %jit3A_59 = arith.constant 1.000000e+06 : f32
    %max3A_60 = vector.broadcast %jit3A_58 : f32 to vector<16xf32>
    %max3A_61 = arith.maximumf %max3A_60, %mul3A_57 : vector<16xf32>
    %min3A_62 = vector.broadcast %jit3A_59 : f32 to vector<16xf32>
    %min3A_63 = arith.minimumf %min3A_62, %max3A_61 : vector<16xf32>
    %swap3A_64 = arith.constant 16 : index
    %swap3A_65 = tpu.vector_load %arg9[%swap3A_64] {strides = array<i32>} : memref<64xf32, #tpu.memory_space<vmem>>, vector<16xf32>,
    tpu.vector_store %arg9[%swap3A_64], %min3A_63 {strides = array<i32>} : memref<64xf32, #tpu.memory_space<vmem>>, vector<16xf32>,
    %get3A_66 = arith.constant 3 : i32
    %get3A_67 = arith.index_cast %get3A_66 : i32 to index
    %get3A_68 = arith.constant 16 : index
    %get3A_69 = tpu.vector_load %arg6[%get3A_67, %get3A_68] {strides = array<i32>} : memref<8x64xf32, #tpu.memory_space<vmem>>, vector<16xf32>,
    %mul3A_70 = arith.mulf %min3A_52, %get3A_69 : vector<16xf32>
    %jit3A_71 = arith.constant -1.000000e+06 : f32
    %jit3A_72 = arith.constant 1.000000e+06 : f32
    %max3A_73 = vector.broadcast %jit3A_71 : f32 to vector<16xf32>
    %max3A_74 = arith.maximumf %max3A_73, %mul3A_70 : vector<16xf32>
    %min3A_75 = vector.broadcast %jit3A_72 : f32 to vector<16xf32>
    %min3A_76 = arith.minimumf %min3A_75, %max3A_74 : vector<16xf32>
    %swap3A_77 = arith.constant 16 : index
    %swap3A_78 = tpu.vector_load %arg10[%swap3A_77] {strides = array<i32>} : memref<64xf32, #tpu.memory_space<vmem>>, vector<16xf32>,
    tpu.vector_store %arg10[%swap3A_77], %min3A_76 {strides = array<i32>} : memref<64xf32, #tpu.memory_space<vmem>>, vector<16xf32>,
    %get3A_79 = arith.constant 0 : i32
    %get3A_80 = arith.index_cast %get3A_79 : i32 to index
    %get3A_81 = arith.constant 32 : index
    %get3A_82 = tpu.vector_load %arg7[%get3A_80, %get3A_81] {strides = array<i32>} : memref<8x100xf32, #tpu.memory_space<vmem>>, vector<16xf32>,
    %jit3A_83 = arith.constant -1.000000e+01 : f32
    %jit3A_84 = arith.constant 1.000000e+01 : f32
    %max3A_85 = vector.broadcast %jit3A_83 : f32 to vector<16xf32>
    %max3A_86 = arith.maximumf %max3A_85, %get3A_82 : vector<16xf32>
    %min3A_87 = vector.broadcast %jit3A_84 : f32 to vector<16xf32>
    %min3A_88 = arith.minimumf %min3A_87, %max3A_86 : vector<16xf32>
    %get3A_89 = arith.constant 2 : i32
    %get3A_90 = arith.index_cast %get3A_89 : i32 to index
    %get3A_91 = arith.constant 32 : index
    %get3A_92 = tpu.vector_load %arg6[%get3A_90, %get3A_91] {strides = array<i32>} : memref<8x64xf32, #tpu.memory_space<vmem>>, vector<16xf32>,
    %mul3A_93 = arith.mulf %min3A_88, %get3A_92 : vector<16xf32>
    %jit3A_94 = arith.constant -1.000000e+06 : f32
    %jit3A_95 = arith.constant 1.000000e+06 : f32
    %max3A_96 = vector.broadcast %jit3A_94 : f32 to vector<16xf32>
    %max3A_97 = arith.maximumf %max3A_96, %mul3A_93 : vector<16xf32>
    %min3A_98 = vector.broadcast %jit3A_95 : f32 to vector<16xf32>
    %min3A_99 = arith.minimumf %min3A_98, %max3A_97 : vector<16xf32>
    %swap3A_100 = arith.constant 32 : index
    %swap3A_101 = tpu.vector_load %arg9[%swap3A_100] {strides = array<i32>} : memref<64xf32, #tpu.memory_space<vmem>>, vector<16xf32>,
    tpu.vector_store %arg9[%swap3A_100], %min3A_99 {strides = array<i32>} : memref<64xf32, #tpu.memory_space<vmem>>, vector<16xf32>,
    %get3A_102 = arith.constant 3 : i32
    %get3A_103 = arith.index_cast %get3A_102 : i32 to index
    %get3A_104 = arith.constant 32 : index
    %get3A_105 = tpu.vector_load %arg6[%get3A_103, %get3A_104] {strides = array<i32>} : memref<8x64xf32, #tpu.memory_space<vmem>>, vector<16xf32>,
    %mul3A_106 = arith.mulf %min3A_88, %get3A_105 : vector<16xf32>
    %jit3A_107 = arith.constant -1.000000e+06 : f32
    %jit3A_108 = arith.constant 1.000000e+06 : f32
    %max3A_109 = vector.broadcast %jit3A_107 : f32 to vector<16xf32>
    %max3A_110 = arith.maximumf %max3A_109, %mul3A_106 : vector<16xf32>
    %min3A_111 = vector.broadcast %jit3A_108 : f32 to vector<16xf32>
    %min3A_112 = arith.minimumf %min3A_111, %max3A_110 : vector<16xf32>
    %swap3A_113 = arith.constant 32 : index
    %swap3A_114 = tpu.vector_load %arg10[%swap3A_113] {strides = array<i32>} : memref<64xf32, #tpu.memory_space<vmem>>, vector<16xf32>,
    tpu.vector_store %arg10[%swap3A_113], %min3A_112 {strides = array<i32>} : memref<64xf32, #tpu.memory_space<vmem>>, vector<16xf32>,
    %get3A_115 = arith.constant 0 : i32
    %get3A_116 = arith.index_cast %get3A_115 : i32 to index
    %get3A_117 = arith.constant 48 : index
    %get3A_118 = tpu.vector_load %arg7[%get3A_116, %get3A_117] {strides = array<i32>} : memref<8x100xf32, #tpu.memory_space<vmem>>, vector<16xf32>,
    %jit3A_119 = arith.constant -1.000000e+01 : f32
    %jit3A_120 = arith.constant 1.000000e+01 : f32
    %max3A_121 = vector.broadcast %jit3A_119 : f32 to vector<16xf32>
    %max3A_122 = arith.maximumf %max3A_121, %get3A_118 : vector<16xf32>
    %min3A_123 = vector.broadcast %jit3A_120 : f32 to vector<16xf32>
    %min3A_124 = arith.minimumf %min3A_123, %max3A_122 : vector<16xf32>
    %get3A_125 = arith.constant 2 : i32
    %get3A_126 = arith.index_cast %get3A_125 : i32 to index
    %get3A_127 = arith.constant 48 : index
    %get3A_128 = tpu.vector_load %arg6[%get3A_126, %get3A_127] {strides = array<i32>} : memref<8x64xf32, #tpu.memory_space<vmem>>, vector<16xf32>,
    %mul3A_129 = arith.mulf %min3A_124, %get3A_128 : vector<16xf32>
    %jit3A_130 = arith.constant -1.000000e+06 : f32
    %jit3A_131 = arith.constant 1.000000e+06 : f32
    %max3A_132 = vector.broadcast %jit3A_130 : f32 to vector<16xf32>
    %max3A_133 = arith.maximumf %max3A_132, %mul3A_129 : vector<16xf32>
    %min3A_134 = vector.broadcast %jit3A_131 : f32 to vector<16xf32>
    %min3A_135 = arith.minimumf %min3A_134, %max3A_133 : vector<16xf32>
    %swap3A_136 = arith.constant 48 : index
    %swap3A_137 = tpu.vector_load %arg9[%swap3A_136] {strides = array<i32>} : memref<64xf32, #tpu.memory_space<vmem>>, vector<16xf32>,
    tpu.vector_store %arg9[%swap3A_136], %min3A_135 {strides = array<i32>} : memref<64xf32, #tpu.memory_space<vmem>>, vector<16xf32>,
    %get3A_138 = arith.constant 3 : i32
    %get3A_139 = arith.index_cast %get3A_138 : i32 to index
    %get3A_140 = arith.constant 48 : index
    %get3A_141 = tpu.vector_load %arg6[%get3A_139, %get3A_140] {strides = array<i32>} : memref<8x64xf32, #tpu.memory_space<vmem>>, vector<16xf32>,
    %mul3A_142 = arith.mulf %min3A_124, %get3A_141 : vector<16xf32>
    %jit3A_143 = arith.constant -1.000000e+06 : f32
    %jit3A_144 = arith.constant 1.000000e+06 : f32
    %max3A_145 = vector.broadcast %jit3A_143 : f32 to vector<16xf32>
    %max3A_146 = arith.maximumf %max3A_145, %mul3A_142 : vector<16xf32>
    %min3A_147 = vector.broadcast %jit3A_144 : f32 to vector<16xf32>
    %min3A_148 = arith.minimumf %min3A_147, %max3A_146 : vector<16xf32>
    %swap3A_149 = arith.constant 48 : index
    %swap3A_150 = tpu.vector_load %arg10[%swap3A_149] {strides = array<i32>} : memref<64xf32, #tpu.memory_space<vmem>>, vector<16xf32>,
    tpu.vector_store %arg10[%swap3A_149], %min3A_148 {strides = array<i32>} : memref<64xf32, #tpu.memory_space<vmem>>, vector<16xf32>,
    %broadcast_in_dim3A = arith.constant 0 : i32
    %broadcast_in_dim3A_151 = vector.broadcast %broadcast_in_dim3A : i32 to vector<16xi32>
    %broadcast_in_dim3A_152 = arith.constant 0.000000e+00 : f32
    %broadcast_in_dim3A_153 = vector.broadcast %broadcast_in_dim3A_152 : f32 to vector<16xf32>
    %iota3A = tpu.iota {dimensions = array<i32: 0>} : vector<16xi32>
    %add3A_154 = arith.constant 0 : i32
    %add3A_155 = vector.broadcast %add3A_154 : i32 to vector<16xi32>
    %add3A_156 = arith.addi %iota3A, %add3A_155 : vector<16xi32>
    %get3A_157 = arith.constant 0 : i32
    %get3A_158 = arith.index_cast %get3A_157 : i32 to index
    %get3A_159 = arith.constant 0 : index
    %get3A_160 = tpu.vector_load %arg6[%get3A_158, %get3A_159] {strides = array<i32>} : memref<8x64xf32, #tpu.memory_space<vmem>>, vector<16xf32>,
    %get3A_161 = arith.constant 1 : i32
    %get3A_162 = arith.index_cast %get3A_161 : i32 to index
    %get3A_163 = arith.constant 0 : index
    %get3A_164 = tpu.vector_load %arg6[%get3A_162, %get3A_163] {strides = array<i32>} : memref<8x64xf32, #tpu.memory_space<vmem>>, vector<16xf32>,
    %get3A_165 = arith.constant 0 : index
    %get3A_166 = tpu.vector_load %arg9[%get3A_165] {strides = array<i32>} : memref<64xf32, #tpu.memory_space<vmem>>, vector<16xf32>,
    %get3A_167 = arith.constant 0 : index
    %get3A_168 = tpu.vector_load %arg10[%get3A_167] {strides = array<i32>} : memref<64xf32, #tpu.memory_space<vmem>>, vector<16xf32>,
    %broadcast_in_dim3A_169 = arith.constant 3.000000e+38 : f32
    %broadcast_in_dim3A_170 = vector.broadcast %broadcast_in_dim3A_169 : f32 to vector<16xf32>
    %broadcast_in_dim3A_171 = arith.constant 0 : i32
    %broadcast_in_dim3A_172 = vector.broadcast %broadcast_in_dim3A_171 : i32 to vector<16xi32>
    %sub3A = arith.constant 1.22306108 : f32
    %sub3A_173 = vector.broadcast %sub3A : f32 to vector<16xf32>
    %sub3A_174 = arith.subf %get3A_160, %sub3A_173 : vector<16xf32>
    %abs3A = math.absf %sub3A_174 : vector<16xf32>
    %eq3A = arith.constant 0 : i32
    %eq3A_175 = vector.broadcast %eq3A : i32 to vector<16xi32>
    %eq3A_176 = arith.cmpi eq, %add3A_156, %eq3A_175 : vector<16xi32>
    %jit3A_177 = arith.constant 3.000000e+08 : f32
    %broadcast_in_dim3A_178 = vector.broadcast %jit3A_177 : f32 to vector<16xf32>
    %select_n3A = arith.select %eq3A_176, %broadcast_in_dim3A_178, %abs3A : vector<16xi1>, vector<16xf32>
    %lt3A = arith.cmpf olt, %select_n3A, %broadcast_in_dim3A_170 : vector<16xf32>
    %select_n3A_179 = arith.select %lt3A, %select_n3A, %broadcast_in_dim3A_170 : vector<16xi1>, vector<16xf32>
    %jit3A_180 = arith.constant 0 : i32
    %broadcast_in_dim3A_181 = vector.broadcast %jit3A_180 : i32 to vector<16xi32>
    %select_n3A_182 = arith.select %lt3A, %broadcast_in_dim3A_181, %broadcast_in_dim3A_172 : vector<16xi1>, vector<16xi32>
    %sub3A_183 = arith.constant 0.166098118 : f32
    %sub3A_184 = vector.broadcast %sub3A_183 : f32 to vector<16xf32>
    %sub3A_185 = arith.subf %get3A_160, %sub3A_184 : vector<16xf32>
    %abs3A_186 = math.absf %sub3A_185 : vector<16xf32>
    %eq3A_187 = arith.constant 1 : i32
    %eq3A_188 = vector.broadcast %eq3A_187 : i32 to vector<16xi32>
    %eq3A_189 = arith.cmpi eq, %add3A_156, %eq3A_188 : vector<16xi32>
    %jit3A_190 = arith.constant 3.000000e+08 : f32
    %broadcast_in_dim3A_191 = vector.broadcast %jit3A_190 : f32 to vector<16xf32>
    %select_n3A_192 = arith.select %eq3A_189, %broadcast_in_dim3A_191, %abs3A_186 : vector<16xi1>, vector<16xf32>
    %lt3A_193 = arith.cmpf olt, %select_n3A_192, %select_n3A_179 : vector<16xf32>
    %select_n3A_194 = arith.select %lt3A_193, %select_n3A_192, %select_n3A_179 : vector<16xi1>, vector<16xf32>
    %jit3A_195 = arith.constant 1 : i32
    %broadcast_in_dim3A_196 = vector.broadcast %jit3A_195 : i32 to vector<16xi32>
    %select_n3A_197 = arith.select %lt3A_193, %broadcast_in_dim3A_196, %select_n3A_182 : vector<16xi1>, vector<16xi32>
    %sub3A_198 = arith.constant 2.36560464 : f32
    %sub3A_199 = vector.broadcast %sub3A_198 : f32 to vector<16xf32>
    %sub3A_200 = arith.subf %get3A_160, %sub3A_199 : vector<16xf32>
    %abs3A_201 = math.absf %sub3A_200 : vector<16xf32>
    %eq3A_202 = arith.constant 2 : i32
    %eq3A_203 = vector.broadcast %eq3A_202 : i32 to vector<16xi32>
    %eq3A_204 = arith.cmpi eq, %add3A_156, %eq3A_203 : vector<16xi32>
    %jit3A_205 = arith.constant 3.000000e+08 : f32
    %broadcast_in_dim3A_206 = vector.broadcast %jit3A_205 : f32 to vector<16xf32>
    %select_n3A_207 = arith.select %eq3A_204, %broadcast_in_dim3A_206, %abs3A_201 : vector<16xi1>, vector<16xf32>
    %lt3A_208 = arith.cmpf olt, %select_n3A_207, %select_n3A_194 : vector<16xf32>
    %select_n3A_209 = arith.select %lt3A_208, %select_n3A_207, %select_n3A_194 : vector<16xi1>, vector<16xf32>
    %jit3A_210 = arith.constant 2 : i32
    %broadcast_in_dim3A_211 = vector.broadcast %jit3A_210 : i32 to vector<16xi32>
    %select_n3A_212 = arith.select %lt3A_208, %broadcast_in_dim3A_211, %select_n3A_197 : vector<16xi1>, vector<16xi32>
    %sub3A_213 = arith.constant 0.861915528 : f32
    %sub3A_214 = vector.broadcast %sub3A_213 : f32 to vector<16xf32>
    %sub3A_215 = arith.subf %get3A_160, %sub3A_214 : vector<16xf32>
    %abs3A_216 = math.absf %sub3A_215 : vector<16xf32>
    %eq3A_217 = arith.constant 3 : i32
    %eq3A_218 = vector.broadcast %eq3A_217 : i32 to vector<16xi32>
    %eq3A_219 = arith.cmpi eq, %add3A_156, %eq3A_218 : vector<16xi32>
    %jit3A_220 = arith.constant 3.000000e+08 : f32
    %broadcast_in_dim3A_221 = vector.broadcast %jit3A_220 : f32 to vector<16xf32>
    %select_n3A_222 = arith.select %eq3A_219, %broadcast_in_dim3A_221, %abs3A_216 : vector<16xi1>, vector<16xf32>
    %lt3A_223 = arith.cmpf olt, %select_n3A_222, %select_n3A_209 : vector<16xf32>
    %select_n3A_224 = arith.select %lt3A_223, %select_n3A_222, %select_n3A_209 : vector<16xi1>, vector<16xf32>
    %jit3A_225 = arith.constant 3 : i32
    %broadcast_in_dim3A_226 = vector.broadcast %jit3A_225 : i32 to vector<16xi32>
    %select_n3A_227 = arith.select %lt3A_223, %broadcast_in_dim3A_226, %select_n3A_212 : vector<16xi1>, vector<16xi32>
    %sub3A_228 = arith.constant 1.35105181 : f32
    %sub3A_229 = vector.broadcast %sub3A_228 : f32 to vector<16xf32>
    %sub3A_230 = arith.subf %get3A_160, %sub3A_229 : vector<16xf32>
    %abs3A_231 = math.absf %sub3A_230 : vector<16xf32>
    %eq3A_232 = arith.constant 4 : i32
    %eq3A_233 = vector.broadcast %eq3A_232 : i32 to vector<16xi32>
    %eq3A_234 = arith.cmpi eq, %add3A_156, %eq3A_233 : vector<16xi32>
    %jit3A_235 = arith.constant 3.000000e+08 : f32
    %broadcast_in_dim3A_236 = vector.broadcast %jit3A_235 : f32 to vector<16xf32>
    %select_n3A_237 = arith.select %eq3A_234, %broadcast_in_dim3A_236, %abs3A_231 : vector<16xi1>, vector<16xf32>
    %lt3A_238 = arith.cmpf olt, %select_n3A_237, %select_n3A_224 : vector<16xf32>
    %select_n3A_239 = arith.select %lt3A_238, %select_n3A_237, %select_n3A_224 : vector<16xi1>, vector<16xf32>
    %jit3A_240 = arith.constant 4 : i32
    %broadcast_in_dim3A_241 = vector.broadcast %jit3A_240 : i32 to vector<16xi32>
    %select_n3A_242 = arith.select %lt3A_238, %broadcast_in_dim3A_241, %select_n3A_227 : vector<16xi1>, vector<16xi32>
    %sub3A_243 = arith.constant 0.911736905 : f32
    %sub3A_244 = vector.broadcast %sub3A_243 : f32 to vector<16xf32>
    %sub3A_245 = arith.subf %get3A_160, %sub3A_244 : vector<16xf32>
    %abs3A_246 = math.absf %sub3A_245 : vector<16xf32>
    %eq3A_247 = arith.constant 5 : i32
    %eq3A_248 = vector.broadcast %eq3A_247 : i32 to vector<16xi32>
    %eq3A_249 = arith.cmpi eq, %add3A_156, %eq3A_248 : vector<16xi32>
    %jit3A_250 = arith.constant 3.000000e+08 : f32
    %broadcast_in_dim3A_251 = vector.broadcast %jit3A_250 : f32 to vector<16xf32>
    %select_n3A_252 = arith.select %eq3A_249, %broadcast_in_dim3A_251, %abs3A_246 : vector<16xi1>, vector<16xf32>
    %lt3A_253 = arith.cmpf olt, %select_n3A_252, %select_n3A_239 : vector<16xf32>
    %select_n3A_254 = arith.select %lt3A_253, %select_n3A_252, %select_n3A_239 : vector<16xi1>, vector<16xf32>
    %jit3A_255 = arith.constant 5 : i32
    %broadcast_in_dim3A_256 = vector.broadcast %jit3A_255 : i32 to vector<16xi32>
    %select_n3A_257 = arith.select %lt3A_253, %broadcast_in_dim3A_256, %select_n3A_242 : vector<16xi1>, vector<16xi32>
    %sub3A_258 = arith.constant 1.5791986 : f32
    %sub3A_259 = vector.broadcast %sub3A_258 : f32 to vector<16xf32>
    %sub3A_260 = arith.subf %get3A_160, %sub3A_259 : vector<16xf32>
    %abs3A_261 = math.absf %sub3A_260 : vector<16xf32>
    %eq3A_262 = arith.constant 6 : i32
    %eq3A_263 = vector.broadcast %eq3A_262 : i32 to vector<16xi32>
    %eq3A_264 = arith.cmpi eq, %add3A_156, %eq3A_263 : vector<16xi32>
    %jit3A_265 = arith.constant 3.000000e+08 : f32
    %broadcast_in_dim3A_266 = vector.broadcast %jit3A_265 : f32 to vector<16xf32>
    %select_n3A_267 = arith.select %eq3A_264, %broadcast_in_dim3A_266, %abs3A_261 : vector<16xi1>, vector<16xf32>
    %lt3A_268 = arith.cmpf olt, %select_n3A_267, %select_n3A_254 : vector<16xf32>
    %select_n3A_269 = arith.select %lt3A_268, %select_n3A_267, %select_n3A_254 : vector<16xi1>, vector<16xf32>
    %jit3A_270 = arith.constant 6 : i32
    %broadcast_in_dim3A_271 = vector.broadcast %jit3A_270 : i32 to vector<16xi32>
    %select_n3A_272 = arith.select %lt3A_268, %broadcast_in_dim3A_271, %select_n3A_257 : vector<16xi1>, vector<16xi32>
    %sub3A_273 = arith.constant 1.8714366 : f32
    %sub3A_274 = vector.broadcast %sub3A_273 : f32 to vector<16xf32>
    %sub3A_275 = arith.subf %get3A_160, %sub3A_274 : vector<16xf32>
    %abs3A_276 = math.absf %sub3A_275 : vector<16xf32>
    %eq3A_277 = arith.constant 7 : i32
    %eq3A_278 = vector.broadcast %eq3A_277 : i32 to vector<16xi32>
    %eq3A_279 = arith.cmpi eq, %add3A_156, %eq3A_278 : vector<16xi32>
    %jit3A_280 = arith.constant 3.000000e+08 : f32
    %broadcast_in_dim3A_281 = vector.broadcast %jit3A_280 : f32 to vector<16xf32>
    %select_n3A_282 = arith.select %eq3A_279, %broadcast_in_dim3A_281, %abs3A_276 : vector<16xi1>, vector<16xf32>
    %lt3A_283 = arith.cmpf olt, %select_n3A_282, %select_n3A_269 : vector<16xf32>
    %select_n3A_284 = arith.select %lt3A_283, %select_n3A_282, %select_n3A_269 : vector<16xi1>, vector<16xf32>
    %jit3A_285 = arith.constant 7 : i32
    %broadcast_in_dim3A_286 = vector.broadcast %jit3A_285 : i32 to vector<16xi32>
    %select_n3A_287 = arith.select %lt3A_283, %broadcast_in_dim3A_286, %select_n3A_272 : vector<16xi1>, vector<16xi32>
    %sub3A_288 = arith.constant 2.33032632 : f32
    %sub3A_289 = vector.broadcast %sub3A_288 : f32 to vector<16xf32>
    %sub3A_290 = arith.subf %get3A_160, %sub3A_289 : vector<16xf32>
    %abs3A_291 = math.absf %sub3A_290 : vector<16xf32>
    %eq3A_292 = arith.constant 8 : i32
    %eq3A_293 = vector.broadcast %eq3A_292 : i32 to vector<16xi32>
    %eq3A_294 = arith.cmpi eq, %add3A_156, %eq3A_293 : vector<16xi32>
    %jit3A_295 = arith.constant 3.000000e+08 : f32
    %broadcast_in_dim3A_296 = vector.broadcast %jit3A_295 : f32 to vector<16xf32>
    %select_n3A_297 = arith.select %eq3A_294, %broadcast_in_dim3A_296, %abs3A_291 : vector<16xi1>, vector<16xf32>
    %lt3A_298 = arith.cmpf olt, %select_n3A_297, %select_n3A_284 : vector<16xf32>
    %select_n3A_299 = arith.select %lt3A_298, %select_n3A_297, %select_n3A_284 : vector<16xi1>, vector<16xf32>
    %jit3A_300 = arith.constant 8 : i32
    %broadcast_in_dim3A_301 = vector.broadcast %jit3A_300 : i32 to vector<16xi32>
    %select_n3A_302 = arith.select %lt3A_298, %broadcast_in_dim3A_301, %select_n3A_287 : vector<16xi1>, vector<16xi32>
    %sub3A_303 = arith.constant 2.05872488 : f32
    %sub3A_304 = vector.broadcast %sub3A_303 : f32 to vector<16xf32>
    %sub3A_305 = arith.subf %get3A_160, %sub3A_304 : vector<16xf32>
    %abs3A_306 = math.absf %sub3A_305 : vector<16xf32>
    %eq3A_307 = arith.constant 9 : i32
    %eq3A_308 = vector.broadcast %eq3A_307 : i32 to vector<16xi32>
    %eq3A_309 = arith.cmpi eq, %add3A_156, %eq3A_308 : vector<16xi32>
    %jit3A_310 = arith.constant 3.000000e+08 : f32
    %broadcast_in_dim3A_311 = vector.broadcast %jit3A_310 : f32 to vector<16xf32>
    %select_n3A_312 = arith.select %eq3A_309, %broadcast_in_dim3A_311, %abs3A_306 : vector<16xi1>, vector<16xf32>
    %lt3A_313 = arith.cmpf olt, %select_n3A_312, %select_n3A_299 : vector<16xf32>
    %select_n3A_314 = arith.select %lt3A_313, %select_n3A_312, %select_n3A_299 : vector<16xi1>, vector<16xf32>
    %jit3A_315 = arith.constant 9 : i32
    %broadcast_in_dim3A_316 = vector.broadcast %jit3A_315 : i32 to vector<16xi32>
    %select_n3A_317 = arith.select %lt3A_313, %broadcast_in_dim3A_316, %select_n3A_302 : vector<16xi1>, vector<16xi32>
    %sub3A_318 = arith.constant 2.9428165 : f32
    %sub3A_319 = vector.broadcast %sub3A_318 : f32 to vector<16xf32>
    %sub3A_320 = arith.subf %get3A_160, %sub3A_319 : vector<16xf32>
    %abs3A_321 = math.absf %sub3A_320 : vector<16xf32>
    %eq3A_322 = arith.constant 10 : i32
    %eq3A_323 = vector.broadcast %eq3A_322 : i32 to vector<16xi32>
    %eq3A_324 = arith.cmpi eq, %add3A_156, %eq3A_323 : vector<16xi32>
    %jit3A_325 = arith.constant 3.000000e+08 : f32
    %broadcast_in_dim3A_326 = vector.broadcast %jit3A_325 : f32 to vector<16xf32>
    %select_n3A_327 = arith.select %eq3A_324, %broadcast_in_dim3A_326, %abs3A_321 : vector<16xi1>, vector<16xf32>
    %lt3A_328 = arith.cmpf olt, %select_n3A_327, %select_n3A_314 : vector<16xf32>
    %select_n3A_329 = arith.select %lt3A_328, %select_n3A_327, %select_n3A_314 : vector<16xi1>, vector<16xf32>
    %jit3A_330 = arith.constant 10 : i32
    %broadcast_in_dim3A_331 = vector.broadcast %jit3A_330 : i32 to vector<16xi32>
    %select_n3A_332 = arith.select %lt3A_328, %broadcast_in_dim3A_331, %select_n3A_317 : vector<16xi1>, vector<16xi32>
    %sub3A_333 = arith.constant 1.80244827 : f32
    %sub3A_334 = vector.broadcast %sub3A_333 : f32 to vector<16xf32>
    %sub3A_335 = arith.subf %get3A_160, %sub3A_334 : vector<16xf32>
    %abs3A_336 = math.absf %sub3A_335 : vector<16xf32>
    %eq3A_337 = arith.constant 11 : i32
    %eq3A_338 = vector.broadcast %eq3A_337 : i32 to vector<16xi32>
    %eq3A_339 = arith.cmpi eq, %add3A_156, %eq3A_338 : vector<16xi32>
    %jit3A_340 = arith.constant 3.000000e+08 : f32
    %broadcast_in_dim3A_341 = vector.broadcast %jit3A_340 : f32 to vector<16xf32>
    %select_n3A_342 = arith.select %eq3A_339, %broadcast_in_dim3A_341, %abs3A_336 : vector<16xi1>, vector<16xf32>
    %lt3A_343 = arith.cmpf olt, %select_n3A_342, %select_n3A_329 : vector<16xf32>
    %select_n3A_344 = arith.select %lt3A_343, %select_n3A_342, %select_n3A_329 : vector<16xi1>, vector<16xf32>
    %jit3A_345 = arith.constant 11 : i32
    %broadcast_in_dim3A_346 = vector.broadcast %jit3A_345 : i32 to vector<16xi32>
    %select_n3A_347 = arith.select %lt3A_343, %broadcast_in_dim3A_346, %select_n3A_332 : vector<16xi1>, vector<16xi32>
    %sub3A_348 = arith.constant 2.4419055 : f32
    %sub3A_349 = vector.broadcast %sub3A_348 : f32 to vector<16xf32>
    %sub3A_350 = arith.subf %get3A_160, %sub3A_349 : vector<16xf32>
    %abs3A_351 = math.absf %sub3A_350 : vector<16xf32>
    %eq3A_352 = arith.constant 12 : i32
    %eq3A_353 = vector.broadcast %eq3A_352 : i32 to vector<16xi32>
    %eq3A_354 = arith.cmpi eq, %add3A_156, %eq3A_353 : vector<16xi32>
    %jit3A_355 = arith.constant 3.000000e+08 : f32
    %broadcast_in_dim3A_356 = vector.broadcast %jit3A_355 : f32 to vector<16xf32>
    %select_n3A_357 = arith.select %eq3A_354, %broadcast_in_dim3A_356, %abs3A_351 : vector<16xi1>, vector<16xf32>
    %lt3A_358 = arith.cmpf olt, %select_n3A_357, %select_n3A_344 : vector<16xf32>
    %select_n3A_359 = arith.select %lt3A_358, %select_n3A_357, %select_n3A_344 : vector<16xi1>, vector<16xf32>
    %jit3A_360 = arith.constant 12 : i32
    %broadcast_in_dim3A_361 = vector.broadcast %jit3A_360 : i32 to vector<16xi32>
    %select_n3A_362 = arith.select %lt3A_358, %broadcast_in_dim3A_361, %select_n3A_347 : vector<16xi1>, vector<16xi32>
    %sub3A_363 = arith.constant 2.12593555 : f32
    %sub3A_364 = vector.broadcast %sub3A_363 : f32 to vector<16xf32>
    %sub3A_365 = arith.subf %get3A_160, %sub3A_364 : vector<16xf32>
    %abs3A_366 = math.absf %sub3A_365 : vector<16xf32>
    %eq3A_367 = arith.constant 13 : i32
    %eq3A_368 = vector.broadcast %eq3A_367 : i32 to vector<16xi32>
    %eq3A_369 = arith.cmpi eq, %add3A_156, %eq3A_368 : vector<16xi32>
    %jit3A_370 = arith.constant 3.000000e+08 : f32
    %broadcast_in_dim3A_371 = vector.broadcast %jit3A_370 : f32 to vector<16xf32>
    %select_n3A_372 = arith.select %eq3A_369, %broadcast_in_dim3A_371, %abs3A_366 : vector<16xi1>, vector<16xf32>
    %lt3A_373 = arith.cmpf olt, %select_n3A_372, %select_n3A_359 : vector<16xf32>
    %select_n3A_374 = arith.select %lt3A_373, %select_n3A_372, %select_n3A_359 : vector<16xi1>, vector<16xf32>
    %jit3A_375 = arith.constant 13 : i32
    %broadcast_in_dim3A_376 = vector.broadcast %jit3A_375 : i32 to vector<16xi32>
    %select_n3A_377 = arith.select %lt3A_373, %broadcast_in_dim3A_376, %select_n3A_362 : vector<16xi1>, vector<16xi32>
    %sub3A_378 = arith.constant 0.0826040431 : f32
    %sub3A_379 = vector.broadcast %sub3A_378 : f32 to vector<16xf32>
    %sub3A_380 = arith.subf %get3A_160, %sub3A_379 : vector<16xf32>
    %abs3A_381 = math.absf %sub3A_380 : vector<16xf32>
    %eq3A_382 = arith.constant 14 : i32
    %eq3A_383 = vector.broadcast %eq3A_382 : i32 to vector<16xi32>
    %eq3A_384 = arith.cmpi eq, %add3A_156, %eq3A_383 : vector<16xi32>
    %jit3A_385 = arith.constant 3.000000e+08 : f32
    %broadcast_in_dim3A_386 = vector.broadcast %jit3A_385 : f32 to vector<16xf32>
    %select_n3A_387 = arith.select %eq3A_384, %broadcast_in_dim3A_386, %abs3A_381 : vector<16xi1>, vector<16xf32>
    %lt3A_388 = arith.cmpf olt, %select_n3A_387, %select_n3A_374 : vector<16xf32>
    %select_n3A_389 = arith.select %lt3A_388, %select_n3A_387, %select_n3A_374 : vector<16xi1>, vector<16xf32>
    %jit3A_390 = arith.constant 14 : i32
    %broadcast_in_dim3A_391 = vector.broadcast %jit3A_390 : i32 to vector<16xi32>
    %select_n3A_392 = arith.select %lt3A_388, %broadcast_in_dim3A_391, %select_n3A_377 : vector<16xi1>, vector<16xi32>
    %sub3A_393 = arith.constant 2.71280169 : f32
    %sub3A_394 = vector.broadcast %sub3A_393 : f32 to vector<16xf32>
    %sub3A_395 = arith.subf %get3A_160, %sub3A_394 : vector<16xf32>
    %abs3A_396 = math.absf %sub3A_395 : vector<16xf32>
    %eq3A_397 = arith.constant 15 : i32
    %eq3A_398 = vector.broadcast %eq3A_397 : i32 to vector<16xi32>
    %eq3A_399 = arith.cmpi eq, %add3A_156, %eq3A_398 : vector<16xi32>
    %jit3A_400 = arith.constant 3.000000e+08 : f32
    %broadcast_in_dim3A_401 = vector.broadcast %jit3A_400 : f32 to vector<16xf32>
    %select_n3A_402 = arith.select %eq3A_399, %broadcast_in_dim3A_401, %abs3A_396 : vector<16xi1>, vector<16xf32>
    %lt3A_403 = arith.cmpf olt, %select_n3A_402, %select_n3A_389 : vector<16xf32>
    %select_n3A_404 = arith.select %lt3A_403, %select_n3A_402, %select_n3A_389 : vector<16xi1>, vector<16xf32>
    %jit3A_405 = arith.constant 15 : i32
    %broadcast_in_dim3A_406 = vector.broadcast %jit3A_405 : i32 to vector<16xi32>
    %select_n3A_407 = arith.select %lt3A_403, %broadcast_in_dim3A_406, %select_n3A_392 : vector<16xi1>, vector<16xi32>
    %sub3A_408 = arith.constant 1.34971452 : f32
    %sub3A_409 = vector.broadcast %sub3A_408 : f32 to vector<16xf32>
    %sub3A_410 = arith.subf %get3A_160, %sub3A_409 : vector<16xf32>
    %abs3A_411 = math.absf %sub3A_410 : vector<16xf32>
    %eq3A_412 = arith.constant 16 : i32
    %eq3A_413 = vector.broadcast %eq3A_412 : i32 to vector<16xi32>
    %eq3A_414 = arith.cmpi eq, %add3A_156, %eq3A_413 : vector<16xi32>
    %jit3A_415 = arith.constant 3.000000e+08 : f32
    %broadcast_in_dim3A_416 = vector.broadcast %jit3A_415 : f32 to vector<16xf32>
    %select_n3A_417 = arith.select %eq3A_414, %broadcast_in_dim3A_416, %abs3A_411 : vector<16xi1>, vector<16xf32>
    %lt3A_418 = arith.cmpf olt, %select_n3A_417, %select_n3A_404 : vector<16xf32>
    %select_n3A_419 = arith.select %lt3A_418, %select_n3A_417, %select_n3A_404 : vector<16xi1>, vector<16xf32>
    %jit3A_420 = arith.constant 16 : i32
    %broadcast_in_dim3A_421 = vector.broadcast %jit3A_420 : i32 to vector<16xi32>
    %select_n3A_422 = arith.select %lt3A_418, %broadcast_in_dim3A_421, %select_n3A_407 : vector<16xi1>, vector<16xi32>
    %sub3A_423 = arith.constant 0.356773973 : f32
    %sub3A_424 = vector.broadcast %sub3A_423 : f32 to vector<16xf32>
    %sub3A_425 = arith.subf %get3A_160, %sub3A_424 : vector<16xf32>
    %abs3A_426 = math.absf %sub3A_425 : vector<16xf32>
    %eq3A_427 = arith.constant 17 : i32
    %eq3A_428 = vector.broadcast %eq3A_427 : i32 to vector<16xi32>
    %eq3A_429 = arith.cmpi eq, %add3A_156, %eq3A_428 : vector<16xi32>
    %jit3A_430 = arith.constant 3.000000e+08 : f32
    %broadcast_in_dim3A_431 = vector.broadcast %jit3A_430 : f32 to vector<16xf32>
    %select_n3A_432 = arith.select %eq3A_429, %broadcast_in_dim3A_431, %abs3A_426 : vector<16xi1>, vector<16xf32>
    %lt3A_433 = arith.cmpf olt, %select_n3A_432, %select_n3A_419 : vector<16xf32>
    %select_n3A_434 = arith.select %lt3A_433, %select_n3A_432, %select_n3A_419 : vector<16xi1>, vector<16xf32>
    %jit3A_435 = arith.constant 17 : i32
    %broadcast_in_dim3A_436 = vector.broadcast %jit3A_435 : i32 to vector<16xi32>
    %select_n3A_437 = arith.select %lt3A_433, %broadcast_in_dim3A_436, %select_n3A_422 : vector<16xi1>, vector<16xi32>
    %sub3A_438 = arith.constant 2.50590062 : f32
    %sub3A_439 = vector.broadcast %sub3A_438 : f32 to vector<16xf32>
    %sub3A_440 = arith.subf %get3A_160, %sub3A_439 : vector<16xf32>
    %abs3A_441 = math.absf %sub3A_440 : vector<16xf32>
    %eq3A_442 = arith.constant 18 : i32
    %eq3A_443 = vector.broadcast %eq3A_442 : i32 to vector<16xi32>
    %eq3A_444 = arith.cmpi eq, %add3A_156, %eq3A_443 : vector<16xi32>
    %jit3A_445 = arith.constant 3.000000e+08 : f32
    %broadcast_in_dim3A_446 = vector.broadcast %jit3A_445 : f32 to vector<16xf32>
    %select_n3A_447 = arith.select %eq3A_444, %broadcast_in_dim3A_446, %abs3A_441 : vector<16xi1>, vector<16xf32>
    %lt3A_448 = arith.cmpf olt, %select_n3A_447, %select_n3A_434 : vector<16xf32>
    %select_n3A_449 = arith.select %lt3A_448, %select_n3A_447, %select_n3A_434 : vector<16xi1>, vector<16xf32>
    %jit3A_450 = arith.constant 18 : i32
    %broadcast_in_dim3A_451 = vector.broadcast %jit3A_450 : i32 to vector<16xi32>
    %select_n3A_452 = arith.select %lt3A_448, %broadcast_in_dim3A_451, %select_n3A_437 : vector<16xi1>, vector<16xi32>
    %sub3A_453 = arith.constant 0.606744706 : f32
    %sub3A_454 = vector.broadcast %sub3A_453 : f32 to vector<16xf32>
    %sub3A_455 = arith.subf %get3A_160, %sub3A_454 : vector<16xf32>
    %abs3A_456 = math.absf %sub3A_455 : vector<16xf32>
    %eq3A_457 = arith.constant 19 : i32
    %eq3A_458 = vector.broadcast %eq3A_457 : i32 to vector<16xi32>
    %eq3A_459 = arith.cmpi eq, %add3A_156, %eq3A_458 : vector<16xi32>
    %jit3A_460 = arith.constant 3.000000e+08 : f32
    %broadcast_in_dim3A_461 = vector.broadcast %jit3A_460 : f32 to vector<16xf32>
    %select_n3A_462 = arith.select %eq3A_459, %broadcast_in_dim3A_461, %abs3A_456 : vector<16xi1>, vector<16xf32>
    %lt3A_463 = arith.cmpf olt, %select_n3A_462, %select_n3A_449 : vector<16xf32>
    %select_n3A_464 = arith.select %lt3A_463, %select_n3A_462, %select_n3A_449 : vector<16xi1>, vector<16xf32>
    %jit3A_465 = arith.constant 19 : i32
    %broadcast_in_dim3A_466 = vector.broadcast %jit3A_465 : i32 to vector<16xi32>
    %select_n3A_467 = arith.select %lt3A_463, %broadcast_in_dim3A_466, %select_n3A_452 : vector<16xi1>, vector<16xi32>
    %sub3A_468 = arith.constant 5.226080e-01 : f32
    %sub3A_469 = vector.broadcast %sub3A_468 : f32 to vector<16xf32>
    %sub3A_470 = arith.subf %get3A_160, %sub3A_469 : vector<16xf32>
    %abs3A_471 = math.absf %sub3A_470 : vector<16xf32>
    %eq3A_472 = arith.constant 20 : i32
    %eq3A_473 = vector.broadcast %eq3A_472 : i32 to vector<16xi32>
    %eq3A_474 = arith.cmpi eq, %add3A_156, %eq3A_473 : vector<16xi32>
    %jit3A_475 = arith.constant 3.000000e+08 : f32
    %broadcast_in_dim3A_476 = vector.broadcast %jit3A_475 : f32 to vector<16xf32>
    %select_n3A_477 = arith.select %eq3A_474, %broadcast_in_dim3A_476, %abs3A_471 : vector<16xi1>, vector<16xf32>
    %lt3A_478 = arith.cmpf olt, %select_n3A_477, %select_n3A_464 : vector<16xf32>
    %select_n3A_479 = arith.select %lt3A_478, %select_n3A_477, %select_n3A_464 : vector<16xi1>, vector<16xf32>
    %jit3A_480 = arith.constant 20 : i32
    %broadcast_in_dim3A_481 = vector.broadcast %jit3A_480 : i32 to vector<16xi32>
    %select_n3A_482 = arith.select %lt3A_478, %broadcast_in_dim3A_481, %select_n3A_467 : vector<16xi1>, vector<16xi32>
    %sub3A_483 = arith.constant 1.3474412 : f32
    %sub3A_484 = vector.broadcast %sub3A_483 : f32 to vector<16xf32>
    %sub3A_485 = arith.subf %get3A_160, %sub3A_484 : vector<16xf32>
    %abs3A_486 = math.absf %sub3A_485 : vector<16xf32>
    %eq3A_487 = arith.constant 21 : i32
    %eq3A_488 = vector.broadcast %eq3A_487 : i32 to vector<16xi32>
    %eq3A_489 = arith.cmpi eq, %add3A_156, %eq3A_488 : vector<16xi32>
    %jit3A_490 = arith.constant 3.000000e+08 : f32
    %broadcast_in_dim3A_491 = vector.broadcast %jit3A_490 : f32 to vector<16xf32>
    %select_n3A_492 = arith.select %eq3A_489, %broadcast_in_dim3A_491, %abs3A_486 : vector<16xi1>, vector<16xf32>
    %lt3A_493 = arith.cmpf olt, %select_n3A_492, %select_n3A_479 : vector<16xf32>
    %select_n3A_494 = arith.select %lt3A_493, %select_n3A_492, %select_n3A_479 : vector<16xi1>, vector<16xf32>
    %jit3A_495 = arith.constant 21 : i32
    %broadcast_in_dim3A_496 = vector.broadcast %jit3A_495 : i32 to vector<16xi32>
    %select_n3A_497 = arith.select %lt3A_493, %broadcast_in_dim3A_496, %select_n3A_482 : vector<16xi1>, vector<16xi32>
    %sub3A_498 = arith.constant 2.00938439 : f32
    %sub3A_499 = vector.broadcast %sub3A_498 : f32 to vector<16xf32>
    %sub3A_500 = arith.subf %get3A_160, %sub3A_499 : vector<16xf32>
    %abs3A_501 = math.absf %sub3A_500 : vector<16xf32>
    %eq3A_502 = arith.constant 22 : i32
    %eq3A_503 = vector.broadcast %eq3A_502 : i32 to vector<16xi32>
    %eq3A_504 = arith.cmpi eq, %add3A_156, %eq3A_503 : vector<16xi32>
    %jit3A_505 = arith.constant 3.000000e+08 : f32
    %broadcast_in_dim3A_506 = vector.broadcast %jit3A_505 : f32 to vector<16xf32>
    %select_n3A_507 = arith.select %eq3A_504, %broadcast_in_dim3A_506, %abs3A_501 : vector<16xi1>, vector<16xf32>
    %lt3A_508 = arith.cmpf olt, %select_n3A_507, %select_n3A_494 : vector<16xf32>
    %select_n3A_509 = arith.select %lt3A_508, %select_n3A_507, %select_n3A_494 : vector<16xi1>, vector<16xf32>
    %jit3A_510 = arith.constant 22 : i32
    %broadcast_in_dim3A_511 = vector.broadcast %jit3A_510 : i32 to vector<16xi32>
    %select_n3A_512 = arith.select %lt3A_508, %broadcast_in_dim3A_511, %select_n3A_497 : vector<16xi1>, vector<16xi32>
    %sub3A_513 = arith.constant 2.87219739 : f32
    %sub3A_514 = vector.broadcast %sub3A_513 : f32 to vector<16xf32>
    %sub3A_515 = arith.subf %get3A_160, %sub3A_514 : vector<16xf32>
    %abs3A_516 = math.absf %sub3A_515 : vector<16xf32>
    %eq3A_517 = arith.constant 23 : i32
    %eq3A_518 = vector.broadcast %eq3A_517 : i32 to vector<16xi32>
    %eq3A_519 = arith.cmpi eq, %add3A_156, %eq3A_518 : vector<16xi32>
    %jit3A_520 = arith.constant 3.000000e+08 : f32
    %broadcast_in_dim3A_521 = vector.broadcast %jit3A_520 : f32 to vector<16xf32>
    %select_n3A_522 = arith.select %eq3A_519, %broadcast_in_dim3A_521, %abs3A_516 : vector<16xi1>, vector<16xf32>
    %lt3A_523 = arith.cmpf olt, %select_n3A_522, %select_n3A_509 : vector<16xf32>
    %select_n3A_524 = arith.select %lt3A_523, %select_n3A_522, %select_n3A_509 : vector<16xi1>, vector<16xf32>
    %jit3A_525 = arith.constant 23 : i32
    %broadcast_in_dim3A_526 = vector.broadcast %jit3A_525 : i32 to vector<16xi32>
    %select_n3A_527 = arith.select %lt3A_523, %broadcast_in_dim3A_526, %select_n3A_512 : vector<16xi1>, vector<16xi32>
    %sub3A_528 = arith.constant 2.49999976 : f32
    %sub3A_529 = vector.broadcast %sub3A_528 : f32 to vector<16xf32>
    %sub3A_530 = arith.subf %get3A_160, %sub3A_529 : vector<16xf32>
    %abs3A_531 = math.absf %sub3A_530 : vector<16xf32>
    %eq3A_532 = arith.constant 24 : i32
    %eq3A_533 = vector.broadcast %eq3A_532 : i32 to vector<16xi32>
    %eq3A_534 = arith.cmpi eq, %add3A_156, %eq3A_533 : vector<16xi32>
    %jit3A_535 = arith.constant 3.000000e+08 : f32
    %broadcast_in_dim3A_536 = vector.broadcast %jit3A_535 : f32 to vector<16xf32>
    %select_n3A_537 = arith.select %eq3A_534, %broadcast_in_dim3A_536, %abs3A_531 : vector<16xi1>, vector<16xf32>
    %lt3A_538 = arith.cmpf olt, %select_n3A_537, %select_n3A_524 : vector<16xf32>
    %select_n3A_539 = arith.select %lt3A_538, %select_n3A_537, %select_n3A_524 : vector<16xi1>, vector<16xf32>
    %jit3A_540 = arith.constant 24 : i32
    %broadcast_in_dim3A_541 = vector.broadcast %jit3A_540 : i32 to vector<16xi32>
    %select_n3A_542 = arith.select %lt3A_538, %broadcast_in_dim3A_541, %select_n3A_527 : vector<16xi1>, vector<16xi32>
    %sub3A_543 = arith.constant 1.52492988 : f32
    %sub3A_544 = vector.broadcast %sub3A_543 : f32 to vector<16xf32>
    %sub3A_545 = arith.subf %get3A_160, %sub3A_544 : vector<16xf32>
    %abs3A_546 = math.absf %sub3A_545 : vector<16xf32>
    %eq3A_547 = arith.constant 25 : i32
    %eq3A_548 = vector.broadcast %eq3A_547 : i32 to vector<16xi32>
    %eq3A_549 = arith.cmpi eq, %add3A_156, %eq3A_548 : vector<16xi32>
    %jit3A_550 = arith.constant 3.000000e+08 : f32
    %broadcast_in_dim3A_551 = vector.broadcast %jit3A_550 : f32 to vector<16xf32>
    %select_n3A_552 = arith.select %eq3A_549, %broadcast_in_dim3A_551, %abs3A_546 : vector<16xi1>, vector<16xf32>
    %lt3A_553 = arith.cmpf olt, %select_n3A_552, %select_n3A_539 : vector<16xf32>
    %select_n3A_554 = arith.select %lt3A_553, %select_n3A_552, %select_n3A_539 : vector<16xi1>, vector<16xf32>
    %jit3A_555 = arith.constant 25 : i32
    %broadcast_in_dim3A_556 = vector.broadcast %jit3A_555 : i32 to vector<16xi32>
    %select_n3A_557 = arith.select %lt3A_553, %broadcast_in_dim3A_556, %select_n3A_542 : vector<16xi1>, vector<16xi32>
    %sub3A_558 = arith.constant 1.89007068 : f32
    %sub3A_559 = vector.broadcast %sub3A_558 : f32 to vector<16xf32>
    %sub3A_560 = arith.subf %get3A_160, %sub3A_559 : vector<16xf32>
    %abs3A_561 = math.absf %sub3A_560 : vector<16xf32>
    %eq3A_562 = arith.constant 26 : i32
    %eq3A_563 = vector.broadcast %eq3A_562 : i32 to vector<16xi32>
    %eq3A_564 = arith.cmpi eq, %add3A_156, %eq3A_563 : vector<16xi32>
    %jit3A_565 = arith.constant 3.000000e+08 : f32
    %broadcast_in_dim3A_566 = vector.broadcast %jit3A_565 : f32 to vector<16xf32>
    %select_n3A_567 = arith.select %eq3A_564, %broadcast_in_dim3A_566, %abs3A_561 : vector<16xi1>, vector<16xf32>
    %lt3A_568 = arith.cmpf olt, %select_n3A_567, %select_n3A_554 : vector<16xf32>
    %select_n3A_569 = arith.select %lt3A_568, %select_n3A_567, %select_n3A_554 : vector<16xi1>, vector<16xf32>
    %jit3A_570 = arith.constant 26 : i32
    %broadcast_in_dim3A_571 = vector.broadcast %jit3A_570 : i32 to vector<16xi32>
    %select_n3A_572 = arith.select %lt3A_568, %broadcast_in_dim3A_571, %select_n3A_557 : vector<16xi1>, vector<16xi32>
    %sub3A_573 = arith.constant 2.50510406 : f32
    %sub3A_574 = vector.broadcast %sub3A_573 : f32 to vector<16xf32>
    %sub3A_575 = arith.subf %get3A_160, %sub3A_574 : vector<16xf32>
    %abs3A_576 = math.absf %sub3A_575 : vector<16xf32>
    %eq3A_577 = arith.constant 27 : i32
    %eq3A_578 = vector.broadcast %eq3A_577 : i32 to vector<16xi32>
    %eq3A_579 = arith.cmpi eq, %add3A_156, %eq3A_578 : vector<16xi32>
    %jit3A_580 = arith.constant 3.000000e+08 : f32
    %broadcast_in_dim3A_581 = vector.broadcast %jit3A_580 : f32 to vector<16xf32>
    %select_n3A_582 = arith.select %eq3A_579, %broadcast_in_dim3A_581, %abs3A_576 : vector<16xi1>, vector<16xf32>
    %lt3A_583 = arith.cmpf olt, %select_n3A_582, %select_n3A_569 : vector<16xf32>
    %select_n3A_584 = arith.select %lt3A_583, %select_n3A_582, %select_n3A_569 : vector<16xi1>, vector<16xf32>
    %jit3A_585 = arith.constant 27 : i32
    %broadcast_in_dim3A_586 = vector.broadcast %jit3A_585 : i32 to vector<16xi32>
    %select_n3A_587 = arith.select %lt3A_583, %broadcast_in_dim3A_586, %select_n3A_572 : vector<16xi1>, vector<16xi32>
    %sub3A_588 = arith.constant 1.34199488 : f32
    %sub3A_589 = vector.broadcast %sub3A_588 : f32 to vector<16xf32>
    %sub3A_590 = arith.subf %get3A_160, %sub3A_589 : vector<16xf32>
    %abs3A_591 = math.absf %sub3A_590 : vector<16xf32>
    %eq3A_592 = arith.constant 28 : i32
    %eq3A_593 = vector.broadcast %eq3A_592 : i32 to vector<16xi32>
    %eq3A_594 = arith.cmpi eq, %add3A_156, %eq3A_593 : vector<16xi32>
    %jit3A_595 = arith.constant 3.000000e+08 : f32
    %broadcast_in_dim3A_596 = vector.broadcast %jit3A_595 : f32 to vector<16xf32>
    %select_n3A_597 = arith.select %eq3A_594, %broadcast_in_dim3A_596, %abs3A_591 : vector<16xi1>, vector<16xf32>
    %lt3A_598 = arith.cmpf olt, %select_n3A_597, %select_n3A_584 : vector<16xf32>
    %select_n3A_599 = arith.select %lt3A_598, %select_n3A_597, %select_n3A_584 : vector<16xi1>, vector<16xf32>
    %jit3A_600 = arith.constant 28 : i32
    %broadcast_in_dim3A_601 = vector.broadcast %jit3A_600 : i32 to vector<16xi32>
    %select_n3A_602 = arith.select %lt3A_598, %broadcast_in_dim3A_601, %select_n3A_587 : vector<16xi1>, vector<16xi32>
    %sub3A_603 = arith.constant 2.28687143 : f32
    %sub3A_604 = vector.broadcast %sub3A_603 : f32 to vector<16xf32>
    %sub3A_605 = arith.subf %get3A_160, %sub3A_604 : vector<16xf32>
    %abs3A_606 = math.absf %sub3A_605 : vector<16xf32>
    %eq3A_607 = arith.constant 29 : i32
    %eq3A_608 = vector.broadcast %eq3A_607 : i32 to vector<16xi32>
    %eq3A_609 = arith.cmpi eq, %add3A_156, %eq3A_608 : vector<16xi32>
    %jit3A_610 = arith.constant 3.000000e+08 : f32
    %broadcast_in_dim3A_611 = vector.broadcast %jit3A_610 : f32 to vector<16xf32>
    %select_n3A_612 = arith.select %eq3A_609, %broadcast_in_dim3A_611, %abs3A_606 : vector<16xi1>, vector<16xf32>
    %lt3A_613 = arith.cmpf olt, %select_n3A_612, %select_n3A_599 : vector<16xf32>
    %select_n3A_614 = arith.select %lt3A_613, %select_n3A_612, %select_n3A_599 : vector<16xi1>, vector<16xf32>
    %jit3A_615 = arith.constant 29 : i32
    %broadcast_in_dim3A_616 = vector.broadcast %jit3A_615 : i32 to vector<16xi32>
    %select_n3A_617 = arith.select %lt3A_613, %broadcast_in_dim3A_616, %select_n3A_602 : vector<16xi1>, vector<16xi32>
    %sub3A_618 = arith.constant 1.91076672 : f32
    %sub3A_619 = vector.broadcast %sub3A_618 : f32 to vector<16xf32>
    %sub3A_620 = arith.subf %get3A_160, %sub3A_619 : vector<16xf32>
    %abs3A_621 = math.absf %sub3A_620 : vector<16xf32>
    %eq3A_622 = arith.constant 30 : i32
    %eq3A_623 = vector.broadcast %eq3A_622 : i32 to vector<16xi32>
    %eq3A_624 = arith.cmpi eq, %add3A_156, %eq3A_623 : vector<16xi32>
    %jit3A_625 = arith.constant 3.000000e+08 : f32
    %broadcast_in_dim3A_626 = vector.broadcast %jit3A_625 : f32 to vector<16xf32>
    %select_n3A_627 = arith.select %eq3A_624, %broadcast_in_dim3A_626, %abs3A_621 : vector<16xi1>, vector<16xf32>
    %lt3A_628 = arith.cmpf olt, %select_n3A_627, %select_n3A_614 : vector<16xf32>
    %select_n3A_629 = arith.select %lt3A_628, %select_n3A_627, %select_n3A_614 : vector<16xi1>, vector<16xf32>
    %jit3A_630 = arith.constant 30 : i32
    %broadcast_in_dim3A_631 = vector.broadcast %jit3A_630 : i32 to vector<16xi32>
    %select_n3A_632 = arith.select %lt3A_628, %broadcast_in_dim3A_631, %select_n3A_617 : vector<16xi1>, vector<16xi32>
    %sub3A_633 = arith.constant 1.08688772 : f32
    %sub3A_634 = vector.broadcast %sub3A_633 : f32 to vector<16xf32>
    %sub3A_635 = arith.subf %get3A_160, %sub3A_634 : vector<16xf32>
    %abs3A_636 = math.absf %sub3A_635 : vector<16xf32>
    %eq3A_637 = arith.constant 31 : i32
    %eq3A_638 = vector.broadcast %eq3A_637 : i32 to vector<16xi32>
    %eq3A_639 = arith.cmpi eq, %add3A_156, %eq3A_638 : vector<16xi32>
    %jit3A_640 = arith.constant 3.000000e+08 : f32
    %broadcast_in_dim3A_641 = vector.broadcast %jit3A_640 : f32 to vector<16xf32>
    %select_n3A_642 = arith.select %eq3A_639, %broadcast_in_dim3A_641, %abs3A_636 : vector<16xi1>, vector<16xf32>
    %lt3A_643 = arith.cmpf olt, %select_n3A_642, %select_n3A_629 : vector<16xf32>
    %select_n3A_644 = arith.select %lt3A_643, %select_n3A_642, %select_n3A_629 : vector<16xi1>, vector<16xf32>
    %jit3A_645 = arith.constant 31 : i32
    %broadcast_in_dim3A_646 = vector.broadcast %jit3A_645 : i32 to vector<16xi32>
    %select_n3A_647 = arith.select %lt3A_643, %broadcast_in_dim3A_646, %select_n3A_632 : vector<16xi1>, vector<16xi32>
    %sub3A_648 = arith.constant 0.0437236503 : f32
    %sub3A_649 = vector.broadcast %sub3A_648 : f32 to vector<16xf32>
    %sub3A_650 = arith.subf %get3A_160, %sub3A_649 : vector<16xf32>
    %abs3A_651 = math.absf %sub3A_650 : vector<16xf32>
    %eq3A_652 = arith.constant 32 : i32
    %eq3A_653 = vector.broadcast %eq3A_652 : i32 to vector<16xi32>
    %eq3A_654 = arith.cmpi eq, %add3A_156, %eq3A_653 : vector<16xi32>
    %jit3A_655 = arith.constant 3.000000e+08 : f32
    %broadcast_in_dim3A_656 = vector.broadcast %jit3A_655 : f32 to vector<16xf32>
    %select_n3A_657 = arith.select %eq3A_654, %broadcast_in_dim3A_656, %abs3A_651 : vector<16xi1>, vector<16xf32>
    %lt3A_658 = arith.cmpf olt, %select_n3A_657, %select_n3A_644 : vector<16xf32>
    %select_n3A_659 = arith.select %lt3A_658, %select_n3A_657, %select_n3A_644 : vector<16xi1>, vector<16xf32>
    %jit3A_660 = arith.constant 32 : i32
    %broadcast_in_dim3A_661 = vector.broadcast %jit3A_660 : i32 to vector<16xi32>
    %select_n3A_662 = arith.select %lt3A_658, %broadcast_in_dim3A_661, %select_n3A_647 : vector<16xi1>, vector<16xi32>
    %sub3A_663 = arith.constant 1.62595463 : f32
    %sub3A_664 = vector.broadcast %sub3A_663 : f32 to vector<16xf32>
    %sub3A_665 = arith.subf %get3A_160, %sub3A_664 : vector<16xf32>
    %abs3A_666 = math.absf %sub3A_665 : vector<16xf32>
    %eq3A_667 = arith.constant 33 : i32
    %eq3A_668 = vector.broadcast %eq3A_667 : i32 to vector<16xi32>
    %eq3A_669 = arith.cmpi eq, %add3A_156, %eq3A_668 : vector<16xi32>
    %jit3A_670 = arith.constant 3.000000e+08 : f32
    %broadcast_in_dim3A_671 = vector.broadcast %jit3A_670 : f32 to vector<16xf32>
    %select_n3A_672 = arith.select %eq3A_669, %broadcast_in_dim3A_671, %abs3A_666 : vector<16xi1>, vector<16xf32>
    %lt3A_673 = arith.cmpf olt, %select_n3A_672, %select_n3A_659 : vector<16xf32>
    %select_n3A_674 = arith.select %lt3A_673, %select_n3A_672, %select_n3A_659 : vector<16xi1>, vector<16xf32>
    %jit3A_675 = arith.constant 33 : i32
    %broadcast_in_dim3A_676 = vector.broadcast %jit3A_675 : i32 to vector<16xi32>
    %select_n3A_677 = arith.select %lt3A_673, %broadcast_in_dim3A_676, %select_n3A_662 : vector<16xi1>, vector<16xi32>
    %sub3A_678 = arith.constant 0.954466462 : f32
    %sub3A_679 = vector.broadcast %sub3A_678 : f32 to vector<16xf32>
    %sub3A_680 = arith.subf %get3A_160, %sub3A_679 : vector<16xf32>
    %abs3A_681 = math.absf %sub3A_680 : vector<16xf32>
    %eq3A_682 = arith.constant 34 : i32
    %eq3A_683 = vector.broadcast %eq3A_682 : i32 to vector<16xi32>
    %eq3A_684 = arith.cmpi eq, %add3A_156, %eq3A_683 : vector<16xi32>
    %jit3A_685 = arith.constant 3.000000e+08 : f32
    %broadcast_in_dim3A_686 = vector.broadcast %jit3A_685 : f32 to vector<16xf32>
    %select_n3A_687 = arith.select %eq3A_684, %broadcast_in_dim3A_686, %abs3A_681 : vector<16xi1>, vector<16xf32>
    %lt3A_688 = arith.cmpf olt, %select_n3A_687, %select_n3A_674 : vector<16xf32>
    %select_n3A_689 = arith.select %lt3A_688, %select_n3A_687, %select_n3A_674 : vector<16xi1>, vector<16xf32>
    %jit3A_690 = arith.constant 34 : i32
    %broadcast_in_dim3A_691 = vector.broadcast %jit3A_690 : i32 to vector<16xi32>
    %select_n3A_692 = arith.select %lt3A_688, %broadcast_in_dim3A_691, %select_n3A_677 : vector<16xi1>, vector<16xi32>
    %sub3A_693 = arith.constant 0.434971035 : f32
    %sub3A_694 = vector.broadcast %sub3A_693 : f32 to vector<16xf32>
    %sub3A_695 = arith.subf %get3A_160, %sub3A_694 : vector<16xf32>
    %abs3A_696 = math.absf %sub3A_695 : vector<16xf32>
    %eq3A_697 = arith.constant 35 : i32
    %eq3A_698 = vector.broadcast %eq3A_697 : i32 to vector<16xi32>
    %eq3A_699 = arith.cmpi eq, %add3A_156, %eq3A_698 : vector<16xi32>
    %jit3A_700 = arith.constant 3.000000e+08 : f32
    %broadcast_in_dim3A_701 = vector.broadcast %jit3A_700 : f32 to vector<16xf32>
    %select_n3A_702 = arith.select %eq3A_699, %broadcast_in_dim3A_701, %abs3A_696 : vector<16xi1>, vector<16xf32>
    %lt3A_703 = arith.cmpf olt, %select_n3A_702, %select_n3A_689 : vector<16xf32>
    %select_n3A_704 = arith.select %lt3A_703, %select_n3A_702, %select_n3A_689 : vector<16xi1>, vector<16xf32>
    %jit3A_705 = arith.constant 35 : i32
    %broadcast_in_dim3A_706 = vector.broadcast %jit3A_705 : i32 to vector<16xi32>
    %select_n3A_707 = arith.select %lt3A_703, %broadcast_in_dim3A_706, %select_n3A_692 : vector<16xi1>, vector<16xi32>
    %sub3A_708 = arith.constant 1.64667583 : f32
    %sub3A_709 = vector.broadcast %sub3A_708 : f32 to vector<16xf32>
    %sub3A_710 = arith.subf %get3A_160, %sub3A_709 : vector<16xf32>
    %abs3A_711 = math.absf %sub3A_710 : vector<16xf32>
    %eq3A_712 = arith.constant 36 : i32
    %eq3A_713 = vector.broadcast %eq3A_712 : i32 to vector<16xi32>
    %eq3A_714 = arith.cmpi eq, %add3A_156, %eq3A_713 : vector<16xi32>
    %jit3A_715 = arith.constant 3.000000e+08 : f32
    %broadcast_in_dim3A_716 = vector.broadcast %jit3A_715 : f32 to vector<16xf32>
    %select_n3A_717 = arith.select %eq3A_714, %broadcast_in_dim3A_716, %abs3A_711 : vector<16xi1>, vector<16xf32>
    %lt3A_718 = arith.cmpf olt, %select_n3A_717, %select_n3A_704 : vector<16xf32>
    %select_n3A_719 = arith.select %lt3A_718, %select_n3A_717, %select_n3A_704 : vector<16xi1>, vector<16xf32>
    %jit3A_720 = arith.constant 36 : i32
    %broadcast_in_dim3A_721 = vector.broadcast %jit3A_720 : i32 to vector<16xi32>
    %select_n3A_722 = arith.select %lt3A_718, %broadcast_in_dim3A_721, %select_n3A_707 : vector<16xi1>, vector<16xi32>
    %sub3A_723 = arith.constant 0.562443793 : f32
    %sub3A_724 = vector.broadcast %sub3A_723 : f32 to vector<16xf32>
    %sub3A_725 = arith.subf %get3A_160, %sub3A_724 : vector<16xf32>
    %abs3A_726 = math.absf %sub3A_725 : vector<16xf32>
    %eq3A_727 = arith.constant 37 : i32
    %eq3A_728 = vector.broadcast %eq3A_727 : i32 to vector<16xi32>
    %eq3A_729 = arith.cmpi eq, %add3A_156, %eq3A_728 : vector<16xi32>
    %jit3A_730 = arith.constant 3.000000e+08 : f32
    %broadcast_in_dim3A_731 = vector.broadcast %jit3A_730 : f32 to vector<16xf32>
    %select_n3A_732 = arith.select %eq3A_729, %broadcast_in_dim3A_731, %abs3A_726 : vector<16xi1>, vector<16xf32>
    %lt3A_733 = arith.cmpf olt, %select_n3A_732, %select_n3A_719 : vector<16xf32>
    %select_n3A_734 = arith.select %lt3A_733, %select_n3A_732, %select_n3A_719 : vector<16xi1>, vector<16xf32>
    %jit3A_735 = arith.constant 37 : i32
    %broadcast_in_dim3A_736 = vector.broadcast %jit3A_735 : i32 to vector<16xi32>
    %select_n3A_737 = arith.select %lt3A_733, %broadcast_in_dim3A_736, %select_n3A_722 : vector<16xi1>, vector<16xi32>
    %sub3A_738 = arith.constant 1.19694448 : f32
    %sub3A_739 = vector.broadcast %sub3A_738 : f32 to vector<16xf32>
    %sub3A_740 = arith.subf %get3A_160, %sub3A_739 : vector<16xf32>
    %abs3A_741 = math.absf %sub3A_740 : vector<16xf32>
    %eq3A_742 = arith.constant 38 : i32
    %eq3A_743 = vector.broadcast %eq3A_742 : i32 to vector<16xi32>
    %eq3A_744 = arith.cmpi eq, %add3A_156, %eq3A_743 : vector<16xi32>
    %jit3A_745 = arith.constant 3.000000e+08 : f32
    %broadcast_in_dim3A_746 = vector.broadcast %jit3A_745 : f32 to vector<16xf32>
    %select_n3A_747 = arith.select %eq3A_744, %broadcast_in_dim3A_746, %abs3A_741 : vector<16xi1>, vector<16xf32>
    %lt3A_748 = arith.cmpf olt, %select_n3A_747, %select_n3A_734 : vector<16xf32>
    %select_n3A_749 = arith.select %lt3A_748, %select_n3A_747, %select_n3A_734 : vector<16xi1>, vector<16xf32>
    %jit3A_750 = arith.constant 38 : i32
    %broadcast_in_dim3A_751 = vector.broadcast %jit3A_750 : i32 to vector<16xi32>
    %select_n3A_752 = arith.select %lt3A_748, %broadcast_in_dim3A_751, %select_n3A_737 : vector<16xi1>, vector<16xi32>
    %sub3A_753 = arith.constant 0.720114648 : f32
    %sub3A_754 = vector.broadcast %sub3A_753 : f32 to vector<16xf32>
    %sub3A_755 = arith.subf %get3A_160, %sub3A_754 : vector<16xf32>
    %abs3A_756 = math.absf %sub3A_755 : vector<16xf32>
    %eq3A_757 = arith.constant 39 : i32
    %eq3A_758 = vector.broadcast %eq3A_757 : i32 to vector<16xi32>
    %eq3A_759 = arith.cmpi eq, %add3A_156, %eq3A_758 : vector<16xi32>
    %jit3A_760 = arith.constant 3.000000e+08 : f32
    %broadcast_in_dim3A_761 = vector.broadcast %jit3A_760 : f32 to vector<16xf32>
    %select_n3A_762 = arith.select %eq3A_759, %broadcast_in_dim3A_761, %abs3A_756 : vector<16xi1>, vector<16xf32>
    %lt3A_763 = arith.cmpf olt, %select_n3A_762, %select_n3A_749 : vector<16xf32>
    %select_n3A_764 = arith.select %lt3A_763, %select_n3A_762, %select_n3A_749 : vector<16xi1>, vector<16xf32>
    %jit3A_765 = arith.constant 39 : i32
    %broadcast_in_dim3A_766 = vector.broadcast %jit3A_765 : i32 to vector<16xi32>
    %select_n3A_767 = arith.select %lt3A_763, %broadcast_in_dim3A_766, %select_n3A_752 : vector<16xi1>, vector<16xi32>
    %sub3A_768 = arith.constant 0.109964557 : f32
    %sub3A_769 = vector.broadcast %sub3A_768 : f32 to vector<16xf32>
    %sub3A_770 = arith.subf %get3A_160, %sub3A_769 : vector<16xf32>
    %abs3A_771 = math.absf %sub3A_770 : vector<16xf32>
    %eq3A_772 = arith.constant 40 : i32
    %eq3A_773 = vector.broadcast %eq3A_772 : i32 to vector<16xi32>
    %eq3A_774 = arith.cmpi eq, %add3A_156, %eq3A_773 : vector<16xi32>
    %jit3A_775 = arith.constant 3.000000e+08 : f32
    %broadcast_in_dim3A_776 = vector.broadcast %jit3A_775 : f32 to vector<16xf32>
    %select_n3A_777 = arith.select %eq3A_774, %broadcast_in_dim3A_776, %abs3A_771 : vector<16xi1>, vector<16xf32>
    %lt3A_778 = arith.cmpf olt, %select_n3A_777, %select_n3A_764 : vector<16xf32>
    %select_n3A_779 = arith.select %lt3A_778, %select_n3A_777, %select_n3A_764 : vector<16xi1>, vector<16xf32>
    %jit3A_780 = arith.constant 40 : i32
    %broadcast_in_dim3A_781 = vector.broadcast %jit3A_780 : i32 to vector<16xi32>
    %select_n3A_782 = arith.select %lt3A_778, %broadcast_in_dim3A_781, %select_n3A_767 : vector<16xi1>, vector<16xi32>
    %sub3A_783 = arith.constant 1.70563424 : f32
    %sub3A_784 = vector.broadcast %sub3A_783 : f32 to vector<16xf32>
    %sub3A_785 = arith.subf %get3A_160, %sub3A_784 : vector<16xf32>
    %abs3A_786 = math.absf %sub3A_785 : vector<16xf32>
    %eq3A_787 = arith.constant 41 : i32
    %eq3A_788 = vector.broadcast %eq3A_787 : i32 to vector<16xi32>
    %eq3A_789 = arith.cmpi eq, %add3A_156, %eq3A_788 : vector<16xi32>
    %jit3A_790 = arith.constant 3.000000e+08 : f32
    %broadcast_in_dim3A_791 = vector.broadcast %jit3A_790 : f32 to vector<16xf32>
    %select_n3A_792 = arith.select %eq3A_789, %broadcast_in_dim3A_791, %abs3A_786 : vector<16xi1>, vector<16xf32>
    %lt3A_793 = arith.cmpf olt, %select_n3A_792, %select_n3A_779 : vector<16xf32>
    %select_n3A_794 = arith.select %lt3A_793, %select_n3A_792, %select_n3A_779 : vector<16xi1>, vector<16xf32>
    %jit3A_795 = arith.constant 41 : i32
    %broadcast_in_dim3A_796 = vector.broadcast %jit3A_795 : i32 to vector<16xi32>
    %select_n3A_797 = arith.select %lt3A_793, %broadcast_in_dim3A_796, %select_n3A_782 : vector<16xi1>, vector<16xi32>
    %sub3A_798 = arith.constant 2.76829433 : f32
    %sub3A_799 = vector.broadcast %sub3A_798 : f32 to vector<16xf32>
    %sub3A_800 = arith.subf %get3A_160, %sub3A_799 : vector<16xf32>
    %abs3A_801 = math.absf %sub3A_800 : vector<16xf32>
    %eq3A_802 = arith.constant 42 : i32
    %eq3A_803 = vector.broadcast %eq3A_802 : i32 to vector<16xi32>
    %eq3A_804 = arith.cmpi eq, %add3A_156, %eq3A_803 : vector<16xi32>
    %jit3A_805 = arith.constant 3.000000e+08 : f32
    %broadcast_in_dim3A_806 = vector.broadcast %jit3A_805 : f32 to vector<16xf32>
    %select_n3A_807 = arith.select %eq3A_804, %broadcast_in_dim3A_806, %abs3A_801 : vector<16xi1>, vector<16xf32>
    %lt3A_808 = arith.cmpf olt, %select_n3A_807, %select_n3A_794 : vector<16xf32>
    %select_n3A_809 = arith.select %lt3A_808, %select_n3A_807, %select_n3A_794 : vector<16xi1>, vector<16xf32>
    %jit3A_810 = arith.constant 42 : i32
    %broadcast_in_dim3A_811 = vector.broadcast %jit3A_810 : i32 to vector<16xi32>
    %select_n3A_812 = arith.select %lt3A_808, %broadcast_in_dim3A_811, %select_n3A_797 : vector<16xi1>, vector<16xi32>
    %sub3A_813 = arith.constant 0.537165344 : f32
    %sub3A_814 = vector.broadcast %sub3A_813 : f32 to vector<16xf32>
    %sub3A_815 = arith.subf %get3A_160, %sub3A_814 : vector<16xf32>
    %abs3A_816 = math.absf %sub3A_815 : vector<16xf32>
    %eq3A_817 = arith.constant 43 : i32
    %eq3A_818 = vector.broadcast %eq3A_817 : i32 to vector<16xi32>
    %eq3A_819 = arith.cmpi eq, %add3A_156, %eq3A_818 : vector<16xi32>
    %jit3A_820 = arith.constant 3.000000e+08 : f32
    %broadcast_in_dim3A_821 = vector.broadcast %jit3A_820 : f32 to vector<16xf32>
    %select_n3A_822 = arith.select %eq3A_819, %broadcast_in_dim3A_821, %abs3A_816 : vector<16xi1>, vector<16xf32>
    %lt3A_823 = arith.cmpf olt, %select_n3A_822, %select_n3A_809 : vector<16xf32>
    %select_n3A_824 = arith.select %lt3A_823, %select_n3A_822, %select_n3A_809 : vector<16xi1>, vector<16xf32>
    %jit3A_825 = arith.constant 43 : i32
    %broadcast_in_dim3A_826 = vector.broadcast %jit3A_825 : i32 to vector<16xi32>
    %select_n3A_827 = arith.select %lt3A_823, %broadcast_in_dim3A_826, %select_n3A_812 : vector<16xi1>, vector<16xi32>
    %sub3A_828 = arith.constant 2.1092329 : f32
    %sub3A_829 = vector.broadcast %sub3A_828 : f32 to vector<16xf32>
    %sub3A_830 = arith.subf %get3A_160, %sub3A_829 : vector<16xf32>
    %abs3A_831 = math.absf %sub3A_830 : vector<16xf32>
    %eq3A_832 = arith.constant 44 : i32
    %eq3A_833 = vector.broadcast %eq3A_832 : i32 to vector<16xi32>
    %eq3A_834 = arith.cmpi eq, %add3A_156, %eq3A_833 : vector<16xi32>
    %jit3A_835 = arith.constant 3.000000e+08 : f32
    %broadcast_in_dim3A_836 = vector.broadcast %jit3A_835 : f32 to vector<16xf32>
    %select_n3A_837 = arith.select %eq3A_834, %broadcast_in_dim3A_836, %abs3A_831 : vector<16xi1>, vector<16xf32>
    %lt3A_838 = arith.cmpf olt, %select_n3A_837, %select_n3A_824 : vector<16xf32>
    %select_n3A_839 = arith.select %lt3A_838, %select_n3A_837, %select_n3A_824 : vector<16xi1>, vector<16xf32>
    %jit3A_840 = arith.constant 44 : i32
    %broadcast_in_dim3A_841 = vector.broadcast %jit3A_840 : i32 to vector<16xi32>
    %select_n3A_842 = arith.select %lt3A_838, %broadcast_in_dim3A_841, %select_n3A_827 : vector<16xi1>, vector<16xi32>
    %sub3A_843 = arith.constant 2.16003847 : f32
    %sub3A_844 = vector.broadcast %sub3A_843 : f32 to vector<16xf32>
    %sub3A_845 = arith.subf %get3A_160, %sub3A_844 : vector<16xf32>
    %abs3A_846 = math.absf %sub3A_845 : vector<16xf32>
    %eq3A_847 = arith.constant 45 : i32
    %eq3A_848 = vector.broadcast %eq3A_847 : i32 to vector<16xi32>
    %eq3A_849 = arith.cmpi eq, %add3A_156, %eq3A_848 : vector<16xi32>
    %jit3A_850 = arith.constant 3.000000e+08 : f32
    %broadcast_in_dim3A_851 = vector.broadcast %jit3A_850 : f32 to vector<16xf32>
    %select_n3A_852 = arith.select %eq3A_849, %broadcast_in_dim3A_851, %abs3A_846 : vector<16xi1>, vector<16xf32>
    %lt3A_853 = arith.cmpf olt, %select_n3A_852, %select_n3A_839 : vector<16xf32>
    %select_n3A_854 = arith.select %lt3A_853, %select_n3A_852, %select_n3A_839 : vector<16xi1>, vector<16xf32>
    %jit3A_855 = arith.constant 45 : i32
    %broadcast_in_dim3A_856 = vector.broadcast %jit3A_855 : i32 to vector<16xi32>
    %select_n3A_857 = arith.select %lt3A_853, %broadcast_in_dim3A_856, %select_n3A_842 : vector<16xi1>, vector<16xi32>
    %sub3A_858 = arith.constant 0.0931920558 : f32
    %sub3A_859 = vector.broadcast %sub3A_858 : f32 to vector<16xf32>
    %sub3A_860 = arith.subf %get3A_160, %sub3A_859 : vector<16xf32>
    %abs3A_861 = math.absf %sub3A_860 : vector<16xf32>
    %eq3A_862 = arith.constant 46 : i32
    %eq3A_863 = vector.broadcast %eq3A_862 : i32 to vector<16xi32>
    %eq3A_864 = arith.cmpi eq, %add3A_156, %eq3A_863 : vector<16xi32>
    %jit3A_865 = arith.constant 3.000000e+08 : f32
    %broadcast_in_dim3A_866 = vector.broadcast %jit3A_865 : f32 to vector<16xf32>
    %select_n3A_867 = arith.select %eq3A_864, %broadcast_in_dim3A_866, %abs3A_861 : vector<16xi1>, vector<16xf32>
    %lt3A_868 = arith.cmpf olt, %select_n3A_867, %select_n3A_854 : vector<16xf32>
    %select_n3A_869 = arith.select %lt3A_868, %select_n3A_867, %select_n3A_854 : vector<16xi1>, vector<16xf32>
    %jit3A_870 = arith.constant 46 : i32
    %broadcast_in_dim3A_871 = vector.broadcast %jit3A_870 : i32 to vector<16xi32>
    %select_n3A_872 = arith.select %lt3A_868, %broadcast_in_dim3A_871, %select_n3A_857 : vector<16xi1>, vector<16xi32>
    %sub3A_873 = arith.constant 1.74847591 : f32
    %sub3A_874 = vector.broadcast %sub3A_873 : f32 to vector<16xf32>
    %sub3A_875 = arith.subf %get3A_160, %sub3A_874 : vector<16xf32>
    %abs3A_876 = math.absf %sub3A_875 : vector<16xf32>
    %eq3A_877 = arith.constant 47 : i32
    %eq3A_878 = vector.broadcast %eq3A_877 : i32 to vector<16xi32>
    %eq3A_879 = arith.cmpi eq, %add3A_156, %eq3A_878 : vector<16xi32>
    %jit3A_880 = arith.constant 3.000000e+08 : f32
    %broadcast_in_dim3A_881 = vector.broadcast %jit3A_880 : f32 to vector<16xf32>
    %select_n3A_882 = arith.select %eq3A_879, %broadcast_in_dim3A_881, %abs3A_876 : vector<16xi1>, vector<16xf32>
    %lt3A_883 = arith.cmpf olt, %select_n3A_882, %select_n3A_869 : vector<16xf32>
    %select_n3A_884 = arith.select %lt3A_883, %select_n3A_882, %select_n3A_869 : vector<16xi1>, vector<16xf32>
    %jit3A_885 = arith.constant 47 : i32
    %broadcast_in_dim3A_886 = vector.broadcast %jit3A_885 : i32 to vector<16xi32>
    %select_n3A_887 = arith.select %lt3A_883, %broadcast_in_dim3A_886, %select_n3A_872 : vector<16xi1>, vector<16xi32>
    %sub3A_888 = arith.constant 2.09303284 : f32
    %sub3A_889 = vector.broadcast %sub3A_888 : f32 to vector<16xf32>
    %sub3A_890 = arith.subf %get3A_160, %sub3A_889 : vector<16xf32>
    %abs3A_891 = math.absf %sub3A_890 : vector<16xf32>
    %eq3A_892 = arith.constant 48 : i32
    %eq3A_893 = vector.broadcast %eq3A_892 : i32 to vector<16xi32>
    %eq3A_894 = arith.cmpi eq, %add3A_156, %eq3A_893 : vector<16xi32>
    %jit3A_895 = arith.constant 3.000000e+08 : f32
    %broadcast_in_dim3A_896 = vector.broadcast %jit3A_895 : f32 to vector<16xf32>
    %select_n3A_897 = arith.select %eq3A_894, %broadcast_in_dim3A_896, %abs3A_891 : vector<16xi1>, vector<16xf32>
    %lt3A_898 = arith.cmpf olt, %select_n3A_897, %select_n3A_884 : vector<16xf32>
    %select_n3A_899 = arith.select %lt3A_898, %select_n3A_897, %select_n3A_884 : vector<16xi1>, vector<16xf32>
    %jit3A_900 = arith.constant 48 : i32
    %broadcast_in_dim3A_901 = vector.broadcast %jit3A_900 : i32 to vector<16xi32>
    %select_n3A_902 = arith.select %lt3A_898, %broadcast_in_dim3A_901, %select_n3A_887 : vector<16xi1>, vector<16xi32>
    %sub3A_903 = arith.constant 2.72956038 : f32
    %sub3A_904 = vector.broadcast %sub3A_903 : f32 to vector<16xf32>
    %sub3A_905 = arith.subf %get3A_160, %sub3A_904 : vector<16xf32>
    %abs3A_906 = math.absf %sub3A_905 : vector<16xf32>
    %eq3A_907 = arith.constant 49 : i32
    %eq3A_908 = vector.broadcast %eq3A_907 : i32 to vector<16xi32>
    %eq3A_909 = arith.cmpi eq, %add3A_156, %eq3A_908 : vector<16xi32>
    %jit3A_910 = arith.constant 3.000000e+08 : f32
    %broadcast_in_dim3A_911 = vector.broadcast %jit3A_910 : f32 to vector<16xf32>
    %select_n3A_912 = arith.select %eq3A_909, %broadcast_in_dim3A_911, %abs3A_906 : vector<16xi1>, vector<16xf32>
    %lt3A_913 = arith.cmpf olt, %select_n3A_912, %select_n3A_899 : vector<16xf32>
    %select_n3A_914 = arith.select %lt3A_913, %select_n3A_912, %select_n3A_899 : vector<16xi1>, vector<16xf32>
    %jit3A_915 = arith.constant 49 : i32
    %broadcast_in_dim3A_916 = vector.broadcast %jit3A_915 : i32 to vector<16xi32>
    %select_n3A_917 = arith.select %lt3A_913, %broadcast_in_dim3A_916, %select_n3A_902 : vector<16xi1>, vector<16xi32>
    %gather3A = tpu.vector_load_idx %arg6[%broadcast_in_dim3A_151, %select_n3A_917] : memref<8x64xf32, #tpu.memory_space<vmem>>[vector<16xi32>, vector<16xi32>], vector<16xf32>,
    %gather3A_918 = tpu.vector_load_idx %arg9[%select_n3A_917] : memref<64xf32, #tpu.memory_space<vmem>>[vector<16xi32>], vector<16xf32>,
    %sub3A_919 = arith.subf %get3A_166, %gather3A_918 : vector<16xf32>
    %sub3A_920 = arith.subf %get3A_160, %gather3A : vector<16xf32>
    %add3A_921 = arith.constant 9.99999993E-9 : f32
    %add3A_922 = vector.broadcast %add3A_921 : f32 to vector<16xf32>
    %add3A_923 = arith.addf %sub3A_920, %add3A_922 : vector<16xf32>
    %div3A = arith.divf %sub3A_919, %add3A_923 : vector<16xf32>
    %broadcast_in_dim3A_924 = arith.constant 3.000000e+38 : f32
    %broadcast_in_dim3A_925 = vector.broadcast %broadcast_in_dim3A_924 : f32 to vector<16xf32>
    %broadcast_in_dim3A_926 = arith.constant 0 : i32
    %broadcast_in_dim3A_927 = vector.broadcast %broadcast_in_dim3A_926 : i32 to vector<16xi32>
    %sub3A_928 = arith.constant 0.470975518 : f32
    %sub3A_929 = vector.broadcast %sub3A_928 : f32 to vector<16xf32>
    %sub3A_930 = arith.subf %get3A_164, %sub3A_929 : vector<16xf32>
    %abs3A_931 = math.absf %sub3A_930 : vector<16xf32>
    %eq3A_932 = arith.constant 0 : i32
    %eq3A_933 = vector.broadcast %eq3A_932 : i32 to vector<16xi32>
    %eq3A_934 = arith.cmpi eq, %add3A_156, %eq3A_933 : vector<16xi32>
    %jit3A_935 = arith.constant 3.000000e+08 : f32
    %broadcast_in_dim3A_936 = vector.broadcast %jit3A_935 : f32 to vector<16xf32>
    %select_n3A_937 = arith.select %eq3A_934, %broadcast_in_dim3A_936, %abs3A_931 : vector<16xi1>, vector<16xf32>
    %lt3A_938 = arith.cmpf olt, %select_n3A_937, %broadcast_in_dim3A_925 : vector<16xf32>
    %select_n3A_939 = arith.select %lt3A_938, %select_n3A_937, %broadcast_in_dim3A_925 : vector<16xi1>, vector<16xf32>
    %jit3A_940 = arith.constant 0 : i32
    %broadcast_in_dim3A_941 = vector.broadcast %jit3A_940 : i32 to vector<16xi32>
    %select_n3A_942 = arith.select %lt3A_938, %broadcast_in_dim3A_941, %broadcast_in_dim3A_927 : vector<16xi1>, vector<16xi32>
    %sub3A_943 = arith.constant 2.106630e+00 : f32
    %sub3A_944 = vector.broadcast %sub3A_943 : f32 to vector<16xf32>
    %sub3A_945 = arith.subf %get3A_164, %sub3A_944 : vector<16xf32>
    %abs3A_946 = math.absf %sub3A_945 : vector<16xf32>
    %eq3A_947 = arith.constant 1 : i32
    %eq3A_948 = vector.broadcast %eq3A_947 : i32 to vector<16xi32>
    %eq3A_949 = arith.cmpi eq, %add3A_156, %eq3A_948 : vector<16xi32>
    %jit3A_950 = arith.constant 3.000000e+08 : f32
    %broadcast_in_dim3A_951 = vector.broadcast %jit3A_950 : f32 to vector<16xf32>
    %select_n3A_952 = arith.select %eq3A_949, %broadcast_in_dim3A_951, %abs3A_946 : vector<16xi1>, vector<16xf32>
    %lt3A_953 = arith.cmpf olt, %select_n3A_952, %select_n3A_939 : vector<16xf32>
    %select_n3A_954 = arith.select %lt3A_953, %select_n3A_952, %select_n3A_939 : vector<16xi1>, vector<16xf32>
    %jit3A_955 = arith.constant 1 : i32
    %broadcast_in_dim3A_956 = vector.broadcast %jit3A_955 : i32 to vector<16xi32>
    %select_n3A_957 = arith.select %lt3A_953, %broadcast_in_dim3A_956, %select_n3A_942 : vector<16xi1>, vector<16xi32>
    %sub3A_958 = arith.constant 0.784434795 : f32
    %sub3A_959 = vector.broadcast %sub3A_958 : f32 to vector<16xf32>
    %sub3A_960 = arith.subf %get3A_164, %sub3A_959 : vector<16xf32>
    %abs3A_961 = math.absf %sub3A_960 : vector<16xf32>
    %eq3A_962 = arith.constant 2 : i32
    %eq3A_963 = vector.broadcast %eq3A_962 : i32 to vector<16xi32>
    %eq3A_964 = arith.cmpi eq, %add3A_156, %eq3A_963 : vector<16xi32>
    %jit3A_965 = arith.constant 3.000000e+08 : f32
    %broadcast_in_dim3A_966 = vector.broadcast %jit3A_965 : f32 to vector<16xf32>
    %select_n3A_967 = arith.select %eq3A_964, %broadcast_in_dim3A_966, %abs3A_961 : vector<16xi1>, vector<16xf32>
    %lt3A_968 = arith.cmpf olt, %select_n3A_967, %select_n3A_954 : vector<16xf32>
    %select_n3A_969 = arith.select %lt3A_968, %select_n3A_967, %select_n3A_954 : vector<16xi1>, vector<16xf32>
    %jit3A_970 = arith.constant 2 : i32
    %broadcast_in_dim3A_971 = vector.broadcast %jit3A_970 : i32 to vector<16xi32>
    %select_n3A_972 = arith.select %lt3A_968, %broadcast_in_dim3A_971, %select_n3A_957 : vector<16xi1>, vector<16xi32>
    %sub3A_973 = arith.constant 1.35513878 : f32
    %sub3A_974 = vector.broadcast %sub3A_973 : f32 to vector<16xf32>
    %sub3A_975 = arith.subf %get3A_164, %sub3A_974 : vector<16xf32>
    %abs3A_976 = math.absf %sub3A_975 : vector<16xf32>
    %eq3A_977 = arith.constant 3 : i32
    %eq3A_978 = vector.broadcast %eq3A_977 : i32 to vector<16xi32>
    %eq3A_979 = arith.cmpi eq, %add3A_156, %eq3A_978 : vector<16xi32>
    %jit3A_980 = arith.constant 3.000000e+08 : f32
    %broadcast_in_dim3A_981 = vector.broadcast %jit3A_980 : f32 to vector<16xf32>
    %select_n3A_982 = arith.select %eq3A_979, %broadcast_in_dim3A_981, %abs3A_976 : vector<16xi1>, vector<16xf32>
    %lt3A_983 = arith.cmpf olt, %select_n3A_982, %select_n3A_969 : vector<16xf32>
    %select_n3A_984 = arith.select %lt3A_983, %select_n3A_982, %select_n3A_969 : vector<16xi1>, vector<16xf32>
    %jit3A_985 = arith.constant 3 : i32
    %broadcast_in_dim3A_986 = vector.broadcast %jit3A_985 : i32 to vector<16xi32>
    %select_n3A_987 = arith.select %lt3A_983, %broadcast_in_dim3A_986, %select_n3A_972 : vector<16xi1>, vector<16xi32>
    %sub3A_988 = arith.constant 1.22419584 : f32
    %sub3A_989 = vector.broadcast %sub3A_988 : f32 to vector<16xf32>
    %sub3A_990 = arith.subf %get3A_164, %sub3A_989 : vector<16xf32>
    %abs3A_991 = math.absf %sub3A_990 : vector<16xf32>
    %eq3A_992 = arith.constant 4 : i32
    %eq3A_993 = vector.broadcast %eq3A_992 : i32 to vector<16xi32>
    %eq3A_994 = arith.cmpi eq, %add3A_156, %eq3A_993 : vector<16xi32>
    %jit3A_995 = arith.constant 3.000000e+08 : f32
    %broadcast_in_dim3A_996 = vector.broadcast %jit3A_995 : f32 to vector<16xf32>
    %select_n3A_997 = arith.select %eq3A_994, %broadcast_in_dim3A_996, %abs3A_991 : vector<16xi1>, vector<16xf32>
    %lt3A_998 = arith.cmpf olt, %select_n3A_997, %select_n3A_984 : vector<16xf32>
    %select_n3A_999 = arith.select %lt3A_998, %select_n3A_997, %select_n3A_984 : vector<16xi1>, vector<16xf32>
    %jit3A_1000 = arith.constant 4 : i32
    %broadcast_in_dim3A_1001 = vector.broadcast %jit3A_1000 : i32 to vector<16xi32>
    %select_n3A_1002 = arith.select %lt3A_998, %broadcast_in_dim3A_1001, %select_n3A_987 : vector<16xi1>, vector<16xi32>
    %sub3A_1003 = arith.constant 1.83462358 : f32
    %sub3A_1004 = vector.broadcast %sub3A_1003 : f32 to vector<16xf32>
    %sub3A_1005 = arith.subf %get3A_164, %sub3A_1004 : vector<16xf32>
    %abs3A_1006 = math.absf %sub3A_1005 : vector<16xf32>
    %eq3A_1007 = arith.constant 5 : i32
    %eq3A_1008 = vector.broadcast %eq3A_1007 : i32 to vector<16xi32>
    %eq3A_1009 = arith.cmpi eq, %add3A_156, %eq3A_1008 : vector<16xi32>
    %jit3A_1010 = arith.constant 3.000000e+08 : f32
    %broadcast_in_dim3A_1011 = vector.broadcast %jit3A_1010 : f32 to vector<16xf32>
    %select_n3A_1012 = arith.select %eq3A_1009, %broadcast_in_dim3A_1011, %abs3A_1006 : vector<16xi1>, vector<16xf32>
    %lt3A_1013 = arith.cmpf olt, %select_n3A_1012, %select_n3A_999 : vector<16xf32>
    %select_n3A_1014 = arith.select %lt3A_1013, %select_n3A_1012, %select_n3A_999 : vector<16xi1>, vector<16xf32>
    %jit3A_1015 = arith.constant 5 : i32
    %broadcast_in_dim3A_1016 = vector.broadcast %jit3A_1015 : i32 to vector<16xi32>
    %select_n3A_1017 = arith.select %lt3A_1013, %broadcast_in_dim3A_1016, %select_n3A_1002 : vector<16xi1>, vector<16xi32>
    %sub3A_1018 = arith.constant 1.74924183 : f32
    %sub3A_1019 = vector.broadcast %sub3A_1018 : f32 to vector<16xf32>
    %sub3A_1020 = arith.subf %get3A_164, %sub3A_1019 : vector<16xf32>
    %abs3A_1021 = math.absf %sub3A_1020 : vector<16xf32>
    %eq3A_1022 = arith.constant 6 : i32
    %eq3A_1023 = vector.broadcast %eq3A_1022 : i32 to vector<16xi32>
    %eq3A_1024 = arith.cmpi eq, %add3A_156, %eq3A_1023 : vector<16xi32>
    %jit3A_1025 = arith.constant 3.000000e+08 : f32
    %broadcast_in_dim3A_1026 = vector.broadcast %jit3A_1025 : f32 to vector<16xf32>
    %select_n3A_1027 = arith.select %eq3A_1024, %broadcast_in_dim3A_1026, %abs3A_1021 : vector<16xi1>, vector<16xf32>
    %lt3A_1028 = arith.cmpf olt, %select_n3A_1027, %select_n3A_1014 : vector<16xf32>
    %select_n3A_1029 = arith.select %lt3A_1028, %select_n3A_1027, %select_n3A_1014 : vector<16xi1>, vector<16xf32>
    %jit3A_1030 = arith.constant 6 : i32
    %broadcast_in_dim3A_1031 = vector.broadcast %jit3A_1030 : i32 to vector<16xi32>
    %select_n3A_1032 = arith.select %lt3A_1028, %broadcast_in_dim3A_1031, %select_n3A_1017 : vector<16xi1>, vector<16xi32>
    %sub3A_1033 = arith.constant 0.643526613 : f32
    %sub3A_1034 = vector.broadcast %sub3A_1033 : f32 to vector<16xf32>
    %sub3A_1035 = arith.subf %get3A_164, %sub3A_1034 : vector<16xf32>
    %abs3A_1036 = math.absf %sub3A_1035 : vector<16xf32>
    %eq3A_1037 = arith.constant 7 : i32
    %eq3A_1038 = vector.broadcast %eq3A_1037 : i32 to vector<16xi32>
    %eq3A_1039 = arith.cmpi eq, %add3A_156, %eq3A_1038 : vector<16xi32>
    %jit3A_1040 = arith.constant 3.000000e+08 : f32
    %broadcast_in_dim3A_1041 = vector.broadcast %jit3A_1040 : f32 to vector<16xf32>
    %select_n3A_1042 = arith.select %eq3A_1039, %broadcast_in_dim3A_1041, %abs3A_1036 : vector<16xi1>, vector<16xf32>
    %lt3A_1043 = arith.cmpf olt, %select_n3A_1042, %select_n3A_1029 : vector<16xf32>
    %select_n3A_1044 = arith.select %lt3A_1043, %select_n3A_1042, %select_n3A_1029 : vector<16xi1>, vector<16xf32>
    %jit3A_1045 = arith.constant 7 : i32
    %broadcast_in_dim3A_1046 = vector.broadcast %jit3A_1045 : i32 to vector<16xi32>
    %select_n3A_1047 = arith.select %lt3A_1043, %broadcast_in_dim3A_1046, %select_n3A_1032 : vector<16xi1>, vector<16xi32>
    %sub3A_1048 = arith.constant 0.566319287 : f32
    %sub3A_1049 = vector.broadcast %sub3A_1048 : f32 to vector<16xf32>
    %sub3A_1050 = arith.subf %get3A_164, %sub3A_1049 : vector<16xf32>
    %abs3A_1051 = math.absf %sub3A_1050 : vector<16xf32>
    %eq3A_1052 = arith.constant 8 : i32
    %eq3A_1053 = vector.broadcast %eq3A_1052 : i32 to vector<16xi32>
    %eq3A_1054 = arith.cmpi eq, %add3A_156, %eq3A_1053 : vector<16xi32>
    %jit3A_1055 = arith.constant 3.000000e+08 : f32
    %broadcast_in_dim3A_1056 = vector.broadcast %jit3A_1055 : f32 to vector<16xf32>
    %select_n3A_1057 = arith.select %eq3A_1054, %broadcast_in_dim3A_1056, %abs3A_1051 : vector<16xi1>, vector<16xf32>
    %lt3A_1058 = arith.cmpf olt, %select_n3A_1057, %select_n3A_1044 : vector<16xf32>
    %select_n3A_1059 = arith.select %lt3A_1058, %select_n3A_1057, %select_n3A_1044 : vector<16xi1>, vector<16xf32>
    %jit3A_1060 = arith.constant 8 : i32
    %broadcast_in_dim3A_1061 = vector.broadcast %jit3A_1060 : i32 to vector<16xi32>
    %select_n3A_1062 = arith.select %lt3A_1058, %broadcast_in_dim3A_1061, %select_n3A_1047 : vector<16xi1>, vector<16xi32>
    %sub3A_1063 = arith.constant 2.10629392 : f32
    %sub3A_1064 = vector.broadcast %sub3A_1063 : f32 to vector<16xf32>
    %sub3A_1065 = arith.subf %get3A_164, %sub3A_1064 : vector<16xf32>
    %abs3A_1066 = math.absf %sub3A_1065 : vector<16xf32>
    %eq3A_1067 = arith.constant 9 : i32
    %eq3A_1068 = vector.broadcast %eq3A_1067 : i32 to vector<16xi32>
    %eq3A_1069 = arith.cmpi eq, %add3A_156, %eq3A_1068 : vector<16xi32>
    %jit3A_1070 = arith.constant 3.000000e+08 : f32
    %broadcast_in_dim3A_1071 = vector.broadcast %jit3A_1070 : f32 to vector<16xf32>
    %select_n3A_1072 = arith.select %eq3A_1069, %broadcast_in_dim3A_1071, %abs3A_1066 : vector<16xi1>, vector<16xf32>
    %lt3A_1073 = arith.cmpf olt, %select_n3A_1072, %select_n3A_1059 : vector<16xf32>
    %select_n3A_1074 = arith.select %lt3A_1073, %select_n3A_1072, %select_n3A_1059 : vector<16xi1>, vector<16xf32>
    %jit3A_1075 = arith.constant 9 : i32
    %broadcast_in_dim3A_1076 = vector.broadcast %jit3A_1075 : i32 to vector<16xi32>
    %select_n3A_1077 = arith.select %lt3A_1073, %broadcast_in_dim3A_1076, %select_n3A_1062 : vector<16xi1>, vector<16xi32>
    %sub3A_1078 = arith.constant 1.41245306 : f32
    %sub3A_1079 = vector.broadcast %sub3A_1078 : f32 to vector<16xf32>
    %sub3A_1080 = arith.subf %get3A_164, %sub3A_1079 : vector<16xf32>
    %abs3A_1081 = math.absf %sub3A_1080 : vector<16xf32>
    %eq3A_1082 = arith.constant 10 : i32
    %eq3A_1083 = vector.broadcast %eq3A_1082 : i32 to vector<16xi32>
    %eq3A_1084 = arith.cmpi eq, %add3A_156, %eq3A_1083 : vector<16xi32>
    %jit3A_1085 = arith.constant 3.000000e+08 : f32
    %broadcast_in_dim3A_1086 = vector.broadcast %jit3A_1085 : f32 to vector<16xf32>
    %select_n3A_1087 = arith.select %eq3A_1084, %broadcast_in_dim3A_1086, %abs3A_1081 : vector<16xi1>, vector<16xf32>
    %lt3A_1088 = arith.cmpf olt, %select_n3A_1087, %select_n3A_1074 : vector<16xf32>
    %select_n3A_1089 = arith.select %lt3A_1088, %select_n3A_1087, %select_n3A_1074 : vector<16xi1>, vector<16xf32>
    %jit3A_1090 = arith.constant 10 : i32
    %broadcast_in_dim3A_1091 = vector.broadcast %jit3A_1090 : i32 to vector<16xi32>
    %select_n3A_1092 = arith.select %lt3A_1088, %broadcast_in_dim3A_1091, %select_n3A_1077 : vector<16xi1>, vector<16xi32>
    %sub3A_1093 = arith.constant 1.45515859 : f32
    %sub3A_1094 = vector.broadcast %sub3A_1093 : f32 to vector<16xf32>
    %sub3A_1095 = arith.subf %get3A_164, %sub3A_1094 : vector<16xf32>
    %abs3A_1096 = math.absf %sub3A_1095 : vector<16xf32>
    %eq3A_1097 = arith.constant 11 : i32
    %eq3A_1098 = vector.broadcast %eq3A_1097 : i32 to vector<16xi32>
    %eq3A_1099 = arith.cmpi eq, %add3A_156, %eq3A_1098 : vector<16xi32>
    %jit3A_1100 = arith.constant 3.000000e+08 : f32
    %broadcast_in_dim3A_1101 = vector.broadcast %jit3A_1100 : f32 to vector<16xf32>
    %select_n3A_1102 = arith.select %eq3A_1099, %broadcast_in_dim3A_1101, %abs3A_1096 : vector<16xi1>, vector<16xf32>
    %lt3A_1103 = arith.cmpf olt, %select_n3A_1102, %select_n3A_1089 : vector<16xf32>
    %select_n3A_1104 = arith.select %lt3A_1103, %select_n3A_1102, %select_n3A_1089 : vector<16xi1>, vector<16xf32>
    %jit3A_1105 = arith.constant 11 : i32
    %broadcast_in_dim3A_1106 = vector.broadcast %jit3A_1105 : i32 to vector<16xi32>
    %select_n3A_1107 = arith.select %lt3A_1103, %broadcast_in_dim3A_1106, %select_n3A_1092 : vector<16xi1>, vector<16xi32>
    %sub3A_1108 = arith.constant 0.303463161 : f32
    %sub3A_1109 = vector.broadcast %sub3A_1108 : f32 to vector<16xf32>
    %sub3A_1110 = arith.subf %get3A_164, %sub3A_1109 : vector<16xf32>
    %abs3A_1111 = math.absf %sub3A_1110 : vector<16xf32>
    %eq3A_1112 = arith.constant 12 : i32
    %eq3A_1113 = vector.broadcast %eq3A_1112 : i32 to vector<16xi32>
    %eq3A_1114 = arith.cmpi eq, %add3A_156, %eq3A_1113 : vector<16xi32>
    %jit3A_1115 = arith.constant 3.000000e+08 : f32
    %broadcast_in_dim3A_1116 = vector.broadcast %jit3A_1115 : f32 to vector<16xf32>
    %select_n3A_1117 = arith.select %eq3A_1114, %broadcast_in_dim3A_1116, %abs3A_1111 : vector<16xi1>, vector<16xf32>
    %lt3A_1118 = arith.cmpf olt, %select_n3A_1117, %select_n3A_1104 : vector<16xf32>
    %select_n3A_1119 = arith.select %lt3A_1118, %select_n3A_1117, %select_n3A_1104 : vector<16xi1>, vector<16xf32>
    %jit3A_1120 = arith.constant 12 : i32
    %broadcast_in_dim3A_1121 = vector.broadcast %jit3A_1120 : i32 to vector<16xi32>
    %select_n3A_1122 = arith.select %lt3A_1118, %broadcast_in_dim3A_1121, %select_n3A_1107 : vector<16xi1>, vector<16xi32>
    %sub3A_1123 = arith.constant 1.0805583 : f32
    %sub3A_1124 = vector.broadcast %sub3A_1123 : f32 to vector<16xf32>
    %sub3A_1125 = arith.subf %get3A_164, %sub3A_1124 : vector<16xf32>
    %abs3A_1126 = math.absf %sub3A_1125 : vector<16xf32>
    %eq3A_1127 = arith.constant 13 : i32
    %eq3A_1128 = vector.broadcast %eq3A_1127 : i32 to vector<16xi32>
    %eq3A_1129 = arith.cmpi eq, %add3A_156, %eq3A_1128 : vector<16xi32>
    %jit3A_1130 = arith.constant 3.000000e+08 : f32
    %broadcast_in_dim3A_1131 = vector.broadcast %jit3A_1130 : f32 to vector<16xf32>
    %select_n3A_1132 = arith.select %eq3A_1129, %broadcast_in_dim3A_1131, %abs3A_1126 : vector<16xi1>, vector<16xf32>
    %lt3A_1133 = arith.cmpf olt, %select_n3A_1132, %select_n3A_1119 : vector<16xf32>
    %select_n3A_1134 = arith.select %lt3A_1133, %select_n3A_1132, %select_n3A_1119 : vector<16xi1>, vector<16xf32>
    %jit3A_1135 = arith.constant 13 : i32
    %broadcast_in_dim3A_1136 = vector.broadcast %jit3A_1135 : i32 to vector<16xi32>
    %select_n3A_1137 = arith.select %lt3A_1133, %broadcast_in_dim3A_1136, %select_n3A_1122 : vector<16xi1>, vector<16xi32>
    %sub3A_1138 = arith.constant 0.0836733207 : f32
    %sub3A_1139 = vector.broadcast %sub3A_1138 : f32 to vector<16xf32>
    %sub3A_1140 = arith.subf %get3A_164, %sub3A_1139 : vector<16xf32>
    %abs3A_1141 = math.absf %sub3A_1140 : vector<16xf32>
    %eq3A_1142 = arith.constant 14 : i32
    %eq3A_1143 = vector.broadcast %eq3A_1142 : i32 to vector<16xi32>
    %eq3A_1144 = arith.cmpi eq, %add3A_156, %eq3A_1143 : vector<16xi32>
    %jit3A_1145 = arith.constant 3.000000e+08 : f32
    %broadcast_in_dim3A_1146 = vector.broadcast %jit3A_1145 : f32 to vector<16xf32>
    %select_n3A_1147 = arith.select %eq3A_1144, %broadcast_in_dim3A_1146, %abs3A_1141 : vector<16xi1>, vector<16xf32>
    %lt3A_1148 = arith.cmpf olt, %select_n3A_1147, %select_n3A_1134 : vector<16xf32>
    %select_n3A_1149 = arith.select %lt3A_1148, %select_n3A_1147, %select_n3A_1134 : vector<16xi1>, vector<16xf32>
    %jit3A_1150 = arith.constant 14 : i32
    %broadcast_in_dim3A_1151 = vector.broadcast %jit3A_1150 : i32 to vector<16xi32>
    %select_n3A_1152 = arith.select %lt3A_1148, %broadcast_in_dim3A_1151, %select_n3A_1137 : vector<16xi1>, vector<16xi32>
    %sub3A_1153 = arith.constant 0.712279617 : f32
    %sub3A_1154 = vector.broadcast %sub3A_1153 : f32 to vector<16xf32>
    %sub3A_1155 = arith.subf %get3A_164, %sub3A_1154 : vector<16xf32>
    %abs3A_1156 = math.absf %sub3A_1155 : vector<16xf32>
    %eq3A_1157 = arith.constant 15 : i32
    %eq3A_1158 = vector.broadcast %eq3A_1157 : i32 to vector<16xi32>
    %eq3A_1159 = arith.cmpi eq, %add3A_156, %eq3A_1158 : vector<16xi32>
    %jit3A_1160 = arith.constant 3.000000e+08 : f32
    %broadcast_in_dim3A_1161 = vector.broadcast %jit3A_1160 : f32 to vector<16xf32>
    %select_n3A_1162 = arith.select %eq3A_1159, %broadcast_in_dim3A_1161, %abs3A_1156 : vector<16xi1>, vector<16xf32>
    %lt3A_1163 = arith.cmpf olt, %select_n3A_1162, %select_n3A_1149 : vector<16xf32>
    %select_n3A_1164 = arith.select %lt3A_1163, %select_n3A_1162, %select_n3A_1149 : vector<16xi1>, vector<16xf32>
    %jit3A_1165 = arith.constant 15 : i32
    %broadcast_in_dim3A_1166 = vector.broadcast %jit3A_1165 : i32 to vector<16xi32>
    %select_n3A_1167 = arith.select %lt3A_1163, %broadcast_in_dim3A_1166, %select_n3A_1152 : vector<16xi1>, vector<16xi32>
    %sub3A_1168 = arith.constant 1.67667174 : f32
    %sub3A_1169 = vector.broadcast %sub3A_1168 : f32 to vector<16xf32>
    %sub3A_1170 = arith.subf %get3A_164, %sub3A_1169 : vector<16xf32>
    %abs3A_1171 = math.absf %sub3A_1170 : vector<16xf32>
    %eq3A_1172 = arith.constant 16 : i32
    %eq3A_1173 = vector.broadcast %eq3A_1172 : i32 to vector<16xi32>
    %eq3A_1174 = arith.cmpi eq, %add3A_156, %eq3A_1173 : vector<16xi32>
    %jit3A_1175 = arith.constant 3.000000e+08 : f32
    %broadcast_in_dim3A_1176 = vector.broadcast %jit3A_1175 : f32 to vector<16xf32>
    %select_n3A_1177 = arith.select %eq3A_1174, %broadcast_in_dim3A_1176, %abs3A_1171 : vector<16xi1>, vector<16xf32>
    %lt3A_1178 = arith.cmpf olt, %select_n3A_1177, %select_n3A_1164 : vector<16xf32>
    %select_n3A_1179 = arith.select %lt3A_1178, %select_n3A_1177, %select_n3A_1164 : vector<16xi1>, vector<16xf32>
    %jit3A_1180 = arith.constant 16 : i32
    %broadcast_in_dim3A_1181 = vector.broadcast %jit3A_1180 : i32 to vector<16xi32>
    %select_n3A_1182 = arith.select %lt3A_1178, %broadcast_in_dim3A_1181, %select_n3A_1167 : vector<16xi1>, vector<16xi32>
    %sub3A_1183 = arith.constant 0.609653472 : f32
    %sub3A_1184 = vector.broadcast %sub3A_1183 : f32 to vector<16xf32>
    %sub3A_1185 = arith.subf %get3A_164, %sub3A_1184 : vector<16xf32>
    %abs3A_1186 = math.absf %sub3A_1185 : vector<16xf32>
    %eq3A_1187 = arith.constant 17 : i32
    %eq3A_1188 = vector.broadcast %eq3A_1187 : i32 to vector<16xi32>
    %eq3A_1189 = arith.cmpi eq, %add3A_156, %eq3A_1188 : vector<16xi32>
    %jit3A_1190 = arith.constant 3.000000e+08 : f32
    %broadcast_in_dim3A_1191 = vector.broadcast %jit3A_1190 : f32 to vector<16xf32>
    %select_n3A_1192 = arith.select %eq3A_1189, %broadcast_in_dim3A_1191, %abs3A_1186 : vector<16xi1>, vector<16xf32>
    %lt3A_1193 = arith.cmpf olt, %select_n3A_1192, %select_n3A_1179 : vector<16xf32>
    %select_n3A_1194 = arith.select %lt3A_1193, %select_n3A_1192, %select_n3A_1179 : vector<16xi1>, vector<16xf32>
    %jit3A_1195 = arith.constant 17 : i32
    %broadcast_in_dim3A_1196 = vector.broadcast %jit3A_1195 : i32 to vector<16xi32>
    %select_n3A_1197 = arith.select %lt3A_1193, %broadcast_in_dim3A_1196, %select_n3A_1182 : vector<16xi1>, vector<16xi32>
    %sub3A_1198 = arith.constant 1.705006 : f32
    %sub3A_1199 = vector.broadcast %sub3A_1198 : f32 to vector<16xf32>
    %sub3A_1200 = arith.subf %get3A_164, %sub3A_1199 : vector<16xf32>
    %abs3A_1201 = math.absf %sub3A_1200 : vector<16xf32>
    %eq3A_1202 = arith.constant 18 : i32
    %eq3A_1203 = vector.broadcast %eq3A_1202 : i32 to vector<16xi32>
    %eq3A_1204 = arith.cmpi eq, %add3A_156, %eq3A_1203 : vector<16xi32>
    %jit3A_1205 = arith.constant 3.000000e+08 : f32
    %broadcast_in_dim3A_1206 = vector.broadcast %jit3A_1205 : f32 to vector<16xf32>
    %select_n3A_1207 = arith.select %eq3A_1204, %broadcast_in_dim3A_1206, %abs3A_1201 : vector<16xi1>, vector<16xf32>
    %lt3A_1208 = arith.cmpf olt, %select_n3A_1207, %select_n3A_1194 : vector<16xf32>
    %select_n3A_1209 = arith.select %lt3A_1208, %select_n3A_1207, %select_n3A_1194 : vector<16xi1>, vector<16xf32>
    %jit3A_1210 = arith.constant 18 : i32
    %broadcast_in_dim3A_1211 = vector.broadcast %jit3A_1210 : i32 to vector<16xi32>
    %select_n3A_1212 = arith.select %lt3A_1208, %broadcast_in_dim3A_1211, %select_n3A_1197 : vector<16xi1>, vector<16xi32>
    %sub3A_1213 = arith.constant 2.5404861 : f32
    %sub3A_1214 = vector.broadcast %sub3A_1213 : f32 to vector<16xf32>
    %sub3A_1215 = arith.subf %get3A_164, %sub3A_1214 : vector<16xf32>
    %abs3A_1216 = math.absf %sub3A_1215 : vector<16xf32>
    %eq3A_1217 = arith.constant 19 : i32
    %eq3A_1218 = vector.broadcast %eq3A_1217 : i32 to vector<16xi32>
    %eq3A_1219 = arith.cmpi eq, %add3A_156, %eq3A_1218 : vector<16xi32>
    %jit3A_1220 = arith.constant 3.000000e+08 : f32
    %broadcast_in_dim3A_1221 = vector.broadcast %jit3A_1220 : f32 to vector<16xf32>
    %select_n3A_1222 = arith.select %eq3A_1219, %broadcast_in_dim3A_1221, %abs3A_1216 : vector<16xi1>, vector<16xf32>
    %lt3A_1223 = arith.cmpf olt, %select_n3A_1222, %select_n3A_1209 : vector<16xf32>
    %select_n3A_1224 = arith.select %lt3A_1223, %select_n3A_1222, %select_n3A_1209 : vector<16xi1>, vector<16xf32>
    %jit3A_1225 = arith.constant 19 : i32
    %broadcast_in_dim3A_1226 = vector.broadcast %jit3A_1225 : i32 to vector<16xi32>
    %select_n3A_1227 = arith.select %lt3A_1223, %broadcast_in_dim3A_1226, %select_n3A_1212 : vector<16xi1>, vector<16xi32>
    %sub3A_1228 = arith.constant 2.52263522 : f32
    %sub3A_1229 = vector.broadcast %sub3A_1228 : f32 to vector<16xf32>
    %sub3A_1230 = arith.subf %get3A_164, %sub3A_1229 : vector<16xf32>
    %abs3A_1231 = math.absf %sub3A_1230 : vector<16xf32>
    %eq3A_1232 = arith.constant 20 : i32
    %eq3A_1233 = vector.broadcast %eq3A_1232 : i32 to vector<16xi32>
    %eq3A_1234 = arith.cmpi eq, %add3A_156, %eq3A_1233 : vector<16xi32>
    %jit3A_1235 = arith.constant 3.000000e+08 : f32
    %broadcast_in_dim3A_1236 = vector.broadcast %jit3A_1235 : f32 to vector<16xf32>
    %select_n3A_1237 = arith.select %eq3A_1234, %broadcast_in_dim3A_1236, %abs3A_1231 : vector<16xi1>, vector<16xf32>
    %lt3A_1238 = arith.cmpf olt, %select_n3A_1237, %select_n3A_1224 : vector<16xf32>
    %select_n3A_1239 = arith.select %lt3A_1238, %select_n3A_1237, %select_n3A_1224 : vector<16xi1>, vector<16xf32>
    %jit3A_1240 = arith.constant 20 : i32
    %broadcast_in_dim3A_1241 = vector.broadcast %jit3A_1240 : i32 to vector<16xi32>
    %select_n3A_1242 = arith.select %lt3A_1238, %broadcast_in_dim3A_1241, %select_n3A_1227 : vector<16xi1>, vector<16xi32>
    %sub3A_1243 = arith.constant 1.31401598 : f32
    %sub3A_1244 = vector.broadcast %sub3A_1243 : f32 to vector<16xf32>
    %sub3A_1245 = arith.subf %get3A_164, %sub3A_1244 : vector<16xf32>
    %abs3A_1246 = math.absf %sub3A_1245 : vector<16xf32>
    %eq3A_1247 = arith.constant 21 : i32
    %eq3A_1248 = vector.broadcast %eq3A_1247 : i32 to vector<16xi32>
    %eq3A_1249 = arith.cmpi eq, %add3A_156, %eq3A_1248 : vector<16xi32>
    %jit3A_1250 = arith.constant 3.000000e+08 : f32
    %broadcast_in_dim3A_1251 = vector.broadcast %jit3A_1250 : f32 to vector<16xf32>
    %select_n3A_1252 = arith.select %eq3A_1249, %broadcast_in_dim3A_1251, %abs3A_1246 : vector<16xi1>, vector<16xf32>
    %lt3A_1253 = arith.cmpf olt, %select_n3A_1252, %select_n3A_1239 : vector<16xf32>
    %select_n3A_1254 = arith.select %lt3A_1253, %select_n3A_1252, %select_n3A_1239 : vector<16xi1>, vector<16xf32>
    %jit3A_1255 = arith.constant 21 : i32
    %broadcast_in_dim3A_1256 = vector.broadcast %jit3A_1255 : i32 to vector<16xi32>
    %select_n3A_1257 = arith.select %lt3A_1253, %broadcast_in_dim3A_1256, %select_n3A_1242 : vector<16xi1>, vector<16xi32>
    %sub3A_1258 = arith.constant 2.09118152 : f32
    %sub3A_1259 = vector.broadcast %sub3A_1258 : f32 to vector<16xf32>
    %sub3A_1260 = arith.subf %get3A_164, %sub3A_1259 : vector<16xf32>
    %abs3A_1261 = math.absf %sub3A_1260 : vector<16xf32>
    %eq3A_1262 = arith.constant 22 : i32
    %eq3A_1263 = vector.broadcast %eq3A_1262 : i32 to vector<16xi32>
    %eq3A_1264 = arith.cmpi eq, %add3A_156, %eq3A_1263 : vector<16xi32>
    %jit3A_1265 = arith.constant 3.000000e+08 : f32
    %broadcast_in_dim3A_1266 = vector.broadcast %jit3A_1265 : f32 to vector<16xf32>
    %select_n3A_1267 = arith.select %eq3A_1264, %broadcast_in_dim3A_1266, %abs3A_1261 : vector<16xi1>, vector<16xf32>
    %lt3A_1268 = arith.cmpf olt, %select_n3A_1267, %select_n3A_1254 : vector<16xf32>
    %select_n3A_1269 = arith.select %lt3A_1268, %select_n3A_1267, %select_n3A_1254 : vector<16xi1>, vector<16xf32>
    %jit3A_1270 = arith.constant 22 : i32
    %broadcast_in_dim3A_1271 = vector.broadcast %jit3A_1270 : i32 to vector<16xi32>
    %select_n3A_1272 = arith.select %lt3A_1268, %broadcast_in_dim3A_1271, %select_n3A_1257 : vector<16xi1>, vector<16xi32>
    %sub3A_1273 = arith.constant 2.72842574 : f32
    %sub3A_1274 = vector.broadcast %sub3A_1273 : f32 to vector<16xf32>
    %sub3A_1275 = arith.subf %get3A_164, %sub3A_1274 : vector<16xf32>
    %abs3A_1276 = math.absf %sub3A_1275 : vector<16xf32>
    %eq3A_1277 = arith.constant 23 : i32
    %eq3A_1278 = vector.broadcast %eq3A_1277 : i32 to vector<16xi32>
    %eq3A_1279 = arith.cmpi eq, %add3A_156, %eq3A_1278 : vector<16xi32>
    %jit3A_1280 = arith.constant 3.000000e+08 : f32
    %broadcast_in_dim3A_1281 = vector.broadcast %jit3A_1280 : f32 to vector<16xf32>
    %select_n3A_1282 = arith.select %eq3A_1279, %broadcast_in_dim3A_1281, %abs3A_1276 : vector<16xi1>, vector<16xf32>
    %lt3A_1283 = arith.cmpf olt, %select_n3A_1282, %select_n3A_1269 : vector<16xf32>
    %select_n3A_1284 = arith.select %lt3A_1283, %select_n3A_1282, %select_n3A_1269 : vector<16xi1>, vector<16xf32>
    %jit3A_1285 = arith.constant 23 : i32
    %broadcast_in_dim3A_1286 = vector.broadcast %jit3A_1285 : i32 to vector<16xi32>
    %select_n3A_1287 = arith.select %lt3A_1283, %broadcast_in_dim3A_1286, %select_n3A_1272 : vector<16xi1>, vector<16xi32>
    %sub3A_1288 = arith.constant 0.989088237 : f32
    %sub3A_1289 = vector.broadcast %sub3A_1288 : f32 to vector<16xf32>
    %sub3A_1290 = arith.subf %get3A_164, %sub3A_1289 : vector<16xf32>
    %abs3A_1291 = math.absf %sub3A_1290 : vector<16xf32>
    %eq3A_1292 = arith.constant 24 : i32
    %eq3A_1293 = vector.broadcast %eq3A_1292 : i32 to vector<16xi32>
    %eq3A_1294 = arith.cmpi eq, %add3A_156, %eq3A_1293 : vector<16xi32>
    %jit3A_1295 = arith.constant 3.000000e+08 : f32
    %broadcast_in_dim3A_1296 = vector.broadcast %jit3A_1295 : f32 to vector<16xf32>
    %select_n3A_1297 = arith.select %eq3A_1294, %broadcast_in_dim3A_1296, %abs3A_1291 : vector<16xi1>, vector<16xf32>
    %lt3A_1298 = arith.cmpf olt, %select_n3A_1297, %select_n3A_1284 : vector<16xf32>
    %select_n3A_1299 = arith.select %lt3A_1298, %select_n3A_1297, %select_n3A_1284 : vector<16xi1>, vector<16xf32>
    %jit3A_1300 = arith.constant 24 : i32
    %broadcast_in_dim3A_1301 = vector.broadcast %jit3A_1300 : i32 to vector<16xi32>
    %select_n3A_1302 = arith.select %lt3A_1298, %broadcast_in_dim3A_1301, %select_n3A_1287 : vector<16xi1>, vector<16xi32>
    %sub3A_1303 = arith.constant 0.556705892 : f32
    %sub3A_1304 = vector.broadcast %sub3A_1303 : f32 to vector<16xf32>
    %sub3A_1305 = arith.subf %get3A_164, %sub3A_1304 : vector<16xf32>
    %abs3A_1306 = math.absf %sub3A_1305 : vector<16xf32>
    %eq3A_1307 = arith.constant 25 : i32
    %eq3A_1308 = vector.broadcast %eq3A_1307 : i32 to vector<16xi32>
    %eq3A_1309 = arith.cmpi eq, %add3A_156, %eq3A_1308 : vector<16xi32>
    %jit3A_1310 = arith.constant 3.000000e+08 : f32
    %broadcast_in_dim3A_1311 = vector.broadcast %jit3A_1310 : f32 to vector<16xf32>
    %select_n3A_1312 = arith.select %eq3A_1309, %broadcast_in_dim3A_1311, %abs3A_1306 : vector<16xi1>, vector<16xf32>
    %lt3A_1313 = arith.cmpf olt, %select_n3A_1312, %select_n3A_1299 : vector<16xf32>
    %select_n3A_1314 = arith.select %lt3A_1313, %select_n3A_1312, %select_n3A_1299 : vector<16xi1>, vector<16xf32>
    %jit3A_1315 = arith.constant 25 : i32
    %broadcast_in_dim3A_1316 = vector.broadcast %jit3A_1315 : i32 to vector<16xi32>
    %select_n3A_1317 = arith.select %lt3A_1313, %broadcast_in_dim3A_1316, %select_n3A_1302 : vector<16xi1>, vector<16xi32>
    %sub3A_1318 = arith.constant 0.699081659 : f32
    %sub3A_1319 = vector.broadcast %sub3A_1318 : f32 to vector<16xf32>
    %sub3A_1320 = arith.subf %get3A_164, %sub3A_1319 : vector<16xf32>
    %abs3A_1321 = math.absf %sub3A_1320 : vector<16xf32>
    %eq3A_1322 = arith.constant 26 : i32
    %eq3A_1323 = vector.broadcast %eq3A_1322 : i32 to vector<16xi32>
    %eq3A_1324 = arith.cmpi eq, %add3A_156, %eq3A_1323 : vector<16xi32>
    %jit3A_1325 = arith.constant 3.000000e+08 : f32
    %broadcast_in_dim3A_1326 = vector.broadcast %jit3A_1325 : f32 to vector<16xf32>
    %select_n3A_1327 = arith.select %eq3A_1324, %broadcast_in_dim3A_1326, %abs3A_1321 : vector<16xi1>, vector<16xf32>
    %lt3A_1328 = arith.cmpf olt, %select_n3A_1327, %select_n3A_1314 : vector<16xf32>
    %select_n3A_1329 = arith.select %lt3A_1328, %select_n3A_1327, %select_n3A_1314 : vector<16xi1>, vector<16xf32>
    %jit3A_1330 = arith.constant 26 : i32
    %broadcast_in_dim3A_1331 = vector.broadcast %jit3A_1330 : i32 to vector<16xi32>
    %select_n3A_1332 = arith.select %lt3A_1328, %broadcast_in_dim3A_1331, %select_n3A_1317 : vector<16xi1>, vector<16xi32>
    %sub3A_1333 = arith.constant 2.50052118 : f32
    %sub3A_1334 = vector.broadcast %sub3A_1333 : f32 to vector<16xf32>
    %sub3A_1335 = arith.subf %get3A_164, %sub3A_1334 : vector<16xf32>
    %abs3A_1336 = math.absf %sub3A_1335 : vector<16xf32>
    %eq3A_1337 = arith.constant 27 : i32
    %eq3A_1338 = vector.broadcast %eq3A_1337 : i32 to vector<16xi32>
    %eq3A_1339 = arith.cmpi eq, %add3A_156, %eq3A_1338 : vector<16xi32>
    %jit3A_1340 = arith.constant 3.000000e+08 : f32
    %broadcast_in_dim3A_1341 = vector.broadcast %jit3A_1340 : f32 to vector<16xf32>
    %select_n3A_1342 = arith.select %eq3A_1339, %broadcast_in_dim3A_1341, %abs3A_1336 : vector<16xi1>, vector<16xf32>
    %lt3A_1343 = arith.cmpf olt, %select_n3A_1342, %select_n3A_1329 : vector<16xf32>
    %select_n3A_1344 = arith.select %lt3A_1343, %select_n3A_1342, %select_n3A_1329 : vector<16xi1>, vector<16xf32>
    %jit3A_1345 = arith.constant 27 : i32
    %broadcast_in_dim3A_1346 = vector.broadcast %jit3A_1345 : i32 to vector<16xi32>
    %select_n3A_1347 = arith.select %lt3A_1343, %broadcast_in_dim3A_1346, %select_n3A_1332 : vector<16xi1>, vector<16xi32>
    %sub3A_1348 = arith.constant 0.0317432061 : f32
    %sub3A_1349 = vector.broadcast %sub3A_1348 : f32 to vector<16xf32>
    %sub3A_1350 = arith.subf %get3A_164, %sub3A_1349 : vector<16xf32>
    %abs3A_1351 = math.absf %sub3A_1350 : vector<16xf32>
    %eq3A_1352 = arith.constant 28 : i32
    %eq3A_1353 = vector.broadcast %eq3A_1352 : i32 to vector<16xi32>
    %eq3A_1354 = arith.cmpi eq, %add3A_156, %eq3A_1353 : vector<16xi32>
    %jit3A_1355 = arith.constant 3.000000e+08 : f32
    %broadcast_in_dim3A_1356 = vector.broadcast %jit3A_1355 : f32 to vector<16xf32>
    %select_n3A_1357 = arith.select %eq3A_1354, %broadcast_in_dim3A_1356, %abs3A_1351 : vector<16xi1>, vector<16xf32>
    %lt3A_1358 = arith.cmpf olt, %select_n3A_1357, %select_n3A_1344 : vector<16xf32>
    %select_n3A_1359 = arith.select %lt3A_1358, %select_n3A_1357, %select_n3A_1344 : vector<16xi1>, vector<16xf32>
    %jit3A_1360 = arith.constant 28 : i32
    %broadcast_in_dim3A_1361 = vector.broadcast %jit3A_1360 : i32 to vector<16xi32>
    %select_n3A_1362 = arith.select %lt3A_1358, %broadcast_in_dim3A_1361, %select_n3A_1347 : vector<16xi1>, vector<16xi32>
    %sub3A_1363 = arith.constant 0.768091857 : f32
    %sub3A_1364 = vector.broadcast %sub3A_1363 : f32 to vector<16xf32>
    %sub3A_1365 = arith.subf %get3A_164, %sub3A_1364 : vector<16xf32>
    %abs3A_1366 = math.absf %sub3A_1365 : vector<16xf32>
    %eq3A_1367 = arith.constant 29 : i32
    %eq3A_1368 = vector.broadcast %eq3A_1367 : i32 to vector<16xi32>
    %eq3A_1369 = arith.cmpi eq, %add3A_156, %eq3A_1368 : vector<16xi32>
    %jit3A_1370 = arith.constant 3.000000e+08 : f32
    %broadcast_in_dim3A_1371 = vector.broadcast %jit3A_1370 : f32 to vector<16xf32>
    %select_n3A_1372 = arith.select %eq3A_1369, %broadcast_in_dim3A_1371, %abs3A_1366 : vector<16xi1>, vector<16xf32>
    %lt3A_1373 = arith.cmpf olt, %select_n3A_1372, %select_n3A_1359 : vector<16xf32>
    %select_n3A_1374 = arith.select %lt3A_1373, %select_n3A_1372, %select_n3A_1359 : vector<16xi1>, vector<16xf32>
    %jit3A_1375 = arith.constant 29 : i32
    %broadcast_in_dim3A_1376 = vector.broadcast %jit3A_1375 : i32 to vector<16xi32>
    %select_n3A_1377 = arith.select %lt3A_1373, %broadcast_in_dim3A_1376, %select_n3A_1362 : vector<16xi1>, vector<16xi32>
    %sub3A_1378 = arith.constant 0.512412369 : f32
    %sub3A_1379 = vector.broadcast %sub3A_1378 : f32 to vector<16xf32>
    %sub3A_1380 = arith.subf %get3A_164, %sub3A_1379 : vector<16xf32>
    %abs3A_1381 = math.absf %sub3A_1380 : vector<16xf32>
    %eq3A_1382 = arith.constant 30 : i32
    %eq3A_1383 = vector.broadcast %eq3A_1382 : i32 to vector<16xi32>
    %eq3A_1384 = arith.cmpi eq, %add3A_156, %eq3A_1383 : vector<16xi32>
    %jit3A_1385 = arith.constant 3.000000e+08 : f32
    %broadcast_in_dim3A_1386 = vector.broadcast %jit3A_1385 : f32 to vector<16xf32>
    %select_n3A_1387 = arith.select %eq3A_1384, %broadcast_in_dim3A_1386, %abs3A_1381 : vector<16xi1>, vector<16xf32>
    %lt3A_1388 = arith.cmpf olt, %select_n3A_1387, %select_n3A_1374 : vector<16xf32>
    %select_n3A_1389 = arith.select %lt3A_1388, %select_n3A_1387, %select_n3A_1374 : vector<16xi1>, vector<16xf32>
    %jit3A_1390 = arith.constant 30 : i32
    %broadcast_in_dim3A_1391 = vector.broadcast %jit3A_1390 : i32 to vector<16xi32>
    %select_n3A_1392 = arith.select %lt3A_1388, %broadcast_in_dim3A_1391, %select_n3A_1377 : vector<16xi1>, vector<16xi32>
    %sub3A_1393 = arith.constant 0.0462428704 : f32
    %sub3A_1394 = vector.broadcast %sub3A_1393 : f32 to vector<16xf32>
    %sub3A_1395 = arith.subf %get3A_164, %sub3A_1394 : vector<16xf32>
    %abs3A_1396 = math.absf %sub3A_1395 : vector<16xf32>
    %eq3A_1397 = arith.constant 31 : i32
    %eq3A_1398 = vector.broadcast %eq3A_1397 : i32 to vector<16xi32>
    %eq3A_1399 = arith.cmpi eq, %add3A_156, %eq3A_1398 : vector<16xi32>
    %jit3A_1400 = arith.constant 3.000000e+08 : f32
    %broadcast_in_dim3A_1401 = vector.broadcast %jit3A_1400 : f32 to vector<16xf32>
    %select_n3A_1402 = arith.select %eq3A_1399, %broadcast_in_dim3A_1401, %abs3A_1396 : vector<16xi1>, vector<16xf32>
    %lt3A_1403 = arith.cmpf olt, %select_n3A_1402, %select_n3A_1389 : vector<16xf32>
    %select_n3A_1404 = arith.select %lt3A_1403, %select_n3A_1402, %select_n3A_1389 : vector<16xi1>, vector<16xf32>
    %jit3A_1405 = arith.constant 31 : i32
    %broadcast_in_dim3A_1406 = vector.broadcast %jit3A_1405 : i32 to vector<16xi32>
    %select_n3A_1407 = arith.select %lt3A_1403, %broadcast_in_dim3A_1406, %select_n3A_1392 : vector<16xi1>, vector<16xi32>
    %sub3A_1408 = arith.constant 0.796836316 : f32
    %sub3A_1409 = vector.broadcast %sub3A_1408 : f32 to vector<16xf32>
    %sub3A_1410 = arith.subf %get3A_164, %sub3A_1409 : vector<16xf32>
    %abs3A_1411 = math.absf %sub3A_1410 : vector<16xf32>
    %eq3A_1412 = arith.constant 32 : i32
    %eq3A_1413 = vector.broadcast %eq3A_1412 : i32 to vector<16xi32>
    %eq3A_1414 = arith.cmpi eq, %add3A_156, %eq3A_1413 : vector<16xi32>
    %jit3A_1415 = arith.constant 3.000000e+08 : f32
    %broadcast_in_dim3A_1416 = vector.broadcast %jit3A_1415 : f32 to vector<16xf32>
    %select_n3A_1417 = arith.select %eq3A_1414, %broadcast_in_dim3A_1416, %abs3A_1411 : vector<16xi1>, vector<16xf32>
    %lt3A_1418 = arith.cmpf olt, %select_n3A_1417, %select_n3A_1404 : vector<16xf32>
    %select_n3A_1419 = arith.select %lt3A_1418, %select_n3A_1417, %select_n3A_1404 : vector<16xi1>, vector<16xf32>
    %jit3A_1420 = arith.constant 32 : i32
    %broadcast_in_dim3A_1421 = vector.broadcast %jit3A_1420 : i32 to vector<16xi32>
    %select_n3A_1422 = arith.select %lt3A_1418, %broadcast_in_dim3A_1421, %select_n3A_1407 : vector<16xi1>, vector<16xi32>
    %sub3A_1423 = arith.constant 2.48184943 : f32
    %sub3A_1424 = vector.broadcast %sub3A_1423 : f32 to vector<16xf32>
    %sub3A_1425 = arith.subf %get3A_164, %sub3A_1424 : vector<16xf32>
    %abs3A_1426 = math.absf %sub3A_1425 : vector<16xf32>
    %eq3A_1427 = arith.constant 33 : i32
    %eq3A_1428 = vector.broadcast %eq3A_1427 : i32 to vector<16xi32>
    %eq3A_1429 = arith.cmpi eq, %add3A_156, %eq3A_1428 : vector<16xi32>
    %jit3A_1430 = arith.constant 3.000000e+08 : f32
    %broadcast_in_dim3A_1431 = vector.broadcast %jit3A_1430 : f32 to vector<16xf32>
    %select_n3A_1432 = arith.select %eq3A_1429, %broadcast_in_dim3A_1431, %abs3A_1426 : vector<16xi1>, vector<16xf32>
    %lt3A_1433 = arith.cmpf olt, %select_n3A_1432, %select_n3A_1419 : vector<16xf32>
    %select_n3A_1434 = arith.select %lt3A_1433, %select_n3A_1432, %select_n3A_1419 : vector<16xi1>, vector<16xf32>
    %jit3A_1435 = arith.constant 33 : i32
    %broadcast_in_dim3A_1436 = vector.broadcast %jit3A_1435 : i32 to vector<16xi32>
    %select_n3A_1437 = arith.select %lt3A_1433, %broadcast_in_dim3A_1436, %select_n3A_1422 : vector<16xi1>, vector<16xi32>
    %sub3A_1438 = arith.constant 2.50373864 : f32
    %sub3A_1439 = vector.broadcast %sub3A_1438 : f32 to vector<16xf32>
    %sub3A_1440 = arith.subf %get3A_164, %sub3A_1439 : vector<16xf32>
    %abs3A_1441 = math.absf %sub3A_1440 : vector<16xf32>
    %eq3A_1442 = arith.constant 34 : i32
    %eq3A_1443 = vector.broadcast %eq3A_1442 : i32 to vector<16xi32>
    %eq3A_1444 = arith.cmpi eq, %add3A_156, %eq3A_1443 : vector<16xi32>
    %jit3A_1445 = arith.constant 3.000000e+08 : f32
    %broadcast_in_dim3A_1446 = vector.broadcast %jit3A_1445 : f32 to vector<16xf32>
    %select_n3A_1447 = arith.select %eq3A_1444, %broadcast_in_dim3A_1446, %abs3A_1441 : vector<16xi1>, vector<16xf32>
    %lt3A_1448 = arith.cmpf olt, %select_n3A_1447, %select_n3A_1434 : vector<16xf32>
    %select_n3A_1449 = arith.select %lt3A_1448, %select_n3A_1447, %select_n3A_1434 : vector<16xi1>, vector<16xf32>
    %jit3A_1450 = arith.constant 34 : i32
    %broadcast_in_dim3A_1451 = vector.broadcast %jit3A_1450 : i32 to vector<16xi32>
    %select_n3A_1452 = arith.select %lt3A_1448, %broadcast_in_dim3A_1451, %select_n3A_1437 : vector<16xi1>, vector<16xi32>
    %sub3A_1453 = arith.constant 2.6062541 : f32
    %sub3A_1454 = vector.broadcast %sub3A_1453 : f32 to vector<16xf32>
    %sub3A_1455 = arith.subf %get3A_164, %sub3A_1454 : vector<16xf32>
    %abs3A_1456 = math.absf %sub3A_1455 : vector<16xf32>
    %eq3A_1457 = arith.constant 35 : i32
    %eq3A_1458 = vector.broadcast %eq3A_1457 : i32 to vector<16xi32>
    %eq3A_1459 = arith.cmpi eq, %add3A_156, %eq3A_1458 : vector<16xi32>
    %jit3A_1460 = arith.constant 3.000000e+08 : f32
    %broadcast_in_dim3A_1461 = vector.broadcast %jit3A_1460 : f32 to vector<16xf32>
    %select_n3A_1462 = arith.select %eq3A_1459, %broadcast_in_dim3A_1461, %abs3A_1456 : vector<16xi1>, vector<16xf32>
    %lt3A_1463 = arith.cmpf olt, %select_n3A_1462, %select_n3A_1449 : vector<16xf32>
    %select_n3A_1464 = arith.select %lt3A_1463, %select_n3A_1462, %select_n3A_1449 : vector<16xi1>, vector<16xf32>
    %jit3A_1465 = arith.constant 35 : i32
    %broadcast_in_dim3A_1466 = vector.broadcast %jit3A_1465 : i32 to vector<16xi32>
    %select_n3A_1467 = arith.select %lt3A_1463, %broadcast_in_dim3A_1466, %select_n3A_1452 : vector<16xi1>, vector<16xi32>
    %sub3A_1468 = arith.constant 2.97994471 : f32
    %sub3A_1469 = vector.broadcast %sub3A_1468 : f32 to vector<16xf32>
    %sub3A_1470 = arith.subf %get3A_164, %sub3A_1469 : vector<16xf32>
    %abs3A_1471 = math.absf %sub3A_1470 : vector<16xf32>
    %eq3A_1472 = arith.constant 36 : i32
    %eq3A_1473 = vector.broadcast %eq3A_1472 : i32 to vector<16xi32>
    %eq3A_1474 = arith.cmpi eq, %add3A_156, %eq3A_1473 : vector<16xi32>
    %jit3A_1475 = arith.constant 3.000000e+08 : f32
    %broadcast_in_dim3A_1476 = vector.broadcast %jit3A_1475 : f32 to vector<16xf32>
    %select_n3A_1477 = arith.select %eq3A_1474, %broadcast_in_dim3A_1476, %abs3A_1471 : vector<16xi1>, vector<16xf32>
    %lt3A_1478 = arith.cmpf olt, %select_n3A_1477, %select_n3A_1464 : vector<16xf32>
    %select_n3A_1479 = arith.select %lt3A_1478, %select_n3A_1477, %select_n3A_1464 : vector<16xi1>, vector<16xf32>
    %jit3A_1480 = arith.constant 36 : i32
    %broadcast_in_dim3A_1481 = vector.broadcast %jit3A_1480 : i32 to vector<16xi32>
    %select_n3A_1482 = arith.select %lt3A_1478, %broadcast_in_dim3A_1481, %select_n3A_1467 : vector<16xi1>, vector<16xi32>
    %sub3A_1483 = arith.constant 0.15014255 : f32
    %sub3A_1484 = vector.broadcast %sub3A_1483 : f32 to vector<16xf32>
    %sub3A_1485 = arith.subf %get3A_164, %sub3A_1484 : vector<16xf32>
    %abs3A_1486 = math.absf %sub3A_1485 : vector<16xf32>
    %eq3A_1487 = arith.constant 37 : i32
    %eq3A_1488 = vector.broadcast %eq3A_1487 : i32 to vector<16xi32>
    %eq3A_1489 = arith.cmpi eq, %add3A_156, %eq3A_1488 : vector<16xi32>
    %jit3A_1490 = arith.constant 3.000000e+08 : f32
    %broadcast_in_dim3A_1491 = vector.broadcast %jit3A_1490 : f32 to vector<16xf32>
    %select_n3A_1492 = arith.select %eq3A_1489, %broadcast_in_dim3A_1491, %abs3A_1486 : vector<16xi1>, vector<16xf32>
    %lt3A_1493 = arith.cmpf olt, %select_n3A_1492, %select_n3A_1479 : vector<16xf32>
    %select_n3A_1494 = arith.select %lt3A_1493, %select_n3A_1492, %select_n3A_1479 : vector<16xi1>, vector<16xf32>
    %jit3A_1495 = arith.constant 37 : i32
    %broadcast_in_dim3A_1496 = vector.broadcast %jit3A_1495 : i32 to vector<16xi32>
    %select_n3A_1497 = arith.select %lt3A_1493, %broadcast_in_dim3A_1496, %select_n3A_1482 : vector<16xi1>, vector<16xi32>
    %sub3A_1498 = arith.constant 0.327118516 : f32
    %sub3A_1499 = vector.broadcast %sub3A_1498 : f32 to vector<16xf32>
    %sub3A_1500 = arith.subf %get3A_164, %sub3A_1499 : vector<16xf32>
    %abs3A_1501 = math.absf %sub3A_1500 : vector<16xf32>
    %eq3A_1502 = arith.constant 38 : i32
    %eq3A_1503 = vector.broadcast %eq3A_1502 : i32 to vector<16xi32>
    %eq3A_1504 = arith.cmpi eq, %add3A_156, %eq3A_1503 : vector<16xi32>
    %jit3A_1505 = arith.constant 3.000000e+08 : f32
    %broadcast_in_dim3A_1506 = vector.broadcast %jit3A_1505 : f32 to vector<16xf32>
    %select_n3A_1507 = arith.select %eq3A_1504, %broadcast_in_dim3A_1506, %abs3A_1501 : vector<16xi1>, vector<16xf32>
    %lt3A_1508 = arith.cmpf olt, %select_n3A_1507, %select_n3A_1494 : vector<16xf32>
    %select_n3A_1509 = arith.select %lt3A_1508, %select_n3A_1507, %select_n3A_1494 : vector<16xi1>, vector<16xf32>
    %jit3A_1510 = arith.constant 38 : i32
    %broadcast_in_dim3A_1511 = vector.broadcast %jit3A_1510 : i32 to vector<16xi32>
    %select_n3A_1512 = arith.select %lt3A_1508, %broadcast_in_dim3A_1511, %select_n3A_1497 : vector<16xi1>, vector<16xi32>
    %sub3A_1513 = arith.constant 0.0483509637 : f32
    %sub3A_1514 = vector.broadcast %sub3A_1513 : f32 to vector<16xf32>
    %sub3A_1515 = arith.subf %get3A_164, %sub3A_1514 : vector<16xf32>
    %abs3A_1516 = math.absf %sub3A_1515 : vector<16xf32>
    %eq3A_1517 = arith.constant 39 : i32
    %eq3A_1518 = vector.broadcast %eq3A_1517 : i32 to vector<16xi32>
    %eq3A_1519 = arith.cmpi eq, %add3A_156, %eq3A_1518 : vector<16xi32>
    %jit3A_1520 = arith.constant 3.000000e+08 : f32
    %broadcast_in_dim3A_1521 = vector.broadcast %jit3A_1520 : f32 to vector<16xf32>
    %select_n3A_1522 = arith.select %eq3A_1519, %broadcast_in_dim3A_1521, %abs3A_1516 : vector<16xi1>, vector<16xf32>
    %lt3A_1523 = arith.cmpf olt, %select_n3A_1522, %select_n3A_1509 : vector<16xf32>
    %select_n3A_1524 = arith.select %lt3A_1523, %select_n3A_1522, %select_n3A_1509 : vector<16xi1>, vector<16xf32>
    %jit3A_1525 = arith.constant 39 : i32
    %broadcast_in_dim3A_1526 = vector.broadcast %jit3A_1525 : i32 to vector<16xi32>
    %select_n3A_1527 = arith.select %lt3A_1523, %broadcast_in_dim3A_1526, %select_n3A_1512 : vector<16xi1>, vector<16xi32>
    %sub3A_1528 = arith.constant 2.65102935 : f32
    %sub3A_1529 = vector.broadcast %sub3A_1528 : f32 to vector<16xf32>
    %sub3A_1530 = arith.subf %get3A_164, %sub3A_1529 : vector<16xf32>
    %abs3A_1531 = math.absf %sub3A_1530 : vector<16xf32>
    %eq3A_1532 = arith.constant 40 : i32
    %eq3A_1533 = vector.broadcast %eq3A_1532 : i32 to vector<16xi32>
    %eq3A_1534 = arith.cmpi eq, %add3A_156, %eq3A_1533 : vector<16xi32>
    %jit3A_1535 = arith.constant 3.000000e+08 : f32
    %broadcast_in_dim3A_1536 = vector.broadcast %jit3A_1535 : f32 to vector<16xf32>
    %select_n3A_1537 = arith.select %eq3A_1534, %broadcast_in_dim3A_1536, %abs3A_1531 : vector<16xi1>, vector<16xf32>
    %lt3A_1538 = arith.cmpf olt, %select_n3A_1537, %select_n3A_1524 : vector<16xf32>
    %select_n3A_1539 = arith.select %lt3A_1538, %select_n3A_1537, %select_n3A_1524 : vector<16xi1>, vector<16xf32>
    %jit3A_1540 = arith.constant 40 : i32
    %broadcast_in_dim3A_1541 = vector.broadcast %jit3A_1540 : i32 to vector<16xi32>
    %select_n3A_1542 = arith.select %lt3A_1538, %broadcast_in_dim3A_1541, %select_n3A_1527 : vector<16xi1>, vector<16xi32>
    %sub3A_1543 = arith.constant 0.60257715 : f32
    %sub3A_1544 = vector.broadcast %sub3A_1543 : f32 to vector<16xf32>
    %sub3A_1545 = arith.subf %get3A_164, %sub3A_1544 : vector<16xf32>
    %abs3A_1546 = math.absf %sub3A_1545 : vector<16xf32>
    %eq3A_1547 = arith.constant 41 : i32
    %eq3A_1548 = vector.broadcast %eq3A_1547 : i32 to vector<16xi32>
    %eq3A_1549 = arith.cmpi eq, %add3A_156, %eq3A_1548 : vector<16xi32>
    %jit3A_1550 = arith.constant 3.000000e+08 : f32
    %broadcast_in_dim3A_1551 = vector.broadcast %jit3A_1550 : f32 to vector<16xf32>
    %select_n3A_1552 = arith.select %eq3A_1549, %broadcast_in_dim3A_1551, %abs3A_1546 : vector<16xi1>, vector<16xf32>
    %lt3A_1553 = arith.cmpf olt, %select_n3A_1552, %select_n3A_1539 : vector<16xf32>
    %select_n3A_1554 = arith.select %lt3A_1553, %select_n3A_1552, %select_n3A_1539 : vector<16xi1>, vector<16xf32>
    %jit3A_1555 = arith.constant 41 : i32
    %broadcast_in_dim3A_1556 = vector.broadcast %jit3A_1555 : i32 to vector<16xi32>
    %select_n3A_1557 = arith.select %lt3A_1553, %broadcast_in_dim3A_1556, %select_n3A_1542 : vector<16xi1>, vector<16xi32>
    %sub3A_1558 = arith.constant 1.30795157 : f32
    %sub3A_1559 = vector.broadcast %sub3A_1558 : f32 to vector<16xf32>
    %sub3A_1560 = arith.subf %get3A_164, %sub3A_1559 : vector<16xf32>
    %abs3A_1561 = math.absf %sub3A_1560 : vector<16xf32>
    %eq3A_1562 = arith.constant 42 : i32
    %eq3A_1563 = vector.broadcast %eq3A_1562 : i32 to vector<16xi32>
    %eq3A_1564 = arith.cmpi eq, %add3A_156, %eq3A_1563 : vector<16xi32>
    %jit3A_1565 = arith.constant 3.000000e+08 : f32
    %broadcast_in_dim3A_1566 = vector.broadcast %jit3A_1565 : f32 to vector<16xf32>
    %select_n3A_1567 = arith.select %eq3A_1564, %broadcast_in_dim3A_1566, %abs3A_1561 : vector<16xi1>, vector<16xf32>
    %lt3A_1568 = arith.cmpf olt, %select_n3A_1567, %select_n3A_1554 : vector<16xf32>
    %select_n3A_1569 = arith.select %lt3A_1568, %select_n3A_1567, %select_n3A_1554 : vector<16xi1>, vector<16xf32>
    %jit3A_1570 = arith.constant 42 : i32
    %broadcast_in_dim3A_1571 = vector.broadcast %jit3A_1570 : i32 to vector<16xi32>
    %select_n3A_1572 = arith.select %lt3A_1568, %broadcast_in_dim3A_1571, %select_n3A_1557 : vector<16xi1>, vector<16xi32>
    %sub3A_1573 = arith.constant 1.82871604 : f32
    %sub3A_1574 = vector.broadcast %sub3A_1573 : f32 to vector<16xf32>
    %sub3A_1575 = arith.subf %get3A_164, %sub3A_1574 : vector<16xf32>
    %abs3A_1576 = math.absf %sub3A_1575 : vector<16xf32>
    %eq3A_1577 = arith.constant 43 : i32
    %eq3A_1578 = vector.broadcast %eq3A_1577 : i32 to vector<16xi32>
    %eq3A_1579 = arith.cmpi eq, %add3A_156, %eq3A_1578 : vector<16xi32>
    %jit3A_1580 = arith.constant 3.000000e+08 : f32
    %broadcast_in_dim3A_1581 = vector.broadcast %jit3A_1580 : f32 to vector<16xf32>
    %select_n3A_1582 = arith.select %eq3A_1579, %broadcast_in_dim3A_1581, %abs3A_1576 : vector<16xi1>, vector<16xf32>
    %lt3A_1583 = arith.cmpf olt, %select_n3A_1582, %select_n3A_1569 : vector<16xf32>
    %select_n3A_1584 = arith.select %lt3A_1583, %select_n3A_1582, %select_n3A_1569 : vector<16xi1>, vector<16xf32>
    %jit3A_1585 = arith.constant 43 : i32
    %broadcast_in_dim3A_1586 = vector.broadcast %jit3A_1585 : i32 to vector<16xi32>
    %select_n3A_1587 = arith.select %lt3A_1583, %broadcast_in_dim3A_1586, %select_n3A_1572 : vector<16xi1>, vector<16xi32>
    %sub3A_1588 = arith.constant 2.43090653 : f32
    %sub3A_1589 = vector.broadcast %sub3A_1588 : f32 to vector<16xf32>
    %sub3A_1590 = arith.subf %get3A_164, %sub3A_1589 : vector<16xf32>
    %abs3A_1591 = math.absf %sub3A_1590 : vector<16xf32>
    %eq3A_1592 = arith.constant 44 : i32
    %eq3A_1593 = vector.broadcast %eq3A_1592 : i32 to vector<16xi32>
    %eq3A_1594 = arith.cmpi eq, %add3A_156, %eq3A_1593 : vector<16xi32>
    %jit3A_1595 = arith.constant 3.000000e+08 : f32
    %broadcast_in_dim3A_1596 = vector.broadcast %jit3A_1595 : f32 to vector<16xf32>
    %select_n3A_1597 = arith.select %eq3A_1594, %broadcast_in_dim3A_1596, %abs3A_1591 : vector<16xi1>, vector<16xf32>
    %lt3A_1598 = arith.cmpf olt, %select_n3A_1597, %select_n3A_1584 : vector<16xf32>
    %select_n3A_1599 = arith.select %lt3A_1598, %select_n3A_1597, %select_n3A_1584 : vector<16xi1>, vector<16xf32>
    %jit3A_1600 = arith.constant 44 : i32
    %broadcast_in_dim3A_1601 = vector.broadcast %jit3A_1600 : i32 to vector<16xi32>
    %select_n3A_1602 = arith.select %lt3A_1598, %broadcast_in_dim3A_1601, %select_n3A_1587 : vector<16xi1>, vector<16xi32>
    %sub3A_1603 = arith.constant 2.8050077 : f32
    %sub3A_1604 = vector.broadcast %sub3A_1603 : f32 to vector<16xf32>
    %sub3A_1605 = arith.subf %get3A_164, %sub3A_1604 : vector<16xf32>
    %abs3A_1606 = math.absf %sub3A_1605 : vector<16xf32>
    %eq3A_1607 = arith.constant 45 : i32
    %eq3A_1608 = vector.broadcast %eq3A_1607 : i32 to vector<16xi32>
    %eq3A_1609 = arith.cmpi eq, %add3A_156, %eq3A_1608 : vector<16xi32>
    %jit3A_1610 = arith.constant 3.000000e+08 : f32
    %broadcast_in_dim3A_1611 = vector.broadcast %jit3A_1610 : f32 to vector<16xf32>
    %select_n3A_1612 = arith.select %eq3A_1609, %broadcast_in_dim3A_1611, %abs3A_1606 : vector<16xi1>, vector<16xf32>
    %lt3A_1613 = arith.cmpf olt, %select_n3A_1612, %select_n3A_1599 : vector<16xf32>
    %select_n3A_1614 = arith.select %lt3A_1613, %select_n3A_1612, %select_n3A_1599 : vector<16xi1>, vector<16xf32>
    %jit3A_1615 = arith.constant 45 : i32
    %broadcast_in_dim3A_1616 = vector.broadcast %jit3A_1615 : i32 to vector<16xi32>
    %select_n3A_1617 = arith.select %lt3A_1613, %broadcast_in_dim3A_1616, %select_n3A_1602 : vector<16xi1>, vector<16xi32>
    %sub3A_1618 = arith.constant 2.25249028 : f32
    %sub3A_1619 = vector.broadcast %sub3A_1618 : f32 to vector<16xf32>
    %sub3A_1620 = arith.subf %get3A_164, %sub3A_1619 : vector<16xf32>
    %abs3A_1621 = math.absf %sub3A_1620 : vector<16xf32>
    %eq3A_1622 = arith.constant 46 : i32
    %eq3A_1623 = vector.broadcast %eq3A_1622 : i32 to vector<16xi32>
    %eq3A_1624 = arith.cmpi eq, %add3A_156, %eq3A_1623 : vector<16xi32>
    %jit3A_1625 = arith.constant 3.000000e+08 : f32
    %broadcast_in_dim3A_1626 = vector.broadcast %jit3A_1625 : f32 to vector<16xf32>
    %select_n3A_1627 = arith.select %eq3A_1624, %broadcast_in_dim3A_1626, %abs3A_1621 : vector<16xi1>, vector<16xf32>
    %lt3A_1628 = arith.cmpf olt, %select_n3A_1627, %select_n3A_1614 : vector<16xf32>
    %select_n3A_1629 = arith.select %lt3A_1628, %select_n3A_1627, %select_n3A_1614 : vector<16xi1>, vector<16xf32>
    %jit3A_1630 = arith.constant 46 : i32
    %broadcast_in_dim3A_1631 = vector.broadcast %jit3A_1630 : i32 to vector<16xi32>
    %select_n3A_1632 = arith.select %lt3A_1628, %broadcast_in_dim3A_1631, %select_n3A_1617 : vector<16xi1>, vector<16xi32>
    %sub3A_1633 = arith.constant 0.109302051 : f32
    %sub3A_1634 = vector.broadcast %sub3A_1633 : f32 to vector<16xf32>
    %sub3A_1635 = arith.subf %get3A_164, %sub3A_1634 : vector<16xf32>
    %abs3A_1636 = math.absf %sub3A_1635 : vector<16xf32>
    %eq3A_1637 = arith.constant 47 : i32
    %eq3A_1638 = vector.broadcast %eq3A_1637 : i32 to vector<16xi32>
    %eq3A_1639 = arith.cmpi eq, %add3A_156, %eq3A_1638 : vector<16xi32>
    %jit3A_1640 = arith.constant 3.000000e+08 : f32
    %broadcast_in_dim3A_1641 = vector.broadcast %jit3A_1640 : f32 to vector<16xf32>
    %select_n3A_1642 = arith.select %eq3A_1639, %broadcast_in_dim3A_1641, %abs3A_1636 : vector<16xi1>, vector<16xf32>
    %lt3A_1643 = arith.cmpf olt, %select_n3A_1642, %select_n3A_1629 : vector<16xf32>
    %select_n3A_1644 = arith.select %lt3A_1643, %select_n3A_1642, %select_n3A_1629 : vector<16xi1>, vector<16xf32>
    %jit3A_1645 = arith.constant 47 : i32
    %broadcast_in_dim3A_1646 = vector.broadcast %jit3A_1645 : i32 to vector<16xi32>
    %select_n3A_1647 = arith.select %lt3A_1643, %broadcast_in_dim3A_1646, %select_n3A_1632 : vector<16xi1>, vector<16xi32>
    %sub3A_1648 = arith.constant 2.41320539 : f32
    %sub3A_1649 = vector.broadcast %sub3A_1648 : f32 to vector<16xf32>
    %sub3A_1650 = arith.subf %get3A_164, %sub3A_1649 : vector<16xf32>
    %abs3A_1651 = math.absf %sub3A_1650 : vector<16xf32>
    %eq3A_1652 = arith.constant 48 : i32
    %eq3A_1653 = vector.broadcast %eq3A_1652 : i32 to vector<16xi32>
    %eq3A_1654 = arith.cmpi eq, %add3A_156, %eq3A_1653 : vector<16xi32>
    %jit3A_1655 = arith.constant 3.000000e+08 : f32
    %broadcast_in_dim3A_1656 = vector.broadcast %jit3A_1655 : f32 to vector<16xf32>
    %select_n3A_1657 = arith.select %eq3A_1654, %broadcast_in_dim3A_1656, %abs3A_1651 : vector<16xi1>, vector<16xf32>
    %lt3A_1658 = arith.cmpf olt, %select_n3A_1657, %select_n3A_1644 : vector<16xf32>
    %select_n3A_1659 = arith.select %lt3A_1658, %select_n3A_1657, %select_n3A_1644 : vector<16xi1>, vector<16xf32>
    %jit3A_1660 = arith.constant 48 : i32
    %broadcast_in_dim3A_1661 = vector.broadcast %jit3A_1660 : i32 to vector<16xi32>
    %select_n3A_1662 = arith.select %lt3A_1658, %broadcast_in_dim3A_1661, %select_n3A_1647 : vector<16xi1>, vector<16xi32>
    %sub3A_1663 = arith.constant 2.9543035 : f32
    %sub3A_1664 = vector.broadcast %sub3A_1663 : f32 to vector<16xf32>
    %sub3A_1665 = arith.subf %get3A_164, %sub3A_1664 : vector<16xf32>
    %abs3A_1666 = math.absf %sub3A_1665 : vector<16xf32>
    %eq3A_1667 = arith.constant 49 : i32
    %eq3A_1668 = vector.broadcast %eq3A_1667 : i32 to vector<16xi32>
    %eq3A_1669 = arith.cmpi eq, %add3A_156, %eq3A_1668 : vector<16xi32>
    %jit3A_1670 = arith.constant 3.000000e+08 : f32
    %broadcast_in_dim3A_1671 = vector.broadcast %jit3A_1670 : f32 to vector<16xf32>
    %select_n3A_1672 = arith.select %eq3A_1669, %broadcast_in_dim3A_1671, %abs3A_1666 : vector<16xi1>, vector<16xf32>
    %lt3A_1673 = arith.cmpf olt, %select_n3A_1672, %select_n3A_1659 : vector<16xf32>
    %select_n3A_1674 = arith.select %lt3A_1673, %select_n3A_1672, %select_n3A_1659 : vector<16xi1>, vector<16xf32>
    %jit3A_1675 = arith.constant 49 : i32
    %broadcast_in_dim3A_1676 = vector.broadcast %jit3A_1675 : i32 to vector<16xi32>
    %select_n3A_1677 = arith.select %lt3A_1673, %broadcast_in_dim3A_1676, %select_n3A_1662 : vector<16xi1>, vector<16xi32>
    %broadcast_in_dim3A_1678 = arith.constant 1 : i32
    %broadcast_in_dim3A_1679 = vector.broadcast %broadcast_in_dim3A_1678 : i32 to vector<16xi32>
    %gather3A_1680 = tpu.vector_load_idx %arg6[%broadcast_in_dim3A_1679, %select_n3A_1677] : memref<8x64xf32, #tpu.memory_space<vmem>>[vector<16xi32>, vector<16xi32>], vector<16xf32>,
    %gather3A_1681 = tpu.vector_load_idx %arg10[%select_n3A_1677] : memref<64xf32, #tpu.memory_space<vmem>>[vector<16xi32>], vector<16xf32>,
    %sub3A_1682 = arith.subf %get3A_168, %gather3A_1681 : vector<16xf32>
    %sub3A_1683 = arith.subf %get3A_164, %gather3A_1680 : vector<16xf32>
    %add3A_1684 = arith.constant 9.99999993E-9 : f32
    %add3A_1685 = vector.broadcast %add3A_1684 : f32 to vector<16xf32>
    %add3A_1686 = arith.addf %sub3A_1683, %add3A_1685 : vector<16xf32>
    %div3A_1687 = arith.divf %sub3A_1682, %add3A_1686 : vector<16xf32>
    %add3A_1688 = arith.addf %div3A, %div3A_1687 : vector<16xf32>
    %jit3A_1689 = arith.constant -2.000000e+02 : f32
    %jit3A_1690 = arith.constant 2.000000e+02 : f32
    %max3A_1691 = vector.broadcast %jit3A_1689 : f32 to vector<16xf32>
    %max3A_1692 = arith.maximumf %max3A_1691, %add3A_1688 : vector<16xf32>
    %min3A_1693 = vector.broadcast %jit3A_1690 : f32 to vector<16xf32>
    %min3A_1694 = arith.minimumf %min3A_1693, %max3A_1692 : vector<16xf32>
    %get3A_1695 = arith.constant 4 : i32
    %get3A_1696 = arith.index_cast %get3A_1695 : i32 to index
    %get3A_1697 = arith.constant 0 : index
    %get3A_1698 = tpu.vector_load %arg6[%get3A_1696, %get3A_1697] {strides = array<i32>} : memref<8x64xf32, #tpu.memory_space<vmem>>, vector<16xf32>,
    %sub3A_1699 = arith.subf %get3A_1698, %min3A_1694 : vector<16xf32>
    %lt3A_1700 = arith.constant 50 : i32
    %lt3A_1701 = vector.broadcast %lt3A_1700 : i32 to vector<16xi32>
    %lt3A_1702 = arith.cmpi slt, %add3A_156, %lt3A_1701 : vector<16xi32>
    %jit3A_1703 = arith.constant 0.000000e+00 : f32
    %broadcast_in_dim3A_1704 = vector.broadcast %jit3A_1703 : f32 to vector<16xf32>
    %select_n3A_1705 = arith.select %lt3A_1702, %sub3A_1699, %broadcast_in_dim3A_1704 : vector<16xi1>, vector<16xf32>
    %mul3A_1706 = arith.mulf %select_n3A_1705, %select_n3A_1705 : vector<16xf32>
    %add3A_1707 = arith.addf %broadcast_in_dim3A_153, %mul3A_1706 : vector<16xf32>
    %iota3A_1708 = tpu.iota {dimensions = array<i32: 0>} : vector<16xi32>
    %add3A_1709 = arith.constant 16 : i32
    %add3A_1710 = vector.broadcast %add3A_1709 : i32 to vector<16xi32>
    %add3A_1711 = arith.addi %iota3A_1708, %add3A_1710 : vector<16xi32>
    %get3A_1712 = arith.constant 0 : i32
    %get3A_1713 = arith.index_cast %get3A_1712 : i32 to index
    %get3A_1714 = arith.constant 16 : index
    %get3A_1715 = tpu.vector_load %arg6[%get3A_1713, %get3A_1714] {strides = array<i32>} : memref<8x64xf32, #tpu.memory_space<vmem>>, vector<16xf32>,
    %get3A_1716 = arith.constant 1 : i32
    %get3A_1717 = arith.index_cast %get3A_1716 : i32 to index
    %get3A_1718 = arith.constant 16 : index
    %get3A_1719 = tpu.vector_load %arg6[%get3A_1717, %get3A_1718] {strides = array<i32>} : memref<8x64xf32, #tpu.memory_space<vmem>>, vector<16xf32>,
    %get3A_1720 = arith.constant 16 : index
    %get3A_1721 = tpu.vector_load %arg9[%get3A_1720] {strides = array<i32>} : memref<64xf32, #tpu.memory_space<vmem>>, vector<16xf32>,
    %get3A_1722 = arith.constant 16 : index
    %get3A_1723 = tpu.vector_load %arg10[%get3A_1722] {strides = array<i32>} : memref<64xf32, #tpu.memory_space<vmem>>, vector<16xf32>,
    %broadcast_in_dim3A_1724 = arith.constant 3.000000e+38 : f32
    %broadcast_in_dim3A_1725 = vector.broadcast %broadcast_in_dim3A_1724 : f32 to vector<16xf32>
    %broadcast_in_dim3A_1726 = arith.constant 0 : i32
    %broadcast_in_dim3A_1727 = vector.broadcast %broadcast_in_dim3A_1726 : i32 to vector<16xi32>
    %sub3A_1728 = arith.constant 1.22306108 : f32
    %sub3A_1729 = vector.broadcast %sub3A_1728 : f32 to vector<16xf32>
    %sub3A_1730 = arith.subf %get3A_1715, %sub3A_1729 : vector<16xf32>
    %abs3A_1731 = math.absf %sub3A_1730 : vector<16xf32>
    %eq3A_1732 = arith.constant 0 : i32
    %eq3A_1733 = vector.broadcast %eq3A_1732 : i32 to vector<16xi32>
    %eq3A_1734 = arith.cmpi eq, %add3A_1711, %eq3A_1733 : vector<16xi32>
    %jit3A_1735 = arith.constant 3.000000e+08 : f32
    %broadcast_in_dim3A_1736 = vector.broadcast %jit3A_1735 : f32 to vector<16xf32>
    %select_n3A_1737 = arith.select %eq3A_1734, %broadcast_in_dim3A_1736, %abs3A_1731 : vector<16xi1>, vector<16xf32>
    %lt3A_1738 = arith.cmpf olt, %select_n3A_1737, %broadcast_in_dim3A_1725 : vector<16xf32>
    %select_n3A_1739 = arith.select %lt3A_1738, %select_n3A_1737, %broadcast_in_dim3A_1725 : vector<16xi1>, vector<16xf32>
    %jit3A_1740 = arith.constant 0 : i32
    %broadcast_in_dim3A_1741 = vector.broadcast %jit3A_1740 : i32 to vector<16xi32>
    %select_n3A_1742 = arith.select %lt3A_1738, %broadcast_in_dim3A_1741, %broadcast_in_dim3A_1727 : vector<16xi1>, vector<16xi32>
    %sub3A_1743 = arith.constant 0.166098118 : f32
    %sub3A_1744 = vector.broadcast %sub3A_1743 : f32 to vector<16xf32>
    %sub3A_1745 = arith.subf %get3A_1715, %sub3A_1744 : vector<16xf32>
    %abs3A_1746 = math.absf %sub3A_1745 : vector<16xf32>
    %eq3A_1747 = arith.constant 1 : i32
    %eq3A_1748 = vector.broadcast %eq3A_1747 : i32 to vector<16xi32>
    %eq3A_1749 = arith.cmpi eq, %add3A_1711, %eq3A_1748 : vector<16xi32>
    %jit3A_1750 = arith.constant 3.000000e+08 : f32
    %broadcast_in_dim3A_1751 = vector.broadcast %jit3A_1750 : f32 to vector<16xf32>
    %select_n3A_1752 = arith.select %eq3A_1749, %broadcast_in_dim3A_1751, %abs3A_1746 : vector<16xi1>, vector<16xf32>
    %lt3A_1753 = arith.cmpf olt, %select_n3A_1752, %select_n3A_1739 : vector<16xf32>
    %select_n3A_1754 = arith.select %lt3A_1753, %select_n3A_1752, %select_n3A_1739 : vector<16xi1>, vector<16xf32>
    %jit3A_1755 = arith.constant 1 : i32
    %broadcast_in_dim3A_1756 = vector.broadcast %jit3A_1755 : i32 to vector<16xi32>
    %select_n3A_1757 = arith.select %lt3A_1753, %broadcast_in_dim3A_1756, %select_n3A_1742 : vector<16xi1>, vector<16xi32>
    %sub3A_1758 = arith.constant 2.36560464 : f32
    %sub3A_1759 = vector.broadcast %sub3A_1758 : f32 to vector<16xf32>
    %sub3A_1760 = arith.subf %get3A_1715, %sub3A_1759 : vector<16xf32>
    %abs3A_1761 = math.absf %sub3A_1760 : vector<16xf32>
    %eq3A_1762 = arith.constant 2 : i32
    %eq3A_1763 = vector.broadcast %eq3A_1762 : i32 to vector<16xi32>
    %eq3A_1764 = arith.cmpi eq, %add3A_1711, %eq3A_1763 : vector<16xi32>
    %jit3A_1765 = arith.constant 3.000000e+08 : f32
    %broadcast_in_dim3A_1766 = vector.broadcast %jit3A_1765 : f32 to vector<16xf32>
    %select_n3A_1767 = arith.select %eq3A_1764, %broadcast_in_dim3A_1766, %abs3A_1761 : vector<16xi1>, vector<16xf32>
    %lt3A_1768 = arith.cmpf olt, %select_n3A_1767, %select_n3A_1754 : vector<16xf32>
    %select_n3A_1769 = arith.select %lt3A_1768, %select_n3A_1767, %select_n3A_1754 : vector<16xi1>, vector<16xf32>
    %jit3A_1770 = arith.constant 2 : i32
    %broadcast_in_dim3A_1771 = vector.broadcast %jit3A_1770 : i32 to vector<16xi32>
    %select_n3A_1772 = arith.select %lt3A_1768, %broadcast_in_dim3A_1771, %select_n3A_1757 : vector<16xi1>, vector<16xi32>
    %sub3A_1773 = arith.constant 0.861915528 : f32
    %sub3A_1774 = vector.broadcast %sub3A_1773 : f32 to vector<16xf32>
    %sub3A_1775 = arith.subf %get3A_1715, %sub3A_1774 : vector<16xf32>
    %abs3A_1776 = math.absf %sub3A_1775 : vector<16xf32>
    %eq3A_1777 = arith.constant 3 : i32
    %eq3A_1778 = vector.broadcast %eq3A_1777 : i32 to vector<16xi32>
    %eq3A_1779 = arith.cmpi eq, %add3A_1711, %eq3A_1778 : vector<16xi32>
    %jit3A_1780 = arith.constant 3.000000e+08 : f32
    %broadcast_in_dim3A_1781 = vector.broadcast %jit3A_1780 : f32 to vector<16xf32>
    %select_n3A_1782 = arith.select %eq3A_1779, %broadcast_in_dim3A_1781, %abs3A_1776 : vector<16xi1>, vector<16xf32>
    %lt3A_1783 = arith.cmpf olt, %select_n3A_1782, %select_n3A_1769 : vector<16xf32>
    %select_n3A_1784 = arith.select %lt3A_1783, %select_n3A_1782, %select_n3A_1769 : vector<16xi1>, vector<16xf32>
    %jit3A_1785 = arith.constant 3 : i32
    %broadcast_in_dim3A_1786 = vector.broadcast %jit3A_1785 : i32 to vector<16xi32>
    %select_n3A_1787 = arith.select %lt3A_1783, %broadcast_in_dim3A_1786, %select_n3A_1772 : vector<16xi1>, vector<16xi32>
    %sub3A_1788 = arith.constant 1.35105181 : f32
    %sub3A_1789 = vector.broadcast %sub3A_1788 : f32 to vector<16xf32>
    %sub3A_1790 = arith.subf %get3A_1715, %sub3A_1789 : vector<16xf32>
    %abs3A_1791 = math.absf %sub3A_1790 : vector<16xf32>
    %eq3A_1792 = arith.constant 4 : i32
    %eq3A_1793 = vector.broadcast %eq3A_1792 : i32 to vector<16xi32>
    %eq3A_1794 = arith.cmpi eq, %add3A_1711, %eq3A_1793 : vector<16xi32>
    %jit3A_1795 = arith.constant 3.000000e+08 : f32
    %broadcast_in_dim3A_1796 = vector.broadcast %jit3A_1795 : f32 to vector<16xf32>
    %select_n3A_1797 = arith.select %eq3A_1794, %broadcast_in_dim3A_1796, %abs3A_1791 : vector<16xi1>, vector<16xf32>
    %lt3A_1798 = arith.cmpf olt, %select_n3A_1797, %select_n3A_1784 : vector<16xf32>
    %select_n3A_1799 = arith.select %lt3A_1798, %select_n3A_1797, %select_n3A_1784 : vector<16xi1>, vector<16xf32>
    %jit3A_1800 = arith.constant 4 : i32
    %broadcast_in_dim3A_1801 = vector.broadcast %jit3A_1800 : i32 to vector<16xi32>
    %select_n3A_1802 = arith.select %lt3A_1798, %broadcast_in_dim3A_1801, %select_n3A_1787 : vector<16xi1>, vector<16xi32>
    %sub3A_1803 = arith.constant 0.911736905 : f32
    %sub3A_1804 = vector.broadcast %sub3A_1803 : f32 to vector<16xf32>
    %sub3A_1805 = arith.subf %get3A_1715, %sub3A_1804 : vector<16xf32>
    %abs3A_1806 = math.absf %sub3A_1805 : vector<16xf32>
    %eq3A_1807 = arith.constant 5 : i32
    %eq3A_1808 = vector.broadcast %eq3A_1807 : i32 to vector<16xi32>
    %eq3A_1809 = arith.cmpi eq, %add3A_1711, %eq3A_1808 : vector<16xi32>
    %jit3A_1810 = arith.constant 3.000000e+08 : f32
    %broadcast_in_dim3A_1811 = vector.broadcast %jit3A_1810 : f32 to vector<16xf32>
    %select_n3A_1812 = arith.select %eq3A_1809, %broadcast_in_dim3A_1811, %abs3A_1806 : vector<16xi1>, vector<16xf32>
    %lt3A_1813 = arith.cmpf olt, %select_n3A_1812, %select_n3A_1799 : vector<16xf32>
    %select_n3A_1814 = arith.select %lt3A_1813, %select_n3A_1812, %select_n3A_1799 : vector<16xi1>, vector<16xf32>
    %jit3A_1815 = arith.constant 5 : i32
    %broadcast_in_dim3A_1816 = vector.broadcast %jit3A_1815 : i32 to vector<16xi32>
    %select_n3A_1817 = arith.select %lt3A_1813, %broadcast_in_dim3A_1816, %select_n3A_1802 : vector<16xi1>, vector<16xi32>
    %sub3A_1818 = arith.constant 1.5791986 : f32
    %sub3A_1819 = vector.broadcast %sub3A_1818 : f32 to vector<16xf32>
    %sub3A_1820 = arith.subf %get3A_1715, %sub3A_1819 : vector<16xf32>
    %abs3A_1821 = math.absf %sub3A_1820 : vector<16xf32>
    %eq3A_1822 = arith.constant 6 : i32
    %eq3A_1823 = vector.broadcast %eq3A_1822 : i32 to vector<16xi32>
    %eq3A_1824 = arith.cmpi eq, %add3A_1711, %eq3A_1823 : vector<16xi32>
    %jit3A_1825 = arith.constant 3.000000e+08 : f32
    %broadcast_in_dim3A_1826 = vector.broadcast %jit3A_1825 : f32 to vector<16xf32>
    %select_n3A_1827 = arith.select %eq3A_1824, %broadcast_in_dim3A_1826, %abs3A_1821 : vector<16xi1>, vector<16xf32>
    %lt3A_1828 = arith.cmpf olt, %select_n3A_1827, %select_n3A_1814 : vector<16xf32>
    %select_n3A_1829 = arith.select %lt3A_1828, %select_n3A_1827, %select_n3A_1814 : vector<16xi1>, vector<16xf32>
    %jit3A_1830 = arith.constant 6 : i32
    %broadcast_in_dim3A_1831 = vector.broadcast %jit3A_1830 : i32 to vector<16xi32>
    %select_n3A_1832 = arith.select %lt3A_1828, %broadcast_in_dim3A_1831, %select_n3A_1817 : vector<16xi1>, vector<16xi32>
    %sub3A_1833 = arith.constant 1.8714366 : f32
    %sub3A_1834 = vector.broadcast %sub3A_1833 : f32 to vector<16xf32>
    %sub3A_1835 = arith.subf %get3A_1715, %sub3A_1834 : vector<16xf32>
    %abs3A_1836 = math.absf %sub3A_1835 : vector<16xf32>
    %eq3A_1837 = arith.constant 7 : i32
    %eq3A_1838 = vector.broadcast %eq3A_1837 : i32 to vector<16xi32>
    %eq3A_1839 = arith.cmpi eq, %add3A_1711, %eq3A_1838 : vector<16xi32>
    %jit3A_1840 = arith.constant 3.000000e+08 : f32
    %broadcast_in_dim3A_1841 = vector.broadcast %jit3A_1840 : f32 to vector<16xf32>
    %select_n3A_1842 = arith.select %eq3A_1839, %broadcast_in_dim3A_1841, %abs3A_1836 : vector<16xi1>, vector<16xf32>
    %lt3A_1843 = arith.cmpf olt, %select_n3A_1842, %select_n3A_1829 : vector<16xf32>
    %select_n3A_1844 = arith.select %lt3A_1843, %select_n3A_1842, %select_n3A_1829 : vector<16xi1>, vector<16xf32>
    %jit3A_1845 = arith.constant 7 : i32
    %broadcast_in_dim3A_1846 = vector.broadcast %jit3A_1845 : i32 to vector<16xi32>
    %select_n3A_1847 = arith.select %lt3A_1843, %broadcast_in_dim3A_1846, %select_n3A_1832 : vector<16xi1>, vector<16xi32>
    %sub3A_1848 = arith.constant 2.33032632 : f32
    %sub3A_1849 = vector.broadcast %sub3A_1848 : f32 to vector<16xf32>
    %sub3A_1850 = arith.subf %get3A_1715, %sub3A_1849 : vector<16xf32>
    %abs3A_1851 = math.absf %sub3A_1850 : vector<16xf32>
    %eq3A_1852 = arith.constant 8 : i32
    %eq3A_1853 = vector.broadcast %eq3A_1852 : i32 to vector<16xi32>
    %eq3A_1854 = arith.cmpi eq, %add3A_1711, %eq3A_1853 : vector<16xi32>
    %jit3A_1855 = arith.constant 3.000000e+08 : f32
    %broadcast_in_dim3A_1856 = vector.broadcast %jit3A_1855 : f32 to vector<16xf32>
    %select_n3A_1857 = arith.select %eq3A_1854, %broadcast_in_dim3A_1856, %abs3A_1851 : vector<16xi1>, vector<16xf32>
    %lt3A_1858 = arith.cmpf olt, %select_n3A_1857, %select_n3A_1844 : vector<16xf32>
    %select_n3A_1859 = arith.select %lt3A_1858, %select_n3A_1857, %select_n3A_1844 : vector<16xi1>, vector<16xf32>
    %jit3A_1860 = arith.constant 8 : i32
    %broadcast_in_dim3A_1861 = vector.broadcast %jit3A_1860 : i32 to vector<16xi32>
    %select_n3A_1862 = arith.select %lt3A_1858, %broadcast_in_dim3A_1861, %select_n3A_1847 : vector<16xi1>, vector<16xi32>
    %sub3A_1863 = arith.constant 2.05872488 : f32
    %sub3A_1864 = vector.broadcast %sub3A_1863 : f32 to vector<16xf32>
    %sub3A_1865 = arith.subf %get3A_1715, %sub3A_1864 : vector<16xf32>
    %abs3A_1866 = math.absf %sub3A_1865 : vector<16xf32>
    %eq3A_1867 = arith.constant 9 : i32
    %eq3A_1868 = vector.broadcast %eq3A_1867 : i32 to vector<16xi32>
    %eq3A_1869 = arith.cmpi eq, %add3A_1711, %eq3A_1868 : vector<16xi32>
    %jit3A_1870 = arith.constant 3.000000e+08 : f32
    %broadcast_in_dim3A_1871 = vector.broadcast %jit3A_1870 : f32 to vector<16xf32>
    %select_n3A_1872 = arith.select %eq3A_1869, %broadcast_in_dim3A_1871, %abs3A_1866 : vector<16xi1>, vector<16xf32>
    %lt3A_1873 = arith.cmpf olt, %select_n3A_1872, %select_n3A_1859 : vector<16xf32>
    %select_n3A_1874 = arith.select %lt3A_1873, %select_n3A_1872, %select_n3A_1859 : vector<16xi1>, vector<16xf32>
    %jit3A_1875 = arith.constant 9 : i32
    %broadcast_in_dim3A_1876 = vector.broadcast %jit3A_1875 : i32 to vector<16xi32>
    %select_n3A_1877 = arith.select %lt3A_1873, %broadcast_in_dim3A_1876, %select_n3A_1862 : vector<16xi1>, vector<16xi32>
    %sub3A_1878 = arith.constant 2.9428165 : f32
    %sub3A_1879 = vector.broadcast %sub3A_1878 : f32 to vector<16xf32>
    %sub3A_1880 = arith.subf %get3A_1715, %sub3A_1879 : vector<16xf32>
    %abs3A_1881 = math.absf %sub3A_1880 : vector<16xf32>
    %eq3A_1882 = arith.constant 10 : i32
    %eq3A_1883 = vector.broadcast %eq3A_1882 : i32 to vector<16xi32>
    %eq3A_1884 = arith.cmpi eq, %add3A_1711, %eq3A_1883 : vector<16xi32>
    %jit3A_1885 = arith.constant 3.000000e+08 : f32
    %broadcast_in_dim3A_1886 = vector.broadcast %jit3A_1885 : f32 to vector<16xf32>
    %select_n3A_1887 = arith.select %eq3A_1884, %broadcast_in_dim3A_1886, %abs3A_1881 : vector<16xi1>, vector<16xf32>
    %lt3A_1888 = arith.cmpf olt, %select_n3A_1887, %select_n3A_1874 : vector<16xf32>
    %select_n3A_1889 = arith.select %lt3A_1888, %select_n3A_1887, %select_n3A_1874 : vector<16xi1>, vector<16xf32>
    %jit3A_1890 = arith.constant 10 : i32
    %broadcast_in_dim3A_1891 = vector.broadcast %jit3A_1890 : i32 to vector<16xi32>
    %select_n3A_1892 = arith.select %lt3A_1888, %broadcast_in_dim3A_1891, %select_n3A_1877 : vector<16xi1>, vector<16xi32>
    %sub3A_1893 = arith.constant 1.80244827 : f32
    %sub3A_1894 = vector.broadcast %sub3A_1893 : f32 to vector<16xf32>
    %sub3A_1895 = arith.subf %get3A_1715, %sub3A_1894 : vector<16xf32>
    %abs3A_1896 = math.absf %sub3A_1895 : vector<16xf32>
    %eq3A_1897 = arith.constant 11 : i32
    %eq3A_1898 = vector.broadcast %eq3A_1897 : i32 to vector<16xi32>
    %eq3A_1899 = arith.cmpi eq, %add3A_1711, %eq3A_1898 : vector<16xi32>
    %jit3A_1900 = arith.constant 3.000000e+08 : f32
    %broadcast_in_dim3A_1901 = vector.broadcast %jit3A_1900 : f32 to vector<16xf32>
    %select_n3A_1902 = arith.select %eq3A_1899, %broadcast_in_dim3A_1901, %abs3A_1896 : vector<16xi1>, vector<16xf32>
    %lt3A_1903 = arith.cmpf olt, %select_n3A_1902, %select_n3A_1889 : vector<16xf32>
    %select_n3A_1904 = arith.select %lt3A_1903, %select_n3A_1902, %select_n3A_1889 : vector<16xi1>, vector<16xf32>
    %jit3A_1905 = arith.constant 11 : i32
    %broadcast_in_dim3A_1906 = vector.broadcast %jit3A_1905 : i32 to vector<16xi32>
    %select_n3A_1907 = arith.select %lt3A_1903, %broadcast_in_dim3A_1906, %select_n3A_1892 : vector<16xi1>, vector<16xi32>
    %sub3A_1908 = arith.constant 2.4419055 : f32
    %sub3A_1909 = vector.broadcast %sub3A_1908 : f32 to vector<16xf32>
    %sub3A_1910 = arith.subf %get3A_1715, %sub3A_1909 : vector<16xf32>
    %abs3A_1911 = math.absf %sub3A_1910 : vector<16xf32>
    %eq3A_1912 = arith.constant 12 : i32
    %eq3A_1913 = vector.broadcast %eq3A_1912 : i32 to vector<16xi32>
    %eq3A_1914 = arith.cmpi eq, %add3A_1711, %eq3A_1913 : vector<16xi32>
    %jit3A_1915 = arith.constant 3.000000e+08 : f32
    %broadcast_in_dim3A_1916 = vector.broadcast %jit3A_1915 : f32 to vector<16xf32>
    %select_n3A_1917 = arith.select %eq3A_1914, %broadcast_in_dim3A_1916, %abs3A_1911 : vector<16xi1>, vector<16xf32>
    %lt3A_1918 = arith.cmpf olt, %select_n3A_1917, %select_n3A_1904 : vector<16xf32>
    %select_n3A_1919 = arith.select %lt3A_1918, %select_n3A_1917, %select_n3A_1904 : vector<16xi1>, vector<16xf32>
    %jit3A_1920 = arith.constant 12 : i32
    %broadcast_in_dim3A_1921 = vector.broadcast %jit3A_1920 : i32 to vector<16xi32>
    %select_n3A_1922 = arith.select %lt3A_1918, %broadcast_in_dim3A_1921, %select_n3A_1907 : vector<16xi1>, vector<16xi32>
    %sub3A_1923 = arith.constant 2.12593555 : f32
    %sub3A_1924 = vector.broadcast %sub3A_1923 : f32 to vector<16xf32>
    %sub3A_1925 = arith.subf %get3A_1715, %sub3A_1924 : vector<16xf32>
    %abs3A_1926 = math.absf %sub3A_1925 : vector<16xf32>
    %eq3A_1927 = arith.constant 13 : i32
    %eq3A_1928 = vector.broadcast %eq3A_1927 : i32 to vector<16xi32>
    %eq3A_1929 = arith.cmpi eq, %add3A_1711, %eq3A_1928 : vector<16xi32>
    %jit3A_1930 = arith.constant 3.000000e+08 : f32
    %broadcast_in_dim3A_1931 = vector.broadcast %jit3A_1930 : f32 to vector<16xf32>
    %select_n3A_1932 = arith.select %eq3A_1929, %broadcast_in_dim3A_1931, %abs3A_1926 : vector<16xi1>, vector<16xf32>
    %lt3A_1933 = arith.cmpf olt, %select_n3A_1932, %select_n3A_1919 : vector<16xf32>
    %select_n3A_1934 = arith.select %lt3A_1933, %select_n3A_1932, %select_n3A_1919 : vector<16xi1>, vector<16xf32>
    %jit3A_1935 = arith.constant 13 : i32
    %broadcast_in_dim3A_1936 = vector.broadcast %jit3A_1935 : i32 to vector<16xi32>
    %select_n3A_1937 = arith.select %lt3A_1933, %broadcast_in_dim3A_1936, %select_n3A_1922 : vector<16xi1>, vector<16xi32>
    %sub3A_1938 = arith.constant 0.0826040431 : f32
    %sub3A_1939 = vector.broadcast %sub3A_1938 : f32 to vector<16xf32>
    %sub3A_1940 = arith.subf %get3A_1715, %sub3A_1939 : vector<16xf32>
    %abs3A_1941 = math.absf %sub3A_1940 : vector<16xf32>
    %eq3A_1942 = arith.constant 14 : i32
    %eq3A_1943 = vector.broadcast %eq3A_1942 : i32 to vector<16xi32>
    %eq3A_1944 = arith.cmpi eq, %add3A_1711, %eq3A_1943 : vector<16xi32>
    %jit3A_1945 = arith.constant 3.000000e+08 : f32
    %broadcast_in_dim3A_1946 = vector.broadcast %jit3A_1945 : f32 to vector<16xf32>
    %select_n3A_1947 = arith.select %eq3A_1944, %broadcast_in_dim3A_1946, %abs3A_1941 : vector<16xi1>, vector<16xf32>
    %lt3A_1948 = arith.cmpf olt, %select_n3A_1947, %select_n3A_1934 : vector<16xf32>
    %select_n3A_1949 = arith.select %lt3A_1948, %select_n3A_1947, %select_n3A_1934 : vector<16xi1>, vector<16xf32>
    %jit3A_1950 = arith.constant 14 : i32
    %broadcast_in_dim3A_1951 = vector.broadcast %jit3A_1950 : i32 to vector<16xi32>
    %select_n3A_1952 = arith.select %lt3A_1948, %broadcast_in_dim3A_1951, %select_n3A_1937 : vector<16xi1>, vector<16xi32>
    %sub3A_1953 = arith.constant 2.71280169 : f32
    %sub3A_1954 = vector.broadcast %sub3A_1953 : f32 to vector<16xf32>
    %sub3A_1955 = arith.subf %get3A_1715, %sub3A_1954 : vector<16xf32>
    %abs3A_1956 = math.absf %sub3A_1955 : vector<16xf32>
    %eq3A_1957 = arith.constant 15 : i32
    %eq3A_1958 = vector.broadcast %eq3A_1957 : i32 to vector<16xi32>
    %eq3A_1959 = arith.cmpi eq, %add3A_1711, %eq3A_1958 : vector<16xi32>
    %jit3A_1960 = arith.constant 3.000000e+08 : f32
    %broadcast_in_dim3A_1961 = vector.broadcast %jit3A_1960 : f32 to vector<16xf32>
    %select_n3A_1962 = arith.select %eq3A_1959, %broadcast_in_dim3A_1961, %abs3A_1956 : vector<16xi1>, vector<16xf32>
    %lt3A_1963 = arith.cmpf olt, %select_n3A_1962, %select_n3A_1949 : vector<16xf32>
    %select_n3A_1964 = arith.select %lt3A_1963, %select_n3A_1962, %select_n3A_1949 : vector<16xi1>, vector<16xf32>
    %jit3A_1965 = arith.constant 15 : i32
    %broadcast_in_dim3A_1966 = vector.broadcast %jit3A_1965 : i32 to vector<16xi32>
    %select_n3A_1967 = arith.select %lt3A_1963, %broadcast_in_dim3A_1966, %select_n3A_1952 : vector<16xi1>, vector<16xi32>
    %sub3A_1968 = arith.constant 1.34971452 : f32
    %sub3A_1969 = vector.broadcast %sub3A_1968 : f32 to vector<16xf32>
    %sub3A_1970 = arith.subf %get3A_1715, %sub3A_1969 : vector<16xf32>
    %abs3A_1971 = math.absf %sub3A_1970 : vector<16xf32>
    %eq3A_1972 = arith.constant 16 : i32
    %eq3A_1973 = vector.broadcast %eq3A_1972 : i32 to vector<16xi32>
    %eq3A_1974 = arith.cmpi eq, %add3A_1711, %eq3A_1973 : vector<16xi32>
    %jit3A_1975 = arith.constant 3.000000e+08 : f32
    %broadcast_in_dim3A_1976 = vector.broadcast %jit3A_1975 : f32 to vector<16xf32>
    %select_n3A_1977 = arith.select %eq3A_1974, %broadcast_in_dim3A_1976, %abs3A_1971 : vector<16xi1>, vector<16xf32>
    %lt3A_1978 = arith.cmpf olt, %select_n3A_1977, %select_n3A_1964 : vector<16xf32>
    %select_n3A_1979 = arith.select %lt3A_1978, %select_n3A_1977, %select_n3A_1964 : vector<16xi1>, vector<16xf32>
    %jit3A_1980 = arith.constant 16 : i32
    %broadcast_in_dim3A_1981 = vector.broadcast %jit3A_1980 : i32 to vector<16xi32>
    %select_n3A_1982 = arith.select %lt3A_1978, %broadcast_in_dim3A_1981, %select_n3A_1967 : vector<16xi1>, vector<16xi32>
    %sub3A_1983 = arith.constant 0.356773973 : f32
    %sub3A_1984 = vector.broadcast %sub3A_1983 : f32 to vector<16xf32>
    %sub3A_1985 = arith.subf %get3A_1715, %sub3A_1984 : vector<16xf32>
    %abs3A_1986 = math.absf %sub3A_1985 : vector<16xf32>
    %eq3A_1987 = arith.constant 17 : i32
    %eq3A_1988 = vector.broadcast %eq3A_1987 : i32 to vector<16xi32>
    %eq3A_1989 = arith.cmpi eq, %add3A_1711, %eq3A_1988 : vector<16xi32>
    %jit3A_1990 = arith.constant 3.000000e+08 : f32
    %broadcast_in_dim3A_1991 = vector.broadcast %jit3A_1990 : f32 to vector<16xf32>
    %select_n3A_1992 = arith.select %eq3A_1989, %broadcast_in_dim3A_1991, %abs3A_1986 : vector<16xi1>, vector<16xf32>
    %lt3A_1993 = arith.cmpf olt, %select_n3A_1992, %select_n3A_1979 : vector<16xf32>
    %select_n3A_1994 = arith.select %lt3A_1993, %select_n3A_1992, %select_n3A_1979 : vector<16xi1>, vector<16xf32>
    %jit3A_1995 = arith.constant 17 : i32
    %broadcast_in_dim3A_1996 = vector.broadcast %jit3A_1995 : i32 to vector<16xi32>
    %select_n3A_1997 = arith.select %lt3A_1993, %broadcast_in_dim3A_1996, %select_n3A_1982 : vector<16xi1>, vector<16xi32>
    %sub3A_1998 = arith.constant 2.50590062 : f32
    %sub3A_1999 = vector.broadcast %sub3A_1998 : f32 to vector<16xf32>
    %sub3A_2000 = arith.subf %get3A_1715, %sub3A_1999 : vector<16xf32>
    %abs3A_2001 = math.absf %sub3A_2000 : vector<16xf32>
    %eq3A_2002 = arith.constant 18 : i32
    %eq3A_2003 = vector.broadcast %eq3A_2002 : i32 to vector<16xi32>
    %eq3A_2004 = arith.cmpi eq, %add3A_1711, %eq3A_2003 : vector<16xi32>
    %jit3A_2005 = arith.constant 3.000000e+08 : f32
    %broadcast_in_dim3A_2006 = vector.broadcast %jit3A_2005 : f32 to vector<16xf32>
    %select_n3A_2007 = arith.select %eq3A_2004, %broadcast_in_dim3A_2006, %abs3A_2001 : vector<16xi1>, vector<16xf32>
    %lt3A_2008 = arith.cmpf olt, %select_n3A_2007, %select_n3A_1994 : vector<16xf32>
    %select_n3A_2009 = arith.select %lt3A_2008, %select_n3A_2007, %select_n3A_1994 : vector<16xi1>, vector<16xf32>
    %jit3A_2010 = arith.constant 18 : i32
    %broadcast_in_dim3A_2011 = vector.broadcast %jit3A_2010 : i32 to vector<16xi32>
    %select_n3A_2012 = arith.select %lt3A_2008, %broadcast_in_dim3A_2011, %select_n3A_1997 : vector<16xi1>, vector<16xi32>
    %sub3A_2013 = arith.constant 0.606744706 : f32
    %sub3A_2014 = vector.broadcast %sub3A_2013 : f32 to vector<16xf32>
    %sub3A_2015 = arith.subf %get3A_1715, %sub3A_2014 : vector<16xf32>
    %abs3A_2016 = math.absf %sub3A_2015 : vector<16xf32>
    %eq3A_2017 = arith.constant 19 : i32
    %eq3A_2018 = vector.broadcast %eq3A_2017 : i32 to vector<16xi32>
    %eq3A_2019 = arith.cmpi eq, %add3A_1711, %eq3A_2018 : vector<16xi32>
    %jit3A_2020 = arith.constant 3.000000e+08 : f32
    %broadcast_in_dim3A_2021 = vector.broadcast %jit3A_2020 : f32 to vector<16xf32>
    %select_n3A_2022 = arith.select %eq3A_2019, %broadcast_in_dim3A_2021, %abs3A_2016 : vector<16xi1>, vector<16xf32>
    %lt3A_2023 = arith.cmpf olt, %select_n3A_2022, %select_n3A_2009 : vector<16xf32>
    %select_n3A_2024 = arith.select %lt3A_2023, %select_n3A_2022, %select_n3A_2009 : vector<16xi1>, vector<16xf32>
    %jit3A_2025 = arith.constant 19 : i32
    %broadcast_in_dim3A_2026 = vector.broadcast %jit3A_2025 : i32 to vector<16xi32>
    %select_n3A_2027 = arith.select %lt3A_2023, %broadcast_in_dim3A_2026, %select_n3A_2012 : vector<16xi1>, vector<16xi32>
    %sub3A_2028 = arith.constant 5.226080e-01 : f32
    %sub3A_2029 = vector.broadcast %sub3A_2028 : f32 to vector<16xf32>
    %sub3A_2030 = arith.subf %get3A_1715, %sub3A_2029 : vector<16xf32>
    %abs3A_2031 = math.absf %sub3A_2030 : vector<16xf32>
    %eq3A_2032 = arith.constant 20 : i32
    %eq3A_2033 = vector.broadcast %eq3A_2032 : i32 to vector<16xi32>
    %eq3A_2034 = arith.cmpi eq, %add3A_1711, %eq3A_2033 : vector<16xi32>
    %jit3A_2035 = arith.constant 3.000000e+08 : f32
    %broadcast_in_dim3A_2036 = vector.broadcast %jit3A_2035 : f32 to vector<16xf32>
    %select_n3A_2037 = arith.select %eq3A_2034, %broadcast_in_dim3A_2036, %abs3A_2031 : vector<16xi1>, vector<16xf32>
    %lt3A_2038 = arith.cmpf olt, %select_n3A_2037, %select_n3A_2024 : vector<16xf32>
    %select_n3A_2039 = arith.select %lt3A_2038, %select_n3A_2037, %select_n3A_2024 : vector<16xi1>, vector<16xf32>
    %jit3A_2040 = arith.constant 20 : i32
    %broadcast_in_dim3A_2041 = vector.broadcast %jit3A_2040 : i32 to vector<16xi32>
    %select_n3A_2042 = arith.select %lt3A_2038, %broadcast_in_dim3A_2041, %select_n3A_2027 : vector<16xi1>, vector<16xi32>
    %sub3A_2043 = arith.constant 1.3474412 : f32
    %sub3A_2044 = vector.broadcast %sub3A_2043 : f32 to vector<16xf32>
    %sub3A_2045 = arith.subf %get3A_1715, %sub3A_2044 : vector<16xf32>
    %abs3A_2046 = math.absf %sub3A_2045 : vector<16xf32>
    %eq3A_2047 = arith.constant 21 : i32
    %eq3A_2048 = vector.broadcast %eq3A_2047 : i32 to vector<16xi32>
    %eq3A_2049 = arith.cmpi eq, %add3A_1711, %eq3A_2048 : vector<16xi32>
    %jit3A_2050 = arith.constant 3.000000e+08 : f32
    %broadcast_in_dim3A_2051 = vector.broadcast %jit3A_2050 : f32 to vector<16xf32>
    %select_n3A_2052 = arith.select %eq3A_2049, %broadcast_in_dim3A_2051, %abs3A_2046 : vector<16xi1>, vector<16xf32>
    %lt3A_2053 = arith.cmpf olt, %select_n3A_2052, %select_n3A_2039 : vector<16xf32>
    %select_n3A_2054 = arith.select %lt3A_2053, %select_n3A_2052, %select_n3A_2039 : vector<16xi1>, vector<16xf32>
    %jit3A_2055 = arith.constant 21 : i32
    %broadcast_in_dim3A_2056 = vector.broadcast %jit3A_2055 : i32 to vector<16xi32>
    %select_n3A_2057 = arith.select %lt3A_2053, %broadcast_in_dim3A_2056, %select_n3A_2042 : vector<16xi1>, vector<16xi32>
    %sub3A_2058 = arith.constant 2.00938439 : f32
    %sub3A_2059 = vector.broadcast %sub3A_2058 : f32 to vector<16xf32>
    %sub3A_2060 = arith.subf %get3A_1715, %sub3A_2059 : vector<16xf32>
    %abs3A_2061 = math.absf %sub3A_2060 : vector<16xf32>
    %eq3A_2062 = arith.constant 22 : i32
    %eq3A_2063 = vector.broadcast %eq3A_2062 : i32 to vector<16xi32>
    %eq3A_2064 = arith.cmpi eq, %add3A_1711, %eq3A_2063 : vector<16xi32>
    %jit3A_2065 = arith.constant 3.000000e+08 : f32
    %broadcast_in_dim3A_2066 = vector.broadcast %jit3A_2065 : f32 to vector<16xf32>
    %select_n3A_2067 = arith.select %eq3A_2064, %broadcast_in_dim3A_2066, %abs3A_2061 : vector<16xi1>, vector<16xf32>
    %lt3A_2068 = arith.cmpf olt, %select_n3A_2067, %select_n3A_2054 : vector<16xf32>
    %select_n3A_2069 = arith.select %lt3A_2068, %select_n3A_2067, %select_n3A_2054 : vector<16xi1>, vector<16xf32>
    %jit3A_2070 = arith.constant 22 : i32
    %broadcast_in_dim3A_2071 = vector.broadcast %jit3A_2070 : i32 to vector<16xi32>
    %select_n3A_2072 = arith.select %lt3A_2068, %broadcast_in_dim3A_2071, %select_n3A_2057 : vector<16xi1>, vector<16xi32>
    %sub3A_2073 = arith.constant 2.87219739 : f32
    %sub3A_2074 = vector.broadcast %sub3A_2073 : f32 to vector<16xf32>
    %sub3A_2075 = arith.subf %get3A_1715, %sub3A_2074 : vector<16xf32>
    %abs3A_2076 = math.absf %sub3A_2075 : vector<16xf32>
    %eq3A_2077 = arith.constant 23 : i32
    %eq3A_2078 = vector.broadcast %eq3A_2077 : i32 to vector<16xi32>
    %eq3A_2079 = arith.cmpi eq, %add3A_1711, %eq3A_2078 : vector<16xi32>
    %jit3A_2080 = arith.constant 3.000000e+08 : f32
    %broadcast_in_dim3A_2081 = vector.broadcast %jit3A_2080 : f32 to vector<16xf32>
    %select_n3A_2082 = arith.select %eq3A_2079, %broadcast_in_dim3A_2081, %abs3A_2076 : vector<16xi1>, vector<16xf32>
    %lt3A_2083 = arith.cmpf olt, %select_n3A_2082, %select_n3A_2069 : vector<16xf32>
    %select_n3A_2084 = arith.select %lt3A_2083, %select_n3A_2082, %select_n3A_2069 : vector<16xi1>, vector<16xf32>
    %jit3A_2085 = arith.constant 23 : i32
    %broadcast_in_dim3A_2086 = vector.broadcast %jit3A_2085 : i32 to vector<16xi32>
    %select_n3A_2087 = arith.select %lt3A_2083, %broadcast_in_dim3A_2086, %select_n3A_2072 : vector<16xi1>, vector<16xi32>
    %sub3A_2088 = arith.constant 2.49999976 : f32
    %sub3A_2089 = vector.broadcast %sub3A_2088 : f32 to vector<16xf32>
    %sub3A_2090 = arith.subf %get3A_1715, %sub3A_2089 : vector<16xf32>
    %abs3A_2091 = math.absf %sub3A_2090 : vector<16xf32>
    %eq3A_2092 = arith.constant 24 : i32
    %eq3A_2093 = vector.broadcast %eq3A_2092 : i32 to vector<16xi32>
    %eq3A_2094 = arith.cmpi eq, %add3A_1711, %eq3A_2093 : vector<16xi32>
    %jit3A_2095 = arith.constant 3.000000e+08 : f32
    %broadcast_in_dim3A_2096 = vector.broadcast %jit3A_2095 : f32 to vector<16xf32>
    %select_n3A_2097 = arith.select %eq3A_2094, %broadcast_in_dim3A_2096, %abs3A_2091 : vector<16xi1>, vector<16xf32>
    %lt3A_2098 = arith.cmpf olt, %select_n3A_2097, %select_n3A_2084 : vector<16xf32>
    %select_n3A_2099 = arith.select %lt3A_2098, %select_n3A_2097, %select_n3A_2084 : vector<16xi1>, vector<16xf32>
    %jit3A_2100 = arith.constant 24 : i32
    %broadcast_in_dim3A_2101 = vector.broadcast %jit3A_2100 : i32 to vector<16xi32>
    %select_n3A_2102 = arith.select %lt3A_2098, %broadcast_in_dim3A_2101, %select_n3A_2087 : vector<16xi1>, vector<16xi32>
    %sub3A_2103 = arith.constant 1.52492988 : f32
    %sub3A_2104 = vector.broadcast %sub3A_2103 : f32 to vector<16xf32>
    %sub3A_2105 = arith.subf %get3A_1715, %sub3A_2104 : vector<16xf32>
    %abs3A_2106 = math.absf %sub3A_2105 : vector<16xf32>
    %eq3A_2107 = arith.constant 25 : i32
    %eq3A_2108 = vector.broadcast %eq3A_2107 : i32 to vector<16xi32>
    %eq3A_2109 = arith.cmpi eq, %add3A_1711, %eq3A_2108 : vector<16xi32>
    %jit3A_2110 = arith.constant 3.000000e+08 : f32
    %broadcast_in_dim3A_2111 = vector.broadcast %jit3A_2110 : f32 to vector<16xf32>
    %select_n3A_2112 = arith.select %eq3A_2109, %broadcast_in_dim3A_2111, %abs3A_2106 : vector<16xi1>, vector<16xf32>
    %lt3A_2113 = arith.cmpf olt, %select_n3A_2112, %select_n3A_2099 : vector<16xf32>
    %select_n3A_2114 = arith.select %lt3A_2113, %select_n3A_2112, %select_n3A_2099 : vector<16xi1>, vector<16xf32>
    %jit3A_2115 = arith.constant 25 : i32
    %broadcast_in_dim3A_2116 = vector.broadcast %jit3A_2115 : i32 to vector<16xi32>
    %select_n3A_2117 = arith.select %lt3A_2113, %broadcast_in_dim3A_2116, %select_n3A_2102 : vector<16xi1>, vector<16xi32>
    %sub3A_2118 = arith.constant 1.89007068 : f32
    %sub3A_2119 = vector.broadcast %sub3A_2118 : f32 to vector<16xf32>
    %sub3A_2120 = arith.subf %get3A_1715, %sub3A_2119 : vector<16xf32>
    %abs3A_2121 = math.absf %sub3A_2120 : vector<16xf32>
    %eq3A_2122 = arith.constant 26 : i32
    %eq3A_2123 = vector.broadcast %eq3A_2122 : i32 to vector<16xi32>
    %eq3A_2124 = arith.cmpi eq, %add3A_1711, %eq3A_2123 : vector<16xi32>
    %jit3A_2125 = arith.constant 3.000000e+08 : f32
    %broadcast_in_dim3A_2126 = vector.broadcast %jit3A_2125 : f32 to vector<16xf32>
    %select_n3A_2127 = arith.select %eq3A_2124, %broadcast_in_dim3A_2126, %abs3A_2121 : vector<16xi1>, vector<16xf32>
    %lt3A_2128 = arith.cmpf olt, %select_n3A_2127, %select_n3A_2114 : vector<16xf32>
    %select_n3A_2129 = arith.select %lt3A_2128, %select_n3A_2127, %select_n3A_2114 : vector<16xi1>, vector<16xf32>
    %jit3A_2130 = arith.constant 26 : i32
    %broadcast_in_dim3A_2131 = vector.broadcast %jit3A_2130 : i32 to vector<16xi32>
    %select_n3A_2132 = arith.select %lt3A_2128, %broadcast_in_dim3A_2131, %select_n3A_2117 : vector<16xi1>, vector<16xi32>
    %sub3A_2133 = arith.constant 2.50510406 : f32
    %sub3A_2134 = vector.broadcast %sub3A_2133 : f32 to vector<16xf32>
    %sub3A_2135 = arith.subf %get3A_1715, %sub3A_2134 : vector<16xf32>
    %abs3A_2136 = math.absf %sub3A_2135 : vector<16xf32>
    %eq3A_2137 = arith.constant 27 : i32
    %eq3A_2138 = vector.broadcast %eq3A_2137 : i32 to vector<16xi32>
    %eq3A_2139 = arith.cmpi eq, %add3A_1711, %eq3A_2138 : vector<16xi32>
    %jit3A_2140 = arith.constant 3.000000e+08 : f32
    %broadcast_in_dim3A_2141 = vector.broadcast %jit3A_2140 : f32 to vector<16xf32>
    %select_n3A_2142 = arith.select %eq3A_2139, %broadcast_in_dim3A_2141, %abs3A_2136 : vector<16xi1>, vector<16xf32>
    %lt3A_2143 = arith.cmpf olt, %select_n3A_2142, %select_n3A_2129 : vector<16xf32>
    %select_n3A_2144 = arith.select %lt3A_2143, %select_n3A_2142, %select_n3A_2129 : vector<16xi1>, vector<16xf32>
    %jit3A_2145 = arith.constant 27 : i32
    %broadcast_in_dim3A_2146 = vector.broadcast %jit3A_2145 : i32 to vector<16xi32>
    %select_n3A_2147 = arith.select %lt3A_2143, %broadcast_in_dim3A_2146, %select_n3A_2132 : vector<16xi1>, vector<16xi32>
    %sub3A_2148 = arith.constant 1.34199488 : f32
    %sub3A_2149 = vector.broadcast %sub3A_2148 : f32 to vector<16xf32>
    %sub3A_2150 = arith.subf %get3A_1715, %sub3A_2149 : vector<16xf32>
    %abs3A_2151 = math.absf %sub3A_2150 : vector<16xf32>
    %eq3A_2152 = arith.constant 28 : i32
    %eq3A_2153 = vector.broadcast %eq3A_2152 : i32 to vector<16xi32>
    %eq3A_2154 = arith.cmpi eq, %add3A_1711, %eq3A_2153 : vector<16xi32>
    %jit3A_2155 = arith.constant 3.000000e+08 : f32
    %broadcast_in_dim3A_2156 = vector.broadcast %jit3A_2155 : f32 to vector<16xf32>
    %select_n3A_2157 = arith.select %eq3A_2154, %broadcast_in_dim3A_2156, %abs3A_2151 : vector<16xi1>, vector<16xf32>
    %lt3A_2158 = arith.cmpf olt, %select_n3A_2157, %select_n3A_2144 : vector<16xf32>
    %select_n3A_2159 = arith.select %lt3A_2158, %select_n3A_2157, %select_n3A_2144 : vector<16xi1>, vector<16xf32>
    %jit3A_2160 = arith.constant 28 : i32
    %broadcast_in_dim3A_2161 = vector.broadcast %jit3A_2160 : i32 to vector<16xi32>
    %select_n3A_2162 = arith.select %lt3A_2158, %broadcast_in_dim3A_2161, %select_n3A_2147 : vector<16xi1>, vector<16xi32>
    %sub3A_2163 = arith.constant 2.28687143 : f32
    %sub3A_2164 = vector.broadcast %sub3A_2163 : f32 to vector<16xf32>
    %sub3A_2165 = arith.subf %get3A_1715, %sub3A_2164 : vector<16xf32>
    %abs3A_2166 = math.absf %sub3A_2165 : vector<16xf32>
    %eq3A_2167 = arith.constant 29 : i32
    %eq3A_2168 = vector.broadcast %eq3A_2167 : i32 to vector<16xi32>
    %eq3A_2169 = arith.cmpi eq, %add3A_1711, %eq3A_2168 : vector<16xi32>
    %jit3A_2170 = arith.constant 3.000000e+08 : f32
    %broadcast_in_dim3A_2171 = vector.broadcast %jit3A_2170 : f32 to vector<16xf32>
    %select_n3A_2172 = arith.select %eq3A_2169, %broadcast_in_dim3A_2171, %abs3A_2166 : vector<16xi1>, vector<16xf32>
    %lt3A_2173 = arith.cmpf olt, %select_n3A_2172, %select_n3A_2159 : vector<16xf32>
    %select_n3A_2174 = arith.select %lt3A_2173, %select_n3A_2172, %select_n3A_2159 : vector<16xi1>, vector<16xf32>
    %jit3A_2175 = arith.constant 29 : i32
    %broadcast_in_dim3A_2176 = vector.broadcast %jit3A_2175 : i32 to vector<16xi32>
    %select_n3A_2177 = arith.select %lt3A_2173, %broadcast_in_dim3A_2176, %select_n3A_2162 : vector<16xi1>, vector<16xi32>
    %sub3A_2178 = arith.constant 1.91076672 : f32
    %sub3A_2179 = vector.broadcast %sub3A_2178 : f32 to vector<16xf32>
    %sub3A_2180 = arith.subf %get3A_1715, %sub3A_2179 : vector<16xf32>
    %abs3A_2181 = math.absf %sub3A_2180 : vector<16xf32>
    %eq3A_2182 = arith.constant 30 : i32
    %eq3A_2183 = vector.broadcast %eq3A_2182 : i32 to vector<16xi32>
    %eq3A_2184 = arith.cmpi eq, %add3A_1711, %eq3A_2183 : vector<16xi32>
    %jit3A_2185 = arith.constant 3.000000e+08 : f32
    %broadcast_in_dim3A_2186 = vector.broadcast %jit3A_2185 : f32 to vector<16xf32>
    %select_n3A_2187 = arith.select %eq3A_2184, %broadcast_in_dim3A_2186, %abs3A_2181 : vector<16xi1>, vector<16xf32>
    %lt3A_2188 = arith.cmpf olt, %select_n3A_2187, %select_n3A_2174 : vector<16xf32>
    %select_n3A_2189 = arith.select %lt3A_2188, %select_n3A_2187, %select_n3A_2174 : vector<16xi1>, vector<16xf32>
    %jit3A_2190 = arith.constant 30 : i32
    %broadcast_in_dim3A_2191 = vector.broadcast %jit3A_2190 : i32 to vector<16xi32>
    %select_n3A_2192 = arith.select %lt3A_2188, %broadcast_in_dim3A_2191, %select_n3A_2177 : vector<16xi1>, vector<16xi32>
    %sub3A_2193 = arith.constant 1.08688772 : f32
    %sub3A_2194 = vector.broadcast %sub3A_2193 : f32 to vector<16xf32>
    %sub3A_2195 = arith.subf %get3A_1715, %sub3A_2194 : vector<16xf32>
    %abs3A_2196 = math.absf %sub3A_2195 : vector<16xf32>
    %eq3A_2197 = arith.constant 31 : i32
    %eq3A_2198 = vector.broadcast %eq3A_2197 : i32 to vector<16xi32>
    %eq3A_2199 = arith.cmpi eq, %add3A_1711, %eq3A_2198 : vector<16xi32>
    %jit3A_2200 = arith.constant 3.000000e+08 : f32
    %broadcast_in_dim3A_2201 = vector.broadcast %jit3A_2200 : f32 to vector<16xf32>
    %select_n3A_2202 = arith.select %eq3A_2199, %broadcast_in_dim3A_2201, %abs3A_2196 : vector<16xi1>, vector<16xf32>
    %lt3A_2203 = arith.cmpf olt, %select_n3A_2202, %select_n3A_2189 : vector<16xf32>
    %select_n3A_2204 = arith.select %lt3A_2203, %select_n3A_2202, %select_n3A_2189 : vector<16xi1>, vector<16xf32>
    %jit3A_2205 = arith.constant 31 : i32
    %broadcast_in_dim3A_2206 = vector.broadcast %jit3A_2205 : i32 to vector<16xi32>
    %select_n3A_2207 = arith.select %lt3A_2203, %broadcast_in_dim3A_2206, %select_n3A_2192 : vector<16xi1>, vector<16xi32>
    %sub3A_2208 = arith.constant 0.0437236503 : f32
    %sub3A_2209 = vector.broadcast %sub3A_2208 : f32 to vector<16xf32>
    %sub3A_2210 = arith.subf %get3A_1715, %sub3A_2209 : vector<16xf32>
    %abs3A_2211 = math.absf %sub3A_2210 : vector<16xf32>
    %eq3A_2212 = arith.constant 32 : i32
    %eq3A_2213 = vector.broadcast %eq3A_2212 : i32 to vector<16xi32>
    %eq3A_2214 = arith.cmpi eq, %add3A_1711, %eq3A_2213 : vector<16xi32>
    %jit3A_2215 = arith.constant 3.000000e+08 : f32
    %broadcast_in_dim3A_2216 = vector.broadcast %jit3A_2215 : f32 to vector<16xf32>
    %select_n3A_2217 = arith.select %eq3A_2214, %broadcast_in_dim3A_2216, %abs3A_2211 : vector<16xi1>, vector<16xf32>
    %lt3A_2218 = arith.cmpf olt, %select_n3A_2217, %select_n3A_2204 : vector<16xf32>
    %select_n3A_2219 = arith.select %lt3A_2218, %select_n3A_2217, %select_n3A_2204 : vector<16xi1>, vector<16xf32>
    %jit3A_2220 = arith.constant 32 : i32
    %broadcast_in_dim3A_2221 = vector.broadcast %jit3A_2220 : i32 to vector<16xi32>
    %select_n3A_2222 = arith.select %lt3A_2218, %broadcast_in_dim3A_2221, %select_n3A_2207 : vector<16xi1>, vector<16xi32>
    %sub3A_2223 = arith.constant 1.62595463 : f32
    %sub3A_2224 = vector.broadcast %sub3A_2223 : f32 to vector<16xf32>
    %sub3A_2225 = arith.subf %get3A_1715, %sub3A_2224 : vector<16xf32>
    %abs3A_2226 = math.absf %sub3A_2225 : vector<16xf32>
    %eq3A_2227 = arith.constant 33 : i32
    %eq3A_2228 = vector.broadcast %eq3A_2227 : i32 to vector<16xi32>
    %eq3A_2229 = arith.cmpi eq, %add3A_1711, %eq3A_2228 : vector<16xi32>
    %jit3A_2230 = arith.constant 3.000000e+08 : f32
    %broadcast_in_dim3A_2231 = vector.broadcast %jit3A_2230 : f32 to vector<16xf32>
    %select_n3A_2232 = arith.select %eq3A_2229, %broadcast_in_dim3A_2231, %abs3A_2226 : vector<16xi1>, vector<16xf32>
    %lt3A_2233 = arith.cmpf olt, %select_n3A_2232, %select_n3A_2219 : vector<16xf32>
    %select_n3A_2234 = arith.select %lt3A_2233, %select_n3A_2232, %select_n3A_2219 : vector<16xi1>, vector<16xf32>
    %jit3A_2235 = arith.constant 33 : i32
    %broadcast_in_dim3A_2236 = vector.broadcast %jit3A_2235 : i32 to vector<16xi32>
    %select_n3A_2237 = arith.select %lt3A_2233, %broadcast_in_dim3A_2236, %select_n3A_2222 : vector<16xi1>, vector<16xi32>
    %sub3A_2238 = arith.constant 0.954466462 : f32
    %sub3A_2239 = vector.broadcast %sub3A_2238 : f32 to vector<16xf32>
    %sub3A_2240 = arith.subf %get3A_1715, %sub3A_2239 : vector<16xf32>
    %abs3A_2241 = math.absf %sub3A_2240 : vector<16xf32>
    %eq3A_2242 = arith.constant 34 : i32
    %eq3A_2243 = vector.broadcast %eq3A_2242 : i32 to vector<16xi32>
    %eq3A_2244 = arith.cmpi eq, %add3A_1711, %eq3A_2243 : vector<16xi32>
    %jit3A_2245 = arith.constant 3.000000e+08 : f32
    %broadcast_in_dim3A_2246 = vector.broadcast %jit3A_2245 : f32 to vector<16xf32>
    %select_n3A_2247 = arith.select %eq3A_2244, %broadcast_in_dim3A_2246, %abs3A_2241 : vector<16xi1>, vector<16xf32>
    %lt3A_2248 = arith.cmpf olt, %select_n3A_2247, %select_n3A_2234 : vector<16xf32>
    %select_n3A_2249 = arith.select %lt3A_2248, %select_n3A_2247, %select_n3A_2234 : vector<16xi1>, vector<16xf32>
    %jit3A_2250 = arith.constant 34 : i32
    %broadcast_in_dim3A_2251 = vector.broadcast %jit3A_2250 : i32 to vector<16xi32>
    %select_n3A_2252 = arith.select %lt3A_2248, %broadcast_in_dim3A_2251, %select_n3A_2237 : vector<16xi1>, vector<16xi32>
    %sub3A_2253 = arith.constant 0.434971035 : f32
    %sub3A_2254 = vector.broadcast %sub3A_2253 : f32 to vector<16xf32>
    %sub3A_2255 = arith.subf %get3A_1715, %sub3A_2254 : vector<16xf32>
    %abs3A_2256 = math.absf %sub3A_2255 : vector<16xf32>
    %eq3A_2257 = arith.constant 35 : i32
    %eq3A_2258 = vector.broadcast %eq3A_2257 : i32 to vector<16xi32>
    %eq3A_2259 = arith.cmpi eq, %add3A_1711, %eq3A_2258 : vector<16xi32>
    %jit3A_2260 = arith.constant 3.000000e+08 : f32
    %broadcast_in_dim3A_2261 = vector.broadcast %jit3A_2260 : f32 to vector<16xf32>
    %select_n3A_2262 = arith.select %eq3A_2259, %broadcast_in_dim3A_2261, %abs3A_2256 : vector<16xi1>, vector<16xf32>
    %lt3A_2263 = arith.cmpf olt, %select_n3A_2262, %select_n3A_2249 : vector<16xf32>
    %select_n3A_2264 = arith.select %lt3A_2263, %select_n3A_2262, %select_n3A_2249 : vector<16xi1>, vector<16xf32>
    %jit3A_2265 = arith.constant 35 : i32
    %broadcast_in_dim3A_2266 = vector.broadcast %jit3A_2265 : i32 to vector<16xi32>
    %select_n3A_2267 = arith.select %lt3A_2263, %broadcast_in_dim3A_2266, %select_n3A_2252 : vector<16xi1>, vector<16xi32>
    %sub3A_2268 = arith.constant 1.64667583 : f32
    %sub3A_2269 = vector.broadcast %sub3A_2268 : f32 to vector<16xf32>
    %sub3A_2270 = arith.subf %get3A_1715, %sub3A_2269 : vector<16xf32>
    %abs3A_2271 = math.absf %sub3A_2270 : vector<16xf32>
    %eq3A_2272 = arith.constant 36 : i32
    %eq3A_2273 = vector.broadcast %eq3A_2272 : i32 to vector<16xi32>
    %eq3A_2274 = arith.cmpi eq, %add3A_1711, %eq3A_2273 : vector<16xi32>
    %jit3A_2275 = arith.constant 3.000000e+08 : f32
    %broadcast_in_dim3A_2276 = vector.broadcast %jit3A_2275 : f32 to vector<16xf32>
    %select_n3A_2277 = arith.select %eq3A_2274, %broadcast_in_dim3A_2276, %abs3A_2271 : vector<16xi1>, vector<16xf32>
    %lt3A_2278 = arith.cmpf olt, %select_n3A_2277, %select_n3A_2264 : vector<16xf32>
    %select_n3A_2279 = arith.select %lt3A_2278, %select_n3A_2277, %select_n3A_2264 : vector<16xi1>, vector<16xf32>
    %jit3A_2280 = arith.constant 36 : i32
    %broadcast_in_dim3A_2281 = vector.broadcast %jit3A_2280 : i32 to vector<16xi32>
    %select_n3A_2282 = arith.select %lt3A_2278, %broadcast_in_dim3A_2281, %select_n3A_2267 : vector<16xi1>, vector<16xi32>
    %sub3A_2283 = arith.constant 0.562443793 : f32
    %sub3A_2284 = vector.broadcast %sub3A_2283 : f32 to vector<16xf32>
    %sub3A_2285 = arith.subf %get3A_1715, %sub3A_2284 : vector<16xf32>
    %abs3A_2286 = math.absf %sub3A_2285 : vector<16xf32>
    %eq3A_2287 = arith.constant 37 : i32
    %eq3A_2288 = vector.broadcast %eq3A_2287 : i32 to vector<16xi32>
    %eq3A_2289 = arith.cmpi eq, %add3A_1711, %eq3A_2288 : vector<16xi32>
    %jit3A_2290 = arith.constant 3.000000e+08 : f32
    %broadcast_in_dim3A_2291 = vector.broadcast %jit3A_2290 : f32 to vector<16xf32>
    %select_n3A_2292 = arith.select %eq3A_2289, %broadcast_in_dim3A_2291, %abs3A_2286 : vector<16xi1>, vector<16xf32>
    %lt3A_2293 = arith.cmpf olt, %select_n3A_2292, %select_n3A_2279 : vector<16xf32>
    %select_n3A_2294 = arith.select %lt3A_2293, %select_n3A_2292, %select_n3A_2279 : vector<16xi1>, vector<16xf32>
    %jit3A_2295 = arith.constant 37 : i32
    %broadcast_in_dim3A_2296 = vector.broadcast %jit3A_2295 : i32 to vector<16xi32>
    %select_n3A_2297 = arith.select %lt3A_2293, %broadcast_in_dim3A_2296, %select_n3A_2282 : vector<16xi1>, vector<16xi32>
    %sub3A_2298 = arith.constant 1.19694448 : f32
    %sub3A_2299 = vector.broadcast %sub3A_2298 : f32 to vector<16xf32>
    %sub3A_2300 = arith.subf %get3A_1715, %sub3A_2299 : vector<16xf32>
    %abs3A_2301 = math.absf %sub3A_2300 : vector<16xf32>
    %eq3A_2302 = arith.constant 38 : i32
    %eq3A_2303 = vector.broadcast %eq3A_2302 : i32 to vector<16xi32>
    %eq3A_2304 = arith.cmpi eq, %add3A_1711, %eq3A_2303 : vector<16xi32>
    %jit3A_2305 = arith.constant 3.000000e+08 : f32
    %broadcast_in_dim3A_2306 = vector.broadcast %jit3A_2305 : f32 to vector<16xf32>
    %select_n3A_2307 = arith.select %eq3A_2304, %broadcast_in_dim3A_2306, %abs3A_2301 : vector<16xi1>, vector<16xf32>
    %lt3A_2308 = arith.cmpf olt, %select_n3A_2307, %select_n3A_2294 : vector<16xf32>
    %select_n3A_2309 = arith.select %lt3A_2308, %select_n3A_2307, %select_n3A_2294 : vector<16xi1>, vector<16xf32>
    %jit3A_2310 = arith.constant 38 : i32
    %broadcast_in_dim3A_2311 = vector.broadcast %jit3A_2310 : i32 to vector<16xi32>
    %select_n3A_2312 = arith.select %lt3A_2308, %broadcast_in_dim3A_2311, %select_n3A_2297 : vector<16xi1>, vector<16xi32>
    %sub3A_2313 = arith.constant 0.720114648 : f32
    %sub3A_2314 = vector.broadcast %sub3A_2313 : f32 to vector<16xf32>
    %sub3A_2315 = arith.subf %get3A_1715, %sub3A_2314 : vector<16xf32>
    %abs3A_2316 = math.absf %sub3A_2315 : vector<16xf32>
    %eq3A_2317 = arith.constant 39 : i32
    %eq3A_2318 = vector.broadcast %eq3A_2317 : i32 to vector<16xi32>
    %eq3A_2319 = arith.cmpi eq, %add3A_1711, %eq3A_2318 : vector<16xi32>
    %jit3A_2320 = arith.constant 3.000000e+08 : f32
    %broadcast_in_dim3A_2321 = vector.broadcast %jit3A_2320 : f32 to vector<16xf32>
    %select_n3A_2322 = arith.select %eq3A_2319, %broadcast_in_dim3A_2321, %abs3A_2316 : vector<16xi1>, vector<16xf32>
    %lt3A_2323 = arith.cmpf olt, %select_n3A_2322, %select_n3A_2309 : vector<16xf32>
    %select_n3A_2324 = arith.select %lt3A_2323, %select_n3A_2322, %select_n3A_2309 : vector<16xi1>, vector<16xf32>
    %jit3A_2325 = arith.constant 39 : i32
    %broadcast_in_dim3A_2326 = vector.broadcast %jit3A_2325 : i32 to vector<16xi32>
    %select_n3A_2327 = arith.select %lt3A_2323, %broadcast_in_dim3A_2326, %select_n3A_2312 : vector<16xi1>, vector<16xi32>
    %sub3A_2328 = arith.constant 0.109964557 : f32
    %sub3A_2329 = vector.broadcast %sub3A_2328 : f32 to vector<16xf32>
    %sub3A_2330 = arith.subf %get3A_1715, %sub3A_2329 : vector<16xf32>
    %abs3A_2331 = math.absf %sub3A_2330 : vector<16xf32>
    %eq3A_2332 = arith.constant 40 : i32
    %eq3A_2333 = vector.broadcast %eq3A_2332 : i32 to vector<16xi32>
    %eq3A_2334 = arith.cmpi eq, %add3A_1711, %eq3A_2333 : vector<16xi32>
    %jit3A_2335 = arith.constant 3.000000e+08 : f32
    %broadcast_in_dim3A_2336 = vector.broadcast %jit3A_2335 : f32 to vector<16xf32>
    %select_n3A_2337 = arith.select %eq3A_2334, %broadcast_in_dim3A_2336, %abs3A_2331 : vector<16xi1>, vector<16xf32>
    %lt3A_2338 = arith.cmpf olt, %select_n3A_2337, %select_n3A_2324 : vector<16xf32>
    %select_n3A_2339 = arith.select %lt3A_2338, %select_n3A_2337, %select_n3A_2324 : vector<16xi1>, vector<16xf32>
    %jit3A_2340 = arith.constant 40 : i32
    %broadcast_in_dim3A_2341 = vector.broadcast %jit3A_2340 : i32 to vector<16xi32>
    %select_n3A_2342 = arith.select %lt3A_2338, %broadcast_in_dim3A_2341, %select_n3A_2327 : vector<16xi1>, vector<16xi32>
    %sub3A_2343 = arith.constant 1.70563424 : f32
    %sub3A_2344 = vector.broadcast %sub3A_2343 : f32 to vector<16xf32>
    %sub3A_2345 = arith.subf %get3A_1715, %sub3A_2344 : vector<16xf32>
    %abs3A_2346 = math.absf %sub3A_2345 : vector<16xf32>
    %eq3A_2347 = arith.constant 41 : i32
    %eq3A_2348 = vector.broadcast %eq3A_2347 : i32 to vector<16xi32>
    %eq3A_2349 = arith.cmpi eq, %add3A_1711, %eq3A_2348 : vector<16xi32>
    %jit3A_2350 = arith.constant 3.000000e+08 : f32
    %broadcast_in_dim3A_2351 = vector.broadcast %jit3A_2350 : f32 to vector<16xf32>
    %select_n3A_2352 = arith.select %eq3A_2349, %broadcast_in_dim3A_2351, %abs3A_2346 : vector<16xi1>, vector<16xf32>
    %lt3A_2353 = arith.cmpf olt, %select_n3A_2352, %select_n3A_2339 : vector<16xf32>
    %select_n3A_2354 = arith.select %lt3A_2353, %select_n3A_2352, %select_n3A_2339 : vector<16xi1>, vector<16xf32>
    %jit3A_2355 = arith.constant 41 : i32
    %broadcast_in_dim3A_2356 = vector.broadcast %jit3A_2355 : i32 to vector<16xi32>
    %select_n3A_2357 = arith.select %lt3A_2353, %broadcast_in_dim3A_2356, %select_n3A_2342 : vector<16xi1>, vector<16xi32>
    %sub3A_2358 = arith.constant 2.76829433 : f32
    %sub3A_2359 = vector.broadcast %sub3A_2358 : f32 to vector<16xf32>
    %sub3A_2360 = arith.subf %get3A_1715, %sub3A_2359 : vector<16xf32>
    %abs3A_2361 = math.absf %sub3A_2360 : vector<16xf32>
    %eq3A_2362 = arith.constant 42 : i32
    %eq3A_2363 = vector.broadcast %eq3A_2362 : i32 to vector<16xi32>
    %eq3A_2364 = arith.cmpi eq, %add3A_1711, %eq3A_2363 : vector<16xi32>
    %jit3A_2365 = arith.constant 3.000000e+08 : f32
    %broadcast_in_dim3A_2366 = vector.broadcast %jit3A_2365 : f32 to vector<16xf32>
    %select_n3A_2367 = arith.select %eq3A_2364, %broadcast_in_dim3A_2366, %abs3A_2361 : vector<16xi1>, vector<16xf32>
    %lt3A_2368 = arith.cmpf olt, %select_n3A_2367, %select_n3A_2354 : vector<16xf32>
    %select_n3A_2369 = arith.select %lt3A_2368, %select_n3A_2367, %select_n3A_2354 : vector<16xi1>, vector<16xf32>
    %jit3A_2370 = arith.constant 42 : i32
    %broadcast_in_dim3A_2371 = vector.broadcast %jit3A_2370 : i32 to vector<16xi32>
    %select_n3A_2372 = arith.select %lt3A_2368, %broadcast_in_dim3A_2371, %select_n3A_2357 : vector<16xi1>, vector<16xi32>
    %sub3A_2373 = arith.constant 0.537165344 : f32
    %sub3A_2374 = vector.broadcast %sub3A_2373 : f32 to vector<16xf32>
    %sub3A_2375 = arith.subf %get3A_1715, %sub3A_2374 : vector<16xf32>
    %abs3A_2376 = math.absf %sub3A_2375 : vector<16xf32>
    %eq3A_2377 = arith.constant 43 : i32
    %eq3A_2378 = vector.broadcast %eq3A_2377 : i32 to vector<16xi32>
    %eq3A_2379 = arith.cmpi eq, %add3A_1711, %eq3A_2378 : vector<16xi32>
    %jit3A_2380 = arith.constant 3.000000e+08 : f32
    %broadcast_in_dim3A_2381 = vector.broadcast %jit3A_2380 : f32 to vector<16xf32>
    %select_n3A_2382 = arith.select %eq3A_2379, %broadcast_in_dim3A_2381, %abs3A_2376 : vector<16xi1>, vector<16xf32>
    %lt3A_2383 = arith.cmpf olt, %select_n3A_2382, %select_n3A_2369 : vector<16xf32>
    %select_n3A_2384 = arith.select %lt3A_2383, %select_n3A_2382, %select_n3A_2369 : vector<16xi1>, vector<16xf32>
    %jit3A_2385 = arith.constant 43 : i32
    %broadcast_in_dim3A_2386 = vector.broadcast %jit3A_2385 : i32 to vector<16xi32>
    %select_n3A_2387 = arith.select %lt3A_2383, %broadcast_in_dim3A_2386, %select_n3A_2372 : vector<16xi1>, vector<16xi32>
    %sub3A_2388 = arith.constant 2.1092329 : f32
    %sub3A_2389 = vector.broadcast %sub3A_2388 : f32 to vector<16xf32>
    %sub3A_2390 = arith.subf %get3A_1715, %sub3A_2389 : vector<16xf32>
    %abs3A_2391 = math.absf %sub3A_2390 : vector<16xf32>
    %eq3A_2392 = arith.constant 44 : i32
    %eq3A_2393 = vector.broadcast %eq3A_2392 : i32 to vector<16xi32>
    %eq3A_2394 = arith.cmpi eq, %add3A_1711, %eq3A_2393 : vector<16xi32>
    %jit3A_2395 = arith.constant 3.000000e+08 : f32
    %broadcast_in_dim3A_2396 = vector.broadcast %jit3A_2395 : f32 to vector<16xf32>
    %select_n3A_2397 = arith.select %eq3A_2394, %broadcast_in_dim3A_2396, %abs3A_2391 : vector<16xi1>, vector<16xf32>
    %lt3A_2398 = arith.cmpf olt, %select_n3A_2397, %select_n3A_2384 : vector<16xf32>
    %select_n3A_2399 = arith.select %lt3A_2398, %select_n3A_2397, %select_n3A_2384 : vector<16xi1>, vector<16xf32>
    %jit3A_2400 = arith.constant 44 : i32
    %broadcast_in_dim3A_2401 = vector.broadcast %jit3A_2400 : i32 to vector<16xi32>
    %select_n3A_2402 = arith.select %lt3A_2398, %broadcast_in_dim3A_2401, %select_n3A_2387 : vector<16xi1>, vector<16xi32>
    %sub3A_2403 = arith.constant 2.16003847 : f32
    %sub3A_2404 = vector.broadcast %sub3A_2403 : f32 to vector<16xf32>
    %sub3A_2405 = arith.subf %get3A_1715, %sub3A_2404 : vector<16xf32>
    %abs3A_2406 = math.absf %sub3A_2405 : vector<16xf32>
    %eq3A_2407 = arith.constant 45 : i32
    %eq3A_2408 = vector.broadcast %eq3A_2407 : i32 to vector<16xi32>
    %eq3A_2409 = arith.cmpi eq, %add3A_1711, %eq3A_2408 : vector<16xi32>
    %jit3A_2410 = arith.constant 3.000000e+08 : f32
    %broadcast_in_dim3A_2411 = vector.broadcast %jit3A_2410 : f32 to vector<16xf32>
    %select_n3A_2412 = arith.select %eq3A_2409, %broadcast_in_dim3A_2411, %abs3A_2406 : vector<16xi1>, vector<16xf32>
    %lt3A_2413 = arith.cmpf olt, %select_n3A_2412, %select_n3A_2399 : vector<16xf32>
    %select_n3A_2414 = arith.select %lt3A_2413, %select_n3A_2412, %select_n3A_2399 : vector<16xi1>, vector<16xf32>
    %jit3A_2415 = arith.constant 45 : i32
    %broadcast_in_dim3A_2416 = vector.broadcast %jit3A_2415 : i32 to vector<16xi32>
    %select_n3A_2417 = arith.select %lt3A_2413, %broadcast_in_dim3A_2416, %select_n3A_2402 : vector<16xi1>, vector<16xi32>
    %sub3A_2418 = arith.constant 0.0931920558 : f32
    %sub3A_2419 = vector.broadcast %sub3A_2418 : f32 to vector<16xf32>
    %sub3A_2420 = arith.subf %get3A_1715, %sub3A_2419 : vector<16xf32>
    %abs3A_2421 = math.absf %sub3A_2420 : vector<16xf32>
    %eq3A_2422 = arith.constant 46 : i32
    %eq3A_2423 = vector.broadcast %eq3A_2422 : i32 to vector<16xi32>
    %eq3A_2424 = arith.cmpi eq, %add3A_1711, %eq3A_2423 : vector<16xi32>
    %jit3A_2425 = arith.constant 3.000000e+08 : f32
    %broadcast_in_dim3A_2426 = vector.broadcast %jit3A_2425 : f32 to vector<16xf32>
    %select_n3A_2427 = arith.select %eq3A_2424, %broadcast_in_dim3A_2426, %abs3A_2421 : vector<16xi1>, vector<16xf32>
    %lt3A_2428 = arith.cmpf olt, %select_n3A_2427, %select_n3A_2414 : vector<16xf32>
    %select_n3A_2429 = arith.select %lt3A_2428, %select_n3A_2427, %select_n3A_2414 : vector<16xi1>, vector<16xf32>
    %jit3A_2430 = arith.constant 46 : i32
    %broadcast_in_dim3A_2431 = vector.broadcast %jit3A_2430 : i32 to vector<16xi32>
    %select_n3A_2432 = arith.select %lt3A_2428, %broadcast_in_dim3A_2431, %select_n3A_2417 : vector<16xi1>, vector<16xi32>
    %sub3A_2433 = arith.constant 1.74847591 : f32
    %sub3A_2434 = vector.broadcast %sub3A_2433 : f32 to vector<16xf32>
    %sub3A_2435 = arith.subf %get3A_1715, %sub3A_2434 : vector<16xf32>
    %abs3A_2436 = math.absf %sub3A_2435 : vector<16xf32>
    %eq3A_2437 = arith.constant 47 : i32
    %eq3A_2438 = vector.broadcast %eq3A_2437 : i32 to vector<16xi32>
    %eq3A_2439 = arith.cmpi eq, %add3A_1711, %eq3A_2438 : vector<16xi32>
    %jit3A_2440 = arith.constant 3.000000e+08 : f32
    %broadcast_in_dim3A_2441 = vector.broadcast %jit3A_2440 : f32 to vector<16xf32>
    %select_n3A_2442 = arith.select %eq3A_2439, %broadcast_in_dim3A_2441, %abs3A_2436 : vector<16xi1>, vector<16xf32>
    %lt3A_2443 = arith.cmpf olt, %select_n3A_2442, %select_n3A_2429 : vector<16xf32>
    %select_n3A_2444 = arith.select %lt3A_2443, %select_n3A_2442, %select_n3A_2429 : vector<16xi1>, vector<16xf32>
    %jit3A_2445 = arith.constant 47 : i32
    %broadcast_in_dim3A_2446 = vector.broadcast %jit3A_2445 : i32 to vector<16xi32>
    %select_n3A_2447 = arith.select %lt3A_2443, %broadcast_in_dim3A_2446, %select_n3A_2432 : vector<16xi1>, vector<16xi32>
    %sub3A_2448 = arith.constant 2.09303284 : f32
    %sub3A_2449 = vector.broadcast %sub3A_2448 : f32 to vector<16xf32>
    %sub3A_2450 = arith.subf %get3A_1715, %sub3A_2449 : vector<16xf32>
    %abs3A_2451 = math.absf %sub3A_2450 : vector<16xf32>
    %eq3A_2452 = arith.constant 48 : i32
    %eq3A_2453 = vector.broadcast %eq3A_2452 : i32 to vector<16xi32>
    %eq3A_2454 = arith.cmpi eq, %add3A_1711, %eq3A_2453 : vector<16xi32>
    %jit3A_2455 = arith.constant 3.000000e+08 : f32
    %broadcast_in_dim3A_2456 = vector.broadcast %jit3A_2455 : f32 to vector<16xf32>
    %select_n3A_2457 = arith.select %eq3A_2454, %broadcast_in_dim3A_2456, %abs3A_2451 : vector<16xi1>, vector<16xf32>
    %lt3A_2458 = arith.cmpf olt, %select_n3A_2457, %select_n3A_2444 : vector<16xf32>
    %select_n3A_2459 = arith.select %lt3A_2458, %select_n3A_2457, %select_n3A_2444 : vector<16xi1>, vector<16xf32>
    %jit3A_2460 = arith.constant 48 : i32
    %broadcast_in_dim3A_2461 = vector.broadcast %jit3A_2460 : i32 to vector<16xi32>
    %select_n3A_2462 = arith.select %lt3A_2458, %broadcast_in_dim3A_2461, %select_n3A_2447 : vector<16xi1>, vector<16xi32>
    %sub3A_2463 = arith.constant 2.72956038 : f32
    %sub3A_2464 = vector.broadcast %sub3A_2463 : f32 to vector<16xf32>
    %sub3A_2465 = arith.subf %get3A_1715, %sub3A_2464 : vector<16xf32>
    %abs3A_2466 = math.absf %sub3A_2465 : vector<16xf32>
    %eq3A_2467 = arith.constant 49 : i32
    %eq3A_2468 = vector.broadcast %eq3A_2467 : i32 to vector<16xi32>
    %eq3A_2469 = arith.cmpi eq, %add3A_1711, %eq3A_2468 : vector<16xi32>
    %jit3A_2470 = arith.constant 3.000000e+08 : f32
    %broadcast_in_dim3A_2471 = vector.broadcast %jit3A_2470 : f32 to vector<16xf32>
    %select_n3A_2472 = arith.select %eq3A_2469, %broadcast_in_dim3A_2471, %abs3A_2466 : vector<16xi1>, vector<16xf32>
    %lt3A_2473 = arith.cmpf olt, %select_n3A_2472, %select_n3A_2459 : vector<16xf32>
    %select_n3A_2474 = arith.select %lt3A_2473, %select_n3A_2472, %select_n3A_2459 : vector<16xi1>, vector<16xf32>
    %jit3A_2475 = arith.constant 49 : i32
    %broadcast_in_dim3A_2476 = vector.broadcast %jit3A_2475 : i32 to vector<16xi32>
    %select_n3A_2477 = arith.select %lt3A_2473, %broadcast_in_dim3A_2476, %select_n3A_2462 : vector<16xi1>, vector<16xi32>
    %gather3A_2478 = tpu.vector_load_idx %arg6[%broadcast_in_dim3A_151, %select_n3A_2477] : memref<8x64xf32, #tpu.memory_space<vmem>>[vector<16xi32>, vector<16xi32>], vector<16xf32>,
    %gather3A_2479 = tpu.vector_load_idx %arg9[%select_n3A_2477] : memref<64xf32, #tpu.memory_space<vmem>>[vector<16xi32>], vector<16xf32>,
    %sub3A_2480 = arith.subf %get3A_1721, %gather3A_2479 : vector<16xf32>
    %sub3A_2481 = arith.subf %get3A_1715, %gather3A_2478 : vector<16xf32>
    %add3A_2482 = arith.constant 9.99999993E-9 : f32
    %add3A_2483 = vector.broadcast %add3A_2482 : f32 to vector<16xf32>
    %add3A_2484 = arith.addf %sub3A_2481, %add3A_2483 : vector<16xf32>
    %div3A_2485 = arith.divf %sub3A_2480, %add3A_2484 : vector<16xf32>
    %broadcast_in_dim3A_2486 = arith.constant 3.000000e+38 : f32
    %broadcast_in_dim3A_2487 = vector.broadcast %broadcast_in_dim3A_2486 : f32 to vector<16xf32>
    %broadcast_in_dim3A_2488 = arith.constant 0 : i32
    %broadcast_in_dim3A_2489 = vector.broadcast %broadcast_in_dim3A_2488 : i32 to vector<16xi32>
    %sub3A_2490 = arith.constant 0.470975518 : f32
    %sub3A_2491 = vector.broadcast %sub3A_2490 : f32 to vector<16xf32>
    %sub3A_2492 = arith.subf %get3A_1719, %sub3A_2491 : vector<16xf32>
    %abs3A_2493 = math.absf %sub3A_2492 : vector<16xf32>
    %eq3A_2494 = arith.constant 0 : i32
    %eq3A_2495 = vector.broadcast %eq3A_2494 : i32 to vector<16xi32>
    %eq3A_2496 = arith.cmpi eq, %add3A_1711, %eq3A_2495 : vector<16xi32>
    %jit3A_2497 = arith.constant 3.000000e+08 : f32
    %broadcast_in_dim3A_2498 = vector.broadcast %jit3A_2497 : f32 to vector<16xf32>
    %select_n3A_2499 = arith.select %eq3A_2496, %broadcast_in_dim3A_2498, %abs3A_2493 : vector<16xi1>, vector<16xf32>
    %lt3A_2500 = arith.cmpf olt, %select_n3A_2499, %broadcast_in_dim3A_2487 : vector<16xf32>
    %select_n3A_2501 = arith.select %lt3A_2500, %select_n3A_2499, %broadcast_in_dim3A_2487 : vector<16xi1>, vector<16xf32>
    %jit3A_2502 = arith.constant 0 : i32
    %broadcast_in_dim3A_2503 = vector.broadcast %jit3A_2502 : i32 to vector<16xi32>
    %select_n3A_2504 = arith.select %lt3A_2500, %broadcast_in_dim3A_2503, %broadcast_in_dim3A_2489 : vector<16xi1>, vector<16xi32>
    %sub3A_2505 = arith.constant 2.106630e+00 : f32
    %sub3A_2506 = vector.broadcast %sub3A_2505 : f32 to vector<16xf32>
    %sub3A_2507 = arith.subf %get3A_1719, %sub3A_2506 : vector<16xf32>
    %abs3A_2508 = math.absf %sub3A_2507 : vector<16xf32>
    %eq3A_2509 = arith.constant 1 : i32
    %eq3A_2510 = vector.broadcast %eq3A_2509 : i32 to vector<16xi32>
    %eq3A_2511 = arith.cmpi eq, %add3A_1711, %eq3A_2510 : vector<16xi32>
    %jit3A_2512 = arith.constant 3.000000e+08 : f32
    %broadcast_in_dim3A_2513 = vector.broadcast %jit3A_2512 : f32 to vector<16xf32>
    %select_n3A_2514 = arith.select %eq3A_2511, %broadcast_in_dim3A_2513, %abs3A_2508 : vector<16xi1>, vector<16xf32>
    %lt3A_2515 = arith.cmpf olt, %select_n3A_2514, %select_n3A_2501 : vector<16xf32>
    %select_n3A_2516 = arith.select %lt3A_2515, %select_n3A_2514, %select_n3A_2501 : vector<16xi1>, vector<16xf32>
    %jit3A_2517 = arith.constant 1 : i32
    %broadcast_in_dim3A_2518 = vector.broadcast %jit3A_2517 : i32 to vector<16xi32>
    %select_n3A_2519 = arith.select %lt3A_2515, %broadcast_in_dim3A_2518, %select_n3A_2504 : vector<16xi1>, vector<16xi32>
    %sub3A_2520 = arith.constant 0.784434795 : f32
    %sub3A_2521 = vector.broadcast %sub3A_2520 : f32 to vector<16xf32>
    %sub3A_2522 = arith.subf %get3A_1719, %sub3A_2521 : vector<16xf32>
    %abs3A_2523 = math.absf %sub3A_2522 : vector<16xf32>
    %eq3A_2524 = arith.constant 2 : i32
    %eq3A_2525 = vector.broadcast %eq3A_2524 : i32 to vector<16xi32>
    %eq3A_2526 = arith.cmpi eq, %add3A_1711, %eq3A_2525 : vector<16xi32>
    %jit3A_2527 = arith.constant 3.000000e+08 : f32
    %broadcast_in_dim3A_2528 = vector.broadcast %jit3A_2527 : f32 to vector<16xf32>
    %select_n3A_2529 = arith.select %eq3A_2526, %broadcast_in_dim3A_2528, %abs3A_2523 : vector<16xi1>, vector<16xf32>
    %lt3A_2530 = arith.cmpf olt, %select_n3A_2529, %select_n3A_2516 : vector<16xf32>
    %select_n3A_2531 = arith.select %lt3A_2530, %select_n3A_2529, %select_n3A_2516 : vector<16xi1>, vector<16xf32>
    %jit3A_2532 = arith.constant 2 : i32
    %broadcast_in_dim3A_2533 = vector.broadcast %jit3A_2532 : i32 to vector<16xi32>
    %select_n3A_2534 = arith.select %lt3A_2530, %broadcast_in_dim3A_2533, %select_n3A_2519 : vector<16xi1>, vector<16xi32>
    %sub3A_2535 = arith.constant 1.35513878 : f32
    %sub3A_2536 = vector.broadcast %sub3A_2535 : f32 to vector<16xf32>
    %sub3A_2537 = arith.subf %get3A_1719, %sub3A_2536 : vector<16xf32>
    %abs3A_2538 = math.absf %sub3A_2537 : vector<16xf32>
    %eq3A_2539 = arith.constant 3 : i32
    %eq3A_2540 = vector.broadcast %eq3A_2539 : i32 to vector<16xi32>
    %eq3A_2541 = arith.cmpi eq, %add3A_1711, %eq3A_2540 : vector<16xi32>
    %jit3A_2542 = arith.constant 3.000000e+08 : f32
    %broadcast_in_dim3A_2543 = vector.broadcast %jit3A_2542 : f32 to vector<16xf32>
    %select_n3A_2544 = arith.select %eq3A_2541, %broadcast_in_dim3A_2543, %abs3A_2538 : vector<16xi1>, vector<16xf32>
    %lt3A_2545 = arith.cmpf olt, %select_n3A_2544, %select_n3A_2531 : vector<16xf32>
    %select_n3A_2546 = arith.select %lt3A_2545, %select_n3A_2544, %select_n3A_2531 : vector<16xi1>, vector<16xf32>
    %jit3A_2547 = arith.constant 3 : i32
    %broadcast_in_dim3A_2548 = vector.broadcast %jit3A_2547 : i32 to vector<16xi32>
    %select_n3A_2549 = arith.select %lt3A_2545, %broadcast_in_dim3A_2548, %select_n3A_2534 : vector<16xi1>, vector<16xi32>
    %sub3A_2550 = arith.constant 1.22419584 : f32
    %sub3A_2551 = vector.broadcast %sub3A_2550 : f32 to vector<16xf32>
    %sub3A_2552 = arith.subf %get3A_1719, %sub3A_2551 : vector<16xf32>
    %abs3A_2553 = math.absf %sub3A_2552 : vector<16xf32>
    %eq3A_2554 = arith.constant 4 : i32
    %eq3A_2555 = vector.broadcast %eq3A_2554 : i32 to vector<16xi32>
    %eq3A_2556 = arith.cmpi eq, %add3A_1711, %eq3A_2555 : vector<16xi32>
    %jit3A_2557 = arith.constant 3.000000e+08 : f32
    %broadcast_in_dim3A_2558 = vector.broadcast %jit3A_2557 : f32 to vector<16xf32>
    %select_n3A_2559 = arith.select %eq3A_2556, %broadcast_in_dim3A_2558, %abs3A_2553 : vector<16xi1>, vector<16xf32>
    %lt3A_2560 = arith.cmpf olt, %select_n3A_2559, %select_n3A_2546 : vector<16xf32>
    %select_n3A_2561 = arith.select %lt3A_2560, %select_n3A_2559, %select_n3A_2546 : vector<16xi1>, vector<16xf32>
    %jit3A_2562 = arith.constant 4 : i32
    %broadcast_in_dim3A_2563 = vector.broadcast %jit3A_2562 : i32 to vector<16xi32>
    %select_n3A_2564 = arith.select %lt3A_2560, %broadcast_in_dim3A_2563, %select_n3A_2549 : vector<16xi1>, vector<16xi32>
    %sub3A_2565 = arith.constant 1.83462358 : f32
    %sub3A_2566 = vector.broadcast %sub3A_2565 : f32 to vector<16xf32>
    %sub3A_2567 = arith.subf %get3A_1719, %sub3A_2566 : vector<16xf32>
    %abs3A_2568 = math.absf %sub3A_2567 : vector<16xf32>
    %eq3A_2569 = arith.constant 5 : i32
    %eq3A_2570 = vector.broadcast %eq3A_2569 : i32 to vector<16xi32>
    %eq3A_2571 = arith.cmpi eq, %add3A_1711, %eq3A_2570 : vector<16xi32>
    %jit3A_2572 = arith.constant 3.000000e+08 : f32
    %broadcast_in_dim3A_2573 = vector.broadcast %jit3A_2572 : f32 to vector<16xf32>
    %select_n3A_2574 = arith.select %eq3A_2571, %broadcast_in_dim3A_2573, %abs3A_2568 : vector<16xi1>, vector<16xf32>
    %lt3A_2575 = arith.cmpf olt, %select_n3A_2574, %select_n3A_2561 : vector<16xf32>
    %select_n3A_2576 = arith.select %lt3A_2575, %select_n3A_2574, %select_n3A_2561 : vector<16xi1>, vector<16xf32>
    %jit3A_2577 = arith.constant 5 : i32
    %broadcast_in_dim3A_2578 = vector.broadcast %jit3A_2577 : i32 to vector<16xi32>
    %select_n3A_2579 = arith.select %lt3A_2575, %broadcast_in_dim3A_2578, %select_n3A_2564 : vector<16xi1>, vector<16xi32>
    %sub3A_2580 = arith.constant 1.74924183 : f32
    %sub3A_2581 = vector.broadcast %sub3A_2580 : f32 to vector<16xf32>
    %sub3A_2582 = arith.subf %get3A_1719, %sub3A_2581 : vector<16xf32>
    %abs3A_2583 = math.absf %sub3A_2582 : vector<16xf32>
    %eq3A_2584 = arith.constant 6 : i32
    %eq3A_2585 = vector.broadcast %eq3A_2584 : i32 to vector<16xi32>
    %eq3A_2586 = arith.cmpi eq, %add3A_1711, %eq3A_2585 : vector<16xi32>
    %jit3A_2587 = arith.constant 3.000000e+08 : f32
    %broadcast_in_dim3A_2588 = vector.broadcast %jit3A_2587 : f32 to vector<16xf32>
    %select_n3A_2589 = arith.select %eq3A_2586, %broadcast_in_dim3A_2588, %abs3A_2583 : vector<16xi1>, vector<16xf32>
    %lt3A_2590 = arith.cmpf olt, %select_n3A_2589, %select_n3A_2576 : vector<16xf32>
    %select_n3A_2591 = arith.select %lt3A_2590, %select_n3A_2589, %select_n3A_2576 : vector<16xi1>, vector<16xf32>
    %jit3A_2592 = arith.constant 6 : i32
    %broadcast_in_dim3A_2593 = vector.broadcast %jit3A_2592 : i32 to vector<16xi32>
    %select_n3A_2594 = arith.select %lt3A_2590, %broadcast_in_dim3A_2593, %select_n3A_2579 : vector<16xi1>, vector<16xi32>
    %sub3A_2595 = arith.constant 0.643526613 : f32
    %sub3A_2596 = vector.broadcast %sub3A_2595 : f32 to vector<16xf32>
    %sub3A_2597 = arith.subf %get3A_1719, %sub3A_2596 : vector<16xf32>
    %abs3A_2598 = math.absf %sub3A_2597 : vector<16xf32>
    %eq3A_2599 = arith.constant 7 : i32
    %eq3A_2600 = vector.broadcast %eq3A_2599 : i32 to vector<16xi32>
    %eq3A_2601 = arith.cmpi eq, %add3A_1711, %eq3A_2600 : vector<16xi32>
    %jit3A_2602 = arith.constant 3.000000e+08 : f32
    %broadcast_in_dim3A_2603 = vector.broadcast %jit3A_2602 : f32 to vector<16xf32>
    %select_n3A_2604 = arith.select %eq3A_2601, %broadcast_in_dim3A_2603, %abs3A_2598 : vector<16xi1>, vector<16xf32>
    %lt3A_2605 = arith.cmpf olt, %select_n3A_2604, %select_n3A_2591 : vector<16xf32>
    %select_n3A_2606 = arith.select %lt3A_2605, %select_n3A_2604, %select_n3A_2591 : vector<16xi1>, vector<16xf32>
    %jit3A_2607 = arith.constant 7 : i32
    %broadcast_in_dim3A_2608 = vector.broadcast %jit3A_2607 : i32 to vector<16xi32>
    %select_n3A_2609 = arith.select %lt3A_2605, %broadcast_in_dim3A_2608, %select_n3A_2594 : vector<16xi1>, vector<16xi32>
    %sub3A_2610 = arith.constant 0.566319287 : f32
    %sub3A_2611 = vector.broadcast %sub3A_2610 : f32 to vector<16xf32>
    %sub3A_2612 = arith.subf %get3A_1719, %sub3A_2611 : vector<16xf32>
    %abs3A_2613 = math.absf %sub3A_2612 : vector<16xf32>
    %eq3A_2614 = arith.constant 8 : i32
    %eq3A_2615 = vector.broadcast %eq3A_2614 : i32 to vector<16xi32>
    %eq3A_2616 = arith.cmpi eq, %add3A_1711, %eq3A_2615 : vector<16xi32>
    %jit3A_2617 = arith.constant 3.000000e+08 : f32
    %broadcast_in_dim3A_2618 = vector.broadcast %jit3A_2617 : f32 to vector<16xf32>
    %select_n3A_2619 = arith.select %eq3A_2616, %broadcast_in_dim3A_2618, %abs3A_2613 : vector<16xi1>, vector<16xf32>
    %lt3A_2620 = arith.cmpf olt, %select_n3A_2619, %select_n3A_2606 : vector<16xf32>
    %select_n3A_2621 = arith.select %lt3A_2620, %select_n3A_2619, %select_n3A_2606 : vector<16xi1>, vector<16xf32>
    %jit3A_2622 = arith.constant 8 : i32
    %broadcast_in_dim3A_2623 = vector.broadcast %jit3A_2622 : i32 to vector<16xi32>
    %select_n3A_2624 = arith.select %lt3A_2620, %broadcast_in_dim3A_2623, %select_n3A_2609 : vector<16xi1>, vector<16xi32>
    %sub3A_2625 = arith.constant 2.10629392 : f32
    %sub3A_2626 = vector.broadcast %sub3A_2625 : f32 to vector<16xf32>
    %sub3A_2627 = arith.subf %get3A_1719, %sub3A_2626 : vector<16xf32>
    %abs3A_2628 = math.absf %sub3A_2627 : vector<16xf32>
    %eq3A_2629 = arith.constant 9 : i32
    %eq3A_2630 = vector.broadcast %eq3A_2629 : i32 to vector<16xi32>
    %eq3A_2631 = arith.cmpi eq, %add3A_1711, %eq3A_2630 : vector<16xi32>
    %jit3A_2632 = arith.constant 3.000000e+08 : f32
    %broadcast_in_dim3A_2633 = vector.broadcast %jit3A_2632 : f32 to vector<16xf32>
    %select_n3A_2634 = arith.select %eq3A_2631, %broadcast_in_dim3A_2633, %abs3A_2628 : vector<16xi1>, vector<16xf32>
    %lt3A_2635 = arith.cmpf olt, %select_n3A_2634, %select_n3A_2621 : vector<16xf32>
    %select_n3A_2636 = arith.select %lt3A_2635, %select_n3A_2634, %select_n3A_2621 : vector<16xi1>, vector<16xf32>
    %jit3A_2637 = arith.constant 9 : i32
    %broadcast_in_dim3A_2638 = vector.broadcast %jit3A_2637 : i32 to vector<16xi32>
    %select_n3A_2639 = arith.select %lt3A_2635, %broadcast_in_dim3A_2638, %select_n3A_2624 : vector<16xi1>, vector<16xi32>
    %sub3A_2640 = arith.constant 1.41245306 : f32
    %sub3A_2641 = vector.broadcast %sub3A_2640 : f32 to vector<16xf32>
    %sub3A_2642 = arith.subf %get3A_1719, %sub3A_2641 : vector<16xf32>
    %abs3A_2643 = math.absf %sub3A_2642 : vector<16xf32>
    %eq3A_2644 = arith.constant 10 : i32
    %eq3A_2645 = vector.broadcast %eq3A_2644 : i32 to vector<16xi32>
    %eq3A_2646 = arith.cmpi eq, %add3A_1711, %eq3A_2645 : vector<16xi32>
    %jit3A_2647 = arith.constant 3.000000e+08 : f32
    %broadcast_in_dim3A_2648 = vector.broadcast %jit3A_2647 : f32 to vector<16xf32>
    %select_n3A_2649 = arith.select %eq3A_2646, %broadcast_in_dim3A_2648, %abs3A_2643 : vector<16xi1>, vector<16xf32>
    %lt3A_2650 = arith.cmpf olt, %select_n3A_2649, %select_n3A_2636 : vector<16xf32>
    %select_n3A_2651 = arith.select %lt3A_2650, %select_n3A_2649, %select_n3A_2636 : vector<16xi1>, vector<16xf32>
    %jit3A_2652 = arith.constant 10 : i32
    %broadcast_in_dim3A_2653 = vector.broadcast %jit3A_2652 : i32 to vector<16xi32>
    %select_n3A_2654 = arith.select %lt3A_2650, %broadcast_in_dim3A_2653, %select_n3A_2639 : vector<16xi1>, vector<16xi32>
    %sub3A_2655 = arith.constant 1.45515859 : f32
    %sub3A_2656 = vector.broadcast %sub3A_2655 : f32 to vector<16xf32>
    %sub3A_2657 = arith.subf %get3A_1719, %sub3A_2656 : vector<16xf32>
    %abs3A_2658 = math.absf %sub3A_2657 : vector<16xf32>
    %eq3A_2659 = arith.constant 11 : i32
    %eq3A_2660 = vector.broadcast %eq3A_2659 : i32 to vector<16xi32>
    %eq3A_2661 = arith.cmpi eq, %add3A_1711, %eq3A_2660 : vector<16xi32>
    %jit3A_2662 = arith.constant 3.000000e+08 : f32
    %broadcast_in_dim3A_2663 = vector.broadcast %jit3A_2662 : f32 to vector<16xf32>
    %select_n3A_2664 = arith.select %eq3A_2661, %broadcast_in_dim3A_2663, %abs3A_2658 : vector<16xi1>, vector<16xf32>
    %lt3A_2665 = arith.cmpf olt, %select_n3A_2664, %select_n3A_2651 : vector<16xf32>
    %select_n3A_2666 = arith.select %lt3A_2665, %select_n3A_2664, %select_n3A_2651 : vector<16xi1>, vector<16xf32>
    %jit3A_2667 = arith.constant 11 : i32
    %broadcast_in_dim3A_2668 = vector.broadcast %jit3A_2667 : i32 to vector<16xi32>
    %select_n3A_2669 = arith.select %lt3A_2665, %broadcast_in_dim3A_2668, %select_n3A_2654 : vector<16xi1>, vector<16xi32>
    %sub3A_2670 = arith.constant 0.303463161 : f32
    %sub3A_2671 = vector.broadcast %sub3A_2670 : f32 to vector<16xf32>
    %sub3A_2672 = arith.subf %get3A_1719, %sub3A_2671 : vector<16xf32>
    %abs3A_2673 = math.absf %sub3A_2672 : vector<16xf32>
    %eq3A_2674 = arith.constant 12 : i32
    %eq3A_2675 = vector.broadcast %eq3A_2674 : i32 to vector<16xi32>
    %eq3A_2676 = arith.cmpi eq, %add3A_1711, %eq3A_2675 : vector<16xi32>
    %jit3A_2677 = arith.constant 3.000000e+08 : f32
    %broadcast_in_dim3A_2678 = vector.broadcast %jit3A_2677 : f32 to vector<16xf32>
    %select_n3A_2679 = arith.select %eq3A_2676, %broadcast_in_dim3A_2678, %abs3A_2673 : vector<16xi1>, vector<16xf32>
    %lt3A_2680 = arith.cmpf olt, %select_n3A_2679, %select_n3A_2666 : vector<16xf32>
    %select_n3A_2681 = arith.select %lt3A_2680, %select_n3A_2679, %select_n3A_2666 : vector<16xi1>, vector<16xf32>
    %jit3A_2682 = arith.constant 12 : i32
    %broadcast_in_dim3A_2683 = vector.broadcast %jit3A_2682 : i32 to vector<16xi32>
    %select_n3A_2684 = arith.select %lt3A_2680, %broadcast_in_dim3A_2683, %select_n3A_2669 : vector<16xi1>, vector<16xi32>
    %sub3A_2685 = arith.constant 1.0805583 : f32
    %sub3A_2686 = vector.broadcast %sub3A_2685 : f32 to vector<16xf32>
    %sub3A_2687 = arith.subf %get3A_1719, %sub3A_2686 : vector<16xf32>
    %abs3A_2688 = math.absf %sub3A_2687 : vector<16xf32>
    %eq3A_2689 = arith.constant 13 : i32
    %eq3A_2690 = vector.broadcast %eq3A_2689 : i32 to vector<16xi32>
    %eq3A_2691 = arith.cmpi eq, %add3A_1711, %eq3A_2690 : vector<16xi32>
    %jit3A_2692 = arith.constant 3.000000e+08 : f32
    %broadcast_in_dim3A_2693 = vector.broadcast %jit3A_2692 : f32 to vector<16xf32>
    %select_n3A_2694 = arith.select %eq3A_2691, %broadcast_in_dim3A_2693, %abs3A_2688 : vector<16xi1>, vector<16xf32>
    %lt3A_2695 = arith.cmpf olt, %select_n3A_2694, %select_n3A_2681 : vector<16xf32>
    %select_n3A_2696 = arith.select %lt3A_2695, %select_n3A_2694, %select_n3A_2681 : vector<16xi1>, vector<16xf32>
    %jit3A_2697 = arith.constant 13 : i32
    %broadcast_in_dim3A_2698 = vector.broadcast %jit3A_2697 : i32 to vector<16xi32>
    %select_n3A_2699 = arith.select %lt3A_2695, %broadcast_in_dim3A_2698, %select_n3A_2684 : vector<16xi1>, vector<16xi32>
    %sub3A_2700 = arith.constant 0.0836733207 : f32
    %sub3A_2701 = vector.broadcast %sub3A_2700 : f32 to vector<16xf32>
    %sub3A_2702 = arith.subf %get3A_1719, %sub3A_2701 : vector<16xf32>
    %abs3A_2703 = math.absf %sub3A_2702 : vector<16xf32>
    %eq3A_2704 = arith.constant 14 : i32
    %eq3A_2705 = vector.broadcast %eq3A_2704 : i32 to vector<16xi32>
    %eq3A_2706 = arith.cmpi eq, %add3A_1711, %eq3A_2705 : vector<16xi32>
    %jit3A_2707 = arith.constant 3.000000e+08 : f32
    %broadcast_in_dim3A_2708 = vector.broadcast %jit3A_2707 : f32 to vector<16xf32>
    %select_n3A_2709 = arith.select %eq3A_2706, %broadcast_in_dim3A_2708, %abs3A_2703 : vector<16xi1>, vector<16xf32>
    %lt3A_2710 = arith.cmpf olt, %select_n3A_2709, %select_n3A_2696 : vector<16xf32>
    %select_n3A_2711 = arith.select %lt3A_2710, %select_n3A_2709, %select_n3A_2696 : vector<16xi1>, vector<16xf32>
    %jit3A_2712 = arith.constant 14 : i32
    %broadcast_in_dim3A_2713 = vector.broadcast %jit3A_2712 : i32 to vector<16xi32>
    %select_n3A_2714 = arith.select %lt3A_2710, %broadcast_in_dim3A_2713, %select_n3A_2699 : vector<16xi1>, vector<16xi32>
    %sub3A_2715 = arith.constant 0.712279617 : f32
    %sub3A_2716 = vector.broadcast %sub3A_2715 : f32 to vector<16xf32>
    %sub3A_2717 = arith.subf %get3A_1719, %sub3A_2716 : vector<16xf32>
    %abs3A_2718 = math.absf %sub3A_2717 : vector<16xf32>
    %eq3A_2719 = arith.constant 15 : i32
    %eq3A_2720 = vector.broadcast %eq3A_2719 : i32 to vector<16xi32>
    %eq3A_2721 = arith.cmpi eq, %add3A_1711, %eq3A_2720 : vector<16xi32>
    %jit3A_2722 = arith.constant 3.000000e+08 : f32
    %broadcast_in_dim3A_2723 = vector.broadcast %jit3A_2722 : f32 to vector<16xf32>
    %select_n3A_2724 = arith.select %eq3A_2721, %broadcast_in_dim3A_2723, %abs3A_2718 : vector<16xi1>, vector<16xf32>
    %lt3A_2725 = arith.cmpf olt, %select_n3A_2724, %select_n3A_2711 : vector<16xf32>
    %select_n3A_2726 = arith.select %lt3A_2725, %select_n3A_2724, %select_n3A_2711 : vector<16xi1>, vector<16xf32>
    %jit3A_2727 = arith.constant 15 : i32
    %broadcast_in_dim3A_2728 = vector.broadcast %jit3A_2727 : i32 to vector<16xi32>
    %select_n3A_2729 = arith.select %lt3A_2725, %broadcast_in_dim3A_2728, %select_n3A_2714 : vector<16xi1>, vector<16xi32>
    %sub3A_2730 = arith.constant 1.67667174 : f32
    %sub3A_2731 = vector.broadcast %sub3A_2730 : f32 to vector<16xf32>
    %sub3A_2732 = arith.subf %get3A_1719, %sub3A_2731 : vector<16xf32>
    %abs3A_2733 = math.absf %sub3A_2732 : vector<16xf32>
    %eq3A_2734 = arith.constant 16 : i32
    %eq3A_2735 = vector.broadcast %eq3A_2734 : i32 to vector<16xi32>
    %eq3A_2736 = arith.cmpi eq, %add3A_1711, %eq3A_2735 : vector<16xi32>
    %jit3A_2737 = arith.constant 3.000000e+08 : f32
    %broadcast_in_dim3A_2738 = vector.broadcast %jit3A_2737 : f32 to vector<16xf32>
    %select_n3A_2739 = arith.select %eq3A_2736, %broadcast_in_dim3A_2738, %abs3A_2733 : vector<16xi1>, vector<16xf32>
    %lt3A_2740 = arith.cmpf olt, %select_n3A_2739, %select_n3A_2726 : vector<16xf32>
    %select_n3A_2741 = arith.select %lt3A_2740, %select_n3A_2739, %select_n3A_2726 : vector<16xi1>, vector<16xf32>
    %jit3A_2742 = arith.constant 16 : i32
    %broadcast_in_dim3A_2743 = vector.broadcast %jit3A_2742 : i32 to vector<16xi32>
    %select_n3A_2744 = arith.select %lt3A_2740, %broadcast_in_dim3A_2743, %select_n3A_2729 : vector<16xi1>, vector<16xi32>
    %sub3A_2745 = arith.constant 0.609653472 : f32
    %sub3A_2746 = vector.broadcast %sub3A_2745 : f32 to vector<16xf32>
    %sub3A_2747 = arith.subf %get3A_1719, %sub3A_2746 : vector<16xf32>
    %abs3A_2748 = math.absf %sub3A_2747 : vector<16xf32>
    %eq3A_2749 = arith.constant 17 : i32
    %eq3A_2750 = vector.broadcast %eq3A_2749 : i32 to vector<16xi32>
    %eq3A_2751 = arith.cmpi eq, %add3A_1711, %eq3A_2750 : vector<16xi32>
    %jit3A_2752 = arith.constant 3.000000e+08 : f32
    %broadcast_in_dim3A_2753 = vector.broadcast %jit3A_2752 : f32 to vector<16xf32>
    %select_n3A_2754 = arith.select %eq3A_2751, %broadcast_in_dim3A_2753, %abs3A_2748 : vector<16xi1>, vector<16xf32>
    %lt3A_2755 = arith.cmpf olt, %select_n3A_2754, %select_n3A_2741 : vector<16xf32>
    %select_n3A_2756 = arith.select %lt3A_2755, %select_n3A_2754, %select_n3A_2741 : vector<16xi1>, vector<16xf32>
    %jit3A_2757 = arith.constant 17 : i32
    %broadcast_in_dim3A_2758 = vector.broadcast %jit3A_2757 : i32 to vector<16xi32>
    %select_n3A_2759 = arith.select %lt3A_2755, %broadcast_in_dim3A_2758, %select_n3A_2744 : vector<16xi1>, vector<16xi32>
    %sub3A_2760 = arith.constant 1.705006 : f32
    %sub3A_2761 = vector.broadcast %sub3A_2760 : f32 to vector<16xf32>
    %sub3A_2762 = arith.subf %get3A_1719, %sub3A_2761 : vector<16xf32>
    %abs3A_2763 = math.absf %sub3A_2762 : vector<16xf32>
    %eq3A_2764 = arith.constant 18 : i32
    %eq3A_2765 = vector.broadcast %eq3A_2764 : i32 to vector<16xi32>
    %eq3A_2766 = arith.cmpi eq, %add3A_1711, %eq3A_2765 : vector<16xi32>
    %jit3A_2767 = arith.constant 3.000000e+08 : f32
    %broadcast_in_dim3A_2768 = vector.broadcast %jit3A_2767 : f32 to vector<16xf32>
    %select_n3A_2769 = arith.select %eq3A_2766, %broadcast_in_dim3A_2768, %abs3A_2763 : vector<16xi1>, vector<16xf32>
    %lt3A_2770 = arith.cmpf olt, %select_n3A_2769, %select_n3A_2756 : vector<16xf32>
    %select_n3A_2771 = arith.select %lt3A_2770, %select_n3A_2769, %select_n3A_2756 : vector<16xi1>, vector<16xf32>
    %jit3A_2772 = arith.constant 18 : i32
    %broadcast_in_dim3A_2773 = vector.broadcast %jit3A_2772 : i32 to vector<16xi32>
    %select_n3A_2774 = arith.select %lt3A_2770, %broadcast_in_dim3A_2773, %select_n3A_2759 : vector<16xi1>, vector<16xi32>
    %sub3A_2775 = arith.constant 2.5404861 : f32
    %sub3A_2776 = vector.broadcast %sub3A_2775 : f32 to vector<16xf32>
    %sub3A_2777 = arith.subf %get3A_1719, %sub3A_2776 : vector<16xf32>
    %abs3A_2778 = math.absf %sub3A_2777 : vector<16xf32>
    %eq3A_2779 = arith.constant 19 : i32
    %eq3A_2780 = vector.broadcast %eq3A_2779 : i32 to vector<16xi32>
    %eq3A_2781 = arith.cmpi eq, %add3A_1711, %eq3A_2780 : vector<16xi32>
    %jit3A_2782 = arith.constant 3.000000e+08 : f32
    %broadcast_in_dim3A_2783 = vector.broadcast %jit3A_2782 : f32 to vector<16xf32>
    %select_n3A_2784 = arith.select %eq3A_2781, %broadcast_in_dim3A_2783, %abs3A_2778 : vector<16xi1>, vector<16xf32>
    %lt3A_2785 = arith.cmpf olt, %select_n3A_2784, %select_n3A_2771 : vector<16xf32>
    %select_n3A_2786 = arith.select %lt3A_2785, %select_n3A_2784, %select_n3A_2771 : vector<16xi1>, vector<16xf32>
    %jit3A_2787 = arith.constant 19 : i32
    %broadcast_in_dim3A_2788 = vector.broadcast %jit3A_2787 : i32 to vector<16xi32>
    %select_n3A_2789 = arith.select %lt3A_2785, %broadcast_in_dim3A_2788, %select_n3A_2774 : vector<16xi1>, vector<16xi32>
    %sub3A_2790 = arith.constant 2.52263522 : f32
    %sub3A_2791 = vector.broadcast %sub3A_2790 : f32 to vector<16xf32>
    %sub3A_2792 = arith.subf %get3A_1719, %sub3A_2791 : vector<16xf32>
    %abs3A_2793 = math.absf %sub3A_2792 : vector<16xf32>
    %eq3A_2794 = arith.constant 20 : i32
    %eq3A_2795 = vector.broadcast %eq3A_2794 : i32 to vector<16xi32>
    %eq3A_2796 = arith.cmpi eq, %add3A_1711, %eq3A_2795 : vector<16xi32>
    %jit3A_2797 = arith.constant 3.000000e+08 : f32
    %broadcast_in_dim3A_2798 = vector.broadcast %jit3A_2797 : f32 to vector<16xf32>
    %select_n3A_2799 = arith.select %eq3A_2796, %broadcast_in_dim3A_2798, %abs3A_2793 : vector<16xi1>, vector<16xf32>
    %lt3A_2800 = arith.cmpf olt, %select_n3A_2799, %select_n3A_2786 : vector<16xf32>
    %select_n3A_2801 = arith.select %lt3A_2800, %select_n3A_2799, %select_n3A_2786 : vector<16xi1>, vector<16xf32>
    %jit3A_2802 = arith.constant 20 : i32
    %broadcast_in_dim3A_2803 = vector.broadcast %jit3A_2802 : i32 to vector<16xi32>
    %select_n3A_2804 = arith.select %lt3A_2800, %broadcast_in_dim3A_2803, %select_n3A_2789 : vector<16xi1>, vector<16xi32>
    %sub3A_2805 = arith.constant 1.31401598 : f32
    %sub3A_2806 = vector.broadcast %sub3A_2805 : f32 to vector<16xf32>
    %sub3A_2807 = arith.subf %get3A_1719, %sub3A_2806 : vector<16xf32>
    %abs3A_2808 = math.absf %sub3A_2807 : vector<16xf32>
    %eq3A_2809 = arith.constant 21 : i32
    %eq3A_2810 = vector.broadcast %eq3A_2809 : i32 to vector<16xi32>
    %eq3A_2811 = arith.cmpi eq, %add3A_1711, %eq3A_2810 : vector<16xi32>
    %jit3A_2812 = arith.constant 3.000000e+08 : f32
    %broadcast_in_dim3A_2813 = vector.broadcast %jit3A_2812 : f32 to vector<16xf32>
    %select_n3A_2814 = arith.select %eq3A_2811, %broadcast_in_dim3A_2813, %abs3A_2808 : vector<16xi1>, vector<16xf32>
    %lt3A_2815 = arith.cmpf olt, %select_n3A_2814, %select_n3A_2801 : vector<16xf32>
    %select_n3A_2816 = arith.select %lt3A_2815, %select_n3A_2814, %select_n3A_2801 : vector<16xi1>, vector<16xf32>
    %jit3A_2817 = arith.constant 21 : i32
    %broadcast_in_dim3A_2818 = vector.broadcast %jit3A_2817 : i32 to vector<16xi32>
    %select_n3A_2819 = arith.select %lt3A_2815, %broadcast_in_dim3A_2818, %select_n3A_2804 : vector<16xi1>, vector<16xi32>
    %sub3A_2820 = arith.constant 2.09118152 : f32
    %sub3A_2821 = vector.broadcast %sub3A_2820 : f32 to vector<16xf32>
    %sub3A_2822 = arith.subf %get3A_1719, %sub3A_2821 : vector<16xf32>
    %abs3A_2823 = math.absf %sub3A_2822 : vector<16xf32>
    %eq3A_2824 = arith.constant 22 : i32
    %eq3A_2825 = vector.broadcast %eq3A_2824 : i32 to vector<16xi32>
    %eq3A_2826 = arith.cmpi eq, %add3A_1711, %eq3A_2825 : vector<16xi32>
    %jit3A_2827 = arith.constant 3.000000e+08 : f32
    %broadcast_in_dim3A_2828 = vector.broadcast %jit3A_2827 : f32 to vector<16xf32>
    %select_n3A_2829 = arith.select %eq3A_2826, %broadcast_in_dim3A_2828, %abs3A_2823 : vector<16xi1>, vector<16xf32>
    %lt3A_2830 = arith.cmpf olt, %select_n3A_2829, %select_n3A_2816 : vector<16xf32>
    %select_n3A_2831 = arith.select %lt3A_2830, %select_n3A_2829, %select_n3A_2816 : vector<16xi1>, vector<16xf32>
    %jit3A_2832 = arith.constant 22 : i32
    %broadcast_in_dim3A_2833 = vector.broadcast %jit3A_2832 : i32 to vector<16xi32>
    %select_n3A_2834 = arith.select %lt3A_2830, %broadcast_in_dim3A_2833, %select_n3A_2819 : vector<16xi1>, vector<16xi32>
    %sub3A_2835 = arith.constant 2.72842574 : f32
    %sub3A_2836 = vector.broadcast %sub3A_2835 : f32 to vector<16xf32>
    %sub3A_2837 = arith.subf %get3A_1719, %sub3A_2836 : vector<16xf32>
    %abs3A_2838 = math.absf %sub3A_2837 : vector<16xf32>
    %eq3A_2839 = arith.constant 23 : i32
    %eq3A_2840 = vector.broadcast %eq3A_2839 : i32 to vector<16xi32>
    %eq3A_2841 = arith.cmpi eq, %add3A_1711, %eq3A_2840 : vector<16xi32>
    %jit3A_2842 = arith.constant 3.000000e+08 : f32
    %broadcast_in_dim3A_2843 = vector.broadcast %jit3A_2842 : f32 to vector<16xf32>
    %select_n3A_2844 = arith.select %eq3A_2841, %broadcast_in_dim3A_2843, %abs3A_2838 : vector<16xi1>, vector<16xf32>
    %lt3A_2845 = arith.cmpf olt, %select_n3A_2844, %select_n3A_2831 : vector<16xf32>
    %select_n3A_2846 = arith.select %lt3A_2845, %select_n3A_2844, %select_n3A_2831 : vector<16xi1>, vector<16xf32>
    %jit3A_2847 = arith.constant 23 : i32
    %broadcast_in_dim3A_2848 = vector.broadcast %jit3A_2847 : i32 to vector<16xi32>
    %select_n3A_2849 = arith.select %lt3A_2845, %broadcast_in_dim3A_2848, %select_n3A_2834 : vector<16xi1>, vector<16xi32>
    %sub3A_2850 = arith.constant 0.989088237 : f32
    %sub3A_2851 = vector.broadcast %sub3A_2850 : f32 to vector<16xf32>
    %sub3A_2852 = arith.subf %get3A_1719, %sub3A_2851 : vector<16xf32>
    %abs3A_2853 = math.absf %sub3A_2852 : vector<16xf32>
    %eq3A_2854 = arith.constant 24 : i32
    %eq3A_2855 = vector.broadcast %eq3A_2854 : i32 to vector<16xi32>
    %eq3A_2856 = arith.cmpi eq, %add3A_1711, %eq3A_2855 : vector<16xi32>
    %jit3A_2857 = arith.constant 3.000000e+08 : f32
    %broadcast_in_dim3A_2858 = vector.broadcast %jit3A_2857 : f32 to vector<16xf32>
    %select_n3A_2859 = arith.select %eq3A_2856, %broadcast_in_dim3A_2858, %abs3A_2853 : vector<16xi1>, vector<16xf32>
    %lt3A_2860 = arith.cmpf olt, %select_n3A_2859, %select_n3A_2846 : vector<16xf32>
    %select_n3A_2861 = arith.select %lt3A_2860, %select_n3A_2859, %select_n3A_2846 : vector<16xi1>, vector<16xf32>
    %jit3A_2862 = arith.constant 24 : i32
    %broadcast_in_dim3A_2863 = vector.broadcast %jit3A_2862 : i32 to vector<16xi32>
    %select_n3A_2864 = arith.select %lt3A_2860, %broadcast_in_dim3A_2863, %select_n3A_2849 : vector<16xi1>, vector<16xi32>
    %sub3A_2865 = arith.constant 0.556705892 : f32
    %sub3A_2866 = vector.broadcast %sub3A_2865 : f32 to vector<16xf32>
    %sub3A_2867 = arith.subf %get3A_1719, %sub3A_2866 : vector<16xf32>
    %abs3A_2868 = math.absf %sub3A_2867 : vector<16xf32>
    %eq3A_2869 = arith.constant 25 : i32
    %eq3A_2870 = vector.broadcast %eq3A_2869 : i32 to vector<16xi32>
    %eq3A_2871 = arith.cmpi eq, %add3A_1711, %eq3A_2870 : vector<16xi32>
    %jit3A_2872 = arith.constant 3.000000e+08 : f32
    %broadcast_in_dim3A_2873 = vector.broadcast %jit3A_2872 : f32 to vector<16xf32>
    %select_n3A_2874 = arith.select %eq3A_2871, %broadcast_in_dim3A_2873, %abs3A_2868 : vector<16xi1>, vector<16xf32>
    %lt3A_2875 = arith.cmpf olt, %select_n3A_2874, %select_n3A_2861 : vector<16xf32>
    %select_n3A_2876 = arith.select %lt3A_2875, %select_n3A_2874, %select_n3A_2861 : vector<16xi1>, vector<16xf32>
    %jit3A_2877 = arith.constant 25 : i32
    %broadcast_in_dim3A_2878 = vector.broadcast %jit3A_2877 : i32 to vector<16xi32>
    %select_n3A_2879 = arith.select %lt3A_2875, %broadcast_in_dim3A_2878, %select_n3A_2864 : vector<16xi1>, vector<16xi32>
    %sub3A_2880 = arith.constant 0.699081659 : f32
    %sub3A_2881 = vector.broadcast %sub3A_2880 : f32 to vector<16xf32>
    %sub3A_2882 = arith.subf %get3A_1719, %sub3A_2881 : vector<16xf32>
    %abs3A_2883 = math.absf %sub3A_2882 : vector<16xf32>
    %eq3A_2884 = arith.constant 26 : i32
    %eq3A_2885 = vector.broadcast %eq3A_2884 : i32 to vector<16xi32>
    %eq3A_2886 = arith.cmpi eq, %add3A_1711, %eq3A_2885 : vector<16xi32>
    %jit3A_2887 = arith.constant 3.000000e+08 : f32
    %broadcast_in_dim3A_2888 = vector.broadcast %jit3A_2887 : f32 to vector<16xf32>
    %select_n3A_2889 = arith.select %eq3A_2886, %broadcast_in_dim3A_2888, %abs3A_2883 : vector<16xi1>, vector<16xf32>
    %lt3A_2890 = arith.cmpf olt, %select_n3A_2889, %select_n3A_2876 : vector<16xf32>
    %select_n3A_2891 = arith.select %lt3A_2890, %select_n3A_2889, %select_n3A_2876 : vector<16xi1>, vector<16xf32>
    %jit3A_2892 = arith.constant 26 : i32
    %broadcast_in_dim3A_2893 = vector.broadcast %jit3A_2892 : i32 to vector<16xi32>
    %select_n3A_2894 = arith.select %lt3A_2890, %broadcast_in_dim3A_2893, %select_n3A_2879 : vector<16xi1>, vector<16xi32>
    %sub3A_2895 = arith.constant 2.50052118 : f32
    %sub3A_2896 = vector.broadcast %sub3A_2895 : f32 to vector<16xf32>
    %sub3A_2897 = arith.subf %get3A_1719, %sub3A_2896 : vector<16xf32>
    %abs3A_2898 = math.absf %sub3A_2897 : vector<16xf32>
    %eq3A_2899 = arith.constant 27 : i32
    %eq3A_2900 = vector.broadcast %eq3A_2899 : i32 to vector<16xi32>
    %eq3A_2901 = arith.cmpi eq, %add3A_1711, %eq3A_2900 : vector<16xi32>
    %jit3A_2902 = arith.constant 3.000000e+08 : f32
    %broadcast_in_dim3A_2903 = vector.broadcast %jit3A_2902 : f32 to vector<16xf32>
    %select_n3A_2904 = arith.select %eq3A_2901, %broadcast_in_dim3A_2903, %abs3A_2898 : vector<16xi1>, vector<16xf32>
    %lt3A_2905 = arith.cmpf olt, %select_n3A_2904, %select_n3A_2891 : vector<16xf32>
    %select_n3A_2906 = arith.select %lt3A_2905, %select_n3A_2904, %select_n3A_2891 : vector<16xi1>, vector<16xf32>
    %jit3A_2907 = arith.constant 27 : i32
    %broadcast_in_dim3A_2908 = vector.broadcast %jit3A_2907 : i32 to vector<16xi32>
    %select_n3A_2909 = arith.select %lt3A_2905, %broadcast_in_dim3A_2908, %select_n3A_2894 : vector<16xi1>, vector<16xi32>
    %sub3A_2910 = arith.constant 0.0317432061 : f32
    %sub3A_2911 = vector.broadcast %sub3A_2910 : f32 to vector<16xf32>
    %sub3A_2912 = arith.subf %get3A_1719, %sub3A_2911 : vector<16xf32>
    %abs3A_2913 = math.absf %sub3A_2912 : vector<16xf32>
    %eq3A_2914 = arith.constant 28 : i32
    %eq3A_2915 = vector.broadcast %eq3A_2914 : i32 to vector<16xi32>
    %eq3A_2916 = arith.cmpi eq, %add3A_1711, %eq3A_2915 : vector<16xi32>
    %jit3A_2917 = arith.constant 3.000000e+08 : f32
    %broadcast_in_dim3A_2918 = vector.broadcast %jit3A_2917 : f32 to vector<16xf32>
    %select_n3A_2919 = arith.select %eq3A_2916, %broadcast_in_dim3A_2918, %abs3A_2913 : vector<16xi1>, vector<16xf32>
    %lt3A_2920 = arith.cmpf olt, %select_n3A_2919, %select_n3A_2906 : vector<16xf32>
    %select_n3A_2921 = arith.select %lt3A_2920, %select_n3A_2919, %select_n3A_2906 : vector<16xi1>, vector<16xf32>
    %jit3A_2922 = arith.constant 28 : i32
    %broadcast_in_dim3A_2923 = vector.broadcast %jit3A_2922 : i32 to vector<16xi32>
    %select_n3A_2924 = arith.select %lt3A_2920, %broadcast_in_dim3A_2923, %select_n3A_2909 : vector<16xi1>, vector<16xi32>
    %sub3A_2925 = arith.constant 0.768091857 : f32
    %sub3A_2926 = vector.broadcast %sub3A_2925 : f32 to vector<16xf32>
    %sub3A_2927 = arith.subf %get3A_1719, %sub3A_2926 : vector<16xf32>
    %abs3A_2928 = math.absf %sub3A_2927 : vector<16xf32>
    %eq3A_2929 = arith.constant 29 : i32
    %eq3A_2930 = vector.broadcast %eq3A_2929 : i32 to vector<16xi32>
    %eq3A_2931 = arith.cmpi eq, %add3A_1711, %eq3A_2930 : vector<16xi32>
    %jit3A_2932 = arith.constant 3.000000e+08 : f32
    %broadcast_in_dim3A_2933 = vector.broadcast %jit3A_2932 : f32 to vector<16xf32>
    %select_n3A_2934 = arith.select %eq3A_2931, %broadcast_in_dim3A_2933, %abs3A_2928 : vector<16xi1>, vector<16xf32>
    %lt3A_2935 = arith.cmpf olt, %select_n3A_2934, %select_n3A_2921 : vector<16xf32>
    %select_n3A_2936 = arith.select %lt3A_2935, %select_n3A_2934, %select_n3A_2921 : vector<16xi1>, vector<16xf32>
    %jit3A_2937 = arith.constant 29 : i32
    %broadcast_in_dim3A_2938 = vector.broadcast %jit3A_2937 : i32 to vector<16xi32>
    %select_n3A_2939 = arith.select %lt3A_2935, %broadcast_in_dim3A_2938, %select_n3A_2924 : vector<16xi1>, vector<16xi32>
    %sub3A_2940 = arith.constant 0.512412369 : f32
    %sub3A_2941 = vector.broadcast %sub3A_2940 : f32 to vector<16xf32>
    %sub3A_2942 = arith.subf %get3A_1719, %sub3A_2941 : vector<16xf32>
    %abs3A_2943 = math.absf %sub3A_2942 : vector<16xf32>
    %eq3A_2944 = arith.constant 30 : i32
    %eq3A_2945 = vector.broadcast %eq3A_2944 : i32 to vector<16xi32>
    %eq3A_2946 = arith.cmpi eq, %add3A_1711, %eq3A_2945 : vector<16xi32>
    %jit3A_2947 = arith.constant 3.000000e+08 : f32
    %broadcast_in_dim3A_2948 = vector.broadcast %jit3A_2947 : f32 to vector<16xf32>
    %select_n3A_2949 = arith.select %eq3A_2946, %broadcast_in_dim3A_2948, %abs3A_2943 : vector<16xi1>, vector<16xf32>
    %lt3A_2950 = arith.cmpf olt, %select_n3A_2949, %select_n3A_2936 : vector<16xf32>
    %select_n3A_2951 = arith.select %lt3A_2950, %select_n3A_2949, %select_n3A_2936 : vector<16xi1>, vector<16xf32>
    %jit3A_2952 = arith.constant 30 : i32
    %broadcast_in_dim3A_2953 = vector.broadcast %jit3A_2952 : i32 to vector<16xi32>
    %select_n3A_2954 = arith.select %lt3A_2950, %broadcast_in_dim3A_2953, %select_n3A_2939 : vector<16xi1>, vector<16xi32>
    %sub3A_2955 = arith.constant 0.0462428704 : f32
    %sub3A_2956 = vector.broadcast %sub3A_2955 : f32 to vector<16xf32>
    %sub3A_2957 = arith.subf %get3A_1719, %sub3A_2956 : vector<16xf32>
    %abs3A_2958 = math.absf %sub3A_2957 : vector<16xf32>
    %eq3A_2959 = arith.constant 31 : i32
    %eq3A_2960 = vector.broadcast %eq3A_2959 : i32 to vector<16xi32>
    %eq3A_2961 = arith.cmpi eq, %add3A_1711, %eq3A_2960 : vector<16xi32>
    %jit3A_2962 = arith.constant 3.000000e+08 : f32
    %broadcast_in_dim3A_2963 = vector.broadcast %jit3A_2962 : f32 to vector<16xf32>
    %select_n3A_2964 = arith.select %eq3A_2961, %broadcast_in_dim3A_2963, %abs3A_2958 : vector<16xi1>, vector<16xf32>
    %lt3A_2965 = arith.cmpf olt, %select_n3A_2964, %select_n3A_2951 : vector<16xf32>
    %select_n3A_2966 = arith.select %lt3A_2965, %select_n3A_2964, %select_n3A_2951 : vector<16xi1>, vector<16xf32>
    %jit3A_2967 = arith.constant 31 : i32
    %broadcast_in_dim3A_2968 = vector.broadcast %jit3A_2967 : i32 to vector<16xi32>
    %select_n3A_2969 = arith.select %lt3A_2965, %broadcast_in_dim3A_2968, %select_n3A_2954 : vector<16xi1>, vector<16xi32>
    %sub3A_2970 = arith.constant 0.796836316 : f32
    %sub3A_2971 = vector.broadcast %sub3A_2970 : f32 to vector<16xf32>
    %sub3A_2972 = arith.subf %get3A_1719, %sub3A_2971 : vector<16xf32>
    %abs3A_2973 = math.absf %sub3A_2972 : vector<16xf32>
    %eq3A_2974 = arith.constant 32 : i32
    %eq3A_2975 = vector.broadcast %eq3A_2974 : i32 to vector<16xi32>
    %eq3A_2976 = arith.cmpi eq, %add3A_1711, %eq3A_2975 : vector<16xi32>
    %jit3A_2977 = arith.constant 3.000000e+08 : f32
    %broadcast_in_dim3A_2978 = vector.broadcast %jit3A_2977 : f32 to vector<16xf32>
    %select_n3A_2979 = arith.select %eq3A_2976, %broadcast_in_dim3A_2978, %abs3A_2973 : vector<16xi1>, vector<16xf32>
    %lt3A_2980 = arith.cmpf olt, %select_n3A_2979, %select_n3A_2966 : vector<16xf32>
    %select_n3A_2981 = arith.select %lt3A_2980, %select_n3A_2979, %select_n3A_2966 : vector<16xi1>, vector<16xf32>
    %jit3A_2982 = arith.constant 32 : i32
    %broadcast_in_dim3A_2983 = vector.broadcast %jit3A_2982 : i32 to vector<16xi32>
    %select_n3A_2984 = arith.select %lt3A_2980, %broadcast_in_dim3A_2983, %select_n3A_2969 : vector<16xi1>, vector<16xi32>
    %sub3A_2985 = arith.constant 2.48184943 : f32
    %sub3A_2986 = vector.broadcast %sub3A_2985 : f32 to vector<16xf32>
    %sub3A_2987 = arith.subf %get3A_1719, %sub3A_2986 : vector<16xf32>
    %abs3A_2988 = math.absf %sub3A_2987 : vector<16xf32>
    %eq3A_2989 = arith.constant 33 : i32
    %eq3A_2990 = vector.broadcast %eq3A_2989 : i32 to vector<16xi32>
    %eq3A_2991 = arith.cmpi eq, %add3A_1711, %eq3A_2990 : vector<16xi32>
    %jit3A_2992 = arith.constant 3.000000e+08 : f32
    %broadcast_in_dim3A_2993 = vector.broadcast %jit3A_2992 : f32 to vector<16xf32>
    %select_n3A_2994 = arith.select %eq3A_2991, %broadcast_in_dim3A_2993, %abs3A_2988 : vector<16xi1>, vector<16xf32>
    %lt3A_2995 = arith.cmpf olt, %select_n3A_2994, %select_n3A_2981 : vector<16xf32>
    %select_n3A_2996 = arith.select %lt3A_2995, %select_n3A_2994, %select_n3A_2981 : vector<16xi1>, vector<16xf32>
    %jit3A_2997 = arith.constant 33 : i32
    %broadcast_in_dim3A_2998 = vector.broadcast %jit3A_2997 : i32 to vector<16xi32>
    %select_n3A_2999 = arith.select %lt3A_2995, %broadcast_in_dim3A_2998, %select_n3A_2984 : vector<16xi1>, vector<16xi32>
    %sub3A_3000 = arith.constant 2.50373864 : f32
    %sub3A_3001 = vector.broadcast %sub3A_3000 : f32 to vector<16xf32>
    %sub3A_3002 = arith.subf %get3A_1719, %sub3A_3001 : vector<16xf32>
    %abs3A_3003 = math.absf %sub3A_3002 : vector<16xf32>
    %eq3A_3004 = arith.constant 34 : i32
    %eq3A_3005 = vector.broadcast %eq3A_3004 : i32 to vector<16xi32>
    %eq3A_3006 = arith.cmpi eq, %add3A_1711, %eq3A_3005 : vector<16xi32>
    %jit3A_3007 = arith.constant 3.000000e+08 : f32
    %broadcast_in_dim3A_3008 = vector.broadcast %jit3A_3007 : f32 to vector<16xf32>
    %select_n3A_3009 = arith.select %eq3A_3006, %broadcast_in_dim3A_3008, %abs3A_3003 : vector<16xi1>, vector<16xf32>
    %lt3A_3010 = arith.cmpf olt, %select_n3A_3009, %select_n3A_2996 : vector<16xf32>
    %select_n3A_3011 = arith.select %lt3A_3010, %select_n3A_3009, %select_n3A_2996 : vector<16xi1>, vector<16xf32>
    %jit3A_3012 = arith.constant 34 : i32
    %broadcast_in_dim3A_3013 = vector.broadcast %jit3A_3012 : i32 to vector<16xi32>
    %select_n3A_3014 = arith.select %lt3A_3010, %broadcast_in_dim3A_3013, %select_n3A_2999 : vector<16xi1>, vector<16xi32>
    %sub3A_3015 = arith.constant 2.6062541 : f32
    %sub3A_3016 = vector.broadcast %sub3A_3015 : f32 to vector<16xf32>
    %sub3A_3017 = arith.subf %get3A_1719, %sub3A_3016 : vector<16xf32>
    %abs3A_3018 = math.absf %sub3A_3017 : vector<16xf32>
    %eq3A_3019 = arith.constant 35 : i32
    %eq3A_3020 = vector.broadcast %eq3A_3019 : i32 to vector<16xi32>
    %eq3A_3021 = arith.cmpi eq, %add3A_1711, %eq3A_3020 : vector<16xi32>
    %jit3A_3022 = arith.constant 3.000000e+08 : f32
    %broadcast_in_dim3A_3023 = vector.broadcast %jit3A_3022 : f32 to vector<16xf32>
    %select_n3A_3024 = arith.select %eq3A_3021, %broadcast_in_dim3A_3023, %abs3A_3018 : vector<16xi1>, vector<16xf32>
    %lt3A_3025 = arith.cmpf olt, %select_n3A_3024, %select_n3A_3011 : vector<16xf32>
    %select_n3A_3026 = arith.select %lt3A_3025, %select_n3A_3024, %select_n3A_3011 : vector<16xi1>, vector<16xf32>
    %jit3A_3027 = arith.constant 35 : i32
    %broadcast_in_dim3A_3028 = vector.broadcast %jit3A_3027 : i32 to vector<16xi32>
    %select_n3A_3029 = arith.select %lt3A_3025, %broadcast_in_dim3A_3028, %select_n3A_3014 : vector<16xi1>, vector<16xi32>
    %sub3A_3030 = arith.constant 2.97994471 : f32
    %sub3A_3031 = vector.broadcast %sub3A_3030 : f32 to vector<16xf32>
    %sub3A_3032 = arith.subf %get3A_1719, %sub3A_3031 : vector<16xf32>
    %abs3A_3033 = math.absf %sub3A_3032 : vector<16xf32>
    %eq3A_3034 = arith.constant 36 : i32
    %eq3A_3035 = vector.broadcast %eq3A_3034 : i32 to vector<16xi32>
    %eq3A_3036 = arith.cmpi eq, %add3A_1711, %eq3A_3035 : vector<16xi32>
    %jit3A_3037 = arith.constant 3.000000e+08 : f32
    %broadcast_in_dim3A_3038 = vector.broadcast %jit3A_3037 : f32 to vector<16xf32>
    %select_n3A_3039 = arith.select %eq3A_3036, %broadcast_in_dim3A_3038, %abs3A_3033 : vector<16xi1>, vector<16xf32>
    %lt3A_3040 = arith.cmpf olt, %select_n3A_3039, %select_n3A_3026 : vector<16xf32>
    %select_n3A_3041 = arith.select %lt3A_3040, %select_n3A_3039, %select_n3A_3026 : vector<16xi1>, vector<16xf32>
    %jit3A_3042 = arith.constant 36 : i32
    %broadcast_in_dim3A_3043 = vector.broadcast %jit3A_3042 : i32 to vector<16xi32>
    %select_n3A_3044 = arith.select %lt3A_3040, %broadcast_in_dim3A_3043, %select_n3A_3029 : vector<16xi1>, vector<16xi32>
    %sub3A_3045 = arith.constant 0.15014255 : f32
    %sub3A_3046 = vector.broadcast %sub3A_3045 : f32 to vector<16xf32>
    %sub3A_3047 = arith.subf %get3A_1719, %sub3A_3046 : vector<16xf32>
    %abs3A_3048 = math.absf %sub3A_3047 : vector<16xf32>
    %eq3A_3049 = arith.constant 37 : i32
    %eq3A_3050 = vector.broadcast %eq3A_3049 : i32 to vector<16xi32>
    %eq3A_3051 = arith.cmpi eq, %add3A_1711, %eq3A_3050 : vector<16xi32>
    %jit3A_3052 = arith.constant 3.000000e+08 : f32
    %broadcast_in_dim3A_3053 = vector.broadcast %jit3A_3052 : f32 to vector<16xf32>
    %select_n3A_3054 = arith.select %eq3A_3051, %broadcast_in_dim3A_3053, %abs3A_3048 : vector<16xi1>, vector<16xf32>
    %lt3A_3055 = arith.cmpf olt, %select_n3A_3054, %select_n3A_3041 : vector<16xf32>
    %select_n3A_3056 = arith.select %lt3A_3055, %select_n3A_3054, %select_n3A_3041 : vector<16xi1>, vector<16xf32>
    %jit3A_3057 = arith.constant 37 : i32
    %broadcast_in_dim3A_3058 = vector.broadcast %jit3A_3057 : i32 to vector<16xi32>
    %select_n3A_3059 = arith.select %lt3A_3055, %broadcast_in_dim3A_3058, %select_n3A_3044 : vector<16xi1>, vector<16xi32>
    %sub3A_3060 = arith.constant 0.327118516 : f32
    %sub3A_3061 = vector.broadcast %sub3A_3060 : f32 to vector<16xf32>
    %sub3A_3062 = arith.subf %get3A_1719, %sub3A_3061 : vector<16xf32>
    %abs3A_3063 = math.absf %sub3A_3062 : vector<16xf32>
    %eq3A_3064 = arith.constant 38 : i32
    %eq3A_3065 = vector.broadcast %eq3A_3064 : i32 to vector<16xi32>
    %eq3A_3066 = arith.cmpi eq, %add3A_1711, %eq3A_3065 : vector<16xi32>
    %jit3A_3067 = arith.constant 3.000000e+08 : f32
    %broadcast_in_dim3A_3068 = vector.broadcast %jit3A_3067 : f32 to vector<16xf32>
    %select_n3A_3069 = arith.select %eq3A_3066, %broadcast_in_dim3A_3068, %abs3A_3063 : vector<16xi1>, vector<16xf32>
    %lt3A_3070 = arith.cmpf olt, %select_n3A_3069, %select_n3A_3056 : vector<16xf32>
    %select_n3A_3071 = arith.select %lt3A_3070, %select_n3A_3069, %select_n3A_3056 : vector<16xi1>, vector<16xf32>
    %jit3A_3072 = arith.constant 38 : i32
    %broadcast_in_dim3A_3073 = vector.broadcast %jit3A_3072 : i32 to vector<16xi32>
    %select_n3A_3074 = arith.select %lt3A_3070, %broadcast_in_dim3A_3073, %select_n3A_3059 : vector<16xi1>, vector<16xi32>
    %sub3A_3075 = arith.constant 0.0483509637 : f32
    %sub3A_3076 = vector.broadcast %sub3A_3075 : f32 to vector<16xf32>
    %sub3A_3077 = arith.subf %get3A_1719, %sub3A_3076 : vector<16xf32>
    %abs3A_3078 = math.absf %sub3A_3077 : vector<16xf32>
    %eq3A_3079 = arith.constant 39 : i32
    %eq3A_3080 = vector.broadcast %eq3A_3079 : i32 to vector<16xi32>
    %eq3A_3081 = arith.cmpi eq, %add3A_1711, %eq3A_3080 : vector<16xi32>
    %jit3A_3082 = arith.constant 3.000000e+08 : f32
    %broadcast_in_dim3A_3083 = vector.broadcast %jit3A_3082 : f32 to vector<16xf32>
    %select_n3A_3084 = arith.select %eq3A_3081, %broadcast_in_dim3A_3083, %abs3A_3078 : vector<16xi1>, vector<16xf32>
    %lt3A_3085 = arith.cmpf olt, %select_n3A_3084, %select_n3A_3071 : vector<16xf32>
    %select_n3A_3086 = arith.select %lt3A_3085, %select_n3A_3084, %select_n3A_3071 : vector<16xi1>, vector<16xf32>
    %jit3A_3087 = arith.constant 39 : i32
    %broadcast_in_dim3A_3088 = vector.broadcast %jit3A_3087 : i32 to vector<16xi32>
    %select_n3A_3089 = arith.select %lt3A_3085, %broadcast_in_dim3A_3088, %select_n3A_3074 : vector<16xi1>, vector<16xi32>
    %sub3A_3090 = arith.constant 2.65102935 : f32
    %sub3A_3091 = vector.broadcast %sub3A_3090 : f32 to vector<16xf32>
    %sub3A_3092 = arith.subf %get3A_1719, %sub3A_3091 : vector<16xf32>
    %abs3A_3093 = math.absf %sub3A_3092 : vector<16xf32>
    %eq3A_3094 = arith.constant 40 : i32
    %eq3A_3095 = vector.broadcast %eq3A_3094 : i32 to vector<16xi32>
    %eq3A_3096 = arith.cmpi eq, %add3A_1711, %eq3A_3095 : vector<16xi32>
    %jit3A_3097 = arith.constant 3.000000e+08 : f32
    %broadcast_in_dim3A_3098 = vector.broadcast %jit3A_3097 : f32 to vector<16xf32>
    %select_n3A_3099 = arith.select %eq3A_3096, %broadcast_in_dim3A_3098, %abs3A_3093 : vector<16xi1>, vector<16xf32>
    %lt3A_3100 = arith.cmpf olt, %select_n3A_3099, %select_n3A_3086 : vector<16xf32>
    %select_n3A_3101 = arith.select %lt3A_3100, %select_n3A_3099, %select_n3A_3086 : vector<16xi1>, vector<16xf32>
    %jit3A_3102 = arith.constant 40 : i32
    %broadcast_in_dim3A_3103 = vector.broadcast %jit3A_3102 : i32 to vector<16xi32>
    %select_n3A_3104 = arith.select %lt3A_3100, %broadcast_in_dim3A_3103, %select_n3A_3089 : vector<16xi1>, vector<16xi32>
    %sub3A_3105 = arith.constant 0.60257715 : f32
    %sub3A_3106 = vector.broadcast %sub3A_3105 : f32 to vector<16xf32>
    %sub3A_3107 = arith.subf %get3A_1719, %sub3A_3106 : vector<16xf32>
    %abs3A_3108 = math.absf %sub3A_3107 : vector<16xf32>
    %eq3A_3109 = arith.constant 41 : i32
    %eq3A_3110 = vector.broadcast %eq3A_3109 : i32 to vector<16xi32>
    %eq3A_3111 = arith.cmpi eq, %add3A_1711, %eq3A_3110 : vector<16xi32>
    %jit3A_3112 = arith.constant 3.000000e+08 : f32
    %broadcast_in_dim3A_3113 = vector.broadcast %jit3A_3112 : f32 to vector<16xf32>
    %select_n3A_3114 = arith.select %eq3A_3111, %broadcast_in_dim3A_3113, %abs3A_3108 : vector<16xi1>, vector<16xf32>
    %lt3A_3115 = arith.cmpf olt, %select_n3A_3114, %select_n3A_3101 : vector<16xf32>
    %select_n3A_3116 = arith.select %lt3A_3115, %select_n3A_3114, %select_n3A_3101 : vector<16xi1>, vector<16xf32>
    %jit3A_3117 = arith.constant 41 : i32
    %broadcast_in_dim3A_3118 = vector.broadcast %jit3A_3117 : i32 to vector<16xi32>
    %select_n3A_3119 = arith.select %lt3A_3115, %broadcast_in_dim3A_3118, %select_n3A_3104 : vector<16xi1>, vector<16xi32>
    %sub3A_3120 = arith.constant 1.30795157 : f32
    %sub3A_3121 = vector.broadcast %sub3A_3120 : f32 to vector<16xf32>
    %sub3A_3122 = arith.subf %get3A_1719, %sub3A_3121 : vector<16xf32>
    %abs3A_3123 = math.absf %sub3A_3122 : vector<16xf32>
    %eq3A_3124 = arith.constant 42 : i32
    %eq3A_3125 = vector.broadcast %eq3A_3124 : i32 to vector<16xi32>
    %eq3A_3126 = arith.cmpi eq, %add3A_1711, %eq3A_3125 : vector<16xi32>
    %jit3A_3127 = arith.constant 3.000000e+08 : f32
    %broadcast_in_dim3A_3128 = vector.broadcast %jit3A_3127 : f32 to vector<16xf32>
    %select_n3A_3129 = arith.select %eq3A_3126, %broadcast_in_dim3A_3128, %abs3A_3123 : vector<16xi1>, vector<16xf32>
    %lt3A_3130 = arith.cmpf olt, %select_n3A_3129, %select_n3A_3116 : vector<16xf32>
    %select_n3A_3131 = arith.select %lt3A_3130, %select_n3A_3129, %select_n3A_3116 : vector<16xi1>, vector<16xf32>
    %jit3A_3132 = arith.constant 42 : i32
    %broadcast_in_dim3A_3133 = vector.broadcast %jit3A_3132 : i32 to vector<16xi32>
    %select_n3A_3134 = arith.select %lt3A_3130, %broadcast_in_dim3A_3133, %select_n3A_3119 : vector<16xi1>, vector<16xi32>
    %sub3A_3135 = arith.constant 1.82871604 : f32
    %sub3A_3136 = vector.broadcast %sub3A_3135 : f32 to vector<16xf32>
    %sub3A_3137 = arith.subf %get3A_1719, %sub3A_3136 : vector<16xf32>
    %abs3A_3138 = math.absf %sub3A_3137 : vector<16xf32>
    %eq3A_3139 = arith.constant 43 : i32
    %eq3A_3140 = vector.broadcast %eq3A_3139 : i32 to vector<16xi32>
    %eq3A_3141 = arith.cmpi eq, %add3A_1711, %eq3A_3140 : vector<16xi32>
    %jit3A_3142 = arith.constant 3.000000e+08 : f32
    %broadcast_in_dim3A_3143 = vector.broadcast %jit3A_3142 : f32 to vector<16xf32>
    %select_n3A_3144 = arith.select %eq3A_3141, %broadcast_in_dim3A_3143, %abs3A_3138 : vector<16xi1>, vector<16xf32>
    %lt3A_3145 = arith.cmpf olt, %select_n3A_3144, %select_n3A_3131 : vector<16xf32>
    %select_n3A_3146 = arith.select %lt3A_3145, %select_n3A_3144, %select_n3A_3131 : vector<16xi1>, vector<16xf32>
    %jit3A_3147 = arith.constant 43 : i32
    %broadcast_in_dim3A_3148 = vector.broadcast %jit3A_3147 : i32 to vector<16xi32>
    %select_n3A_3149 = arith.select %lt3A_3145, %broadcast_in_dim3A_3148, %select_n3A_3134 : vector<16xi1>, vector<16xi32>
    %sub3A_3150 = arith.constant 2.43090653 : f32
    %sub3A_3151 = vector.broadcast %sub3A_3150 : f32 to vector<16xf32>
    %sub3A_3152 = arith.subf %get3A_1719, %sub3A_3151 : vector<16xf32>
    %abs3A_3153 = math.absf %sub3A_3152 : vector<16xf32>
    %eq3A_3154 = arith.constant 44 : i32
    %eq3A_3155 = vector.broadcast %eq3A_3154 : i32 to vector<16xi32>
    %eq3A_3156 = arith.cmpi eq, %add3A_1711, %eq3A_3155 : vector<16xi32>
    %jit3A_3157 = arith.constant 3.000000e+08 : f32
    %broadcast_in_dim3A_3158 = vector.broadcast %jit3A_3157 : f32 to vector<16xf32>
    %select_n3A_3159 = arith.select %eq3A_3156, %broadcast_in_dim3A_3158, %abs3A_3153 : vector<16xi1>, vector<16xf32>
    %lt3A_3160 = arith.cmpf olt, %select_n3A_3159, %select_n3A_3146 : vector<16xf32>
    %select_n3A_3161 = arith.select %lt3A_3160, %select_n3A_3159, %select_n3A_3146 : vector<16xi1>, vector<16xf32>
    %jit3A_3162 = arith.constant 44 : i32
    %broadcast_in_dim3A_3163 = vector.broadcast %jit3A_3162 : i32 to vector<16xi32>
    %select_n3A_3164 = arith.select %lt3A_3160, %broadcast_in_dim3A_3163, %select_n3A_3149 : vector<16xi1>, vector<16xi32>
    %sub3A_3165 = arith.constant 2.8050077 : f32
    %sub3A_3166 = vector.broadcast %sub3A_3165 : f32 to vector<16xf32>
    %sub3A_3167 = arith.subf %get3A_1719, %sub3A_3166 : vector<16xf32>
    %abs3A_3168 = math.absf %sub3A_3167 : vector<16xf32>
    %eq3A_3169 = arith.constant 45 : i32
    %eq3A_3170 = vector.broadcast %eq3A_3169 : i32 to vector<16xi32>
    %eq3A_3171 = arith.cmpi eq, %add3A_1711, %eq3A_3170 : vector<16xi32>
    %jit3A_3172 = arith.constant 3.000000e+08 : f32
    %broadcast_in_dim3A_3173 = vector.broadcast %jit3A_3172 : f32 to vector<16xf32>
    %select_n3A_3174 = arith.select %eq3A_3171, %broadcast_in_dim3A_3173, %abs3A_3168 : vector<16xi1>, vector<16xf32>
    %lt3A_3175 = arith.cmpf olt, %select_n3A_3174, %select_n3A_3161 : vector<16xf32>
    %select_n3A_3176 = arith.select %lt3A_3175, %select_n3A_3174, %select_n3A_3161 : vector<16xi1>, vector<16xf32>
    %jit3A_3177 = arith.constant 45 : i32
    %broadcast_in_dim3A_3178 = vector.broadcast %jit3A_3177 : i32 to vector<16xi32>
    %select_n3A_3179 = arith.select %lt3A_3175, %broadcast_in_dim3A_3178, %select_n3A_3164 : vector<16xi1>, vector<16xi32>
    %sub3A_3180 = arith.constant 2.25249028 : f32
    %sub3A_3181 = vector.broadcast %sub3A_3180 : f32 to vector<16xf32>
    %sub3A_3182 = arith.subf %get3A_1719, %sub3A_3181 : vector<16xf32>
    %abs3A_3183 = math.absf %sub3A_3182 : vector<16xf32>
    %eq3A_3184 = arith.constant 46 : i32
    %eq3A_3185 = vector.broadcast %eq3A_3184 : i32 to vector<16xi32>
    %eq3A_3186 = arith.cmpi eq, %add3A_1711, %eq3A_3185 : vector<16xi32>
    %jit3A_3187 = arith.constant 3.000000e+08 : f32
    %broadcast_in_dim3A_3188 = vector.broadcast %jit3A_3187 : f32 to vector<16xf32>
    %select_n3A_3189 = arith.select %eq3A_3186, %broadcast_in_dim3A_3188, %abs3A_3183 : vector<16xi1>, vector<16xf32>
    %lt3A_3190 = arith.cmpf olt, %select_n3A_3189, %select_n3A_3176 : vector<16xf32>
    %select_n3A_3191 = arith.select %lt3A_3190, %select_n3A_3189, %select_n3A_3176 : vector<16xi1>, vector<16xf32>
    %jit3A_3192 = arith.constant 46 : i32
    %broadcast_in_dim3A_3193 = vector.broadcast %jit3A_3192 : i32 to vector<16xi32>
    %select_n3A_3194 = arith.select %lt3A_3190, %broadcast_in_dim3A_3193, %select_n3A_3179 : vector<16xi1>, vector<16xi32>
    %sub3A_3195 = arith.constant 0.109302051 : f32
    %sub3A_3196 = vector.broadcast %sub3A_3195 : f32 to vector<16xf32>
    %sub3A_3197 = arith.subf %get3A_1719, %sub3A_3196 : vector<16xf32>
    %abs3A_3198 = math.absf %sub3A_3197 : vector<16xf32>
    %eq3A_3199 = arith.constant 47 : i32
    %eq3A_3200 = vector.broadcast %eq3A_3199 : i32 to vector<16xi32>
    %eq3A_3201 = arith.cmpi eq, %add3A_1711, %eq3A_3200 : vector<16xi32>
    %jit3A_3202 = arith.constant 3.000000e+08 : f32
    %broadcast_in_dim3A_3203 = vector.broadcast %jit3A_3202 : f32 to vector<16xf32>
    %select_n3A_3204 = arith.select %eq3A_3201, %broadcast_in_dim3A_3203, %abs3A_3198 : vector<16xi1>, vector<16xf32>
    %lt3A_3205 = arith.cmpf olt, %select_n3A_3204, %select_n3A_3191 : vector<16xf32>
    %select_n3A_3206 = arith.select %lt3A_3205, %select_n3A_3204, %select_n3A_3191 : vector<16xi1>, vector<16xf32>
    %jit3A_3207 = arith.constant 47 : i32
    %broadcast_in_dim3A_3208 = vector.broadcast %jit3A_3207 : i32 to vector<16xi32>
    %select_n3A_3209 = arith.select %lt3A_3205, %broadcast_in_dim3A_3208, %select_n3A_3194 : vector<16xi1>, vector<16xi32>
    %sub3A_3210 = arith.constant 2.41320539 : f32
    %sub3A_3211 = vector.broadcast %sub3A_3210 : f32 to vector<16xf32>
    %sub3A_3212 = arith.subf %get3A_1719, %sub3A_3211 : vector<16xf32>
    %abs3A_3213 = math.absf %sub3A_3212 : vector<16xf32>
    %eq3A_3214 = arith.constant 48 : i32
    %eq3A_3215 = vector.broadcast %eq3A_3214 : i32 to vector<16xi32>
    %eq3A_3216 = arith.cmpi eq, %add3A_1711, %eq3A_3215 : vector<16xi32>
    %jit3A_3217 = arith.constant 3.000000e+08 : f32
    %broadcast_in_dim3A_3218 = vector.broadcast %jit3A_3217 : f32 to vector<16xf32>
    %select_n3A_3219 = arith.select %eq3A_3216, %broadcast_in_dim3A_3218, %abs3A_3213 : vector<16xi1>, vector<16xf32>
    %lt3A_3220 = arith.cmpf olt, %select_n3A_3219, %select_n3A_3206 : vector<16xf32>
    %select_n3A_3221 = arith.select %lt3A_3220, %select_n3A_3219, %select_n3A_3206 : vector<16xi1>, vector<16xf32>
    %jit3A_3222 = arith.constant 48 : i32
    %broadcast_in_dim3A_3223 = vector.broadcast %jit3A_3222 : i32 to vector<16xi32>
    %select_n3A_3224 = arith.select %lt3A_3220, %broadcast_in_dim3A_3223, %select_n3A_3209 : vector<16xi1>, vector<16xi32>
    %sub3A_3225 = arith.constant 2.9543035 : f32
    %sub3A_3226 = vector.broadcast %sub3A_3225 : f32 to vector<16xf32>
    %sub3A_3227 = arith.subf %get3A_1719, %sub3A_3226 : vector<16xf32>
    %abs3A_3228 = math.absf %sub3A_3227 : vector<16xf32>
    %eq3A_3229 = arith.constant 49 : i32
    %eq3A_3230 = vector.broadcast %eq3A_3229 : i32 to vector<16xi32>
    %eq3A_3231 = arith.cmpi eq, %add3A_1711, %eq3A_3230 : vector<16xi32>
    %jit3A_3232 = arith.constant 3.000000e+08 : f32
    %broadcast_in_dim3A_3233 = vector.broadcast %jit3A_3232 : f32 to vector<16xf32>
    %select_n3A_3234 = arith.select %eq3A_3231, %broadcast_in_dim3A_3233, %abs3A_3228 : vector<16xi1>, vector<16xf32>
    %lt3A_3235 = arith.cmpf olt, %select_n3A_3234, %select_n3A_3221 : vector<16xf32>
    %select_n3A_3236 = arith.select %lt3A_3235, %select_n3A_3234, %select_n3A_3221 : vector<16xi1>, vector<16xf32>
    %jit3A_3237 = arith.constant 49 : i32
    %broadcast_in_dim3A_3238 = vector.broadcast %jit3A_3237 : i32 to vector<16xi32>
    %select_n3A_3239 = arith.select %lt3A_3235, %broadcast_in_dim3A_3238, %select_n3A_3224 : vector<16xi1>, vector<16xi32>
    %broadcast_in_dim3A_3240 = arith.constant 1 : i32
    %broadcast_in_dim3A_3241 = vector.broadcast %broadcast_in_dim3A_3240 : i32 to vector<16xi32>
    %gather3A_3242 = tpu.vector_load_idx %arg6[%broadcast_in_dim3A_3241, %select_n3A_3239] : memref<8x64xf32, #tpu.memory_space<vmem>>[vector<16xi32>, vector<16xi32>], vector<16xf32>,
    %gather3A_3243 = tpu.vector_load_idx %arg10[%select_n3A_3239] : memref<64xf32, #tpu.memory_space<vmem>>[vector<16xi32>], vector<16xf32>,
    %sub3A_3244 = arith.subf %get3A_1723, %gather3A_3243 : vector<16xf32>
    %sub3A_3245 = arith.subf %get3A_1719, %gather3A_3242 : vector<16xf32>
    %add3A_3246 = arith.constant 9.99999993E-9 : f32
    %add3A_3247 = vector.broadcast %add3A_3246 : f32 to vector<16xf32>
    %add3A_3248 = arith.addf %sub3A_3245, %add3A_3247 : vector<16xf32>
    %div3A_3249 = arith.divf %sub3A_3244, %add3A_3248 : vector<16xf32>
    %add3A_3250 = arith.addf %div3A_2485, %div3A_3249 : vector<16xf32>
    %jit3A_3251 = arith.constant -2.000000e+02 : f32
    %jit3A_3252 = arith.constant 2.000000e+02 : f32
    %max3A_3253 = vector.broadcast %jit3A_3251 : f32 to vector<16xf32>
    %max3A_3254 = arith.maximumf %max3A_3253, %add3A_3250 : vector<16xf32>
    %min3A_3255 = vector.broadcast %jit3A_3252 : f32 to vector<16xf32>
    %min3A_3256 = arith.minimumf %min3A_3255, %max3A_3254 : vector<16xf32>
    %get3A_3257 = arith.constant 4 : i32
    %get3A_3258 = arith.index_cast %get3A_3257 : i32 to index
    %get3A_3259 = arith.constant 16 : index
    %get3A_3260 = tpu.vector_load %arg6[%get3A_3258, %get3A_3259] {strides = array<i32>} : memref<8x64xf32, #tpu.memory_space<vmem>>, vector<16xf32>,
    %sub3A_3261 = arith.subf %get3A_3260, %min3A_3256 : vector<16xf32>
    %lt3A_3262 = arith.constant 50 : i32
    %lt3A_3263 = vector.broadcast %lt3A_3262 : i32 to vector<16xi32>
    %lt3A_3264 = arith.cmpi slt, %add3A_1711, %lt3A_3263 : vector<16xi32>
    %jit3A_3265 = arith.constant 0.000000e+00 : f32
    %broadcast_in_dim3A_3266 = vector.broadcast %jit3A_3265 : f32 to vector<16xf32>
    %select_n3A_3267 = arith.select %lt3A_3264, %sub3A_3261, %broadcast_in_dim3A_3266 : vector<16xi1>, vector<16xf32>
    %mul3A_3268 = arith.mulf %select_n3A_3267, %select_n3A_3267 : vector<16xf32>
    %add3A_3269 = arith.addf %add3A_1707, %mul3A_3268 : vector<16xf32>
    %iota3A_3270 = tpu.iota {dimensions = array<i32: 0>} : vector<16xi32>
    %add3A_3271 = arith.constant 32 : i32
    %add3A_3272 = vector.broadcast %add3A_3271 : i32 to vector<16xi32>
    %add3A_3273 = arith.addi %iota3A_3270, %add3A_3272 : vector<16xi32>
    %get3A_3274 = arith.constant 0 : i32
    %get3A_3275 = arith.index_cast %get3A_3274 : i32 to index
    %get3A_3276 = arith.constant 32 : index
    %get3A_3277 = tpu.vector_load %arg6[%get3A_3275, %get3A_3276] {strides = array<i32>} : memref<8x64xf32, #tpu.memory_space<vmem>>, vector<16xf32>,
    %get3A_3278 = arith.constant 1 : i32
    %get3A_3279 = arith.index_cast %get3A_3278 : i32 to index
    %get3A_3280 = arith.constant 32 : index
    %get3A_3281 = tpu.vector_load %arg6[%get3A_3279, %get3A_3280] {strides = array<i32>} : memref<8x64xf32, #tpu.memory_space<vmem>>, vector<16xf32>,
    %get3A_3282 = arith.constant 32 : index
    %get3A_3283 = tpu.vector_load %arg9[%get3A_3282] {strides = array<i32>} : memref<64xf32, #tpu.memory_space<vmem>>, vector<16xf32>,
    %get3A_3284 = arith.constant 32 : index
    %get3A_3285 = tpu.vector_load %arg10[%get3A_3284] {strides = array<i32>} : memref<64xf32, #tpu.memory_space<vmem>>, vector<16xf32>,
    %broadcast_in_dim3A_3286 = arith.constant 3.000000e+38 : f32
    %broadcast_in_dim3A_3287 = vector.broadcast %broadcast_in_dim3A_3286 : f32 to vector<16xf32>
    %broadcast_in_dim3A_3288 = arith.constant 0 : i32
    %broadcast_in_dim3A_3289 = vector.broadcast %broadcast_in_dim3A_3288 : i32 to vector<16xi32>
    %sub3A_3290 = arith.constant 1.22306108 : f32
    %sub3A_3291 = vector.broadcast %sub3A_3290 : f32 to vector<16xf32>
    %sub3A_3292 = arith.subf %get3A_3277, %sub3A_3291 : vector<16xf32>
    %abs3A_3293 = math.absf %sub3A_3292 : vector<16xf32>
    %eq3A_3294 = arith.constant 0 : i32
    %eq3A_3295 = vector.broadcast %eq3A_3294 : i32 to vector<16xi32>
    %eq3A_3296 = arith.cmpi eq, %add3A_3273, %eq3A_3295 : vector<16xi32>
    %jit3A_3297 = arith.constant 3.000000e+08 : f32
    %broadcast_in_dim3A_3298 = vector.broadcast %jit3A_3297 : f32 to vector<16xf32>
    %select_n3A_3299 = arith.select %eq3A_3296, %broadcast_in_dim3A_3298, %abs3A_3293 : vector<16xi1>, vector<16xf32>
    %lt3A_3300 = arith.cmpf olt, %select_n3A_3299, %broadcast_in_dim3A_3287 : vector<16xf32>
    %select_n3A_3301 = arith.select %lt3A_3300, %select_n3A_3299, %broadcast_in_dim3A_3287 : vector<16xi1>, vector<16xf32>
    %jit3A_3302 = arith.constant 0 : i32
    %broadcast_in_dim3A_3303 = vector.broadcast %jit3A_3302 : i32 to vector<16xi32>
    %select_n3A_3304 = arith.select %lt3A_3300, %broadcast_in_dim3A_3303, %broadcast_in_dim3A_3289 : vector<16xi1>, vector<16xi32>
    %sub3A_3305 = arith.constant 0.166098118 : f32
    %sub3A_3306 = vector.broadcast %sub3A_3305 : f32 to vector<16xf32>
    %sub3A_3307 = arith.subf %get3A_3277, %sub3A_3306 : vector<16xf32>
    %abs3A_3308 = math.absf %sub3A_3307 : vector<16xf32>
    %eq3A_3309 = arith.constant 1 : i32
    %eq3A_3310 = vector.broadcast %eq3A_3309 : i32 to vector<16xi32>
    %eq3A_3311 = arith.cmpi eq, %add3A_3273, %eq3A_3310 : vector<16xi32>
    %jit3A_3312 = arith.constant 3.000000e+08 : f32
    %broadcast_in_dim3A_3313 = vector.broadcast %jit3A_3312 : f32 to vector<16xf32>
    %select_n3A_3314 = arith.select %eq3A_3311, %broadcast_in_dim3A_3313, %abs3A_3308 : vector<16xi1>, vector<16xf32>
    %lt3A_3315 = arith.cmpf olt, %select_n3A_3314, %select_n3A_3301 : vector<16xf32>
    %select_n3A_3316 = arith.select %lt3A_3315, %select_n3A_3314, %select_n3A_3301 : vector<16xi1>, vector<16xf32>
    %jit3A_3317 = arith.constant 1 : i32
    %broadcast_in_dim3A_3318 = vector.broadcast %jit3A_3317 : i32 to vector<16xi32>
    %select_n3A_3319 = arith.select %lt3A_3315, %broadcast_in_dim3A_3318, %select_n3A_3304 : vector<16xi1>, vector<16xi32>
    %sub3A_3320 = arith.constant 2.36560464 : f32
    %sub3A_3321 = vector.broadcast %sub3A_3320 : f32 to vector<16xf32>
    %sub3A_3322 = arith.subf %get3A_3277, %sub3A_3321 : vector<16xf32>
    %abs3A_3323 = math.absf %sub3A_3322 : vector<16xf32>
    %eq3A_3324 = arith.constant 2 : i32
    %eq3A_3325 = vector.broadcast %eq3A_3324 : i32 to vector<16xi32>
    %eq3A_3326 = arith.cmpi eq, %add3A_3273, %eq3A_3325 : vector<16xi32>
    %jit3A_3327 = arith.constant 3.000000e+08 : f32
    %broadcast_in_dim3A_3328 = vector.broadcast %jit3A_3327 : f32 to vector<16xf32>
    %select_n3A_3329 = arith.select %eq3A_3326, %broadcast_in_dim3A_3328, %abs3A_3323 : vector<16xi1>, vector<16xf32>
    %lt3A_3330 = arith.cmpf olt, %select_n3A_3329, %select_n3A_3316 : vector<16xf32>
    %select_n3A_3331 = arith.select %lt3A_3330, %select_n3A_3329, %select_n3A_3316 : vector<16xi1>, vector<16xf32>
    %jit3A_3332 = arith.constant 2 : i32
    %broadcast_in_dim3A_3333 = vector.broadcast %jit3A_3332 : i32 to vector<16xi32>
    %select_n3A_3334 = arith.select %lt3A_3330, %broadcast_in_dim3A_3333, %select_n3A_3319 : vector<16xi1>, vector<16xi32>
    %sub3A_3335 = arith.constant 0.861915528 : f32
    %sub3A_3336 = vector.broadcast %sub3A_3335 : f32 to vector<16xf32>
    %sub3A_3337 = arith.subf %get3A_3277, %sub3A_3336 : vector<16xf32>
    %abs3A_3338 = math.absf %sub3A_3337 : vector<16xf32>
    %eq3A_3339 = arith.constant 3 : i32
    %eq3A_3340 = vector.broadcast %eq3A_3339 : i32 to vector<16xi32>
    %eq3A_3341 = arith.cmpi eq, %add3A_3273, %eq3A_3340 : vector<16xi32>
    %jit3A_3342 = arith.constant 3.000000e+08 : f32
    %broadcast_in_dim3A_3343 = vector.broadcast %jit3A_3342 : f32 to vector<16xf32>
    %select_n3A_3344 = arith.select %eq3A_3341, %broadcast_in_dim3A_3343, %abs3A_3338 : vector<16xi1>, vector<16xf32>
    %lt3A_3345 = arith.cmpf olt, %select_n3A_3344, %select_n3A_3331 : vector<16xf32>
    %select_n3A_3346 = arith.select %lt3A_3345, %select_n3A_3344, %select_n3A_3331 : vector<16xi1>, vector<16xf32>
    %jit3A_3347 = arith.constant 3 : i32
    %broadcast_in_dim3A_3348 = vector.broadcast %jit3A_3347 : i32 to vector<16xi32>
    %select_n3A_3349 = arith.select %lt3A_3345, %broadcast_in_dim3A_3348, %select_n3A_3334 : vector<16xi1>, vector<16xi32>
    %sub3A_3350 = arith.constant 1.35105181 : f32
    %sub3A_3351 = vector.broadcast %sub3A_3350 : f32 to vector<16xf32>
    %sub3A_3352 = arith.subf %get3A_3277, %sub3A_3351 : vector<16xf32>
    %abs3A_3353 = math.absf %sub3A_3352 : vector<16xf32>
    %eq3A_3354 = arith.constant 4 : i32
    %eq3A_3355 = vector.broadcast %eq3A_3354 : i32 to vector<16xi32>
    %eq3A_3356 = arith.cmpi eq, %add3A_3273, %eq3A_3355 : vector<16xi32>
    %jit3A_3357 = arith.constant 3.000000e+08 : f32
    %broadcast_in_dim3A_3358 = vector.broadcast %jit3A_3357 : f32 to vector<16xf32>
    %select_n3A_3359 = arith.select %eq3A_3356, %broadcast_in_dim3A_3358, %abs3A_3353 : vector<16xi1>, vector<16xf32>
    %lt3A_3360 = arith.cmpf olt, %select_n3A_3359, %select_n3A_3346 : vector<16xf32>
    %select_n3A_3361 = arith.select %lt3A_3360, %select_n3A_3359, %select_n3A_3346 : vector<16xi1>, vector<16xf32>
    %jit3A_3362 = arith.constant 4 : i32
    %broadcast_in_dim3A_3363 = vector.broadcast %jit3A_3362 : i32 to vector<16xi32>
    %select_n3A_3364 = arith.select %lt3A_3360, %broadcast_in_dim3A_3363, %select_n3A_3349 : vector<16xi1>, vector<16xi32>
    %sub3A_3365 = arith.constant 0.911736905 : f32
    %sub3A_3366 = vector.broadcast %sub3A_3365 : f32 to vector<16xf32>
    %sub3A_3367 = arith.subf %get3A_3277, %sub3A_3366 : vector<16xf32>
    %abs3A_3368 = math.absf %sub3A_3367 : vector<16xf32>
    %eq3A_3369 = arith.constant 5 : i32
    %eq3A_3370 = vector.broadcast %eq3A_3369 : i32 to vector<16xi32>
    %eq3A_3371 = arith.cmpi eq, %add3A_3273, %eq3A_3370 : vector<16xi32>
    %jit3A_3372 = arith.constant 3.000000e+08 : f32
    %broadcast_in_dim3A_3373 = vector.broadcast %jit3A_3372 : f32 to vector<16xf32>
    %select_n3A_3374 = arith.select %eq3A_3371, %broadcast_in_dim3A_3373, %abs3A_3368 : vector<16xi1>, vector<16xf32>
    %lt3A_3375 = arith.cmpf olt, %select_n3A_3374, %select_n3A_3361 : vector<16xf32>
    %select_n3A_3376 = arith.select %lt3A_3375, %select_n3A_3374, %select_n3A_3361 : vector<16xi1>, vector<16xf32>
    %jit3A_3377 = arith.constant 5 : i32
    %broadcast_in_dim3A_3378 = vector.broadcast %jit3A_3377 : i32 to vector<16xi32>
    %select_n3A_3379 = arith.select %lt3A_3375, %broadcast_in_dim3A_3378, %select_n3A_3364 : vector<16xi1>, vector<16xi32>
    %sub3A_3380 = arith.constant 1.5791986 : f32
    %sub3A_3381 = vector.broadcast %sub3A_3380 : f32 to vector<16xf32>
    %sub3A_3382 = arith.subf %get3A_3277, %sub3A_3381 : vector<16xf32>
    %abs3A_3383 = math.absf %sub3A_3382 : vector<16xf32>
    %eq3A_3384 = arith.constant 6 : i32
    %eq3A_3385 = vector.broadcast %eq3A_3384 : i32 to vector<16xi32>
    %eq3A_3386 = arith.cmpi eq, %add3A_3273, %eq3A_3385 : vector<16xi32>
    %jit3A_3387 = arith.constant 3.000000e+08 : f32
    %broadcast_in_dim3A_3388 = vector.broadcast %jit3A_3387 : f32 to vector<16xf32>
    %select_n3A_3389 = arith.select %eq3A_3386, %broadcast_in_dim3A_3388, %abs3A_3383 : vector<16xi1>, vector<16xf32>
    %lt3A_3390 = arith.cmpf olt, %select_n3A_3389, %select_n3A_3376 : vector<16xf32>
    %select_n3A_3391 = arith.select %lt3A_3390, %select_n3A_3389, %select_n3A_3376 : vector<16xi1>, vector<16xf32>
    %jit3A_3392 = arith.constant 6 : i32
    %broadcast_in_dim3A_3393 = vector.broadcast %jit3A_3392 : i32 to vector<16xi32>
    %select_n3A_3394 = arith.select %lt3A_3390, %broadcast_in_dim3A_3393, %select_n3A_3379 : vector<16xi1>, vector<16xi32>
    %sub3A_3395 = arith.constant 1.8714366 : f32
    %sub3A_3396 = vector.broadcast %sub3A_3395 : f32 to vector<16xf32>
    %sub3A_3397 = arith.subf %get3A_3277, %sub3A_3396 : vector<16xf32>
    %abs3A_3398 = math.absf %sub3A_3397 : vector<16xf32>
    %eq3A_3399 = arith.constant 7 : i32
    %eq3A_3400 = vector.broadcast %eq3A_3399 : i32 to vector<16xi32>
    %eq3A_3401 = arith.cmpi eq, %add3A_3273, %eq3A_3400 : vector<16xi32>
    %jit3A_3402 = arith.constant 3.000000e+08 : f32
    %broadcast_in_dim3A_3403 = vector.broadcast %jit3A_3402 : f32 to vector<16xf32>
    %select_n3A_3404 = arith.select %eq3A_3401, %broadcast_in_dim3A_3403, %abs3A_3398 : vector<16xi1>, vector<16xf32>
    %lt3A_3405 = arith.cmpf olt, %select_n3A_3404, %select_n3A_3391 : vector<16xf32>
    %select_n3A_3406 = arith.select %lt3A_3405, %select_n3A_3404, %select_n3A_3391 : vector<16xi1>, vector<16xf32>
    %jit3A_3407 = arith.constant 7 : i32
    %broadcast_in_dim3A_3408 = vector.broadcast %jit3A_3407 : i32 to vector<16xi32>
    %select_n3A_3409 = arith.select %lt3A_3405, %broadcast_in_dim3A_3408, %select_n3A_3394 : vector<16xi1>, vector<16xi32>
    %sub3A_3410 = arith.constant 2.33032632 : f32
    %sub3A_3411 = vector.broadcast %sub3A_3410 : f32 to vector<16xf32>
    %sub3A_3412 = arith.subf %get3A_3277, %sub3A_3411 : vector<16xf32>
    %abs3A_3413 = math.absf %sub3A_3412 : vector<16xf32>
    %eq3A_3414 = arith.constant 8 : i32
    %eq3A_3415 = vector.broadcast %eq3A_3414 : i32 to vector<16xi32>
    %eq3A_3416 = arith.cmpi eq, %add3A_3273, %eq3A_3415 : vector<16xi32>
    %jit3A_3417 = arith.constant 3.000000e+08 : f32
    %broadcast_in_dim3A_3418 = vector.broadcast %jit3A_3417 : f32 to vector<16xf32>
    %select_n3A_3419 = arith.select %eq3A_3416, %broadcast_in_dim3A_3418, %abs3A_3413 : vector<16xi1>, vector<16xf32>
    %lt3A_3420 = arith.cmpf olt, %select_n3A_3419, %select_n3A_3406 : vector<16xf32>
    %select_n3A_3421 = arith.select %lt3A_3420, %select_n3A_3419, %select_n3A_3406 : vector<16xi1>, vector<16xf32>
    %jit3A_3422 = arith.constant 8 : i32
    %broadcast_in_dim3A_3423 = vector.broadcast %jit3A_3422 : i32 to vector<16xi32>
    %select_n3A_3424 = arith.select %lt3A_3420, %broadcast_in_dim3A_3423, %select_n3A_3409 : vector<16xi1>, vector<16xi32>
    %sub3A_3425 = arith.constant 2.05872488 : f32
    %sub3A_3426 = vector.broadcast %sub3A_3425 : f32 to vector<16xf32>
    %sub3A_3427 = arith.subf %get3A_3277, %sub3A_3426 : vector<16xf32>
    %abs3A_3428 = math.absf %sub3A_3427 : vector<16xf32>
    %eq3A_3429 = arith.constant 9 : i32
    %eq3A_3430 = vector.broadcast %eq3A_3429 : i32 to vector<16xi32>
    %eq3A_3431 = arith.cmpi eq, %add3A_3273, %eq3A_3430 : vector<16xi32>
    %jit3A_3432 = arith.constant 3.000000e+08 : f32
    %broadcast_in_dim3A_3433 = vector.broadcast %jit3A_3432 : f32 to vector<16xf32>
    %select_n3A_3434 = arith.select %eq3A_3431, %broadcast_in_dim3A_3433, %abs3A_3428 : vector<16xi1>, vector<16xf32>
    %lt3A_3435 = arith.cmpf olt, %select_n3A_3434, %select_n3A_3421 : vector<16xf32>
    %select_n3A_3436 = arith.select %lt3A_3435, %select_n3A_3434, %select_n3A_3421 : vector<16xi1>, vector<16xf32>
    %jit3A_3437 = arith.constant 9 : i32
    %broadcast_in_dim3A_3438 = vector.broadcast %jit3A_3437 : i32 to vector<16xi32>
    %select_n3A_3439 = arith.select %lt3A_3435, %broadcast_in_dim3A_3438, %select_n3A_3424 : vector<16xi1>, vector<16xi32>
    %sub3A_3440 = arith.constant 2.9428165 : f32
    %sub3A_3441 = vector.broadcast %sub3A_3440 : f32 to vector<16xf32>
    %sub3A_3442 = arith.subf %get3A_3277, %sub3A_3441 : vector<16xf32>
    %abs3A_3443 = math.absf %sub3A_3442 : vector<16xf32>
    %eq3A_3444 = arith.constant 10 : i32
    %eq3A_3445 = vector.broadcast %eq3A_3444 : i32 to vector<16xi32>
    %eq3A_3446 = arith.cmpi eq, %add3A_3273, %eq3A_3445 : vector<16xi32>
    %jit3A_3447 = arith.constant 3.000000e+08 : f32
    %broadcast_in_dim3A_3448 = vector.broadcast %jit3A_3447 : f32 to vector<16xf32>
    %select_n3A_3449 = arith.select %eq3A_3446, %broadcast_in_dim3A_3448, %abs3A_3443 : vector<16xi1>, vector<16xf32>
    %lt3A_3450 = arith.cmpf olt, %select_n3A_3449, %select_n3A_3436 : vector<16xf32>
    %select_n3A_3451 = arith.select %lt3A_3450, %select_n3A_3449, %select_n3A_3436 : vector<16xi1>, vector<16xf32>
    %jit3A_3452 = arith.constant 10 : i32
    %broadcast_in_dim3A_3453 = vector.broadcast %jit3A_3452 : i32 to vector<16xi32>
    %select_n3A_3454 = arith.select %lt3A_3450, %broadcast_in_dim3A_3453, %select_n3A_3439 : vector<16xi1>, vector<16xi32>
    %sub3A_3455 = arith.constant 1.80244827 : f32
    %sub3A_3456 = vector.broadcast %sub3A_3455 : f32 to vector<16xf32>
    %sub3A_3457 = arith.subf %get3A_3277, %sub3A_3456 : vector<16xf32>
    %abs3A_3458 = math.absf %sub3A_3457 : vector<16xf32>
    %eq3A_3459 = arith.constant 11 : i32
    %eq3A_3460 = vector.broadcast %eq3A_3459 : i32 to vector<16xi32>
    %eq3A_3461 = arith.cmpi eq, %add3A_3273, %eq3A_3460 : vector<16xi32>
    %jit3A_3462 = arith.constant 3.000000e+08 : f32
    %broadcast_in_dim3A_3463 = vector.broadcast %jit3A_3462 : f32 to vector<16xf32>
    %select_n3A_3464 = arith.select %eq3A_3461, %broadcast_in_dim3A_3463, %abs3A_3458 : vector<16xi1>, vector<16xf32>
    %lt3A_3465 = arith.cmpf olt, %select_n3A_3464, %select_n3A_3451 : vector<16xf32>
    %select_n3A_3466 = arith.select %lt3A_3465, %select_n3A_3464, %select_n3A_3451 : vector<16xi1>, vector<16xf32>
    %jit3A_3467 = arith.constant 11 : i32
    %broadcast_in_dim3A_3468 = vector.broadcast %jit3A_3467 : i32 to vector<16xi32>
    %select_n3A_3469 = arith.select %lt3A_3465, %broadcast_in_dim3A_3468, %select_n3A_3454 : vector<16xi1>, vector<16xi32>
    %sub3A_3470 = arith.constant 2.4419055 : f32
    %sub3A_3471 = vector.broadcast %sub3A_3470 : f32 to vector<16xf32>
    %sub3A_3472 = arith.subf %get3A_3277, %sub3A_3471 : vector<16xf32>
    %abs3A_3473 = math.absf %sub3A_3472 : vector<16xf32>
    %eq3A_3474 = arith.constant 12 : i32
    %eq3A_3475 = vector.broadcast %eq3A_3474 : i32 to vector<16xi32>
    %eq3A_3476 = arith.cmpi eq, %add3A_3273, %eq3A_3475 : vector<16xi32>
    %jit3A_3477 = arith.constant 3.000000e+08 : f32
    %broadcast_in_dim3A_3478 = vector.broadcast %jit3A_3477 : f32 to vector<16xf32>
    %select_n3A_3479 = arith.select %eq3A_3476, %broadcast_in_dim3A_3478, %abs3A_3473 : vector<16xi1>, vector<16xf32>
    %lt3A_3480 = arith.cmpf olt, %select_n3A_3479, %select_n3A_3466 : vector<16xf32>
    %select_n3A_3481 = arith.select %lt3A_3480, %select_n3A_3479, %select_n3A_3466 : vector<16xi1>, vector<16xf32>
    %jit3A_3482 = arith.constant 12 : i32
    %broadcast_in_dim3A_3483 = vector.broadcast %jit3A_3482 : i32 to vector<16xi32>
    %select_n3A_3484 = arith.select %lt3A_3480, %broadcast_in_dim3A_3483, %select_n3A_3469 : vector<16xi1>, vector<16xi32>
    %sub3A_3485 = arith.constant 2.12593555 : f32
    %sub3A_3486 = vector.broadcast %sub3A_3485 : f32 to vector<16xf32>
    %sub3A_3487 = arith.subf %get3A_3277, %sub3A_3486 : vector<16xf32>
    %abs3A_3488 = math.absf %sub3A_3487 : vector<16xf32>
    %eq3A_3489 = arith.constant 13 : i32
    %eq3A_3490 = vector.broadcast %eq3A_3489 : i32 to vector<16xi32>
    %eq3A_3491 = arith.cmpi eq, %add3A_3273, %eq3A_3490 : vector<16xi32>
    %jit3A_3492 = arith.constant 3.000000e+08 : f32
    %broadcast_in_dim3A_3493 = vector.broadcast %jit3A_3492 : f32 to vector<16xf32>
    %select_n3A_3494 = arith.select %eq3A_3491, %broadcast_in_dim3A_3493, %abs3A_3488 : vector<16xi1>, vector<16xf32>
    %lt3A_3495 = arith.cmpf olt, %select_n3A_3494, %select_n3A_3481 : vector<16xf32>
    %select_n3A_3496 = arith.select %lt3A_3495, %select_n3A_3494, %select_n3A_3481 : vector<16xi1>, vector<16xf32>
    %jit3A_3497 = arith.constant 13 : i32
    %broadcast_in_dim3A_3498 = vector.broadcast %jit3A_3497 : i32 to vector<16xi32>
    %select_n3A_3499 = arith.select %lt3A_3495, %broadcast_in_dim3A_3498, %select_n3A_3484 : vector<16xi1>, vector<16xi32>
    %sub3A_3500 = arith.constant 0.0826040431 : f32
    %sub3A_3501 = vector.broadcast %sub3A_3500 : f32 to vector<16xf32>
    %sub3A_3502 = arith.subf %get3A_3277, %sub3A_3501 : vector<16xf32>
    %abs3A_3503 = math.absf %sub3A_3502 : vector<16xf32>
    %eq3A_3504 = arith.constant 14 : i32
    %eq3A_3505 = vector.broadcast %eq3A_3504 : i32 to vector<16xi32>
    %eq3A_3506 = arith.cmpi eq, %add3A_3273, %eq3A_3505 : vector<16xi32>
    %jit3A_3507 = arith.constant 3.000000e+08 : f32
    %broadcast_in_dim3A_3508 = vector.broadcast %jit3A_3507 : f32 to vector<16xf32>
    %select_n3A_3509 = arith.select %eq3A_3506, %broadcast_in_dim3A_3508, %abs3A_3503 : vector<16xi1>, vector<16xf32>
    %lt3A_3510 = arith.cmpf olt, %select_n3A_3509, %select_n3A_3496 : vector<16xf32>
    %select_n3A_3511 = arith.select %lt3A_3510, %select_n3A_3509, %select_n3A_3496 : vector<16xi1>, vector<16xf32>
    %jit3A_3512 = arith.constant 14 : i32
    %broadcast_in_dim3A_3513 = vector.broadcast %jit3A_3512 : i32 to vector<16xi32>
    %select_n3A_3514 = arith.select %lt3A_3510, %broadcast_in_dim3A_3513, %select_n3A_3499 : vector<16xi1>, vector<16xi32>
    %sub3A_3515 = arith.constant 2.71280169 : f32
    %sub3A_3516 = vector.broadcast %sub3A_3515 : f32 to vector<16xf32>
    %sub3A_3517 = arith.subf %get3A_3277, %sub3A_3516 : vector<16xf32>
    %abs3A_3518 = math.absf %sub3A_3517 : vector<16xf32>
    %eq3A_3519 = arith.constant 15 : i32
    %eq3A_3520 = vector.broadcast %eq3A_3519 : i32 to vector<16xi32>
    %eq3A_3521 = arith.cmpi eq, %add3A_3273, %eq3A_3520 : vector<16xi32>
    %jit3A_3522 = arith.constant 3.000000e+08 : f32
    %broadcast_in_dim3A_3523 = vector.broadcast %jit3A_3522 : f32 to vector<16xf32>
    %select_n3A_3524 = arith.select %eq3A_3521, %broadcast_in_dim3A_3523, %abs3A_3518 : vector<16xi1>, vector<16xf32>
    %lt3A_3525 = arith.cmpf olt, %select_n3A_3524, %select_n3A_3511 : vector<16xf32>
    %select_n3A_3526 = arith.select %lt3A_3525, %select_n3A_3524, %select_n3A_3511 : vector<16xi1>, vector<16xf32>
    %jit3A_3527 = arith.constant 15 : i32
    %broadcast_in_dim3A_3528 = vector.broadcast %jit3A_3527 : i32 to vector<16xi32>
    %select_n3A_3529 = arith.select %lt3A_3525, %broadcast_in_dim3A_3528, %select_n3A_3514 : vector<16xi1>, vector<16xi32>
    %sub3A_3530 = arith.constant 1.34971452 : f32
    %sub3A_3531 = vector.broadcast %sub3A_3530 : f32 to vector<16xf32>
    %sub3A_3532 = arith.subf %get3A_3277, %sub3A_3531 : vector<16xf32>
    %abs3A_3533 = math.absf %sub3A_3532 : vector<16xf32>
    %eq3A_3534 = arith.constant 16 : i32
    %eq3A_3535 = vector.broadcast %eq3A_3534 : i32 to vector<16xi32>
    %eq3A_3536 = arith.cmpi eq, %add3A_3273, %eq3A_3535 : vector<16xi32>
    %jit3A_3537 = arith.constant 3.000000e+08 : f32
    %broadcast_in_dim3A_3538 = vector.broadcast %jit3A_3537 : f32 to vector<16xf32>
    %select_n3A_3539 = arith.select %eq3A_3536, %broadcast_in_dim3A_3538, %abs3A_3533 : vector<16xi1>, vector<16xf32>
    %lt3A_3540 = arith.cmpf olt, %select_n3A_3539, %select_n3A_3526 : vector<16xf32>
    %select_n3A_3541 = arith.select %lt3A_3540, %select_n3A_3539, %select_n3A_3526 : vector<16xi1>, vector<16xf32>
    %jit3A_3542 = arith.constant 16 : i32
    %broadcast_in_dim3A_3543 = vector.broadcast %jit3A_3542 : i32 to vector<16xi32>
    %select_n3A_3544 = arith.select %lt3A_3540, %broadcast_in_dim3A_3543, %select_n3A_3529 : vector<16xi1>, vector<16xi32>
    %sub3A_3545 = arith.constant 0.356773973 : f32
    %sub3A_3546 = vector.broadcast %sub3A_3545 : f32 to vector<16xf32>
    %sub3A_3547 = arith.subf %get3A_3277, %sub3A_3546 : vector<16xf32>
    %abs3A_3548 = math.absf %sub3A_3547 : vector<16xf32>
    %eq3A_3549 = arith.constant 17 : i32
    %eq3A_3550 = vector.broadcast %eq3A_3549 : i32 to vector<16xi32>
    %eq3A_3551 = arith.cmpi eq, %add3A_3273, %eq3A_3550 : vector<16xi32>
    %jit3A_3552 = arith.constant 3.000000e+08 : f32
    %broadcast_in_dim3A_3553 = vector.broadcast %jit3A_3552 : f32 to vector<16xf32>
    %select_n3A_3554 = arith.select %eq3A_3551, %broadcast_in_dim3A_3553, %abs3A_3548 : vector<16xi1>, vector<16xf32>
    %lt3A_3555 = arith.cmpf olt, %select_n3A_3554, %select_n3A_3541 : vector<16xf32>
    %select_n3A_3556 = arith.select %lt3A_3555, %select_n3A_3554, %select_n3A_3541 : vector<16xi1>, vector<16xf32>
    %jit3A_3557 = arith.constant 17 : i32
    %broadcast_in_dim3A_3558 = vector.broadcast %jit3A_3557 : i32 to vector<16xi32>
    %select_n3A_3559 = arith.select %lt3A_3555, %broadcast_in_dim3A_3558, %select_n3A_3544 : vector<16xi1>, vector<16xi32>
    %sub3A_3560 = arith.constant 2.50590062 : f32
    %sub3A_3561 = vector.broadcast %sub3A_3560 : f32 to vector<16xf32>
    %sub3A_3562 = arith.subf %get3A_3277, %sub3A_3561 : vector<16xf32>
    %abs3A_3563 = math.absf %sub3A_3562 : vector<16xf32>
    %eq3A_3564 = arith.constant 18 : i32
    %eq3A_3565 = vector.broadcast %eq3A_3564 : i32 to vector<16xi32>
    %eq3A_3566 = arith.cmpi eq, %add3A_3273, %eq3A_3565 : vector<16xi32>
    %jit3A_3567 = arith.constant 3.000000e+08 : f32
    %broadcast_in_dim3A_3568 = vector.broadcast %jit3A_3567 : f32 to vector<16xf32>
    %select_n3A_3569 = arith.select %eq3A_3566, %broadcast_in_dim3A_3568, %abs3A_3563 : vector<16xi1>, vector<16xf32>
    %lt3A_3570 = arith.cmpf olt, %select_n3A_3569, %select_n3A_3556 : vector<16xf32>
    %select_n3A_3571 = arith.select %lt3A_3570, %select_n3A_3569, %select_n3A_3556 : vector<16xi1>, vector<16xf32>
    %jit3A_3572 = arith.constant 18 : i32
    %broadcast_in_dim3A_3573 = vector.broadcast %jit3A_3572 : i32 to vector<16xi32>
    %select_n3A_3574 = arith.select %lt3A_3570, %broadcast_in_dim3A_3573, %select_n3A_3559 : vector<16xi1>, vector<16xi32>
    %sub3A_3575 = arith.constant 0.606744706 : f32
    %sub3A_3576 = vector.broadcast %sub3A_3575 : f32 to vector<16xf32>
    %sub3A_3577 = arith.subf %get3A_3277, %sub3A_3576 : vector<16xf32>
    %abs3A_3578 = math.absf %sub3A_3577 : vector<16xf32>
    %eq3A_3579 = arith.constant 19 : i32
    %eq3A_3580 = vector.broadcast %eq3A_3579 : i32 to vector<16xi32>
    %eq3A_3581 = arith.cmpi eq, %add3A_3273, %eq3A_3580 : vector<16xi32>
    %jit3A_3582 = arith.constant 3.000000e+08 : f32
    %broadcast_in_dim3A_3583 = vector.broadcast %jit3A_3582 : f32 to vector<16xf32>
    %select_n3A_3584 = arith.select %eq3A_3581, %broadcast_in_dim3A_3583, %abs3A_3578 : vector<16xi1>, vector<16xf32>
    %lt3A_3585 = arith.cmpf olt, %select_n3A_3584, %select_n3A_3571 : vector<16xf32>
    %select_n3A_3586 = arith.select %lt3A_3585, %select_n3A_3584, %select_n3A_3571 : vector<16xi1>, vector<16xf32>
    %jit3A_3587 = arith.constant 19 : i32
    %broadcast_in_dim3A_3588 = vector.broadcast %jit3A_3587 : i32 to vector<16xi32>
    %select_n3A_3589 = arith.select %lt3A_3585, %broadcast_in_dim3A_3588, %select_n3A_3574 : vector<16xi1>, vector<16xi32>
    %sub3A_3590 = arith.constant 5.226080e-01 : f32
    %sub3A_3591 = vector.broadcast %sub3A_3590 : f32 to vector<16xf32>
    %sub3A_3592 = arith.subf %get3A_3277, %sub3A_3591 : vector<16xf32>
    %abs3A_3593 = math.absf %sub3A_3592 : vector<16xf32>
    %eq3A_3594 = arith.constant 20 : i32
    %eq3A_3595 = vector.broadcast %eq3A_3594 : i32 to vector<16xi32>
    %eq3A_3596 = arith.cmpi eq, %add3A_3273, %eq3A_3595 : vector<16xi32>
    %jit3A_3597 = arith.constant 3.000000e+08 : f32
    %broadcast_in_dim3A_3598 = vector.broadcast %jit3A_3597 : f32 to vector<16xf32>
    %select_n3A_3599 = arith.select %eq3A_3596, %broadcast_in_dim3A_3598, %abs3A_3593 : vector<16xi1>, vector<16xf32>
    %lt3A_3600 = arith.cmpf olt, %select_n3A_3599, %select_n3A_3586 : vector<16xf32>
    %select_n3A_3601 = arith.select %lt3A_3600, %select_n3A_3599, %select_n3A_3586 : vector<16xi1>, vector<16xf32>
    %jit3A_3602 = arith.constant 20 : i32
    %broadcast_in_dim3A_3603 = vector.broadcast %jit3A_3602 : i32 to vector<16xi32>
    %select_n3A_3604 = arith.select %lt3A_3600, %broadcast_in_dim3A_3603, %select_n3A_3589 : vector<16xi1>, vector<16xi32>
    %sub3A_3605 = arith.constant 1.3474412 : f32
    %sub3A_3606 = vector.broadcast %sub3A_3605 : f32 to vector<16xf32>
    %sub3A_3607 = arith.subf %get3A_3277, %sub3A_3606 : vector<16xf32>
    %abs3A_3608 = math.absf %sub3A_3607 : vector<16xf32>
    %eq3A_3609 = arith.constant 21 : i32
    %eq3A_3610 = vector.broadcast %eq3A_3609 : i32 to vector<16xi32>
    %eq3A_3611 = arith.cmpi eq, %add3A_3273, %eq3A_3610 : vector<16xi32>
    %jit3A_3612 = arith.constant 3.000000e+08 : f32
    %broadcast_in_dim3A_3613 = vector.broadcast %jit3A_3612 : f32 to vector<16xf32>
    %select_n3A_3614 = arith.select %eq3A_3611, %broadcast_in_dim3A_3613, %abs3A_3608 : vector<16xi1>, vector<16xf32>
    %lt3A_3615 = arith.cmpf olt, %select_n3A_3614, %select_n3A_3601 : vector<16xf32>
    %select_n3A_3616 = arith.select %lt3A_3615, %select_n3A_3614, %select_n3A_3601 : vector<16xi1>, vector<16xf32>
    %jit3A_3617 = arith.constant 21 : i32
    %broadcast_in_dim3A_3618 = vector.broadcast %jit3A_3617 : i32 to vector<16xi32>
    %select_n3A_3619 = arith.select %lt3A_3615, %broadcast_in_dim3A_3618, %select_n3A_3604 : vector<16xi1>, vector<16xi32>
    %sub3A_3620 = arith.constant 2.00938439 : f32
    %sub3A_3621 = vector.broadcast %sub3A_3620 : f32 to vector<16xf32>
    %sub3A_3622 = arith.subf %get3A_3277, %sub3A_3621 : vector<16xf32>
    %abs3A_3623 = math.absf %sub3A_3622 : vector<16xf32>
    %eq3A_3624 = arith.constant 22 : i32
    %eq3A_3625 = vector.broadcast %eq3A_3624 : i32 to vector<16xi32>
    %eq3A_3626 = arith.cmpi eq, %add3A_3273, %eq3A_3625 : vector<16xi32>
    %jit3A_3627 = arith.constant 3.000000e+08 : f32
    %broadcast_in_dim3A_3628 = vector.broadcast %jit3A_3627 : f32 to vector<16xf32>
    %select_n3A_3629 = arith.select %eq3A_3626, %broadcast_in_dim3A_3628, %abs3A_3623 : vector<16xi1>, vector<16xf32>
    %lt3A_3630 = arith.cmpf olt, %select_n3A_3629, %select_n3A_3616 : vector<16xf32>
    %select_n3A_3631 = arith.select %lt3A_3630, %select_n3A_3629, %select_n3A_3616 : vector<16xi1>, vector<16xf32>
    %jit3A_3632 = arith.constant 22 : i32
    %broadcast_in_dim3A_3633 = vector.broadcast %jit3A_3632 : i32 to vector<16xi32>
    %select_n3A_3634 = arith.select %lt3A_3630, %broadcast_in_dim3A_3633, %select_n3A_3619 : vector<16xi1>, vector<16xi32>
    %sub3A_3635 = arith.constant 2.87219739 : f32
    %sub3A_3636 = vector.broadcast %sub3A_3635 : f32 to vector<16xf32>
    %sub3A_3637 = arith.subf %get3A_3277, %sub3A_3636 : vector<16xf32>
    %abs3A_3638 = math.absf %sub3A_3637 : vector<16xf32>
    %eq3A_3639 = arith.constant 23 : i32
    %eq3A_3640 = vector.broadcast %eq3A_3639 : i32 to vector<16xi32>
    %eq3A_3641 = arith.cmpi eq, %add3A_3273, %eq3A_3640 : vector<16xi32>
    %jit3A_3642 = arith.constant 3.000000e+08 : f32
    %broadcast_in_dim3A_3643 = vector.broadcast %jit3A_3642 : f32 to vector<16xf32>
    %select_n3A_3644 = arith.select %eq3A_3641, %broadcast_in_dim3A_3643, %abs3A_3638 : vector<16xi1>, vector<16xf32>
    %lt3A_3645 = arith.cmpf olt, %select_n3A_3644, %select_n3A_3631 : vector<16xf32>
    %select_n3A_3646 = arith.select %lt3A_3645, %select_n3A_3644, %select_n3A_3631 : vector<16xi1>, vector<16xf32>
    %jit3A_3647 = arith.constant 23 : i32
    %broadcast_in_dim3A_3648 = vector.broadcast %jit3A_3647 : i32 to vector<16xi32>
    %select_n3A_3649 = arith.select %lt3A_3645, %broadcast_in_dim3A_3648, %select_n3A_3634 : vector<16xi1>, vector<16xi32>
    %sub3A_3650 = arith.constant 2.49999976 : f32
    %sub3A_3651 = vector.broadcast %sub3A_3650 : f32 to vector<16xf32>
    %sub3A_3652 = arith.subf %get3A_3277, %sub3A_3651 : vector<16xf32>
    %abs3A_3653 = math.absf %sub3A_3652 : vector<16xf32>
    %eq3A_3654 = arith.constant 24 : i32
    %eq3A_3655 = vector.broadcast %eq3A_3654 : i32 to vector<16xi32>
    %eq3A_3656 = arith.cmpi eq, %add3A_3273, %eq3A_3655 : vector<16xi32>
    %jit3A_3657 = arith.constant 3.000000e+08 : f32
    %broadcast_in_dim3A_3658 = vector.broadcast %jit3A_3657 : f32 to vector<16xf32>
    %select_n3A_3659 = arith.select %eq3A_3656, %broadcast_in_dim3A_3658, %abs3A_3653 : vector<16xi1>, vector<16xf32>
    %lt3A_3660 = arith.cmpf olt, %select_n3A_3659, %select_n3A_3646 : vector<16xf32>
    %select_n3A_3661 = arith.select %lt3A_3660, %select_n3A_3659, %select_n3A_3646 : vector<16xi1>, vector<16xf32>
    %jit3A_3662 = arith.constant 24 : i32
    %broadcast_in_dim3A_3663 = vector.broadcast %jit3A_3662 : i32 to vector<16xi32>
    %select_n3A_3664 = arith.select %lt3A_3660, %broadcast_in_dim3A_3663, %select_n3A_3649 : vector<16xi1>, vector<16xi32>
    %sub3A_3665 = arith.constant 1.52492988 : f32
    %sub3A_3666 = vector.broadcast %sub3A_3665 : f32 to vector<16xf32>
    %sub3A_3667 = arith.subf %get3A_3277, %sub3A_3666 : vector<16xf32>
    %abs3A_3668 = math.absf %sub3A_3667 : vector<16xf32>
    %eq3A_3669 = arith.constant 25 : i32
    %eq3A_3670 = vector.broadcast %eq3A_3669 : i32 to vector<16xi32>
    %eq3A_3671 = arith.cmpi eq, %add3A_3273, %eq3A_3670 : vector<16xi32>
    %jit3A_3672 = arith.constant 3.000000e+08 : f32
    %broadcast_in_dim3A_3673 = vector.broadcast %jit3A_3672 : f32 to vector<16xf32>
    %select_n3A_3674 = arith.select %eq3A_3671, %broadcast_in_dim3A_3673, %abs3A_3668 : vector<16xi1>, vector<16xf32>
    %lt3A_3675 = arith.cmpf olt, %select_n3A_3674, %select_n3A_3661 : vector<16xf32>
    %select_n3A_3676 = arith.select %lt3A_3675, %select_n3A_3674, %select_n3A_3661 : vector<16xi1>, vector<16xf32>
    %jit3A_3677 = arith.constant 25 : i32
    %broadcast_in_dim3A_3678 = vector.broadcast %jit3A_3677 : i32 to vector<16xi32>
    %select_n3A_3679 = arith.select %lt3A_3675, %broadcast_in_dim3A_3678, %select_n3A_3664 : vector<16xi1>, vector<16xi32>
    %sub3A_3680 = arith.constant 1.89007068 : f32
    %sub3A_3681 = vector.broadcast %sub3A_3680 : f32 to vector<16xf32>
    %sub3A_3682 = arith.subf %get3A_3277, %sub3A_3681 : vector<16xf32>
    %abs3A_3683 = math.absf %sub3A_3682 : vector<16xf32>
    %eq3A_3684 = arith.constant 26 : i32
    %eq3A_3685 = vector.broadcast %eq3A_3684 : i32 to vector<16xi32>
    %eq3A_3686 = arith.cmpi eq, %add3A_3273, %eq3A_3685 : vector<16xi32>
    %jit3A_3687 = arith.constant 3.000000e+08 : f32
    %broadcast_in_dim3A_3688 = vector.broadcast %jit3A_3687 : f32 to vector<16xf32>
    %select_n3A_3689 = arith.select %eq3A_3686, %broadcast_in_dim3A_3688, %abs3A_3683 : vector<16xi1>, vector<16xf32>
    %lt3A_3690 = arith.cmpf olt, %select_n3A_3689, %select_n3A_3676 : vector<16xf32>
    %select_n3A_3691 = arith.select %lt3A_3690, %select_n3A_3689, %select_n3A_3676 : vector<16xi1>, vector<16xf32>
    %jit3A_3692 = arith.constant 26 : i32
    %broadcast_in_dim3A_3693 = vector.broadcast %jit3A_3692 : i32 to vector<16xi32>
    %select_n3A_3694 = arith.select %lt3A_3690, %broadcast_in_dim3A_3693, %select_n3A_3679 : vector<16xi1>, vector<16xi32>
    %sub3A_3695 = arith.constant 2.50510406 : f32
    %sub3A_3696 = vector.broadcast %sub3A_3695 : f32 to vector<16xf32>
    %sub3A_3697 = arith.subf %get3A_3277, %sub3A_3696 : vector<16xf32>
    %abs3A_3698 = math.absf %sub3A_3697 : vector<16xf32>
    %eq3A_3699 = arith.constant 27 : i32
    %eq3A_3700 = vector.broadcast %eq3A_3699 : i32 to vector<16xi32>
    %eq3A_3701 = arith.cmpi eq, %add3A_3273, %eq3A_3700 : vector<16xi32>
    %jit3A_3702 = arith.constant 3.000000e+08 : f32
    %broadcast_in_dim3A_3703 = vector.broadcast %jit3A_3702 : f32 to vector<16xf32>
    %select_n3A_3704 = arith.select %eq3A_3701, %broadcast_in_dim3A_3703, %abs3A_3698 : vector<16xi1>, vector<16xf32>
    %lt3A_3705 = arith.cmpf olt, %select_n3A_3704, %select_n3A_3691 : vector<16xf32>
    %select_n3A_3706 = arith.select %lt3A_3705, %select_n3A_3704, %select_n3A_3691 : vector<16xi1>, vector<16xf32>
    %jit3A_3707 = arith.constant 27 : i32
    %broadcast_in_dim3A_3708 = vector.broadcast %jit3A_3707 : i32 to vector<16xi32>
    %select_n3A_3709 = arith.select %lt3A_3705, %broadcast_in_dim3A_3708, %select_n3A_3694 : vector<16xi1>, vector<16xi32>
    %sub3A_3710 = arith.constant 1.34199488 : f32
    %sub3A_3711 = vector.broadcast %sub3A_3710 : f32 to vector<16xf32>
    %sub3A_3712 = arith.subf %get3A_3277, %sub3A_3711 : vector<16xf32>
    %abs3A_3713 = math.absf %sub3A_3712 : vector<16xf32>
    %eq3A_3714 = arith.constant 28 : i32
    %eq3A_3715 = vector.broadcast %eq3A_3714 : i32 to vector<16xi32>
    %eq3A_3716 = arith.cmpi eq, %add3A_3273, %eq3A_3715 : vector<16xi32>
    %jit3A_3717 = arith.constant 3.000000e+08 : f32
    %broadcast_in_dim3A_3718 = vector.broadcast %jit3A_3717 : f32 to vector<16xf32>
    %select_n3A_3719 = arith.select %eq3A_3716, %broadcast_in_dim3A_3718, %abs3A_3713 : vector<16xi1>, vector<16xf32>
    %lt3A_3720 = arith.cmpf olt, %select_n3A_3719, %select_n3A_3706 : vector<16xf32>
    %select_n3A_3721 = arith.select %lt3A_3720, %select_n3A_3719, %select_n3A_3706 : vector<16xi1>, vector<16xf32>
    %jit3A_3722 = arith.constant 28 : i32
    %broadcast_in_dim3A_3723 = vector.broadcast %jit3A_3722 : i32 to vector<16xi32>
    %select_n3A_3724 = arith.select %lt3A_3720, %broadcast_in_dim3A_3723, %select_n3A_3709 : vector<16xi1>, vector<16xi32>
    %sub3A_3725 = arith.constant 2.28687143 : f32
    %sub3A_3726 = vector.broadcast %sub3A_3725 : f32 to vector<16xf32>
    %sub3A_3727 = arith.subf %get3A_3277, %sub3A_3726 : vector<16xf32>
    %abs3A_3728 = math.absf %sub3A_3727 : vector<16xf32>
    %eq3A_3729 = arith.constant 29 : i32
    %eq3A_3730 = vector.broadcast %eq3A_3729 : i32 to vector<16xi32>
    %eq3A_3731 = arith.cmpi eq, %add3A_3273, %eq3A_3730 : vector<16xi32>
    %jit3A_3732 = arith.constant 3.000000e+08 : f32
    %broadcast_in_dim3A_3733 = vector.broadcast %jit3A_3732 : f32 to vector<16xf32>
    %select_n3A_3734 = arith.select %eq3A_3731, %broadcast_in_dim3A_3733, %abs3A_3728 : vector<16xi1>, vector<16xf32>
    %lt3A_3735 = arith.cmpf olt, %select_n3A_3734, %select_n3A_3721 : vector<16xf32>
    %select_n3A_3736 = arith.select %lt3A_3735, %select_n3A_3734, %select_n3A_3721 : vector<16xi1>, vector<16xf32>
    %jit3A_3737 = arith.constant 29 : i32
    %broadcast_in_dim3A_3738 = vector.broadcast %jit3A_3737 : i32 to vector<16xi32>
    %select_n3A_3739 = arith.select %lt3A_3735, %broadcast_in_dim3A_3738, %select_n3A_3724 : vector<16xi1>, vector<16xi32>
    %sub3A_3740 = arith.constant 1.91076672 : f32
    %sub3A_3741 = vector.broadcast %sub3A_3740 : f32 to vector<16xf32>
    %sub3A_3742 = arith.subf %get3A_3277, %sub3A_3741 : vector<16xf32>
    %abs3A_3743 = math.absf %sub3A_3742 : vector<16xf32>
    %eq3A_3744 = arith.constant 30 : i32
    %eq3A_3745 = vector.broadcast %eq3A_3744 : i32 to vector<16xi32>
    %eq3A_3746 = arith.cmpi eq, %add3A_3273, %eq3A_3745 : vector<16xi32>
    %jit3A_3747 = arith.constant 3.000000e+08 : f32
    %broadcast_in_dim3A_3748 = vector.broadcast %jit3A_3747 : f32 to vector<16xf32>
    %select_n3A_3749 = arith.select %eq3A_3746, %broadcast_in_dim3A_3748, %abs3A_3743 : vector<16xi1>, vector<16xf32>
    %lt3A_3750 = arith.cmpf olt, %select_n3A_3749, %select_n3A_3736 : vector<16xf32>
    %select_n3A_3751 = arith.select %lt3A_3750, %select_n3A_3749, %select_n3A_3736 : vector<16xi1>, vector<16xf32>
    %jit3A_3752 = arith.constant 30 : i32
    %broadcast_in_dim3A_3753 = vector.broadcast %jit3A_3752 : i32 to vector<16xi32>
    %select_n3A_3754 = arith.select %lt3A_3750, %broadcast_in_dim3A_3753, %select_n3A_3739 : vector<16xi1>, vector<16xi32>
    %sub3A_3755 = arith.constant 1.08688772 : f32
    %sub3A_3756 = vector.broadcast %sub3A_3755 : f32 to vector<16xf32>
    %sub3A_3757 = arith.subf %get3A_3277, %sub3A_3756 : vector<16xf32>
    %abs3A_3758 = math.absf %sub3A_3757 : vector<16xf32>
    %eq3A_3759 = arith.constant 31 : i32
    %eq3A_3760 = vector.broadcast %eq3A_3759 : i32 to vector<16xi32>
    %eq3A_3761 = arith.cmpi eq, %add3A_3273, %eq3A_3760 : vector<16xi32>
    %jit3A_3762 = arith.constant 3.000000e+08 : f32
    %broadcast_in_dim3A_3763 = vector.broadcast %jit3A_3762 : f32 to vector<16xf32>
    %select_n3A_3764 = arith.select %eq3A_3761, %broadcast_in_dim3A_3763, %abs3A_3758 : vector<16xi1>, vector<16xf32>
    %lt3A_3765 = arith.cmpf olt, %select_n3A_3764, %select_n3A_3751 : vector<16xf32>
    %select_n3A_3766 = arith.select %lt3A_3765, %select_n3A_3764, %select_n3A_3751 : vector<16xi1>, vector<16xf32>
    %jit3A_3767 = arith.constant 31 : i32
    %broadcast_in_dim3A_3768 = vector.broadcast %jit3A_3767 : i32 to vector<16xi32>
    %select_n3A_3769 = arith.select %lt3A_3765, %broadcast_in_dim3A_3768, %select_n3A_3754 : vector<16xi1>, vector<16xi32>
    %sub3A_3770 = arith.constant 0.0437236503 : f32
    %sub3A_3771 = vector.broadcast %sub3A_3770 : f32 to vector<16xf32>
    %sub3A_3772 = arith.subf %get3A_3277, %sub3A_3771 : vector<16xf32>
    %abs3A_3773 = math.absf %sub3A_3772 : vector<16xf32>
    %eq3A_3774 = arith.constant 32 : i32
    %eq3A_3775 = vector.broadcast %eq3A_3774 : i32 to vector<16xi32>
    %eq3A_3776 = arith.cmpi eq, %add3A_3273, %eq3A_3775 : vector<16xi32>
    %jit3A_3777 = arith.constant 3.000000e+08 : f32
    %broadcast_in_dim3A_3778 = vector.broadcast %jit3A_3777 : f32 to vector<16xf32>
    %select_n3A_3779 = arith.select %eq3A_3776, %broadcast_in_dim3A_3778, %abs3A_3773 : vector<16xi1>, vector<16xf32>
    %lt3A_3780 = arith.cmpf olt, %select_n3A_3779, %select_n3A_3766 : vector<16xf32>
    %select_n3A_3781 = arith.select %lt3A_3780, %select_n3A_3779, %select_n3A_3766 : vector<16xi1>, vector<16xf32>
    %jit3A_3782 = arith.constant 32 : i32
    %broadcast_in_dim3A_3783 = vector.broadcast %jit3A_3782 : i32 to vector<16xi32>
    %select_n3A_3784 = arith.select %lt3A_3780, %broadcast_in_dim3A_3783, %select_n3A_3769 : vector<16xi1>, vector<16xi32>
    %sub3A_3785 = arith.constant 1.62595463 : f32
    %sub3A_3786 = vector.broadcast %sub3A_3785 : f32 to vector<16xf32>
    %sub3A_3787 = arith.subf %get3A_3277, %sub3A_3786 : vector<16xf32>
    %abs3A_3788 = math.absf %sub3A_3787 : vector<16xf32>
    %eq3A_3789 = arith.constant 33 : i32
    %eq3A_3790 = vector.broadcast %eq3A_3789 : i32 to vector<16xi32>
    %eq3A_3791 = arith.cmpi eq, %add3A_3273, %eq3A_3790 : vector<16xi32>
    %jit3A_3792 = arith.constant 3.000000e+08 : f32
    %broadcast_in_dim3A_3793 = vector.broadcast %jit3A_3792 : f32 to vector<16xf32>
    %select_n3A_3794 = arith.select %eq3A_3791, %broadcast_in_dim3A_3793, %abs3A_3788 : vector<16xi1>, vector<16xf32>
    %lt3A_3795 = arith.cmpf olt, %select_n3A_3794, %select_n3A_3781 : vector<16xf32>
    %select_n3A_3796 = arith.select %lt3A_3795, %select_n3A_3794, %select_n3A_3781 : vector<16xi1>, vector<16xf32>
    %jit3A_3797 = arith.constant 33 : i32
    %broadcast_in_dim3A_3798 = vector.broadcast %jit3A_3797 : i32 to vector<16xi32>
    %select_n3A_3799 = arith.select %lt3A_3795, %broadcast_in_dim3A_3798, %select_n3A_3784 : vector<16xi1>, vector<16xi32>
    %sub3A_3800 = arith.constant 0.954466462 : f32
    %sub3A_3801 = vector.broadcast %sub3A_3800 : f32 to vector<16xf32>
    %sub3A_3802 = arith.subf %get3A_3277, %sub3A_3801 : vector<16xf32>
    %abs3A_3803 = math.absf %sub3A_3802 : vector<16xf32>
    %eq3A_3804 = arith.constant 34 : i32
    %eq3A_3805 = vector.broadcast %eq3A_3804 : i32 to vector<16xi32>
    %eq3A_3806 = arith.cmpi eq, %add3A_3273, %eq3A_3805 : vector<16xi32>
    %jit3A_3807 = arith.constant 3.000000e+08 : f32
    %broadcast_in_dim3A_3808 = vector.broadcast %jit3A_3807 : f32 to vector<16xf32>
    %select_n3A_3809 = arith.select %eq3A_3806, %broadcast_in_dim3A_3808, %abs3A_3803 : vector<16xi1>, vector<16xf32>
    %lt3A_3810 = arith.cmpf olt, %select_n3A_3809, %select_n3A_3796 : vector<16xf32>
    %select_n3A_3811 = arith.select %lt3A_3810, %select_n3A_3809, %select_n3A_3796 : vector<16xi1>, vector<16xf32>
    %jit3A_3812 = arith.constant 34 : i32
    %broadcast_in_dim3A_3813 = vector.broadcast %jit3A_3812 : i32 to vector<16xi32>
    %select_n3A_3814 = arith.select %lt3A_3810, %broadcast_in_dim3A_3813, %select_n3A_3799 : vector<16xi1>, vector<16xi32>
    %sub3A_3815 = arith.constant 0.434971035 : f32
    %sub3A_3816 = vector.broadcast %sub3A_3815 : f32 to vector<16xf32>
    %sub3A_3817 = arith.subf %get3A_3277, %sub3A_3816 : vector<16xf32>
    %abs3A_3818 = math.absf %sub3A_3817 : vector<16xf32>
    %eq3A_3819 = arith.constant 35 : i32
    %eq3A_3820 = vector.broadcast %eq3A_3819 : i32 to vector<16xi32>
    %eq3A_3821 = arith.cmpi eq, %add3A_3273, %eq3A_3820 : vector<16xi32>
    %jit3A_3822 = arith.constant 3.000000e+08 : f32
    %broadcast_in_dim3A_3823 = vector.broadcast %jit3A_3822 : f32 to vector<16xf32>
    %select_n3A_3824 = arith.select %eq3A_3821, %broadcast_in_dim3A_3823, %abs3A_3818 : vector<16xi1>, vector<16xf32>
    %lt3A_3825 = arith.cmpf olt, %select_n3A_3824, %select_n3A_3811 : vector<16xf32>
    %select_n3A_3826 = arith.select %lt3A_3825, %select_n3A_3824, %select_n3A_3811 : vector<16xi1>, vector<16xf32>
    %jit3A_3827 = arith.constant 35 : i32
    %broadcast_in_dim3A_3828 = vector.broadcast %jit3A_3827 : i32 to vector<16xi32>
    %select_n3A_3829 = arith.select %lt3A_3825, %broadcast_in_dim3A_3828, %select_n3A_3814 : vector<16xi1>, vector<16xi32>
    %sub3A_3830 = arith.constant 1.64667583 : f32
    %sub3A_3831 = vector.broadcast %sub3A_3830 : f32 to vector<16xf32>
    %sub3A_3832 = arith.subf %get3A_3277, %sub3A_3831 : vector<16xf32>
    %abs3A_3833 = math.absf %sub3A_3832 : vector<16xf32>
    %eq3A_3834 = arith.constant 36 : i32
    %eq3A_3835 = vector.broadcast %eq3A_3834 : i32 to vector<16xi32>
    %eq3A_3836 = arith.cmpi eq, %add3A_3273, %eq3A_3835 : vector<16xi32>
    %jit3A_3837 = arith.constant 3.000000e+08 : f32
    %broadcast_in_dim3A_3838 = vector.broadcast %jit3A_3837 : f32 to vector<16xf32>
    %select_n3A_3839 = arith.select %eq3A_3836, %broadcast_in_dim3A_3838, %abs3A_3833 : vector<16xi1>, vector<16xf32>
    %lt3A_3840 = arith.cmpf olt, %select_n3A_3839, %select_n3A_3826 : vector<16xf32>
    %select_n3A_3841 = arith.select %lt3A_3840, %select_n3A_3839, %select_n3A_3826 : vector<16xi1>, vector<16xf32>
    %jit3A_3842 = arith.constant 36 : i32
    %broadcast_in_dim3A_3843 = vector.broadcast %jit3A_3842 : i32 to vector<16xi32>
    %select_n3A_3844 = arith.select %lt3A_3840, %broadcast_in_dim3A_3843, %select_n3A_3829 : vector<16xi1>, vector<16xi32>
    %sub3A_3845 = arith.constant 0.562443793 : f32
    %sub3A_3846 = vector.broadcast %sub3A_3845 : f32 to vector<16xf32>
    %sub3A_3847 = arith.subf %get3A_3277, %sub3A_3846 : vector<16xf32>
    %abs3A_3848 = math.absf %sub3A_3847 : vector<16xf32>
    %eq3A_3849 = arith.constant 37 : i32
    %eq3A_3850 = vector.broadcast %eq3A_3849 : i32 to vector<16xi32>
    %eq3A_3851 = arith.cmpi eq, %add3A_3273, %eq3A_3850 : vector<16xi32>
    %jit3A_3852 = arith.constant 3.000000e+08 : f32
    %broadcast_in_dim3A_3853 = vector.broadcast %jit3A_3852 : f32 to vector<16xf32>
    %select_n3A_3854 = arith.select %eq3A_3851, %broadcast_in_dim3A_3853, %abs3A_3848 : vector<16xi1>, vector<16xf32>
    %lt3A_3855 = arith.cmpf olt, %select_n3A_3854, %select_n3A_3841 : vector<16xf32>
    %select_n3A_3856 = arith.select %lt3A_3855, %select_n3A_3854, %select_n3A_3841 : vector<16xi1>, vector<16xf32>
    %jit3A_3857 = arith.constant 37 : i32
    %broadcast_in_dim3A_3858 = vector.broadcast %jit3A_3857 : i32 to vector<16xi32>
    %select_n3A_3859 = arith.select %lt3A_3855, %broadcast_in_dim3A_3858, %select_n3A_3844 : vector<16xi1>, vector<16xi32>
    %sub3A_3860 = arith.constant 1.19694448 : f32
    %sub3A_3861 = vector.broadcast %sub3A_3860 : f32 to vector<16xf32>
    %sub3A_3862 = arith.subf %get3A_3277, %sub3A_3861 : vector<16xf32>
    %abs3A_3863 = math.absf %sub3A_3862 : vector<16xf32>
    %eq3A_3864 = arith.constant 38 : i32
    %eq3A_3865 = vector.broadcast %eq3A_3864 : i32 to vector<16xi32>
    %eq3A_3866 = arith.cmpi eq, %add3A_3273, %eq3A_3865 : vector<16xi32>
    %jit3A_3867 = arith.constant 3.000000e+08 : f32
    %broadcast_in_dim3A_3868 = vector.broadcast %jit3A_3867 : f32 to vector<16xf32>
    %select_n3A_3869 = arith.select %eq3A_3866, %broadcast_in_dim3A_3868, %abs3A_3863 : vector<16xi1>, vector<16xf32>
    %lt3A_3870 = arith.cmpf olt, %select_n3A_3869, %select_n3A_3856 : vector<16xf32>
    %select_n3A_3871 = arith.select %lt3A_3870, %select_n3A_3869, %select_n3A_3856 : vector<16xi1>, vector<16xf32>
    %jit3A_3872 = arith.constant 38 : i32
    %broadcast_in_dim3A_3873 = vector.broadcast %jit3A_3872 : i32 to vector<16xi32>
    %select_n3A_3874 = arith.select %lt3A_3870, %broadcast_in_dim3A_3873, %select_n3A_3859 : vector<16xi1>, vector<16xi32>
    %sub3A_3875 = arith.constant 0.720114648 : f32
    %sub3A_3876 = vector.broadcast %sub3A_3875 : f32 to vector<16xf32>
    %sub3A_3877 = arith.subf %get3A_3277, %sub3A_3876 : vector<16xf32>
    %abs3A_3878 = math.absf %sub3A_3877 : vector<16xf32>
    %eq3A_3879 = arith.constant 39 : i32
    %eq3A_3880 = vector.broadcast %eq3A_3879 : i32 to vector<16xi32>
    %eq3A_3881 = arith.cmpi eq, %add3A_3273, %eq3A_3880 : vector<16xi32>
    %jit3A_3882 = arith.constant 3.000000e+08 : f32
    %broadcast_in_dim3A_3883 = vector.broadcast %jit3A_3882 : f32 to vector<16xf32>
    %select_n3A_3884 = arith.select %eq3A_3881, %broadcast_in_dim3A_3883, %abs3A_3878 : vector<16xi1>, vector<16xf32>
    %lt3A_3885 = arith.cmpf olt, %select_n3A_3884, %select_n3A_3871 : vector<16xf32>
    %select_n3A_3886 = arith.select %lt3A_3885, %select_n3A_3884, %select_n3A_3871 : vector<16xi1>, vector<16xf32>
    %jit3A_3887 = arith.constant 39 : i32
    %broadcast_in_dim3A_3888 = vector.broadcast %jit3A_3887 : i32 to vector<16xi32>
    %select_n3A_3889 = arith.select %lt3A_3885, %broadcast_in_dim3A_3888, %select_n3A_3874 : vector<16xi1>, vector<16xi32>
    %sub3A_3890 = arith.constant 0.109964557 : f32
    %sub3A_3891 = vector.broadcast %sub3A_3890 : f32 to vector<16xf32>
    %sub3A_3892 = arith.subf %get3A_3277, %sub3A_3891 : vector<16xf32>
    %abs3A_3893 = math.absf %sub3A_3892 : vector<16xf32>
    %eq3A_3894 = arith.constant 40 : i32
    %eq3A_3895 = vector.broadcast %eq3A_3894 : i32 to vector<16xi32>
    %eq3A_3896 = arith.cmpi eq, %add3A_3273, %eq3A_3895 : vector<16xi32>
    %jit3A_3897 = arith.constant 3.000000e+08 : f32
    %broadcast_in_dim3A_3898 = vector.broadcast %jit3A_3897 : f32 to vector<16xf32>
    %select_n3A_3899 = arith.select %eq3A_3896, %broadcast_in_dim3A_3898, %abs3A_3893 : vector<16xi1>, vector<16xf32>
    %lt3A_3900 = arith.cmpf olt, %select_n3A_3899, %select_n3A_3886 : vector<16xf32>
    %select_n3A_3901 = arith.select %lt3A_3900, %select_n3A_3899, %select_n3A_3886 : vector<16xi1>, vector<16xf32>
    %jit3A_3902 = arith.constant 40 : i32
    %broadcast_in_dim3A_3903 = vector.broadcast %jit3A_3902 : i32 to vector<16xi32>
    %select_n3A_3904 = arith.select %lt3A_3900, %broadcast_in_dim3A_3903, %select_n3A_3889 : vector<16xi1>, vector<16xi32>
    %sub3A_3905 = arith.constant 1.70563424 : f32
    %sub3A_3906 = vector.broadcast %sub3A_3905 : f32 to vector<16xf32>
    %sub3A_3907 = arith.subf %get3A_3277, %sub3A_3906 : vector<16xf32>
    %abs3A_3908 = math.absf %sub3A_3907 : vector<16xf32>
    %eq3A_3909 = arith.constant 41 : i32
    %eq3A_3910 = vector.broadcast %eq3A_3909 : i32 to vector<16xi32>
    %eq3A_3911 = arith.cmpi eq, %add3A_3273, %eq3A_3910 : vector<16xi32>
    %jit3A_3912 = arith.constant 3.000000e+08 : f32
    %broadcast_in_dim3A_3913 = vector.broadcast %jit3A_3912 : f32 to vector<16xf32>
    %select_n3A_3914 = arith.select %eq3A_3911, %broadcast_in_dim3A_3913, %abs3A_3908 : vector<16xi1>, vector<16xf32>
    %lt3A_3915 = arith.cmpf olt, %select_n3A_3914, %select_n3A_3901 : vector<16xf32>
    %select_n3A_3916 = arith.select %lt3A_3915, %select_n3A_3914, %select_n3A_3901 : vector<16xi1>, vector<16xf32>
    %jit3A_3917 = arith.constant 41 : i32
    %broadcast_in_dim3A_3918 = vector.broadcast %jit3A_3917 : i32 to vector<16xi32>
    %select_n3A_3919 = arith.select %lt3A_3915, %broadcast_in_dim3A_3918, %select_n3A_3904 : vector<16xi1>, vector<16xi32>
    %sub3A_3920 = arith.constant 2.76829433 : f32
    %sub3A_3921 = vector.broadcast %sub3A_3920 : f32 to vector<16xf32>
    %sub3A_3922 = arith.subf %get3A_3277, %sub3A_3921 : vector<16xf32>
    %abs3A_3923 = math.absf %sub3A_3922 : vector<16xf32>
    %eq3A_3924 = arith.constant 42 : i32
    %eq3A_3925 = vector.broadcast %eq3A_3924 : i32 to vector<16xi32>
    %eq3A_3926 = arith.cmpi eq, %add3A_3273, %eq3A_3925 : vector<16xi32>
    %jit3A_3927 = arith.constant 3.000000e+08 : f32
    %broadcast_in_dim3A_3928 = vector.broadcast %jit3A_3927 : f32 to vector<16xf32>
    %select_n3A_3929 = arith.select %eq3A_3926, %broadcast_in_dim3A_3928, %abs3A_3923 : vector<16xi1>, vector<16xf32>
    %lt3A_3930 = arith.cmpf olt, %select_n3A_3929, %select_n3A_3916 : vector<16xf32>
    %select_n3A_3931 = arith.select %lt3A_3930, %select_n3A_3929, %select_n3A_3916 : vector<16xi1>, vector<16xf32>
    %jit3A_3932 = arith.constant 42 : i32
    %broadcast_in_dim3A_3933 = vector.broadcast %jit3A_3932 : i32 to vector<16xi32>
    %select_n3A_3934 = arith.select %lt3A_3930, %broadcast_in_dim3A_3933, %select_n3A_3919 : vector<16xi1>, vector<16xi32>
    %sub3A_3935 = arith.constant 0.537165344 : f32
    %sub3A_3936 = vector.broadcast %sub3A_3935 : f32 to vector<16xf32>
    %sub3A_3937 = arith.subf %get3A_3277, %sub3A_3936 : vector<16xf32>
    %abs3A_3938 = math.absf %sub3A_3937 : vector<16xf32>
    %eq3A_3939 = arith.constant 43 : i32
    %eq3A_3940 = vector.broadcast %eq3A_3939 : i32 to vector<16xi32>
    %eq3A_3941 = arith.cmpi eq, %add3A_3273, %eq3A_3940 : vector<16xi32>
    %jit3A_3942 = arith.constant 3.000000e+08 : f32
    %broadcast_in_dim3A_3943 = vector.broadcast %jit3A_3942 : f32 to vector<16xf32>
    %select_n3A_3944 = arith.select %eq3A_3941, %broadcast_in_dim3A_3943, %abs3A_3938 : vector<16xi1>, vector<16xf32>
    %lt3A_3945 = arith.cmpf olt, %select_n3A_3944, %select_n3A_3931 : vector<16xf32>
    %select_n3A_3946 = arith.select %lt3A_3945, %select_n3A_3944, %select_n3A_3931 : vector<16xi1>, vector<16xf32>
    %jit3A_3947 = arith.constant 43 : i32
    %broadcast_in_dim3A_3948 = vector.broadcast %jit3A_3947 : i32 to vector<16xi32>
    %select_n3A_3949 = arith.select %lt3A_3945, %broadcast_in_dim3A_3948, %select_n3A_3934 : vector<16xi1>, vector<16xi32>
    %sub3A_3950 = arith.constant 2.1092329 : f32
    %sub3A_3951 = vector.broadcast %sub3A_3950 : f32 to vector<16xf32>
    %sub3A_3952 = arith.subf %get3A_3277, %sub3A_3951 : vector<16xf32>
    %abs3A_3953 = math.absf %sub3A_3952 : vector<16xf32>
    %eq3A_3954 = arith.constant 44 : i32
    %eq3A_3955 = vector.broadcast %eq3A_3954 : i32 to vector<16xi32>
    %eq3A_3956 = arith.cmpi eq, %add3A_3273, %eq3A_3955 : vector<16xi32>
    %jit3A_3957 = arith.constant 3.000000e+08 : f32
    %broadcast_in_dim3A_3958 = vector.broadcast %jit3A_3957 : f32 to vector<16xf32>
    %select_n3A_3959 = arith.select %eq3A_3956, %broadcast_in_dim3A_3958, %abs3A_3953 : vector<16xi1>, vector<16xf32>
    %lt3A_3960 = arith.cmpf olt, %select_n3A_3959, %select_n3A_3946 : vector<16xf32>
    %select_n3A_3961 = arith.select %lt3A_3960, %select_n3A_3959, %select_n3A_3946 : vector<16xi1>, vector<16xf32>
    %jit3A_3962 = arith.constant 44 : i32
    %broadcast_in_dim3A_3963 = vector.broadcast %jit3A_3962 : i32 to vector<16xi32>
    %select_n3A_3964 = arith.select %lt3A_3960, %broadcast_in_dim3A_3963, %select_n3A_3949 : vector<16xi1>, vector<16xi32>
    %sub3A_3965 = arith.constant 2.16003847 : f32
    %sub3A_3966 = vector.broadcast %sub3A_3965 : f32 to vector<16xf32>
    %sub3A_3967 = arith.subf %get3A_3277, %sub3A_3966 : vector<16xf32>
    %abs3A_3968 = math.absf %sub3A_3967 : vector<16xf32>
    %eq3A_3969 = arith.constant 45 : i32
    %eq3A_3970 = vector.broadcast %eq3A_3969 : i32 to vector<16xi32>
    %eq3A_3971 = arith.cmpi eq, %add3A_3273, %eq3A_3970 : vector<16xi32>
    %jit3A_3972 = arith.constant 3.000000e+08 : f32
    %broadcast_in_dim3A_3973 = vector.broadcast %jit3A_3972 : f32 to vector<16xf32>
    %select_n3A_3974 = arith.select %eq3A_3971, %broadcast_in_dim3A_3973, %abs3A_3968 : vector<16xi1>, vector<16xf32>
    %lt3A_3975 = arith.cmpf olt, %select_n3A_3974, %select_n3A_3961 : vector<16xf32>
    %select_n3A_3976 = arith.select %lt3A_3975, %select_n3A_3974, %select_n3A_3961 : vector<16xi1>, vector<16xf32>
    %jit3A_3977 = arith.constant 45 : i32
    %broadcast_in_dim3A_3978 = vector.broadcast %jit3A_3977 : i32 to vector<16xi32>
    %select_n3A_3979 = arith.select %lt3A_3975, %broadcast_in_dim3A_3978, %select_n3A_3964 : vector<16xi1>, vector<16xi32>
    %sub3A_3980 = arith.constant 0.0931920558 : f32
    %sub3A_3981 = vector.broadcast %sub3A_3980 : f32 to vector<16xf32>
    %sub3A_3982 = arith.subf %get3A_3277, %sub3A_3981 : vector<16xf32>
    %abs3A_3983 = math.absf %sub3A_3982 : vector<16xf32>
    %eq3A_3984 = arith.constant 46 : i32
    %eq3A_3985 = vector.broadcast %eq3A_3984 : i32 to vector<16xi32>
    %eq3A_3986 = arith.cmpi eq, %add3A_3273, %eq3A_3985 : vector<16xi32>
    %jit3A_3987 = arith.constant 3.000000e+08 : f32
    %broadcast_in_dim3A_3988 = vector.broadcast %jit3A_3987 : f32 to vector<16xf32>
    %select_n3A_3989 = arith.select %eq3A_3986, %broadcast_in_dim3A_3988, %abs3A_3983 : vector<16xi1>, vector<16xf32>
    %lt3A_3990 = arith.cmpf olt, %select_n3A_3989, %select_n3A_3976 : vector<16xf32>
    %select_n3A_3991 = arith.select %lt3A_3990, %select_n3A_3989, %select_n3A_3976 : vector<16xi1>, vector<16xf32>
    %jit3A_3992 = arith.constant 46 : i32
    %broadcast_in_dim3A_3993 = vector.broadcast %jit3A_3992 : i32 to vector<16xi32>
    %select_n3A_3994 = arith.select %lt3A_3990, %broadcast_in_dim3A_3993, %select_n3A_3979 : vector<16xi1>, vector<16xi32>
    %sub3A_3995 = arith.constant 1.74847591 : f32
    %sub3A_3996 = vector.broadcast %sub3A_3995 : f32 to vector<16xf32>
    %sub3A_3997 = arith.subf %get3A_3277, %sub3A_3996 : vector<16xf32>
    %abs3A_3998 = math.absf %sub3A_3997 : vector<16xf32>
    %eq3A_3999 = arith.constant 47 : i32
    %eq3A_4000 = vector.broadcast %eq3A_3999 : i32 to vector<16xi32>
    %eq3A_4001 = arith.cmpi eq, %add3A_3273, %eq3A_4000 : vector<16xi32>
    %jit3A_4002 = arith.constant 3.000000e+08 : f32
    %broadcast_in_dim3A_4003 = vector.broadcast %jit3A_4002 : f32 to vector<16xf32>
    %select_n3A_4004 = arith.select %eq3A_4001, %broadcast_in_dim3A_4003, %abs3A_3998 : vector<16xi1>, vector<16xf32>
    %lt3A_4005 = arith.cmpf olt, %select_n3A_4004, %select_n3A_3991 : vector<16xf32>
    %select_n3A_4006 = arith.select %lt3A_4005, %select_n3A_4004, %select_n3A_3991 : vector<16xi1>, vector<16xf32>
    %jit3A_4007 = arith.constant 47 : i32
    %broadcast_in_dim3A_4008 = vector.broadcast %jit3A_4007 : i32 to vector<16xi32>
    %select_n3A_4009 = arith.select %lt3A_4005, %broadcast_in_dim3A_4008, %select_n3A_3994 : vector<16xi1>, vector<16xi32>
    %sub3A_4010 = arith.constant 2.09303284 : f32
    %sub3A_4011 = vector.broadcast %sub3A_4010 : f32 to vector<16xf32>
    %sub3A_4012 = arith.subf %get3A_3277, %sub3A_4011 : vector<16xf32>
    %abs3A_4013 = math.absf %sub3A_4012 : vector<16xf32>
    %eq3A_4014 = arith.constant 48 : i32
    %eq3A_4015 = vector.broadcast %eq3A_4014 : i32 to vector<16xi32>
    %eq3A_4016 = arith.cmpi eq, %add3A_3273, %eq3A_4015 : vector<16xi32>
    %jit3A_4017 = arith.constant 3.000000e+08 : f32
    %broadcast_in_dim3A_4018 = vector.broadcast %jit3A_4017 : f32 to vector<16xf32>
    %select_n3A_4019 = arith.select %eq3A_4016, %broadcast_in_dim3A_4018, %abs3A_4013 : vector<16xi1>, vector<16xf32>
    %lt3A_4020 = arith.cmpf olt, %select_n3A_4019, %select_n3A_4006 : vector<16xf32>
    %select_n3A_4021 = arith.select %lt3A_4020, %select_n3A_4019, %select_n3A_4006 : vector<16xi1>, vector<16xf32>
    %jit3A_4022 = arith.constant 48 : i32
    %broadcast_in_dim3A_4023 = vector.broadcast %jit3A_4022 : i32 to vector<16xi32>
    %select_n3A_4024 = arith.select %lt3A_4020, %broadcast_in_dim3A_4023, %select_n3A_4009 : vector<16xi1>, vector<16xi32>
    %sub3A_4025 = arith.constant 2.72956038 : f32
    %sub3A_4026 = vector.broadcast %sub3A_4025 : f32 to vector<16xf32>
    %sub3A_4027 = arith.subf %get3A_3277, %sub3A_4026 : vector<16xf32>
    %abs3A_4028 = math.absf %sub3A_4027 : vector<16xf32>
    %eq3A_4029 = arith.constant 49 : i32
    %eq3A_4030 = vector.broadcast %eq3A_4029 : i32 to vector<16xi32>
    %eq3A_4031 = arith.cmpi eq, %add3A_3273, %eq3A_4030 : vector<16xi32>
    %jit3A_4032 = arith.constant 3.000000e+08 : f32
    %broadcast_in_dim3A_4033 = vector.broadcast %jit3A_4032 : f32 to vector<16xf32>
    %select_n3A_4034 = arith.select %eq3A_4031, %broadcast_in_dim3A_4033, %abs3A_4028 : vector<16xi1>, vector<16xf32>
    %lt3A_4035 = arith.cmpf olt, %select_n3A_4034, %select_n3A_4021 : vector<16xf32>
    %select_n3A_4036 = arith.select %lt3A_4035, %select_n3A_4034, %select_n3A_4021 : vector<16xi1>, vector<16xf32>
    %jit3A_4037 = arith.constant 49 : i32
    %broadcast_in_dim3A_4038 = vector.broadcast %jit3A_4037 : i32 to vector<16xi32>
    %select_n3A_4039 = arith.select %lt3A_4035, %broadcast_in_dim3A_4038, %select_n3A_4024 : vector<16xi1>, vector<16xi32>
    %gather3A_4040 = tpu.vector_load_idx %arg6[%broadcast_in_dim3A_151, %select_n3A_4039] : memref<8x64xf32, #tpu.memory_space<vmem>>[vector<16xi32>, vector<16xi32>], vector<16xf32>,
    %gather3A_4041 = tpu.vector_load_idx %arg9[%select_n3A_4039] : memref<64xf32, #tpu.memory_space<vmem>>[vector<16xi32>], vector<16xf32>,
    %sub3A_4042 = arith.subf %get3A_3283, %gather3A_4041 : vector<16xf32>
    %sub3A_4043 = arith.subf %get3A_3277, %gather3A_4040 : vector<16xf32>
    %add3A_4044 = arith.constant 9.99999993E-9 : f32
    %add3A_4045 = vector.broadcast %add3A_4044 : f32 to vector<16xf32>
    %add3A_4046 = arith.addf %sub3A_4043, %add3A_4045 : vector<16xf32>
    %div3A_4047 = arith.divf %sub3A_4042, %add3A_4046 : vector<16xf32>
    %broadcast_in_dim3A_4048 = arith.constant 3.000000e+38 : f32
    %broadcast_in_dim3A_4049 = vector.broadcast %broadcast_in_dim3A_4048 : f32 to vector<16xf32>
    %broadcast_in_dim3A_4050 = arith.constant 0 : i32
    %broadcast_in_dim3A_4051 = vector.broadcast %broadcast_in_dim3A_4050 : i32 to vector<16xi32>
    %sub3A_4052 = arith.constant 0.470975518 : f32
    %sub3A_4053 = vector.broadcast %sub3A_4052 : f32 to vector<16xf32>
    %sub3A_4054 = arith.subf %get3A_3281, %sub3A_4053 : vector<16xf32>
    %abs3A_4055 = math.absf %sub3A_4054 : vector<16xf32>
    %eq3A_4056 = arith.constant 0 : i32
    %eq3A_4057 = vector.broadcast %eq3A_4056 : i32 to vector<16xi32>
    %eq3A_4058 = arith.cmpi eq, %add3A_3273, %eq3A_4057 : vector<16xi32>
    %jit3A_4059 = arith.constant 3.000000e+08 : f32
    %broadcast_in_dim3A_4060 = vector.broadcast %jit3A_4059 : f32 to vector<16xf32>
    %select_n3A_4061 = arith.select %eq3A_4058, %broadcast_in_dim3A_4060, %abs3A_4055 : vector<16xi1>, vector<16xf32>
    %lt3A_4062 = arith.cmpf olt, %select_n3A_4061, %broadcast_in_dim3A_4049 : vector<16xf32>
    %select_n3A_4063 = arith.select %lt3A_4062, %select_n3A_4061, %broadcast_in_dim3A_4049 : vector<16xi1>, vector<16xf32>
    %jit3A_4064 = arith.constant 0 : i32
    %broadcast_in_dim3A_4065 = vector.broadcast %jit3A_4064 : i32 to vector<16xi32>
    %select_n3A_4066 = arith.select %lt3A_4062, %broadcast_in_dim3A_4065, %broadcast_in_dim3A_4051 : vector<16xi1>, vector<16xi32>
    %sub3A_4067 = arith.constant 2.106630e+00 : f32
    %sub3A_4068 = vector.broadcast %sub3A_4067 : f32 to vector<16xf32>
    %sub3A_4069 = arith.subf %get3A_3281, %sub3A_4068 : vector<16xf32>
    %abs3A_4070 = math.absf %sub3A_4069 : vector<16xf32>
    %eq3A_4071 = arith.constant 1 : i32
    %eq3A_4072 = vector.broadcast %eq3A_4071 : i32 to vector<16xi32>
    %eq3A_4073 = arith.cmpi eq, %add3A_3273, %eq3A_4072 : vector<16xi32>
    %jit3A_4074 = arith.constant 3.000000e+08 : f32
    %broadcast_in_dim3A_4075 = vector.broadcast %jit3A_4074 : f32 to vector<16xf32>
    %select_n3A_4076 = arith.select %eq3A_4073, %broadcast_in_dim3A_4075, %abs3A_4070 : vector<16xi1>, vector<16xf32>
    %lt3A_4077 = arith.cmpf olt, %select_n3A_4076, %select_n3A_4063 : vector<16xf32>
    %select_n3A_4078 = arith.select %lt3A_4077, %select_n3A_4076, %select_n3A_4063 : vector<16xi1>, vector<16xf32>
    %jit3A_4079 = arith.constant 1 : i32
    %broadcast_in_dim3A_4080 = vector.broadcast %jit3A_4079 : i32 to vector<16xi32>
    %select_n3A_4081 = arith.select %lt3A_4077, %broadcast_in_dim3A_4080, %select_n3A_4066 : vector<16xi1>, vector<16xi32>
    %sub3A_4082 = arith.constant 0.784434795 : f32
    %sub3A_4083 = vector.broadcast %sub3A_4082 : f32 to vector<16xf32>
    %sub3A_4084 = arith.subf %get3A_3281, %sub3A_4083 : vector<16xf32>
    %abs3A_4085 = math.absf %sub3A_4084 : vector<16xf32>
    %eq3A_4086 = arith.constant 2 : i32
    %eq3A_4087 = vector.broadcast %eq3A_4086 : i32 to vector<16xi32>
    %eq3A_4088 = arith.cmpi eq, %add3A_3273, %eq3A_4087 : vector<16xi32>
    %jit3A_4089 = arith.constant 3.000000e+08 : f32
    %broadcast_in_dim3A_4090 = vector.broadcast %jit3A_4089 : f32 to vector<16xf32>
    %select_n3A_4091 = arith.select %eq3A_4088, %broadcast_in_dim3A_4090, %abs3A_4085 : vector<16xi1>, vector<16xf32>
    %lt3A_4092 = arith.cmpf olt, %select_n3A_4091, %select_n3A_4078 : vector<16xf32>
    %select_n3A_4093 = arith.select %lt3A_4092, %select_n3A_4091, %select_n3A_4078 : vector<16xi1>, vector<16xf32>
    %jit3A_4094 = arith.constant 2 : i32
    %broadcast_in_dim3A_4095 = vector.broadcast %jit3A_4094 : i32 to vector<16xi32>
    %select_n3A_4096 = arith.select %lt3A_4092, %broadcast_in_dim3A_4095, %select_n3A_4081 : vector<16xi1>, vector<16xi32>
    %sub3A_4097 = arith.constant 1.35513878 : f32
    %sub3A_4098 = vector.broadcast %sub3A_4097 : f32 to vector<16xf32>
    %sub3A_4099 = arith.subf %get3A_3281, %sub3A_4098 : vector<16xf32>
    %abs3A_4100 = math.absf %sub3A_4099 : vector<16xf32>
    %eq3A_4101 = arith.constant 3 : i32
    %eq3A_4102 = vector.broadcast %eq3A_4101 : i32 to vector<16xi32>
    %eq3A_4103 = arith.cmpi eq, %add3A_3273, %eq3A_4102 : vector<16xi32>
    %jit3A_4104 = arith.constant 3.000000e+08 : f32
    %broadcast_in_dim3A_4105 = vector.broadcast %jit3A_4104 : f32 to vector<16xf32>
    %select_n3A_4106 = arith.select %eq3A_4103, %broadcast_in_dim3A_4105, %abs3A_4100 : vector<16xi1>, vector<16xf32>
    %lt3A_4107 = arith.cmpf olt, %select_n3A_4106, %select_n3A_4093 : vector<16xf32>
    %select_n3A_4108 = arith.select %lt3A_4107, %select_n3A_4106, %select_n3A_4093 : vector<16xi1>, vector<16xf32>
    %jit3A_4109 = arith.constant 3 : i32
    %broadcast_in_dim3A_4110 = vector.broadcast %jit3A_4109 : i32 to vector<16xi32>
    %select_n3A_4111 = arith.select %lt3A_4107, %broadcast_in_dim3A_4110, %select_n3A_4096 : vector<16xi1>, vector<16xi32>
    %sub3A_4112 = arith.constant 1.22419584 : f32
    %sub3A_4113 = vector.broadcast %sub3A_4112 : f32 to vector<16xf32>
    %sub3A_4114 = arith.subf %get3A_3281, %sub3A_4113 : vector<16xf32>
    %abs3A_4115 = math.absf %sub3A_4114 : vector<16xf32>
    %eq3A_4116 = arith.constant 4 : i32
    %eq3A_4117 = vector.broadcast %eq3A_4116 : i32 to vector<16xi32>
    %eq3A_4118 = arith.cmpi eq, %add3A_3273, %eq3A_4117 : vector<16xi32>
    %jit3A_4119 = arith.constant 3.000000e+08 : f32
    %broadcast_in_dim3A_4120 = vector.broadcast %jit3A_4119 : f32 to vector<16xf32>
    %select_n3A_4121 = arith.select %eq3A_4118, %broadcast_in_dim3A_4120, %abs3A_4115 : vector<16xi1>, vector<16xf32>
    %lt3A_4122 = arith.cmpf olt, %select_n3A_4121, %select_n3A_4108 : vector<16xf32>
    %select_n3A_4123 = arith.select %lt3A_4122, %select_n3A_4121, %select_n3A_4108 : vector<16xi1>, vector<16xf32>
    %jit3A_4124 = arith.constant 4 : i32
    %broadcast_in_dim3A_4125 = vector.broadcast %jit3A_4124 : i32 to vector<16xi32>
    %select_n3A_4126 = arith.select %lt3A_4122, %broadcast_in_dim3A_4125, %select_n3A_4111 : vector<16xi1>, vector<16xi32>
    %sub3A_4127 = arith.constant 1.83462358 : f32
    %sub3A_4128 = vector.broadcast %sub3A_4127 : f32 to vector<16xf32>
    %sub3A_4129 = arith.subf %get3A_3281, %sub3A_4128 : vector<16xf32>
    %abs3A_4130 = math.absf %sub3A_4129 : vector<16xf32>
    %eq3A_4131 = arith.constant 5 : i32
    %eq3A_4132 = vector.broadcast %eq3A_4131 : i32 to vector<16xi32>
    %eq3A_4133 = arith.cmpi eq, %add3A_3273, %eq3A_4132 : vector<16xi32>
    %jit3A_4134 = arith.constant 3.000000e+08 : f32
    %broadcast_in_dim3A_4135 = vector.broadcast %jit3A_4134 : f32 to vector<16xf32>
    %select_n3A_4136 = arith.select %eq3A_4133, %broadcast_in_dim3A_4135, %abs3A_4130 : vector<16xi1>, vector<16xf32>
    %lt3A_4137 = arith.cmpf olt, %select_n3A_4136, %select_n3A_4123 : vector<16xf32>
    %select_n3A_4138 = arith.select %lt3A_4137, %select_n3A_4136, %select_n3A_4123 : vector<16xi1>, vector<16xf32>
    %jit3A_4139 = arith.constant 5 : i32
    %broadcast_in_dim3A_4140 = vector.broadcast %jit3A_4139 : i32 to vector<16xi32>
    %select_n3A_4141 = arith.select %lt3A_4137, %broadcast_in_dim3A_4140, %select_n3A_4126 : vector<16xi1>, vector<16xi32>
    %sub3A_4142 = arith.constant 1.74924183 : f32
    %sub3A_4143 = vector.broadcast %sub3A_4142 : f32 to vector<16xf32>
    %sub3A_4144 = arith.subf %get3A_3281, %sub3A_4143 : vector<16xf32>
    %abs3A_4145 = math.absf %sub3A_4144 : vector<16xf32>
    %eq3A_4146 = arith.constant 6 : i32
    %eq3A_4147 = vector.broadcast %eq3A_4146 : i32 to vector<16xi32>
    %eq3A_4148 = arith.cmpi eq, %add3A_3273, %eq3A_4147 : vector<16xi32>
    %jit3A_4149 = arith.constant 3.000000e+08 : f32
    %broadcast_in_dim3A_4150 = vector.broadcast %jit3A_4149 : f32 to vector<16xf32>
    %select_n3A_4151 = arith.select %eq3A_4148, %broadcast_in_dim3A_4150, %abs3A_4145 : vector<16xi1>, vector<16xf32>
    %lt3A_4152 = arith.cmpf olt, %select_n3A_4151, %select_n3A_4138 : vector<16xf32>
    %select_n3A_4153 = arith.select %lt3A_4152, %select_n3A_4151, %select_n3A_4138 : vector<16xi1>, vector<16xf32>
    %jit3A_4154 = arith.constant 6 : i32
    %broadcast_in_dim3A_4155 = vector.broadcast %jit3A_4154 : i32 to vector<16xi32>
    %select_n3A_4156 = arith.select %lt3A_4152, %broadcast_in_dim3A_4155, %select_n3A_4141 : vector<16xi1>, vector<16xi32>
    %sub3A_4157 = arith.constant 0.643526613 : f32
    %sub3A_4158 = vector.broadcast %sub3A_4157 : f32 to vector<16xf32>
    %sub3A_4159 = arith.subf %get3A_3281, %sub3A_4158 : vector<16xf32>
    %abs3A_4160 = math.absf %sub3A_4159 : vector<16xf32>
    %eq3A_4161 = arith.constant 7 : i32
    %eq3A_4162 = vector.broadcast %eq3A_4161 : i32 to vector<16xi32>
    %eq3A_4163 = arith.cmpi eq, %add3A_3273, %eq3A_4162 : vector<16xi32>
    %jit3A_4164 = arith.constant 3.000000e+08 : f32
    %broadcast_in_dim3A_4165 = vector.broadcast %jit3A_4164 : f32 to vector<16xf32>
    %select_n3A_4166 = arith.select %eq3A_4163, %broadcast_in_dim3A_4165, %abs3A_4160 : vector<16xi1>, vector<16xf32>
    %lt3A_4167 = arith.cmpf olt, %select_n3A_4166, %select_n3A_4153 : vector<16xf32>
    %select_n3A_4168 = arith.select %lt3A_4167, %select_n3A_4166, %select_n3A_4153 : vector<16xi1>, vector<16xf32>
    %jit3A_4169 = arith.constant 7 : i32
    %broadcast_in_dim3A_4170 = vector.broadcast %jit3A_4169 : i32 to vector<16xi32>
    %select_n3A_4171 = arith.select %lt3A_4167, %broadcast_in_dim3A_4170, %select_n3A_4156 : vector<16xi1>, vector<16xi32>
    %sub3A_4172 = arith.constant 0.566319287 : f32
    %sub3A_4173 = vector.broadcast %sub3A_4172 : f32 to vector<16xf32>
    %sub3A_4174 = arith.subf %get3A_3281, %sub3A_4173 : vector<16xf32>
    %abs3A_4175 = math.absf %sub3A_4174 : vector<16xf32>
    %eq3A_4176 = arith.constant 8 : i32
    %eq3A_4177 = vector.broadcast %eq3A_4176 : i32 to vector<16xi32>
    %eq3A_4178 = arith.cmpi eq, %add3A_3273, %eq3A_4177 : vector<16xi32>
    %jit3A_4179 = arith.constant 3.000000e+08 : f32
    %broadcast_in_dim3A_4180 = vector.broadcast %jit3A_4179 : f32 to vector<16xf32>
    %select_n3A_4181 = arith.select %eq3A_4178, %broadcast_in_dim3A_4180, %abs3A_4175 : vector<16xi1>, vector<16xf32>
    %lt3A_4182 = arith.cmpf olt, %select_n3A_4181, %select_n3A_4168 : vector<16xf32>
    %select_n3A_4183 = arith.select %lt3A_4182, %select_n3A_4181, %select_n3A_4168 : vector<16xi1>, vector<16xf32>
    %jit3A_4184 = arith.constant 8 : i32
    %broadcast_in_dim3A_4185 = vector.broadcast %jit3A_4184 : i32 to vector<16xi32>
    %select_n3A_4186 = arith.select %lt3A_4182, %broadcast_in_dim3A_4185, %select_n3A_4171 : vector<16xi1>, vector<16xi32>
    %sub3A_4187 = arith.constant 2.10629392 : f32
    %sub3A_4188 = vector.broadcast %sub3A_4187 : f32 to vector<16xf32>
    %sub3A_4189 = arith.subf %get3A_3281, %sub3A_4188 : vector<16xf32>
    %abs3A_4190 = math.absf %sub3A_4189 : vector<16xf32>
    %eq3A_4191 = arith.constant 9 : i32
    %eq3A_4192 = vector.broadcast %eq3A_4191 : i32 to vector<16xi32>
    %eq3A_4193 = arith.cmpi eq, %add3A_3273, %eq3A_4192 : vector<16xi32>
    %jit3A_4194 = arith.constant 3.000000e+08 : f32
    %broadcast_in_dim3A_4195 = vector.broadcast %jit3A_4194 : f32 to vector<16xf32>
    %select_n3A_4196 = arith.select %eq3A_4193, %broadcast_in_dim3A_4195, %abs3A_4190 : vector<16xi1>, vector<16xf32>
    %lt3A_4197 = arith.cmpf olt, %select_n3A_4196, %select_n3A_4183 : vector<16xf32>
    %select_n3A_4198 = arith.select %lt3A_4197, %select_n3A_4196, %select_n3A_4183 : vector<16xi1>, vector<16xf32>
    %jit3A_4199 = arith.constant 9 : i32
    %broadcast_in_dim3A_4200 = vector.broadcast %jit3A_4199 : i32 to vector<16xi32>
    %select_n3A_4201 = arith.select %lt3A_4197, %broadcast_in_dim3A_4200, %select_n3A_4186 : vector<16xi1>, vector<16xi32>
    %sub3A_4202 = arith.constant 1.41245306 : f32
    %sub3A_4203 = vector.broadcast %sub3A_4202 : f32 to vector<16xf32>
    %sub3A_4204 = arith.subf %get3A_3281, %sub3A_4203 : vector<16xf32>
    %abs3A_4205 = math.absf %sub3A_4204 : vector<16xf32>
    %eq3A_4206 = arith.constant 10 : i32
    %eq3A_4207 = vector.broadcast %eq3A_4206 : i32 to vector<16xi32>
    %eq3A_4208 = arith.cmpi eq, %add3A_3273, %eq3A_4207 : vector<16xi32>
    %jit3A_4209 = arith.constant 3.000000e+08 : f32
    %broadcast_in_dim3A_4210 = vector.broadcast %jit3A_4209 : f32 to vector<16xf32>
    %select_n3A_4211 = arith.select %eq3A_4208, %broadcast_in_dim3A_4210, %abs3A_4205 : vector<16xi1>, vector<16xf32>
    %lt3A_4212 = arith.cmpf olt, %select_n3A_4211, %select_n3A_4198 : vector<16xf32>
    %select_n3A_4213 = arith.select %lt3A_4212, %select_n3A_4211, %select_n3A_4198 : vector<16xi1>, vector<16xf32>
    %jit3A_4214 = arith.constant 10 : i32
    %broadcast_in_dim3A_4215 = vector.broadcast %jit3A_4214 : i32 to vector<16xi32>
    %select_n3A_4216 = arith.select %lt3A_4212, %broadcast_in_dim3A_4215, %select_n3A_4201 : vector<16xi1>, vector<16xi32>
    %sub3A_4217 = arith.constant 1.45515859 : f32
    %sub3A_4218 = vector.broadcast %sub3A_4217 : f32 to vector<16xf32>
    %sub3A_4219 = arith.subf %get3A_3281, %sub3A_4218 : vector<16xf32>
    %abs3A_4220 = math.absf %sub3A_4219 : vector<16xf32>
    %eq3A_4221 = arith.constant 11 : i32
    %eq3A_4222 = vector.broadcast %eq3A_4221 : i32 to vector<16xi32>
    %eq3A_4223 = arith.cmpi eq, %add3A_3273, %eq3A_4222 : vector<16xi32>
    %jit3A_4224 = arith.constant 3.000000e+08 : f32
    %broadcast_in_dim3A_4225 = vector.broadcast %jit3A_4224 : f32 to vector<16xf32>
    %select_n3A_4226 = arith.select %eq3A_4223, %broadcast_in_dim3A_4225, %abs3A_4220 : vector<16xi1>, vector<16xf32>
    %lt3A_4227 = arith.cmpf olt, %select_n3A_4226, %select_n3A_4213 : vector<16xf32>
    %select_n3A_4228 = arith.select %lt3A_4227, %select_n3A_4226, %select_n3A_4213 : vector<16xi1>, vector<16xf32>
    %jit3A_4229 = arith.constant 11 : i32
    %broadcast_in_dim3A_4230 = vector.broadcast %jit3A_4229 : i32 to vector<16xi32>
    %select_n3A_4231 = arith.select %lt3A_4227, %broadcast_in_dim3A_4230, %select_n3A_4216 : vector<16xi1>, vector<16xi32>
    %sub3A_4232 = arith.constant 0.303463161 : f32
    %sub3A_4233 = vector.broadcast %sub3A_4232 : f32 to vector<16xf32>
    %sub3A_4234 = arith.subf %get3A_3281, %sub3A_4233 : vector<16xf32>
    %abs3A_4235 = math.absf %sub3A_4234 : vector<16xf32>
    %eq3A_4236 = arith.constant 12 : i32
    %eq3A_4237 = vector.broadcast %eq3A_4236 : i32 to vector<16xi32>
    %eq3A_4238 = arith.cmpi eq, %add3A_3273, %eq3A_4237 : vector<16xi32>
    %jit3A_4239 = arith.constant 3.000000e+08 : f32
    %broadcast_in_dim3A_4240 = vector.broadcast %jit3A_4239 : f32 to vector<16xf32>
    %select_n3A_4241 = arith.select %eq3A_4238, %broadcast_in_dim3A_4240, %abs3A_4235 : vector<16xi1>, vector<16xf32>
    %lt3A_4242 = arith.cmpf olt, %select_n3A_4241, %select_n3A_4228 : vector<16xf32>
    %select_n3A_4243 = arith.select %lt3A_4242, %select_n3A_4241, %select_n3A_4228 : vector<16xi1>, vector<16xf32>
    %jit3A_4244 = arith.constant 12 : i32
    %broadcast_in_dim3A_4245 = vector.broadcast %jit3A_4244 : i32 to vector<16xi32>
    %select_n3A_4246 = arith.select %lt3A_4242, %broadcast_in_dim3A_4245, %select_n3A_4231 : vector<16xi1>, vector<16xi32>
    %sub3A_4247 = arith.constant 1.0805583 : f32
    %sub3A_4248 = vector.broadcast %sub3A_4247 : f32 to vector<16xf32>
    %sub3A_4249 = arith.subf %get3A_3281, %sub3A_4248 : vector<16xf32>
    %abs3A_4250 = math.absf %sub3A_4249 : vector<16xf32>
    %eq3A_4251 = arith.constant 13 : i32
    %eq3A_4252 = vector.broadcast %eq3A_4251 : i32 to vector<16xi32>
    %eq3A_4253 = arith.cmpi eq, %add3A_3273, %eq3A_4252 : vector<16xi32>
    %jit3A_4254 = arith.constant 3.000000e+08 : f32
    %broadcast_in_dim3A_4255 = vector.broadcast %jit3A_4254 : f32 to vector<16xf32>
    %select_n3A_4256 = arith.select %eq3A_4253, %broadcast_in_dim3A_4255, %abs3A_4250 : vector<16xi1>, vector<16xf32>
    %lt3A_4257 = arith.cmpf olt, %select_n3A_4256, %select_n3A_4243 : vector<16xf32>
    %select_n3A_4258 = arith.select %lt3A_4257, %select_n3A_4256, %select_n3A_4243 : vector<16xi1>, vector<16xf32>
    %jit3A_4259 = arith.constant 13 : i32
    %broadcast_in_dim3A_4260 = vector.broadcast %jit3A_4259 : i32 to vector<16xi32>
    %select_n3A_4261 = arith.select %lt3A_4257, %broadcast_in_dim3A_4260, %select_n3A_4246 : vector<16xi1>, vector<16xi32>
    %sub3A_4262 = arith.constant 0.0836733207 : f32
    %sub3A_4263 = vector.broadcast %sub3A_4262 : f32 to vector<16xf32>
    %sub3A_4264 = arith.subf %get3A_3281, %sub3A_4263 : vector<16xf32>
    %abs3A_4265 = math.absf %sub3A_4264 : vector<16xf32>
    %eq3A_4266 = arith.constant 14 : i32
    %eq3A_4267 = vector.broadcast %eq3A_4266 : i32 to vector<16xi32>
    %eq3A_4268 = arith.cmpi eq, %add3A_3273, %eq3A_4267 : vector<16xi32>
    %jit3A_4269 = arith.constant 3.000000e+08 : f32
    %broadcast_in_dim3A_4270 = vector.broadcast %jit3A_4269 : f32 to vector<16xf32>
    %select_n3A_4271 = arith.select %eq3A_4268, %broadcast_in_dim3A_4270, %abs3A_4265 : vector<16xi1>, vector<16xf32>
    %lt3A_4272 = arith.cmpf olt, %select_n3A_4271, %select_n3A_4258 : vector<16xf32>
    %select_n3A_4273 = arith.select %lt3A_4272, %select_n3A_4271, %select_n3A_4258 : vector<16xi1>, vector<16xf32>
    %jit3A_4274 = arith.constant 14 : i32
    %broadcast_in_dim3A_4275 = vector.broadcast %jit3A_4274 : i32 to vector<16xi32>
    %select_n3A_4276 = arith.select %lt3A_4272, %broadcast_in_dim3A_4275, %select_n3A_4261 : vector<16xi1>, vector<16xi32>
    %sub3A_4277 = arith.constant 0.712279617 : f32
    %sub3A_4278 = vector.broadcast %sub3A_4277 : f32 to vector<16xf32>
    %sub3A_4279 = arith.subf %get3A_3281, %sub3A_4278 : vector<16xf32>
    %abs3A_4280 = math.absf %sub3A_4279 : vector<16xf32>
    %eq3A_4281 = arith.constant 15 : i32
    %eq3A_4282 = vector.broadcast %eq3A_4281 : i32 to vector<16xi32>
    %eq3A_4283 = arith.cmpi eq, %add3A_3273, %eq3A_4282 : vector<16xi32>
    %jit3A_4284 = arith.constant 3.000000e+08 : f32
    %broadcast_in_dim3A_4285 = vector.broadcast %jit3A_4284 : f32 to vector<16xf32>
    %select_n3A_4286 = arith.select %eq3A_4283, %broadcast_in_dim3A_4285, %abs3A_4280 : vector<16xi1>, vector<16xf32>
    %lt3A_4287 = arith.cmpf olt, %select_n3A_4286, %select_n3A_4273 : vector<16xf32>
    %select_n3A_4288 = arith.select %lt3A_4287, %select_n3A_4286, %select_n3A_4273 : vector<16xi1>, vector<16xf32>
    %jit3A_4289 = arith.constant 15 : i32
    %broadcast_in_dim3A_4290 = vector.broadcast %jit3A_4289 : i32 to vector<16xi32>
    %select_n3A_4291 = arith.select %lt3A_4287, %broadcast_in_dim3A_4290, %select_n3A_4276 : vector<16xi1>, vector<16xi32>
    %sub3A_4292 = arith.constant 1.67667174 : f32
    %sub3A_4293 = vector.broadcast %sub3A_4292 : f32 to vector<16xf32>
    %sub3A_4294 = arith.subf %get3A_3281, %sub3A_4293 : vector<16xf32>
    %abs3A_4295 = math.absf %sub3A_4294 : vector<16xf32>
    %eq3A_4296 = arith.constant 16 : i32
    %eq3A_4297 = vector.broadcast %eq3A_4296 : i32 to vector<16xi32>
    %eq3A_4298 = arith.cmpi eq, %add3A_3273, %eq3A_4297 : vector<16xi32>
    %jit3A_4299 = arith.constant 3.000000e+08 : f32
    %broadcast_in_dim3A_4300 = vector.broadcast %jit3A_4299 : f32 to vector<16xf32>
    %select_n3A_4301 = arith.select %eq3A_4298, %broadcast_in_dim3A_4300, %abs3A_4295 : vector<16xi1>, vector<16xf32>
    %lt3A_4302 = arith.cmpf olt, %select_n3A_4301, %select_n3A_4288 : vector<16xf32>
    %select_n3A_4303 = arith.select %lt3A_4302, %select_n3A_4301, %select_n3A_4288 : vector<16xi1>, vector<16xf32>
    %jit3A_4304 = arith.constant 16 : i32
    %broadcast_in_dim3A_4305 = vector.broadcast %jit3A_4304 : i32 to vector<16xi32>
    %select_n3A_4306 = arith.select %lt3A_4302, %broadcast_in_dim3A_4305, %select_n3A_4291 : vector<16xi1>, vector<16xi32>
    %sub3A_4307 = arith.constant 0.609653472 : f32
    %sub3A_4308 = vector.broadcast %sub3A_4307 : f32 to vector<16xf32>
    %sub3A_4309 = arith.subf %get3A_3281, %sub3A_4308 : vector<16xf32>
    %abs3A_4310 = math.absf %sub3A_4309 : vector<16xf32>
    %eq3A_4311 = arith.constant 17 : i32
    %eq3A_4312 = vector.broadcast %eq3A_4311 : i32 to vector<16xi32>
    %eq3A_4313 = arith.cmpi eq, %add3A_3273, %eq3A_4312 : vector<16xi32>
    %jit3A_4314 = arith.constant 3.000000e+08 : f32
    %broadcast_in_dim3A_4315 = vector.broadcast %jit3A_4314 : f32 to vector<16xf32>
    %select_n3A_4316 = arith.select %eq3A_4313, %broadcast_in_dim3A_4315, %abs3A_4310 : vector<16xi1>, vector<16xf32>
    %lt3A_4317 = arith.cmpf olt, %select_n3A_4316, %select_n3A_4303 : vector<16xf32>
    %select_n3A_4318 = arith.select %lt3A_4317, %select_n3A_4316, %select_n3A_4303 : vector<16xi1>, vector<16xf32>
    %jit3A_4319 = arith.constant 17 : i32
    %broadcast_in_dim3A_4320 = vector.broadcast %jit3A_4319 : i32 to vector<16xi32>
    %select_n3A_4321 = arith.select %lt3A_4317, %broadcast_in_dim3A_4320, %select_n3A_4306 : vector<16xi1>, vector<16xi32>
    %sub3A_4322 = arith.constant 1.705006 : f32
    %sub3A_4323 = vector.broadcast %sub3A_4322 : f32 to vector<16xf32>
    %sub3A_4324 = arith.subf %get3A_3281, %sub3A_4323 : vector<16xf32>
    %abs3A_4325 = math.absf %sub3A_4324 : vector<16xf32>
    %eq3A_4326 = arith.constant 18 : i32
    %eq3A_4327 = vector.broadcast %eq3A_4326 : i32 to vector<16xi32>
    %eq3A_4328 = arith.cmpi eq, %add3A_3273, %eq3A_4327 : vector<16xi32>
    %jit3A_4329 = arith.constant 3.000000e+08 : f32
    %broadcast_in_dim3A_4330 = vector.broadcast %jit3A_4329 : f32 to vector<16xf32>
    %select_n3A_4331 = arith.select %eq3A_4328, %broadcast_in_dim3A_4330, %abs3A_4325 : vector<16xi1>, vector<16xf32>
    %lt3A_4332 = arith.cmpf olt, %select_n3A_4331, %select_n3A_4318 : vector<16xf32>
    %select_n3A_4333 = arith.select %lt3A_4332, %select_n3A_4331, %select_n3A_4318 : vector<16xi1>, vector<16xf32>
    %jit3A_4334 = arith.constant 18 : i32
    %broadcast_in_dim3A_4335 = vector.broadcast %jit3A_4334 : i32 to vector<16xi32>
    %select_n3A_4336 = arith.select %lt3A_4332, %broadcast_in_dim3A_4335, %select_n3A_4321 : vector<16xi1>, vector<16xi32>
    %sub3A_4337 = arith.constant 2.5404861 : f32
    %sub3A_4338 = vector.broadcast %sub3A_4337 : f32 to vector<16xf32>
    %sub3A_4339 = arith.subf %get3A_3281, %sub3A_4338 : vector<16xf32>
    %abs3A_4340 = math.absf %sub3A_4339 : vector<16xf32>
    %eq3A_4341 = arith.constant 19 : i32
    %eq3A_4342 = vector.broadcast %eq3A_4341 : i32 to vector<16xi32>
    %eq3A_4343 = arith.cmpi eq, %add3A_3273, %eq3A_4342 : vector<16xi32>
    %jit3A_4344 = arith.constant 3.000000e+08 : f32
    %broadcast_in_dim3A_4345 = vector.broadcast %jit3A_4344 : f32 to vector<16xf32>
    %select_n3A_4346 = arith.select %eq3A_4343, %broadcast_in_dim3A_4345, %abs3A_4340 : vector<16xi1>, vector<16xf32>
    %lt3A_4347 = arith.cmpf olt, %select_n3A_4346, %select_n3A_4333 : vector<16xf32>
    %select_n3A_4348 = arith.select %lt3A_4347, %select_n3A_4346, %select_n3A_4333 : vector<16xi1>, vector<16xf32>
    %jit3A_4349 = arith.constant 19 : i32
    %broadcast_in_dim3A_4350 = vector.broadcast %jit3A_4349 : i32 to vector<16xi32>
    %select_n3A_4351 = arith.select %lt3A_4347, %broadcast_in_dim3A_4350, %select_n3A_4336 : vector<16xi1>, vector<16xi32>
    %sub3A_4352 = arith.constant 2.52263522 : f32
    %sub3A_4353 = vector.broadcast %sub3A_4352 : f32 to vector<16xf32>
    %sub3A_4354 = arith.subf %get3A_3281, %sub3A_4353 : vector<16xf32>
    %abs3A_4355 = math.absf %sub3A_4354 : vector<16xf32>
    %eq3A_4356 = arith.constant 20 : i32
    %eq3A_4357 = vector.broadcast %eq3A_4356 : i32 to vector<16xi32>
    %eq3A_4358 = arith.cmpi eq, %add3A_3273, %eq3A_4357 : vector<16xi32>
    %jit3A_4359 = arith.constant 3.000000e+08 : f32
    %broadcast_in_dim3A_4360 = vector.broadcast %jit3A_4359 : f32 to vector<16xf32>
    %select_n3A_4361 = arith.select %eq3A_4358, %broadcast_in_dim3A_4360, %abs3A_4355 : vector<16xi1>, vector<16xf32>
    %lt3A_4362 = arith.cmpf olt, %select_n3A_4361, %select_n3A_4348 : vector<16xf32>
    %select_n3A_4363 = arith.select %lt3A_4362, %select_n3A_4361, %select_n3A_4348 : vector<16xi1>, vector<16xf32>
    %jit3A_4364 = arith.constant 20 : i32
    %broadcast_in_dim3A_4365 = vector.broadcast %jit3A_4364 : i32 to vector<16xi32>
    %select_n3A_4366 = arith.select %lt3A_4362, %broadcast_in_dim3A_4365, %select_n3A_4351 : vector<16xi1>, vector<16xi32>
    %sub3A_4367 = arith.constant 1.31401598 : f32
    %sub3A_4368 = vector.broadcast %sub3A_4367 : f32 to vector<16xf32>
    %sub3A_4369 = arith.subf %get3A_3281, %sub3A_4368 : vector<16xf32>
    %abs3A_4370 = math.absf %sub3A_4369 : vector<16xf32>
    %eq3A_4371 = arith.constant 21 : i32
    %eq3A_4372 = vector.broadcast %eq3A_4371 : i32 to vector<16xi32>
    %eq3A_4373 = arith.cmpi eq, %add3A_3273, %eq3A_4372 : vector<16xi32>
    %jit3A_4374 = arith.constant 3.000000e+08 : f32
    %broadcast_in_dim3A_4375 = vector.broadcast %jit3A_4374 : f32 to vector<16xf32>
    %select_n3A_4376 = arith.select %eq3A_4373, %broadcast_in_dim3A_4375, %abs3A_4370 : vector<16xi1>, vector<16xf32>
    %lt3A_4377 = arith.cmpf olt, %select_n3A_4376, %select_n3A_4363 : vector<16xf32>
    %select_n3A_4378 = arith.select %lt3A_4377, %select_n3A_4376, %select_n3A_4363 : vector<16xi1>, vector<16xf32>
    %jit3A_4379 = arith.constant 21 : i32
    %broadcast_in_dim3A_4380 = vector.broadcast %jit3A_4379 : i32 to vector<16xi32>
    %select_n3A_4381 = arith.select %lt3A_4377, %broadcast_in_dim3A_4380, %select_n3A_4366 : vector<16xi1>, vector<16xi32>
    %sub3A_4382 = arith.constant 2.09118152 : f32
    %sub3A_4383 = vector.broadcast %sub3A_4382 : f32 to vector<16xf32>
    %sub3A_4384 = arith.subf %get3A_3281, %sub3A_4383 : vector<16xf32>
    %abs3A_4385 = math.absf %sub3A_4384 : vector<16xf32>
    %eq3A_4386 = arith.constant 22 : i32
    %eq3A_4387 = vector.broadcast %eq3A_4386 : i32 to vector<16xi32>
    %eq3A_4388 = arith.cmpi eq, %add3A_3273, %eq3A_4387 : vector<16xi32>
    %jit3A_4389 = arith.constant 3.000000e+08 : f32
    %broadcast_in_dim3A_4390 = vector.broadcast %jit3A_4389 : f32 to vector<16xf32>
    %select_n3A_4391 = arith.select %eq3A_4388, %broadcast_in_dim3A_4390, %abs3A_4385 : vector<16xi1>, vector<16xf32>
    %lt3A_4392 = arith.cmpf olt, %select_n3A_4391, %select_n3A_4378 : vector<16xf32>
    %select_n3A_4393 = arith.select %lt3A_4392, %select_n3A_4391, %select_n3A_4378 : vector<16xi1>, vector<16xf32>
    %jit3A_4394 = arith.constant 22 : i32
    %broadcast_in_dim3A_4395 = vector.broadcast %jit3A_4394 : i32 to vector<16xi32>
    %select_n3A_4396 = arith.select %lt3A_4392, %broadcast_in_dim3A_4395, %select_n3A_4381 : vector<16xi1>, vector<16xi32>
    %sub3A_4397 = arith.constant 2.72842574 : f32
    %sub3A_4398 = vector.broadcast %sub3A_4397 : f32 to vector<16xf32>
    %sub3A_4399 = arith.subf %get3A_3281, %sub3A_4398 : vector<16xf32>
    %abs3A_4400 = math.absf %sub3A_4399 : vector<16xf32>
    %eq3A_4401 = arith.constant 23 : i32
    %eq3A_4402 = vector.broadcast %eq3A_4401 : i32 to vector<16xi32>
    %eq3A_4403 = arith.cmpi eq, %add3A_3273, %eq3A_4402 : vector<16xi32>
    %jit3A_4404 = arith.constant 3.000000e+08 : f32
    %broadcast_in_dim3A_4405 = vector.broadcast %jit3A_4404 : f32 to vector<16xf32>
    %select_n3A_4406 = arith.select %eq3A_4403, %broadcast_in_dim3A_4405, %abs3A_4400 : vector<16xi1>, vector<16xf32>
    %lt3A_4407 = arith.cmpf olt, %select_n3A_4406, %select_n3A_4393 : vector<16xf32>
    %select_n3A_4408 = arith.select %lt3A_4407, %select_n3A_4406, %select_n3A_4393 : vector<16xi1>, vector<16xf32>
    %jit3A_4409 = arith.constant 23 : i32
    %broadcast_in_dim3A_4410 = vector.broadcast %jit3A_4409 : i32 to vector<16xi32>
    %select_n3A_4411 = arith.select %lt3A_4407, %broadcast_in_dim3A_4410, %select_n3A_4396 : vector<16xi1>, vector<16xi32>
    %sub3A_4412 = arith.constant 0.989088237 : f32
    %sub3A_4413 = vector.broadcast %sub3A_4412 : f32 to vector<16xf32>
    %sub3A_4414 = arith.subf %get3A_3281, %sub3A_4413 : vector<16xf32>
    %abs3A_4415 = math.absf %sub3A_4414 : vector<16xf32>
    %eq3A_4416 = arith.constant 24 : i32
    %eq3A_4417 = vector.broadcast %eq3A_4416 : i32 to vector<16xi32>
    %eq3A_4418 = arith.cmpi eq, %add3A_3273, %eq3A_4417 : vector<16xi32>
    %jit3A_4419 = arith.constant 3.000000e+08 : f32
    %broadcast_in_dim3A_4420 = vector.broadcast %jit3A_4419 : f32 to vector<16xf32>
    %select_n3A_4421 = arith.select %eq3A_4418, %broadcast_in_dim3A_4420, %abs3A_4415 : vector<16xi1>, vector<16xf32>
    %lt3A_4422 = arith.cmpf olt, %select_n3A_4421, %select_n3A_4408 : vector<16xf32>
    %select_n3A_4423 = arith.select %lt3A_4422, %select_n3A_4421, %select_n3A_4408 : vector<16xi1>, vector<16xf32>
    %jit3A_4424 = arith.constant 24 : i32
    %broadcast_in_dim3A_4425 = vector.broadcast %jit3A_4424 : i32 to vector<16xi32>
    %select_n3A_4426 = arith.select %lt3A_4422, %broadcast_in_dim3A_4425, %select_n3A_4411 : vector<16xi1>, vector<16xi32>
    %sub3A_4427 = arith.constant 0.556705892 : f32
    %sub3A_4428 = vector.broadcast %sub3A_4427 : f32 to vector<16xf32>
    %sub3A_4429 = arith.subf %get3A_3281, %sub3A_4428 : vector<16xf32>
    %abs3A_4430 = math.absf %sub3A_4429 : vector<16xf32>
    %eq3A_4431 = arith.constant 25 : i32
    %eq3A_4432 = vector.broadcast %eq3A_4431 : i32 to vector<16xi32>
    %eq3A_4433 = arith.cmpi eq, %add3A_3273, %eq3A_4432 : vector<16xi32>
    %jit3A_4434 = arith.constant 3.000000e+08 : f32
    %broadcast_in_dim3A_4435 = vector.broadcast %jit3A_4434 : f32 to vector<16xf32>
    %select_n3A_4436 = arith.select %eq3A_4433, %broadcast_in_dim3A_4435, %abs3A_4430 : vector<16xi1>, vector<16xf32>
    %lt3A_4437 = arith.cmpf olt, %select_n3A_4436, %select_n3A_4423 : vector<16xf32>
    %select_n3A_4438 = arith.select %lt3A_4437, %select_n3A_4436, %select_n3A_4423 : vector<16xi1>, vector<16xf32>
    %jit3A_4439 = arith.constant 25 : i32
    %broadcast_in_dim3A_4440 = vector.broadcast %jit3A_4439 : i32 to vector<16xi32>
    %select_n3A_4441 = arith.select %lt3A_4437, %broadcast_in_dim3A_4440, %select_n3A_4426 : vector<16xi1>, vector<16xi32>
    %sub3A_4442 = arith.constant 0.699081659 : f32
    %sub3A_4443 = vector.broadcast %sub3A_4442 : f32 to vector<16xf32>
    %sub3A_4444 = arith.subf %get3A_3281, %sub3A_4443 : vector<16xf32>
    %abs3A_4445 = math.absf %sub3A_4444 : vector<16xf32>
    %eq3A_4446 = arith.constant 26 : i32
    %eq3A_4447 = vector.broadcast %eq3A_4446 : i32 to vector<16xi32>
    %eq3A_4448 = arith.cmpi eq, %add3A_3273, %eq3A_4447 : vector<16xi32>
    %jit3A_4449 = arith.constant 3.000000e+08 : f32
    %broadcast_in_dim3A_4450 = vector.broadcast %jit3A_4449 : f32 to vector<16xf32>
    %select_n3A_4451 = arith.select %eq3A_4448, %broadcast_in_dim3A_4450, %abs3A_4445 : vector<16xi1>, vector<16xf32>
    %lt3A_4452 = arith.cmpf olt, %select_n3A_4451, %select_n3A_4438 : vector<16xf32>
    %select_n3A_4453 = arith.select %lt3A_4452, %select_n3A_4451, %select_n3A_4438 : vector<16xi1>, vector<16xf32>
    %jit3A_4454 = arith.constant 26 : i32
    %broadcast_in_dim3A_4455 = vector.broadcast %jit3A_4454 : i32 to vector<16xi32>
    %select_n3A_4456 = arith.select %lt3A_4452, %broadcast_in_dim3A_4455, %select_n3A_4441 : vector<16xi1>, vector<16xi32>
    %sub3A_4457 = arith.constant 2.50052118 : f32
    %sub3A_4458 = vector.broadcast %sub3A_4457 : f32 to vector<16xf32>
    %sub3A_4459 = arith.subf %get3A_3281, %sub3A_4458 : vector<16xf32>
    %abs3A_4460 = math.absf %sub3A_4459 : vector<16xf32>
    %eq3A_4461 = arith.constant 27 : i32
    %eq3A_4462 = vector.broadcast %eq3A_4461 : i32 to vector<16xi32>
    %eq3A_4463 = arith.cmpi eq, %add3A_3273, %eq3A_4462 : vector<16xi32>
    %jit3A_4464 = arith.constant 3.000000e+08 : f32
    %broadcast_in_dim3A_4465 = vector.broadcast %jit3A_4464 : f32 to vector<16xf32>
    %select_n3A_4466 = arith.select %eq3A_4463, %broadcast_in_dim3A_4465, %abs3A_4460 : vector<16xi1>, vector<16xf32>
    %lt3A_4467 = arith.cmpf olt, %select_n3A_4466, %select_n3A_4453 : vector<16xf32>
    %select_n3A_4468 = arith.select %lt3A_4467, %select_n3A_4466, %select_n3A_4453 : vector<16xi1>, vector<16xf32>
    %jit3A_4469 = arith.constant 27 : i32
    %broadcast_in_dim3A_4470 = vector.broadcast %jit3A_4469 : i32 to vector<16xi32>
    %select_n3A_4471 = arith.select %lt3A_4467, %broadcast_in_dim3A_4470, %select_n3A_4456 : vector<16xi1>, vector<16xi32>
    %sub3A_4472 = arith.constant 0.0317432061 : f32
    %sub3A_4473 = vector.broadcast %sub3A_4472 : f32 to vector<16xf32>
    %sub3A_4474 = arith.subf %get3A_3281, %sub3A_4473 : vector<16xf32>
    %abs3A_4475 = math.absf %sub3A_4474 : vector<16xf32>
    %eq3A_4476 = arith.constant 28 : i32
    %eq3A_4477 = vector.broadcast %eq3A_4476 : i32 to vector<16xi32>
    %eq3A_4478 = arith.cmpi eq, %add3A_3273, %eq3A_4477 : vector<16xi32>
    %jit3A_4479 = arith.constant 3.000000e+08 : f32
    %broadcast_in_dim3A_4480 = vector.broadcast %jit3A_4479 : f32 to vector<16xf32>
    %select_n3A_4481 = arith.select %eq3A_4478, %broadcast_in_dim3A_4480, %abs3A_4475 : vector<16xi1>, vector<16xf32>
    %lt3A_4482 = arith.cmpf olt, %select_n3A_4481, %select_n3A_4468 : vector<16xf32>
    %select_n3A_4483 = arith.select %lt3A_4482, %select_n3A_4481, %select_n3A_4468 : vector<16xi1>, vector<16xf32>
    %jit3A_4484 = arith.constant 28 : i32
    %broadcast_in_dim3A_4485 = vector.broadcast %jit3A_4484 : i32 to vector<16xi32>
    %select_n3A_4486 = arith.select %lt3A_4482, %broadcast_in_dim3A_4485, %select_n3A_4471 : vector<16xi1>, vector<16xi32>
    %sub3A_4487 = arith.constant 0.768091857 : f32
    %sub3A_4488 = vector.broadcast %sub3A_4487 : f32 to vector<16xf32>
    %sub3A_4489 = arith.subf %get3A_3281, %sub3A_4488 : vector<16xf32>
    %abs3A_4490 = math.absf %sub3A_4489 : vector<16xf32>
    %eq3A_4491 = arith.constant 29 : i32
    %eq3A_4492 = vector.broadcast %eq3A_4491 : i32 to vector<16xi32>
    %eq3A_4493 = arith.cmpi eq, %add3A_3273, %eq3A_4492 : vector<16xi32>
    %jit3A_4494 = arith.constant 3.000000e+08 : f32
    %broadcast_in_dim3A_4495 = vector.broadcast %jit3A_4494 : f32 to vector<16xf32>
    %select_n3A_4496 = arith.select %eq3A_4493, %broadcast_in_dim3A_4495, %abs3A_4490 : vector<16xi1>, vector<16xf32>
    %lt3A_4497 = arith.cmpf olt, %select_n3A_4496, %select_n3A_4483 : vector<16xf32>
    %select_n3A_4498 = arith.select %lt3A_4497, %select_n3A_4496, %select_n3A_4483 : vector<16xi1>, vector<16xf32>
    %jit3A_4499 = arith.constant 29 : i32
    %broadcast_in_dim3A_4500 = vector.broadcast %jit3A_4499 : i32 to vector<16xi32>
    %select_n3A_4501 = arith.select %lt3A_4497, %broadcast_in_dim3A_4500, %select_n3A_4486 : vector<16xi1>, vector<16xi32>
    %sub3A_4502 = arith.constant 0.512412369 : f32
    %sub3A_4503 = vector.broadcast %sub3A_4502 : f32 to vector<16xf32>
    %sub3A_4504 = arith.subf %get3A_3281, %sub3A_4503 : vector<16xf32>
    %abs3A_4505 = math.absf %sub3A_4504 : vector<16xf32>
    %eq3A_4506 = arith.constant 30 : i32
    %eq3A_4507 = vector.broadcast %eq3A_4506 : i32 to vector<16xi32>
    %eq3A_4508 = arith.cmpi eq, %add3A_3273, %eq3A_4507 : vector<16xi32>
    %jit3A_4509 = arith.constant 3.000000e+08 : f32
    %broadcast_in_dim3A_4510 = vector.broadcast %jit3A_4509 : f32 to vector<16xf32>
    %select_n3A_4511 = arith.select %eq3A_4508, %broadcast_in_dim3A_4510, %abs3A_4505 : vector<16xi1>, vector<16xf32>
    %lt3A_4512 = arith.cmpf olt, %select_n3A_4511, %select_n3A_4498 : vector<16xf32>
    %select_n3A_4513 = arith.select %lt3A_4512, %select_n3A_4511, %select_n3A_4498 : vector<16xi1>, vector<16xf32>
    %jit3A_4514 = arith.constant 30 : i32
    %broadcast_in_dim3A_4515 = vector.broadcast %jit3A_4514 : i32 to vector<16xi32>
    %select_n3A_4516 = arith.select %lt3A_4512, %broadcast_in_dim3A_4515, %select_n3A_4501 : vector<16xi1>, vector<16xi32>
    %sub3A_4517 = arith.constant 0.0462428704 : f32
    %sub3A_4518 = vector.broadcast %sub3A_4517 : f32 to vector<16xf32>
    %sub3A_4519 = arith.subf %get3A_3281, %sub3A_4518 : vector<16xf32>
    %abs3A_4520 = math.absf %sub3A_4519 : vector<16xf32>
    %eq3A_4521 = arith.constant 31 : i32
    %eq3A_4522 = vector.broadcast %eq3A_4521 : i32 to vector<16xi32>
    %eq3A_4523 = arith.cmpi eq, %add3A_3273, %eq3A_4522 : vector<16xi32>
    %jit3A_4524 = arith.constant 3.000000e+08 : f32
    %broadcast_in_dim3A_4525 = vector.broadcast %jit3A_4524 : f32 to vector<16xf32>
    %select_n3A_4526 = arith.select %eq3A_4523, %broadcast_in_dim3A_4525, %abs3A_4520 : vector<16xi1>, vector<16xf32>
    %lt3A_4527 = arith.cmpf olt, %select_n3A_4526, %select_n3A_4513 : vector<16xf32>
    %select_n3A_4528 = arith.select %lt3A_4527, %select_n3A_4526, %select_n3A_4513 : vector<16xi1>, vector<16xf32>
    %jit3A_4529 = arith.constant 31 : i32
    %broadcast_in_dim3A_4530 = vector.broadcast %jit3A_4529 : i32 to vector<16xi32>
    %select_n3A_4531 = arith.select %lt3A_4527, %broadcast_in_dim3A_4530, %select_n3A_4516 : vector<16xi1>, vector<16xi32>
    %sub3A_4532 = arith.constant 0.796836316 : f32
    %sub3A_4533 = vector.broadcast %sub3A_4532 : f32 to vector<16xf32>
    %sub3A_4534 = arith.subf %get3A_3281, %sub3A_4533 : vector<16xf32>
    %abs3A_4535 = math.absf %sub3A_4534 : vector<16xf32>
    %eq3A_4536 = arith.constant 32 : i32
    %eq3A_4537 = vector.broadcast %eq3A_4536 : i32 to vector<16xi32>
    %eq3A_4538 = arith.cmpi eq, %add3A_3273, %eq3A_4537 : vector<16xi32>
    %jit3A_4539 = arith.constant 3.000000e+08 : f32
    %broadcast_in_dim3A_4540 = vector.broadcast %jit3A_4539 : f32 to vector<16xf32>
    %select_n3A_4541 = arith.select %eq3A_4538, %broadcast_in_dim3A_4540, %abs3A_4535 : vector<16xi1>, vector<16xf32>
    %lt3A_4542 = arith.cmpf olt, %select_n3A_4541, %select_n3A_4528 : vector<16xf32>
    %select_n3A_4543 = arith.select %lt3A_4542, %select_n3A_4541, %select_n3A_4528 : vector<16xi1>, vector<16xf32>
    %jit3A_4544 = arith.constant 32 : i32
    %broadcast_in_dim3A_4545 = vector.broadcast %jit3A_4544 : i32 to vector<16xi32>
    %select_n3A_4546 = arith.select %lt3A_4542, %broadcast_in_dim3A_4545, %select_n3A_4531 : vector<16xi1>, vector<16xi32>
    %sub3A_4547 = arith.constant 2.48184943 : f32
    %sub3A_4548 = vector.broadcast %sub3A_4547 : f32 to vector<16xf32>
    %sub3A_4549 = arith.subf %get3A_3281, %sub3A_4548 : vector<16xf32>
    %abs3A_4550 = math.absf %sub3A_4549 : vector<16xf32>
    %eq3A_4551 = arith.constant 33 : i32
    %eq3A_4552 = vector.broadcast %eq3A_4551 : i32 to vector<16xi32>
    %eq3A_4553 = arith.cmpi eq, %add3A_3273, %eq3A_4552 : vector<16xi32>
    %jit3A_4554 = arith.constant 3.000000e+08 : f32
    %broadcast_in_dim3A_4555 = vector.broadcast %jit3A_4554 : f32 to vector<16xf32>
    %select_n3A_4556 = arith.select %eq3A_4553, %broadcast_in_dim3A_4555, %abs3A_4550 : vector<16xi1>, vector<16xf32>
    %lt3A_4557 = arith.cmpf olt, %select_n3A_4556, %select_n3A_4543 : vector<16xf32>
    %select_n3A_4558 = arith.select %lt3A_4557, %select_n3A_4556, %select_n3A_4543 : vector<16xi1>, vector<16xf32>
    %jit3A_4559 = arith.constant 33 : i32
    %broadcast_in_dim3A_4560 = vector.broadcast %jit3A_4559 : i32 to vector<16xi32>
    %select_n3A_4561 = arith.select %lt3A_4557, %broadcast_in_dim3A_4560, %select_n3A_4546 : vector<16xi1>, vector<16xi32>
    %sub3A_4562 = arith.constant 2.50373864 : f32
    %sub3A_4563 = vector.broadcast %sub3A_4562 : f32 to vector<16xf32>
    %sub3A_4564 = arith.subf %get3A_3281, %sub3A_4563 : vector<16xf32>
    %abs3A_4565 = math.absf %sub3A_4564 : vector<16xf32>
    %eq3A_4566 = arith.constant 34 : i32
    %eq3A_4567 = vector.broadcast %eq3A_4566 : i32 to vector<16xi32>
    %eq3A_4568 = arith.cmpi eq, %add3A_3273, %eq3A_4567 : vector<16xi32>
    %jit3A_4569 = arith.constant 3.000000e+08 : f32
    %broadcast_in_dim3A_4570 = vector.broadcast %jit3A_4569 : f32 to vector<16xf32>
    %select_n3A_4571 = arith.select %eq3A_4568, %broadcast_in_dim3A_4570, %abs3A_4565 : vector<16xi1>, vector<16xf32>
    %lt3A_4572 = arith.cmpf olt, %select_n3A_4571, %select_n3A_4558 : vector<16xf32>
    %select_n3A_4573 = arith.select %lt3A_4572, %select_n3A_4571, %select_n3A_4558 : vector<16xi1>, vector<16xf32>
    %jit3A_4574 = arith.constant 34 : i32
    %broadcast_in_dim3A_4575 = vector.broadcast %jit3A_4574 : i32 to vector<16xi32>
    %select_n3A_4576 = arith.select %lt3A_4572, %broadcast_in_dim3A_4575, %select_n3A_4561 : vector<16xi1>, vector<16xi32>
    %sub3A_4577 = arith.constant 2.6062541 : f32
    %sub3A_4578 = vector.broadcast %sub3A_4577 : f32 to vector<16xf32>
    %sub3A_4579 = arith.subf %get3A_3281, %sub3A_4578 : vector<16xf32>
    %abs3A_4580 = math.absf %sub3A_4579 : vector<16xf32>
    %eq3A_4581 = arith.constant 35 : i32
    %eq3A_4582 = vector.broadcast %eq3A_4581 : i32 to vector<16xi32>
    %eq3A_4583 = arith.cmpi eq, %add3A_3273, %eq3A_4582 : vector<16xi32>
    %jit3A_4584 = arith.constant 3.000000e+08 : f32
    %broadcast_in_dim3A_4585 = vector.broadcast %jit3A_4584 : f32 to vector<16xf32>
    %select_n3A_4586 = arith.select %eq3A_4583, %broadcast_in_dim3A_4585, %abs3A_4580 : vector<16xi1>, vector<16xf32>
    %lt3A_4587 = arith.cmpf olt, %select_n3A_4586, %select_n3A_4573 : vector<16xf32>
    %select_n3A_4588 = arith.select %lt3A_4587, %select_n3A_4586, %select_n3A_4573 : vector<16xi1>, vector<16xf32>
    %jit3A_4589 = arith.constant 35 : i32
    %broadcast_in_dim3A_4590 = vector.broadcast %jit3A_4589 : i32 to vector<16xi32>
    %select_n3A_4591 = arith.select %lt3A_4587, %broadcast_in_dim3A_4590, %select_n3A_4576 : vector<16xi1>, vector<16xi32>
    %sub3A_4592 = arith.constant 2.97994471 : f32
    %sub3A_4593 = vector.broadcast %sub3A_4592 : f32 to vector<16xf32>
    %sub3A_4594 = arith.subf %get3A_3281, %sub3A_4593 : vector<16xf32>
    %abs3A_4595 = math.absf %sub3A_4594 : vector<16xf32>
    %eq3A_4596 = arith.constant 36 : i32
    %eq3A_4597 = vector.broadcast %eq3A_4596 : i32 to vector<16xi32>
    %eq3A_4598 = arith.cmpi eq, %add3A_3273, %eq3A_4597 : vector<16xi32>
    %jit3A_4599 = arith.constant 3.000000e+08 : f32
    %broadcast_in_dim3A_4600 = vector.broadcast %jit3A_4599 : f32 to vector<16xf32>
    %select_n3A_4601 = arith.select %eq3A_4598, %broadcast_in_dim3A_4600, %abs3A_4595 : vector<16xi1>, vector<16xf32>
    %lt3A_4602 = arith.cmpf olt, %select_n3A_4601, %select_n3A_4588 : vector<16xf32>
    %select_n3A_4603 = arith.select %lt3A_4602, %select_n3A_4601, %select_n3A_4588 : vector<16xi1>, vector<16xf32>
    %jit3A_4604 = arith.constant 36 : i32
    %broadcast_in_dim3A_4605 = vector.broadcast %jit3A_4604 : i32 to vector<16xi32>
    %select_n3A_4606 = arith.select %lt3A_4602, %broadcast_in_dim3A_4605, %select_n3A_4591 : vector<16xi1>, vector<16xi32>
    %sub3A_4607 = arith.constant 0.15014255 : f32
    %sub3A_4608 = vector.broadcast %sub3A_4607 : f32 to vector<16xf32>
    %sub3A_4609 = arith.subf %get3A_3281, %sub3A_4608 : vector<16xf32>
    %abs3A_4610 = math.absf %sub3A_4609 : vector<16xf32>
    %eq3A_4611 = arith.constant 37 : i32
    %eq3A_4612 = vector.broadcast %eq3A_4611 : i32 to vector<16xi32>
    %eq3A_4613 = arith.cmpi eq, %add3A_3273, %eq3A_4612 : vector<16xi32>
    %jit3A_4614 = arith.constant 3.000000e+08 : f32
    %broadcast_in_dim3A_4615 = vector.broadcast %jit3A_4614 : f32 to vector<16xf32>
    %select_n3A_4616 = arith.select %eq3A_4613, %broadcast_in_dim3A_4615, %abs3A_4610 : vector<16xi1>, vector<16xf32>
    %lt3A_4617 = arith.cmpf olt, %select_n3A_4616, %select_n3A_4603 : vector<16xf32>
    %select_n3A_4618 = arith.select %lt3A_4617, %select_n3A_4616, %select_n3A_4603 : vector<16xi1>, vector<16xf32>
    %jit3A_4619 = arith.constant 37 : i32
    %broadcast_in_dim3A_4620 = vector.broadcast %jit3A_4619 : i32 to vector<16xi32>
    %select_n3A_4621 = arith.select %lt3A_4617, %broadcast_in_dim3A_4620, %select_n3A_4606 : vector<16xi1>, vector<16xi32>
    %sub3A_4622 = arith.constant 0.327118516 : f32
    %sub3A_4623 = vector.broadcast %sub3A_4622 : f32 to vector<16xf32>
    %sub3A_4624 = arith.subf %get3A_3281, %sub3A_4623 : vector<16xf32>
    %abs3A_4625 = math.absf %sub3A_4624 : vector<16xf32>
    %eq3A_4626 = arith.constant 38 : i32
    %eq3A_4627 = vector.broadcast %eq3A_4626 : i32 to vector<16xi32>
    %eq3A_4628 = arith.cmpi eq, %add3A_3273, %eq3A_4627 : vector<16xi32>
    %jit3A_4629 = arith.constant 3.000000e+08 : f32
    %broadcast_in_dim3A_4630 = vector.broadcast %jit3A_4629 : f32 to vector<16xf32>
    %select_n3A_4631 = arith.select %eq3A_4628, %broadcast_in_dim3A_4630, %abs3A_4625 : vector<16xi1>, vector<16xf32>
    %lt3A_4632 = arith.cmpf olt, %select_n3A_4631, %select_n3A_4618 : vector<16xf32>
    %select_n3A_4633 = arith.select %lt3A_4632, %select_n3A_4631, %select_n3A_4618 : vector<16xi1>, vector<16xf32>
    %jit3A_4634 = arith.constant 38 : i32
    %broadcast_in_dim3A_4635 = vector.broadcast %jit3A_4634 : i32 to vector<16xi32>
    %select_n3A_4636 = arith.select %lt3A_4632, %broadcast_in_dim3A_4635, %select_n3A_4621 : vector<16xi1>, vector<16xi32>
    %sub3A_4637 = arith.constant 0.0483509637 : f32
    %sub3A_4638 = vector.broadcast %sub3A_4637 : f32 to vector<16xf32>
    %sub3A_4639 = arith.subf %get3A_3281, %sub3A_4638 : vector<16xf32>
    %abs3A_4640 = math.absf %sub3A_4639 : vector<16xf32>
    %eq3A_4641 = arith.constant 39 : i32
    %eq3A_4642 = vector.broadcast %eq3A_4641 : i32 to vector<16xi32>
    %eq3A_4643 = arith.cmpi eq, %add3A_3273, %eq3A_4642 : vector<16xi32>
    %jit3A_4644 = arith.constant 3.000000e+08 : f32
    %broadcast_in_dim3A_4645 = vector.broadcast %jit3A_4644 : f32 to vector<16xf32>
    %select_n3A_4646 = arith.select %eq3A_4643, %broadcast_in_dim3A_4645, %abs3A_4640 : vector<16xi1>, vector<16xf32>
    %lt3A_4647 = arith.cmpf olt, %select_n3A_4646, %select_n3A_4633 : vector<16xf32>
    %select_n3A_4648 = arith.select %lt3A_4647, %select_n3A_4646, %select_n3A_4633 : vector<16xi1>, vector<16xf32>
    %jit3A_4649 = arith.constant 39 : i32
    %broadcast_in_dim3A_4650 = vector.broadcast %jit3A_4649 : i32 to vector<16xi32>
    %select_n3A_4651 = arith.select %lt3A_4647, %broadcast_in_dim3A_4650, %select_n3A_4636 : vector<16xi1>, vector<16xi32>
    %sub3A_4652 = arith.constant 2.65102935 : f32
    %sub3A_4653 = vector.broadcast %sub3A_4652 : f32 to vector<16xf32>
    %sub3A_4654 = arith.subf %get3A_3281, %sub3A_4653 : vector<16xf32>
    %abs3A_4655 = math.absf %sub3A_4654 : vector<16xf32>
    %eq3A_4656 = arith.constant 40 : i32
    %eq3A_4657 = vector.broadcast %eq3A_4656 : i32 to vector<16xi32>
    %eq3A_4658 = arith.cmpi eq, %add3A_3273, %eq3A_4657 : vector<16xi32>
    %jit3A_4659 = arith.constant 3.000000e+08 : f32
    %broadcast_in_dim3A_4660 = vector.broadcast %jit3A_4659 : f32 to vector<16xf32>
    %select_n3A_4661 = arith.select %eq3A_4658, %broadcast_in_dim3A_4660, %abs3A_4655 : vector<16xi1>, vector<16xf32>
    %lt3A_4662 = arith.cmpf olt, %select_n3A_4661, %select_n3A_4648 : vector<16xf32>
    %select_n3A_4663 = arith.select %lt3A_4662, %select_n3A_4661, %select_n3A_4648 : vector<16xi1>, vector<16xf32>
    %jit3A_4664 = arith.constant 40 : i32
    %broadcast_in_dim3A_4665 = vector.broadcast %jit3A_4664 : i32 to vector<16xi32>
    %select_n3A_4666 = arith.select %lt3A_4662, %broadcast_in_dim3A_4665, %select_n3A_4651 : vector<16xi1>, vector<16xi32>
    %sub3A_4667 = arith.constant 0.60257715 : f32
    %sub3A_4668 = vector.broadcast %sub3A_4667 : f32 to vector<16xf32>
    %sub3A_4669 = arith.subf %get3A_3281, %sub3A_4668 : vector<16xf32>
    %abs3A_4670 = math.absf %sub3A_4669 : vector<16xf32>
    %eq3A_4671 = arith.constant 41 : i32
    %eq3A_4672 = vector.broadcast %eq3A_4671 : i32 to vector<16xi32>
    %eq3A_4673 = arith.cmpi eq, %add3A_3273, %eq3A_4672 : vector<16xi32>
    %jit3A_4674 = arith.constant 3.000000e+08 : f32
    %broadcast_in_dim3A_4675 = vector.broadcast %jit3A_4674 : f32 to vector<16xf32>
    %select_n3A_4676 = arith.select %eq3A_4673, %broadcast_in_dim3A_4675, %abs3A_4670 : vector<16xi1>, vector<16xf32>
    %lt3A_4677 = arith.cmpf olt, %select_n3A_4676, %select_n3A_4663 : vector<16xf32>
    %select_n3A_4678 = arith.select %lt3A_4677, %select_n3A_4676, %select_n3A_4663 : vector<16xi1>, vector<16xf32>
    %jit3A_4679 = arith.constant 41 : i32
    %broadcast_in_dim3A_4680 = vector.broadcast %jit3A_4679 : i32 to vector<16xi32>
    %select_n3A_4681 = arith.select %lt3A_4677, %broadcast_in_dim3A_4680, %select_n3A_4666 : vector<16xi1>, vector<16xi32>
    %sub3A_4682 = arith.constant 1.30795157 : f32
    %sub3A_4683 = vector.broadcast %sub3A_4682 : f32 to vector<16xf32>
    %sub3A_4684 = arith.subf %get3A_3281, %sub3A_4683 : vector<16xf32>
    %abs3A_4685 = math.absf %sub3A_4684 : vector<16xf32>
    %eq3A_4686 = arith.constant 42 : i32
    %eq3A_4687 = vector.broadcast %eq3A_4686 : i32 to vector<16xi32>
    %eq3A_4688 = arith.cmpi eq, %add3A_3273, %eq3A_4687 : vector<16xi32>
    %jit3A_4689 = arith.constant 3.000000e+08 : f32
    %broadcast_in_dim3A_4690 = vector.broadcast %jit3A_4689 : f32 to vector<16xf32>
    %select_n3A_4691 = arith.select %eq3A_4688, %broadcast_in_dim3A_4690, %abs3A_4685 : vector<16xi1>, vector<16xf32>
    %lt3A_4692 = arith.cmpf olt, %select_n3A_4691, %select_n3A_4678 : vector<16xf32>
    %select_n3A_4693 = arith.select %lt3A_4692, %select_n3A_4691, %select_n3A_4678 : vector<16xi1>, vector<16xf32>
    %jit3A_4694 = arith.constant 42 : i32
    %broadcast_in_dim3A_4695 = vector.broadcast %jit3A_4694 : i32 to vector<16xi32>
    %select_n3A_4696 = arith.select %lt3A_4692, %broadcast_in_dim3A_4695, %select_n3A_4681 : vector<16xi1>, vector<16xi32>
    %sub3A_4697 = arith.constant 1.82871604 : f32
    %sub3A_4698 = vector.broadcast %sub3A_4697 : f32 to vector<16xf32>
    %sub3A_4699 = arith.subf %get3A_3281, %sub3A_4698 : vector<16xf32>
    %abs3A_4700 = math.absf %sub3A_4699 : vector<16xf32>
    %eq3A_4701 = arith.constant 43 : i32
    %eq3A_4702 = vector.broadcast %eq3A_4701 : i32 to vector<16xi32>
    %eq3A_4703 = arith.cmpi eq, %add3A_3273, %eq3A_4702 : vector<16xi32>
    %jit3A_4704 = arith.constant 3.000000e+08 : f32
    %broadcast_in_dim3A_4705 = vector.broadcast %jit3A_4704 : f32 to vector<16xf32>
    %select_n3A_4706 = arith.select %eq3A_4703, %broadcast_in_dim3A_4705, %abs3A_4700 : vector<16xi1>, vector<16xf32>
    %lt3A_4707 = arith.cmpf olt, %select_n3A_4706, %select_n3A_4693 : vector<16xf32>
    %select_n3A_4708 = arith.select %lt3A_4707, %select_n3A_4706, %select_n3A_4693 : vector<16xi1>, vector<16xf32>
    %jit3A_4709 = arith.constant 43 : i32
    %broadcast_in_dim3A_4710 = vector.broadcast %jit3A_4709 : i32 to vector<16xi32>
    %select_n3A_4711 = arith.select %lt3A_4707, %broadcast_in_dim3A_4710, %select_n3A_4696 : vector<16xi1>, vector<16xi32>
    %sub3A_4712 = arith.constant 2.43090653 : f32
    %sub3A_4713 = vector.broadcast %sub3A_4712 : f32 to vector<16xf32>
    %sub3A_4714 = arith.subf %get3A_3281, %sub3A_4713 : vector<16xf32>
    %abs3A_4715 = math.absf %sub3A_4714 : vector<16xf32>
    %eq3A_4716 = arith.constant 44 : i32
    %eq3A_4717 = vector.broadcast %eq3A_4716 : i32 to vector<16xi32>
    %eq3A_4718 = arith.cmpi eq, %add3A_3273, %eq3A_4717 : vector<16xi32>
    %jit3A_4719 = arith.constant 3.000000e+08 : f32
    %broadcast_in_dim3A_4720 = vector.broadcast %jit3A_4719 : f32 to vector<16xf32>
    %select_n3A_4721 = arith.select %eq3A_4718, %broadcast_in_dim3A_4720, %abs3A_4715 : vector<16xi1>, vector<16xf32>
    %lt3A_4722 = arith.cmpf olt, %select_n3A_4721, %select_n3A_4708 : vector<16xf32>
    %select_n3A_4723 = arith.select %lt3A_4722, %select_n3A_4721, %select_n3A_4708 : vector<16xi1>, vector<16xf32>
    %jit3A_4724 = arith.constant 44 : i32
    %broadcast_in_dim3A_4725 = vector.broadcast %jit3A_4724 : i32 to vector<16xi32>
    %select_n3A_4726 = arith.select %lt3A_4722, %broadcast_in_dim3A_4725, %select_n3A_4711 : vector<16xi1>, vector<16xi32>
    %sub3A_4727 = arith.constant 2.8050077 : f32
    %sub3A_4728 = vector.broadcast %sub3A_4727 : f32 to vector<16xf32>
    %sub3A_4729 = arith.subf %get3A_3281, %sub3A_4728 : vector<16xf32>
    %abs3A_4730 = math.absf %sub3A_4729 : vector<16xf32>
    %eq3A_4731 = arith.constant 45 : i32
    %eq3A_4732 = vector.broadcast %eq3A_4731 : i32 to vector<16xi32>
    %eq3A_4733 = arith.cmpi eq, %add3A_3273, %eq3A_4732 : vector<16xi32>
    %jit3A_4734 = arith.constant 3.000000e+08 : f32
    %broadcast_in_dim3A_4735 = vector.broadcast %jit3A_4734 : f32 to vector<16xf32>
    %select_n3A_4736 = arith.select %eq3A_4733, %broadcast_in_dim3A_4735, %abs3A_4730 : vector<16xi1>, vector<16xf32>
    %lt3A_4737 = arith.cmpf olt, %select_n3A_4736, %select_n3A_4723 : vector<16xf32>
    %select_n3A_4738 = arith.select %lt3A_4737, %select_n3A_4736, %select_n3A_4723 : vector<16xi1>, vector<16xf32>
    %jit3A_4739 = arith.constant 45 : i32
    %broadcast_in_dim3A_4740 = vector.broadcast %jit3A_4739 : i32 to vector<16xi32>
    %select_n3A_4741 = arith.select %lt3A_4737, %broadcast_in_dim3A_4740, %select_n3A_4726 : vector<16xi1>, vector<16xi32>
    %sub3A_4742 = arith.constant 2.25249028 : f32
    %sub3A_4743 = vector.broadcast %sub3A_4742 : f32 to vector<16xf32>
    %sub3A_4744 = arith.subf %get3A_3281, %sub3A_4743 : vector<16xf32>
    %abs3A_4745 = math.absf %sub3A_4744 : vector<16xf32>
    %eq3A_4746 = arith.constant 46 : i32
    %eq3A_4747 = vector.broadcast %eq3A_4746 : i32 to vector<16xi32>
    %eq3A_4748 = arith.cmpi eq, %add3A_3273, %eq3A_4747 : vector<16xi32>
    %jit3A_4749 = arith.constant 3.000000e+08 : f32
    %broadcast_in_dim3A_4750 = vector.broadcast %jit3A_4749 : f32 to vector<16xf32>
    %select_n3A_4751 = arith.select %eq3A_4748, %broadcast_in_dim3A_4750, %abs3A_4745 : vector<16xi1>, vector<16xf32>
    %lt3A_4752 = arith.cmpf olt, %select_n3A_4751, %select_n3A_4738 : vector<16xf32>
    %select_n3A_4753 = arith.select %lt3A_4752, %select_n3A_4751, %select_n3A_4738 : vector<16xi1>, vector<16xf32>
    %jit3A_4754 = arith.constant 46 : i32
    %broadcast_in_dim3A_4755 = vector.broadcast %jit3A_4754 : i32 to vector<16xi32>
    %select_n3A_4756 = arith.select %lt3A_4752, %broadcast_in_dim3A_4755, %select_n3A_4741 : vector<16xi1>, vector<16xi32>
    %sub3A_4757 = arith.constant 0.109302051 : f32
    %sub3A_4758 = vector.broadcast %sub3A_4757 : f32 to vector<16xf32>
    %sub3A_4759 = arith.subf %get3A_3281, %sub3A_4758 : vector<16xf32>
    %abs3A_4760 = math.absf %sub3A_4759 : vector<16xf32>
    %eq3A_4761 = arith.constant 47 : i32
    %eq3A_4762 = vector.broadcast %eq3A_4761 : i32 to vector<16xi32>
    %eq3A_4763 = arith.cmpi eq, %add3A_3273, %eq3A_4762 : vector<16xi32>
    %jit3A_4764 = arith.constant 3.000000e+08 : f32
    %broadcast_in_dim3A_4765 = vector.broadcast %jit3A_4764 : f32 to vector<16xf32>
    %select_n3A_4766 = arith.select %eq3A_4763, %broadcast_in_dim3A_4765, %abs3A_4760 : vector<16xi1>, vector<16xf32>
    %lt3A_4767 = arith.cmpf olt, %select_n3A_4766, %select_n3A_4753 : vector<16xf32>
    %select_n3A_4768 = arith.select %lt3A_4767, %select_n3A_4766, %select_n3A_4753 : vector<16xi1>, vector<16xf32>
    %jit3A_4769 = arith.constant 47 : i32
    %broadcast_in_dim3A_4770 = vector.broadcast %jit3A_4769 : i32 to vector<16xi32>
    %select_n3A_4771 = arith.select %lt3A_4767, %broadcast_in_dim3A_4770, %select_n3A_4756 : vector<16xi1>, vector<16xi32>
    %sub3A_4772 = arith.constant 2.41320539 : f32
    %sub3A_4773 = vector.broadcast %sub3A_4772 : f32 to vector<16xf32>
    %sub3A_4774 = arith.subf %get3A_3281, %sub3A_4773 : vector<16xf32>
    %abs3A_4775 = math.absf %sub3A_4774 : vector<16xf32>
    %eq3A_4776 = arith.constant 48 : i32
    %eq3A_4777 = vector.broadcast %eq3A_4776 : i32 to vector<16xi32>
    %eq3A_4778 = arith.cmpi eq, %add3A_3273, %eq3A_4777 : vector<16xi32>
    %jit3A_4779 = arith.constant 3.000000e+08 : f32
    %broadcast_in_dim3A_4780 = vector.broadcast %jit3A_4779 : f32 to vector<16xf32>
    %select_n3A_4781 = arith.select %eq3A_4778, %broadcast_in_dim3A_4780, %abs3A_4775 : vector<16xi1>, vector<16xf32>
    %lt3A_4782 = arith.cmpf olt, %select_n3A_4781, %select_n3A_4768 : vector<16xf32>
    %select_n3A_4783 = arith.select %lt3A_4782, %select_n3A_4781, %select_n3A_4768 : vector<16xi1>, vector<16xf32>
    %jit3A_4784 = arith.constant 48 : i32
    %broadcast_in_dim3A_4785 = vector.broadcast %jit3A_4784 : i32 to vector<16xi32>
    %select_n3A_4786 = arith.select %lt3A_4782, %broadcast_in_dim3A_4785, %select_n3A_4771 : vector<16xi1>, vector<16xi32>
    %sub3A_4787 = arith.constant 2.9543035 : f32
    %sub3A_4788 = vector.broadcast %sub3A_4787 : f32 to vector<16xf32>
    %sub3A_4789 = arith.subf %get3A_3281, %sub3A_4788 : vector<16xf32>
    %abs3A_4790 = math.absf %sub3A_4789 : vector<16xf32>
    %eq3A_4791 = arith.constant 49 : i32
    %eq3A_4792 = vector.broadcast %eq3A_4791 : i32 to vector<16xi32>
    %eq3A_4793 = arith.cmpi eq, %add3A_3273, %eq3A_4792 : vector<16xi32>
    %jit3A_4794 = arith.constant 3.000000e+08 : f32
    %broadcast_in_dim3A_4795 = vector.broadcast %jit3A_4794 : f32 to vector<16xf32>
    %select_n3A_4796 = arith.select %eq3A_4793, %broadcast_in_dim3A_4795, %abs3A_4790 : vector<16xi1>, vector<16xf32>
    %lt3A_4797 = arith.cmpf olt, %select_n3A_4796, %select_n3A_4783 : vector<16xf32>
    %select_n3A_4798 = arith.select %lt3A_4797, %select_n3A_4796, %select_n3A_4783 : vector<16xi1>, vector<16xf32>
    %jit3A_4799 = arith.constant 49 : i32
    %broadcast_in_dim3A_4800 = vector.broadcast %jit3A_4799 : i32 to vector<16xi32>
    %select_n3A_4801 = arith.select %lt3A_4797, %broadcast_in_dim3A_4800, %select_n3A_4786 : vector<16xi1>, vector<16xi32>
    %broadcast_in_dim3A_4802 = arith.constant 1 : i32
    %broadcast_in_dim3A_4803 = vector.broadcast %broadcast_in_dim3A_4802 : i32 to vector<16xi32>
    %gather3A_4804 = tpu.vector_load_idx %arg6[%broadcast_in_dim3A_4803, %select_n3A_4801] : memref<8x64xf32, #tpu.memory_space<vmem>>[vector<16xi32>, vector<16xi32>], vector<16xf32>,
    %gather3A_4805 = tpu.vector_load_idx %arg10[%select_n3A_4801] : memref<64xf32, #tpu.memory_space<vmem>>[vector<16xi32>], vector<16xf32>,
    %sub3A_4806 = arith.subf %get3A_3285, %gather3A_4805 : vector<16xf32>
    %sub3A_4807 = arith.subf %get3A_3281, %gather3A_4804 : vector<16xf32>
    %add3A_4808 = arith.constant 9.99999993E-9 : f32
    %add3A_4809 = vector.broadcast %add3A_4808 : f32 to vector<16xf32>
    %add3A_4810 = arith.addf %sub3A_4807, %add3A_4809 : vector<16xf32>
    %div3A_4811 = arith.divf %sub3A_4806, %add3A_4810 : vector<16xf32>
    %add3A_4812 = arith.addf %div3A_4047, %div3A_4811 : vector<16xf32>
    %jit3A_4813 = arith.constant -2.000000e+02 : f32
    %jit3A_4814 = arith.constant 2.000000e+02 : f32
    %max3A_4815 = vector.broadcast %jit3A_4813 : f32 to vector<16xf32>
    %max3A_4816 = arith.maximumf %max3A_4815, %add3A_4812 : vector<16xf32>
    %min3A_4817 = vector.broadcast %jit3A_4814 : f32 to vector<16xf32>
    %min3A_4818 = arith.minimumf %min3A_4817, %max3A_4816 : vector<16xf32>
    %get3A_4819 = arith.constant 4 : i32
    %get3A_4820 = arith.index_cast %get3A_4819 : i32 to index
    %get3A_4821 = arith.constant 32 : index
    %get3A_4822 = tpu.vector_load %arg6[%get3A_4820, %get3A_4821] {strides = array<i32>} : memref<8x64xf32, #tpu.memory_space<vmem>>, vector<16xf32>,
    %sub3A_4823 = arith.subf %get3A_4822, %min3A_4818 : vector<16xf32>
    %lt3A_4824 = arith.constant 50 : i32
    %lt3A_4825 = vector.broadcast %lt3A_4824 : i32 to vector<16xi32>
    %lt3A_4826 = arith.cmpi slt, %add3A_3273, %lt3A_4825 : vector<16xi32>
    %jit3A_4827 = arith.constant 0.000000e+00 : f32
    %broadcast_in_dim3A_4828 = vector.broadcast %jit3A_4827 : f32 to vector<16xf32>
    %select_n3A_4829 = arith.select %lt3A_4826, %sub3A_4823, %broadcast_in_dim3A_4828 : vector<16xi1>, vector<16xf32>
    %mul3A_4830 = arith.mulf %select_n3A_4829, %select_n3A_4829 : vector<16xf32>
    %add3A_4831 = arith.addf %add3A_3269, %mul3A_4830 : vector<16xf32>
    %iota3A_4832 = tpu.iota {dimensions = array<i32: 0>} : vector<16xi32>
    %add3A_4833 = arith.constant 48 : i32
    %add3A_4834 = vector.broadcast %add3A_4833 : i32 to vector<16xi32>
    %add3A_4835 = arith.addi %iota3A_4832, %add3A_4834 : vector<16xi32>
    %get3A_4836 = arith.constant 0 : i32
    %get3A_4837 = arith.index_cast %get3A_4836 : i32 to index
    %get3A_4838 = arith.constant 48 : index
    %get3A_4839 = tpu.vector_load %arg6[%get3A_4837, %get3A_4838] {strides = array<i32>} : memref<8x64xf32, #tpu.memory_space<vmem>>, vector<16xf32>,
    %get3A_4840 = arith.constant 1 : i32
    %get3A_4841 = arith.index_cast %get3A_4840 : i32 to index
    %get3A_4842 = arith.constant 48 : index
    %get3A_4843 = tpu.vector_load %arg6[%get3A_4841, %get3A_4842] {strides = array<i32>} : memref<8x64xf32, #tpu.memory_space<vmem>>, vector<16xf32>,
    %get3A_4844 = arith.constant 48 : index
    %get3A_4845 = tpu.vector_load %arg9[%get3A_4844] {strides = array<i32>} : memref<64xf32, #tpu.memory_space<vmem>>, vector<16xf32>,
    %get3A_4846 = arith.constant 48 : index
    %get3A_4847 = tpu.vector_load %arg10[%get3A_4846] {strides = array<i32>} : memref<64xf32, #tpu.memory_space<vmem>>, vector<16xf32>,
    %broadcast_in_dim3A_4848 = arith.constant 3.000000e+38 : f32
    %broadcast_in_dim3A_4849 = vector.broadcast %broadcast_in_dim3A_4848 : f32 to vector<16xf32>
    %broadcast_in_dim3A_4850 = arith.constant 0 : i32
    %broadcast_in_dim3A_4851 = vector.broadcast %broadcast_in_dim3A_4850 : i32 to vector<16xi32>
    %sub3A_4852 = arith.constant 1.22306108 : f32
    %sub3A_4853 = vector.broadcast %sub3A_4852 : f32 to vector<16xf32>
    %sub3A_4854 = arith.subf %get3A_4839, %sub3A_4853 : vector<16xf32>
    %abs3A_4855 = math.absf %sub3A_4854 : vector<16xf32>
    %eq3A_4856 = arith.constant 0 : i32
    %eq3A_4857 = vector.broadcast %eq3A_4856 : i32 to vector<16xi32>
    %eq3A_4858 = arith.cmpi eq, %add3A_4835, %eq3A_4857 : vector<16xi32>
    %jit3A_4859 = arith.constant 3.000000e+08 : f32
    %broadcast_in_dim3A_4860 = vector.broadcast %jit3A_4859 : f32 to vector<16xf32>
    %select_n3A_4861 = arith.select %eq3A_4858, %broadcast_in_dim3A_4860, %abs3A_4855 : vector<16xi1>, vector<16xf32>
    %lt3A_4862 = arith.cmpf olt, %select_n3A_4861, %broadcast_in_dim3A_4849 : vector<16xf32>
    %select_n3A_4863 = arith.select %lt3A_4862, %select_n3A_4861, %broadcast_in_dim3A_4849 : vector<16xi1>, vector<16xf32>
    %jit3A_4864 = arith.constant 0 : i32
    %broadcast_in_dim3A_4865 = vector.broadcast %jit3A_4864 : i32 to vector<16xi32>
    %select_n3A_4866 = arith.select %lt3A_4862, %broadcast_in_dim3A_4865, %broadcast_in_dim3A_4851 : vector<16xi1>, vector<16xi32>
    %sub3A_4867 = arith.constant 0.166098118 : f32
    %sub3A_4868 = vector.broadcast %sub3A_4867 : f32 to vector<16xf32>
    %sub3A_4869 = arith.subf %get3A_4839, %sub3A_4868 : vector<16xf32>
    %abs3A_4870 = math.absf %sub3A_4869 : vector<16xf32>
    %eq3A_4871 = arith.constant 1 : i32
    %eq3A_4872 = vector.broadcast %eq3A_4871 : i32 to vector<16xi32>
    %eq3A_4873 = arith.cmpi eq, %add3A_4835, %eq3A_4872 : vector<16xi32>
    %jit3A_4874 = arith.constant 3.000000e+08 : f32
    %broadcast_in_dim3A_4875 = vector.broadcast %jit3A_4874 : f32 to vector<16xf32>
    %select_n3A_4876 = arith.select %eq3A_4873, %broadcast_in_dim3A_4875, %abs3A_4870 : vector<16xi1>, vector<16xf32>
    %lt3A_4877 = arith.cmpf olt, %select_n3A_4876, %select_n3A_4863 : vector<16xf32>
    %select_n3A_4878 = arith.select %lt3A_4877, %select_n3A_4876, %select_n3A_4863 : vector<16xi1>, vector<16xf32>
    %jit3A_4879 = arith.constant 1 : i32
    %broadcast_in_dim3A_4880 = vector.broadcast %jit3A_4879 : i32 to vector<16xi32>
    %select_n3A_4881 = arith.select %lt3A_4877, %broadcast_in_dim3A_4880, %select_n3A_4866 : vector<16xi1>, vector<16xi32>
    %sub3A_4882 = arith.constant 2.36560464 : f32
    %sub3A_4883 = vector.broadcast %sub3A_4882 : f32 to vector<16xf32>
    %sub3A_4884 = arith.subf %get3A_4839, %sub3A_4883 : vector<16xf32>
    %abs3A_4885 = math.absf %sub3A_4884 : vector<16xf32>
    %eq3A_4886 = arith.constant 2 : i32
    %eq3A_4887 = vector.broadcast %eq3A_4886 : i32 to vector<16xi32>
    %eq3A_4888 = arith.cmpi eq, %add3A_4835, %eq3A_4887 : vector<16xi32>
    %jit3A_4889 = arith.constant 3.000000e+08 : f32
    %broadcast_in_dim3A_4890 = vector.broadcast %jit3A_4889 : f32 to vector<16xf32>
    %select_n3A_4891 = arith.select %eq3A_4888, %broadcast_in_dim3A_4890, %abs3A_4885 : vector<16xi1>, vector<16xf32>
    %lt3A_4892 = arith.cmpf olt, %select_n3A_4891, %select_n3A_4878 : vector<16xf32>
    %select_n3A_4893 = arith.select %lt3A_4892, %select_n3A_4891, %select_n3A_4878 : vector<16xi1>, vector<16xf32>
    %jit3A_4894 = arith.constant 2 : i32
    %broadcast_in_dim3A_4895 = vector.broadcast %jit3A_4894 : i32 to vector<16xi32>
    %select_n3A_4896 = arith.select %lt3A_4892, %broadcast_in_dim3A_4895, %select_n3A_4881 : vector<16xi1>, vector<16xi32>
    %sub3A_4897 = arith.constant 0.861915528 : f32
    %sub3A_4898 = vector.broadcast %sub3A_4897 : f32 to vector<16xf32>
    %sub3A_4899 = arith.subf %get3A_4839, %sub3A_4898 : vector<16xf32>
    %abs3A_4900 = math.absf %sub3A_4899 : vector<16xf32>
    %eq3A_4901 = arith.constant 3 : i32
    %eq3A_4902 = vector.broadcast %eq3A_4901 : i32 to vector<16xi32>
    %eq3A_4903 = arith.cmpi eq, %add3A_4835, %eq3A_4902 : vector<16xi32>
    %jit3A_4904 = arith.constant 3.000000e+08 : f32
    %broadcast_in_dim3A_4905 = vector.broadcast %jit3A_4904 : f32 to vector<16xf32>
    %select_n3A_4906 = arith.select %eq3A_4903, %broadcast_in_dim3A_4905, %abs3A_4900 : vector<16xi1>, vector<16xf32>
    %lt3A_4907 = arith.cmpf olt, %select_n3A_4906, %select_n3A_4893 : vector<16xf32>
    %select_n3A_4908 = arith.select %lt3A_4907, %select_n3A_4906, %select_n3A_4893 : vector<16xi1>, vector<16xf32>
    %jit3A_4909 = arith.constant 3 : i32
    %broadcast_in_dim3A_4910 = vector.broadcast %jit3A_4909 : i32 to vector<16xi32>
    %select_n3A_4911 = arith.select %lt3A_4907, %broadcast_in_dim3A_4910, %select_n3A_4896 : vector<16xi1>, vector<16xi32>
    %sub3A_4912 = arith.constant 1.35105181 : f32
    %sub3A_4913 = vector.broadcast %sub3A_4912 : f32 to vector<16xf32>
    %sub3A_4914 = arith.subf %get3A_4839, %sub3A_4913 : vector<16xf32>
    %abs3A_4915 = math.absf %sub3A_4914 : vector<16xf32>
    %eq3A_4916 = arith.constant 4 : i32
    %eq3A_4917 = vector.broadcast %eq3A_4916 : i32 to vector<16xi32>
    %eq3A_4918 = arith.cmpi eq, %add3A_4835, %eq3A_4917 : vector<16xi32>
    %jit3A_4919 = arith.constant 3.000000e+08 : f32
    %broadcast_in_dim3A_4920 = vector.broadcast %jit3A_4919 : f32 to vector<16xf32>
    %select_n3A_4921 = arith.select %eq3A_4918, %broadcast_in_dim3A_4920, %abs3A_4915 : vector<16xi1>, vector<16xf32>
    %lt3A_4922 = arith.cmpf olt, %select_n3A_4921, %select_n3A_4908 : vector<16xf32>
    %select_n3A_4923 = arith.select %lt3A_4922, %select_n3A_4921, %select_n3A_4908 : vector<16xi1>, vector<16xf32>
    %jit3A_4924 = arith.constant 4 : i32
    %broadcast_in_dim3A_4925 = vector.broadcast %jit3A_4924 : i32 to vector<16xi32>
    %select_n3A_4926 = arith.select %lt3A_4922, %broadcast_in_dim3A_4925, %select_n3A_4911 : vector<16xi1>, vector<16xi32>
    %sub3A_4927 = arith.constant 0.911736905 : f32
    %sub3A_4928 = vector.broadcast %sub3A_4927 : f32 to vector<16xf32>
    %sub3A_4929 = arith.subf %get3A_4839, %sub3A_4928 : vector<16xf32>
    %abs3A_4930 = math.absf %sub3A_4929 : vector<16xf32>
    %eq3A_4931 = arith.constant 5 : i32
    %eq3A_4932 = vector.broadcast %eq3A_4931 : i32 to vector<16xi32>
    %eq3A_4933 = arith.cmpi eq, %add3A_4835, %eq3A_4932 : vector<16xi32>
    %jit3A_4934 = arith.constant 3.000000e+08 : f32
    %broadcast_in_dim3A_4935 = vector.broadcast %jit3A_4934 : f32 to vector<16xf32>
    %select_n3A_4936 = arith.select %eq3A_4933, %broadcast_in_dim3A_4935, %abs3A_4930 : vector<16xi1>, vector<16xf32>
    %lt3A_4937 = arith.cmpf olt, %select_n3A_4936, %select_n3A_4923 : vector<16xf32>
    %select_n3A_4938 = arith.select %lt3A_4937, %select_n3A_4936, %select_n3A_4923 : vector<16xi1>, vector<16xf32>
    %jit3A_4939 = arith.constant 5 : i32
    %broadcast_in_dim3A_4940 = vector.broadcast %jit3A_4939 : i32 to vector<16xi32>
    %select_n3A_4941 = arith.select %lt3A_4937, %broadcast_in_dim3A_4940, %select_n3A_4926 : vector<16xi1>, vector<16xi32>
    %sub3A_4942 = arith.constant 1.5791986 : f32
    %sub3A_4943 = vector.broadcast %sub3A_4942 : f32 to vector<16xf32>
    %sub3A_4944 = arith.subf %get3A_4839, %sub3A_4943 : vector<16xf32>
    %abs3A_4945 = math.absf %sub3A_4944 : vector<16xf32>
    %eq3A_4946 = arith.constant 6 : i32
    %eq3A_4947 = vector.broadcast %eq3A_4946 : i32 to vector<16xi32>
    %eq3A_4948 = arith.cmpi eq, %add3A_4835, %eq3A_4947 : vector<16xi32>
    %jit3A_4949 = arith.constant 3.000000e+08 : f32
    %broadcast_in_dim3A_4950 = vector.broadcast %jit3A_4949 : f32 to vector<16xf32>
    %select_n3A_4951 = arith.select %eq3A_4948, %broadcast_in_dim3A_4950, %abs3A_4945 : vector<16xi1>, vector<16xf32>
    %lt3A_4952 = arith.cmpf olt, %select_n3A_4951, %select_n3A_4938 : vector<16xf32>
    %select_n3A_4953 = arith.select %lt3A_4952, %select_n3A_4951, %select_n3A_4938 : vector<16xi1>, vector<16xf32>
    %jit3A_4954 = arith.constant 6 : i32
    %broadcast_in_dim3A_4955 = vector.broadcast %jit3A_4954 : i32 to vector<16xi32>
    %select_n3A_4956 = arith.select %lt3A_4952, %broadcast_in_dim3A_4955, %select_n3A_4941 : vector<16xi1>, vector<16xi32>
    %sub3A_4957 = arith.constant 1.8714366 : f32
    %sub3A_4958 = vector.broadcast %sub3A_4957 : f32 to vector<16xf32>
    %sub3A_4959 = arith.subf %get3A_4839, %sub3A_4958 : vector<16xf32>
    %abs3A_4960 = math.absf %sub3A_4959 : vector<16xf32>
    %eq3A_4961 = arith.constant 7 : i32
    %eq3A_4962 = vector.broadcast %eq3A_4961 : i32 to vector<16xi32>
    %eq3A_4963 = arith.cmpi eq, %add3A_4835, %eq3A_4962 : vector<16xi32>
    %jit3A_4964 = arith.constant 3.000000e+08 : f32
    %broadcast_in_dim3A_4965 = vector.broadcast %jit3A_4964 : f32 to vector<16xf32>
    %select_n3A_4966 = arith.select %eq3A_4963, %broadcast_in_dim3A_4965, %abs3A_4960 : vector<16xi1>, vector<16xf32>
    %lt3A_4967 = arith.cmpf olt, %select_n3A_4966, %select_n3A_4953 : vector<16xf32>
    %select_n3A_4968 = arith.select %lt3A_4967, %select_n3A_4966, %select_n3A_4953 : vector<16xi1>, vector<16xf32>
    %jit3A_4969 = arith.constant 7 : i32
    %broadcast_in_dim3A_4970 = vector.broadcast %jit3A_4969 : i32 to vector<16xi32>
    %select_n3A_4971 = arith.select %lt3A_4967, %broadcast_in_dim3A_4970, %select_n3A_4956 : vector<16xi1>, vector<16xi32>
    %sub3A_4972 = arith.constant 2.33032632 : f32
    %sub3A_4973 = vector.broadcast %sub3A_4972 : f32 to vector<16xf32>
    %sub3A_4974 = arith.subf %get3A_4839, %sub3A_4973 : vector<16xf32>
    %abs3A_4975 = math.absf %sub3A_4974 : vector<16xf32>
    %eq3A_4976 = arith.constant 8 : i32
    %eq3A_4977 = vector.broadcast %eq3A_4976 : i32 to vector<16xi32>
    %eq3A_4978 = arith.cmpi eq, %add3A_4835, %eq3A_4977 : vector<16xi32>
    %jit3A_4979 = arith.constant 3.000000e+08 : f32
    %broadcast_in_dim3A_4980 = vector.broadcast %jit3A_4979 : f32 to vector<16xf32>
    %select_n3A_4981 = arith.select %eq3A_4978, %broadcast_in_dim3A_4980, %abs3A_4975 : vector<16xi1>, vector<16xf32>
    %lt3A_4982 = arith.cmpf olt, %select_n3A_4981, %select_n3A_4968 : vector<16xf32>
    %select_n3A_4983 = arith.select %lt3A_4982, %select_n3A_4981, %select_n3A_4968 : vector<16xi1>, vector<16xf32>
    %jit3A_4984 = arith.constant 8 : i32
    %broadcast_in_dim3A_4985 = vector.broadcast %jit3A_4984 : i32 to vector<16xi32>
    %select_n3A_4986 = arith.select %lt3A_4982, %broadcast_in_dim3A_4985, %select_n3A_4971 : vector<16xi1>, vector<16xi32>
    %sub3A_4987 = arith.constant 2.05872488 : f32
    %sub3A_4988 = vector.broadcast %sub3A_4987 : f32 to vector<16xf32>
    %sub3A_4989 = arith.subf %get3A_4839, %sub3A_4988 : vector<16xf32>
    %abs3A_4990 = math.absf %sub3A_4989 : vector<16xf32>
    %eq3A_4991 = arith.constant 9 : i32
    %eq3A_4992 = vector.broadcast %eq3A_4991 : i32 to vector<16xi32>
    %eq3A_4993 = arith.cmpi eq, %add3A_4835, %eq3A_4992 : vector<16xi32>
    %jit3A_4994 = arith.constant 3.000000e+08 : f32
    %broadcast_in_dim3A_4995 = vector.broadcast %jit3A_4994 : f32 to vector<16xf32>
    %select_n3A_4996 = arith.select %eq3A_4993, %broadcast_in_dim3A_4995, %abs3A_4990 : vector<16xi1>, vector<16xf32>
    %lt3A_4997 = arith.cmpf olt, %select_n3A_4996, %select_n3A_4983 : vector<16xf32>
    %select_n3A_4998 = arith.select %lt3A_4997, %select_n3A_4996, %select_n3A_4983 : vector<16xi1>, vector<16xf32>
    %jit3A_4999 = arith.constant 9 : i32
    %broadcast_in_dim3A_5000 = vector.broadcast %jit3A_4999 : i32 to vector<16xi32>
    %select_n3A_5001 = arith.select %lt3A_4997, %broadcast_in_dim3A_5000, %select_n3A_4986 : vector<16xi1>, vector<16xi32>
    %sub3A_5002 = arith.constant 2.9428165 : f32
    %sub3A_5003 = vector.broadcast %sub3A_5002 : f32 to vector<16xf32>
    %sub3A_5004 = arith.subf %get3A_4839, %sub3A_5003 : vector<16xf32>
    %abs3A_5005 = math.absf %sub3A_5004 : vector<16xf32>
    %eq3A_5006 = arith.constant 10 : i32
    %eq3A_5007 = vector.broadcast %eq3A_5006 : i32 to vector<16xi32>
    %eq3A_5008 = arith.cmpi eq, %add3A_4835, %eq3A_5007 : vector<16xi32>
    %jit3A_5009 = arith.constant 3.000000e+08 : f32
    %broadcast_in_dim3A_5010 = vector.broadcast %jit3A_5009 : f32 to vector<16xf32>
    %select_n3A_5011 = arith.select %eq3A_5008, %broadcast_in_dim3A_5010, %abs3A_5005 : vector<16xi1>, vector<16xf32>
    %lt3A_5012 = arith.cmpf olt, %select_n3A_5011, %select_n3A_4998 : vector<16xf32>
    %select_n3A_5013 = arith.select %lt3A_5012, %select_n3A_5011, %select_n3A_4998 : vector<16xi1>, vector<16xf32>
    %jit3A_5014 = arith.constant 10 : i32
    %broadcast_in_dim3A_5015 = vector.broadcast %jit3A_5014 : i32 to vector<16xi32>
    %select_n3A_5016 = arith.select %lt3A_5012, %broadcast_in_dim3A_5015, %select_n3A_5001 : vector<16xi1>, vector<16xi32>
    %sub3A_5017 = arith.constant 1.80244827 : f32
    %sub3A_5018 = vector.broadcast %sub3A_5017 : f32 to vector<16xf32>
    %sub3A_5019 = arith.subf %get3A_4839, %sub3A_5018 : vector<16xf32>
    %abs3A_5020 = math.absf %sub3A_5019 : vector<16xf32>
    %eq3A_5021 = arith.constant 11 : i32
    %eq3A_5022 = vector.broadcast %eq3A_5021 : i32 to vector<16xi32>
    %eq3A_5023 = arith.cmpi eq, %add3A_4835, %eq3A_5022 : vector<16xi32>
    %jit3A_5024 = arith.constant 3.000000e+08 : f32
    %broadcast_in_dim3A_5025 = vector.broadcast %jit3A_5024 : f32 to vector<16xf32>
    %select_n3A_5026 = arith.select %eq3A_5023, %broadcast_in_dim3A_5025, %abs3A_5020 : vector<16xi1>, vector<16xf32>
    %lt3A_5027 = arith.cmpf olt, %select_n3A_5026, %select_n3A_5013 : vector<16xf32>
    %select_n3A_5028 = arith.select %lt3A_5027, %select_n3A_5026, %select_n3A_5013 : vector<16xi1>, vector<16xf32>
    %jit3A_5029 = arith.constant 11 : i32
    %broadcast_in_dim3A_5030 = vector.broadcast %jit3A_5029 : i32 to vector<16xi32>
    %select_n3A_5031 = arith.select %lt3A_5027, %broadcast_in_dim3A_5030, %select_n3A_5016 : vector<16xi1>, vector<16xi32>
    %sub3A_5032 = arith.constant 2.4419055 : f32
    %sub3A_5033 = vector.broadcast %sub3A_5032 : f32 to vector<16xf32>
    %sub3A_5034 = arith.subf %get3A_4839, %sub3A_5033 : vector<16xf32>
    %abs3A_5035 = math.absf %sub3A_5034 : vector<16xf32>
    %eq3A_5036 = arith.constant 12 : i32
    %eq3A_5037 = vector.broadcast %eq3A_5036 : i32 to vector<16xi32>
    %eq3A_5038 = arith.cmpi eq, %add3A_4835, %eq3A_5037 : vector<16xi32>
    %jit3A_5039 = arith.constant 3.000000e+08 : f32
    %broadcast_in_dim3A_5040 = vector.broadcast %jit3A_5039 : f32 to vector<16xf32>
    %select_n3A_5041 = arith.select %eq3A_5038, %broadcast_in_dim3A_5040, %abs3A_5035 : vector<16xi1>, vector<16xf32>
    %lt3A_5042 = arith.cmpf olt, %select_n3A_5041, %select_n3A_5028 : vector<16xf32>
    %select_n3A_5043 = arith.select %lt3A_5042, %select_n3A_5041, %select_n3A_5028 : vector<16xi1>, vector<16xf32>
    %jit3A_5044 = arith.constant 12 : i32
    %broadcast_in_dim3A_5045 = vector.broadcast %jit3A_5044 : i32 to vector<16xi32>
    %select_n3A_5046 = arith.select %lt3A_5042, %broadcast_in_dim3A_5045, %select_n3A_5031 : vector<16xi1>, vector<16xi32>
    %sub3A_5047 = arith.constant 2.12593555 : f32
    %sub3A_5048 = vector.broadcast %sub3A_5047 : f32 to vector<16xf32>
    %sub3A_5049 = arith.subf %get3A_4839, %sub3A_5048 : vector<16xf32>
    %abs3A_5050 = math.absf %sub3A_5049 : vector<16xf32>
    %eq3A_5051 = arith.constant 13 : i32
    %eq3A_5052 = vector.broadcast %eq3A_5051 : i32 to vector<16xi32>
    %eq3A_5053 = arith.cmpi eq, %add3A_4835, %eq3A_5052 : vector<16xi32>
    %jit3A_5054 = arith.constant 3.000000e+08 : f32
    %broadcast_in_dim3A_5055 = vector.broadcast %jit3A_5054 : f32 to vector<16xf32>
    %select_n3A_5056 = arith.select %eq3A_5053, %broadcast_in_dim3A_5055, %abs3A_5050 : vector<16xi1>, vector<16xf32>
    %lt3A_5057 = arith.cmpf olt, %select_n3A_5056, %select_n3A_5043 : vector<16xf32>
    %select_n3A_5058 = arith.select %lt3A_5057, %select_n3A_5056, %select_n3A_5043 : vector<16xi1>, vector<16xf32>
    %jit3A_5059 = arith.constant 13 : i32
    %broadcast_in_dim3A_5060 = vector.broadcast %jit3A_5059 : i32 to vector<16xi32>
    %select_n3A_5061 = arith.select %lt3A_5057, %broadcast_in_dim3A_5060, %select_n3A_5046 : vector<16xi1>, vector<16xi32>
    %sub3A_5062 = arith.constant 0.0826040431 : f32
    %sub3A_5063 = vector.broadcast %sub3A_5062 : f32 to vector<16xf32>
    %sub3A_5064 = arith.subf %get3A_4839, %sub3A_5063 : vector<16xf32>
    %abs3A_5065 = math.absf %sub3A_5064 : vector<16xf32>
    %eq3A_5066 = arith.constant 14 : i32
    %eq3A_5067 = vector.broadcast %eq3A_5066 : i32 to vector<16xi32>
    %eq3A_5068 = arith.cmpi eq, %add3A_4835, %eq3A_5067 : vector<16xi32>
    %jit3A_5069 = arith.constant 3.000000e+08 : f32
    %broadcast_in_dim3A_5070 = vector.broadcast %jit3A_5069 : f32 to vector<16xf32>
    %select_n3A_5071 = arith.select %eq3A_5068, %broadcast_in_dim3A_5070, %abs3A_5065 : vector<16xi1>, vector<16xf32>
    %lt3A_5072 = arith.cmpf olt, %select_n3A_5071, %select_n3A_5058 : vector<16xf32>
    %select_n3A_5073 = arith.select %lt3A_5072, %select_n3A_5071, %select_n3A_5058 : vector<16xi1>, vector<16xf32>
    %jit3A_5074 = arith.constant 14 : i32
    %broadcast_in_dim3A_5075 = vector.broadcast %jit3A_5074 : i32 to vector<16xi32>
    %select_n3A_5076 = arith.select %lt3A_5072, %broadcast_in_dim3A_5075, %select_n3A_5061 : vector<16xi1>, vector<16xi32>
    %sub3A_5077 = arith.constant 2.71280169 : f32
    %sub3A_5078 = vector.broadcast %sub3A_5077 : f32 to vector<16xf32>
    %sub3A_5079 = arith.subf %get3A_4839, %sub3A_5078 : vector<16xf32>
    %abs3A_5080 = math.absf %sub3A_5079 : vector<16xf32>
    %eq3A_5081 = arith.constant 15 : i32
    %eq3A_5082 = vector.broadcast %eq3A_5081 : i32 to vector<16xi32>
    %eq3A_5083 = arith.cmpi eq, %add3A_4835, %eq3A_5082 : vector<16xi32>
    %jit3A_5084 = arith.constant 3.000000e+08 : f32
    %broadcast_in_dim3A_5085 = vector.broadcast %jit3A_5084 : f32 to vector<16xf32>
    %select_n3A_5086 = arith.select %eq3A_5083, %broadcast_in_dim3A_5085, %abs3A_5080 : vector<16xi1>, vector<16xf32>
    %lt3A_5087 = arith.cmpf olt, %select_n3A_5086, %select_n3A_5073 : vector<16xf32>
    %select_n3A_5088 = arith.select %lt3A_5087, %select_n3A_5086, %select_n3A_5073 : vector<16xi1>, vector<16xf32>
    %jit3A_5089 = arith.constant 15 : i32
    %broadcast_in_dim3A_5090 = vector.broadcast %jit3A_5089 : i32 to vector<16xi32>
    %select_n3A_5091 = arith.select %lt3A_5087, %broadcast_in_dim3A_5090, %select_n3A_5076 : vector<16xi1>, vector<16xi32>
    %sub3A_5092 = arith.constant 1.34971452 : f32
    %sub3A_5093 = vector.broadcast %sub3A_5092 : f32 to vector<16xf32>
    %sub3A_5094 = arith.subf %get3A_4839, %sub3A_5093 : vector<16xf32>
    %abs3A_5095 = math.absf %sub3A_5094 : vector<16xf32>
    %eq3A_5096 = arith.constant 16 : i32
    %eq3A_5097 = vector.broadcast %eq3A_5096 : i32 to vector<16xi32>
    %eq3A_5098 = arith.cmpi eq, %add3A_4835, %eq3A_5097 : vector<16xi32>
    %jit3A_5099 = arith.constant 3.000000e+08 : f32
    %broadcast_in_dim3A_5100 = vector.broadcast %jit3A_5099 : f32 to vector<16xf32>
    %select_n3A_5101 = arith.select %eq3A_5098, %broadcast_in_dim3A_5100, %abs3A_5095 : vector<16xi1>, vector<16xf32>
    %lt3A_5102 = arith.cmpf olt, %select_n3A_5101, %select_n3A_5088 : vector<16xf32>
    %select_n3A_5103 = arith.select %lt3A_5102, %select_n3A_5101, %select_n3A_5088 : vector<16xi1>, vector<16xf32>
    %jit3A_5104 = arith.constant 16 : i32
    %broadcast_in_dim3A_5105 = vector.broadcast %jit3A_5104 : i32 to vector<16xi32>
    %select_n3A_5106 = arith.select %lt3A_5102, %broadcast_in_dim3A_5105, %select_n3A_5091 : vector<16xi1>, vector<16xi32>
    %sub3A_5107 = arith.constant 0.356773973 : f32
    %sub3A_5108 = vector.broadcast %sub3A_5107 : f32 to vector<16xf32>
    %sub3A_5109 = arith.subf %get3A_4839, %sub3A_5108 : vector<16xf32>
    %abs3A_5110 = math.absf %sub3A_5109 : vector<16xf32>
    %eq3A_5111 = arith.constant 17 : i32
    %eq3A_5112 = vector.broadcast %eq3A_5111 : i32 to vector<16xi32>
    %eq3A_5113 = arith.cmpi eq, %add3A_4835, %eq3A_5112 : vector<16xi32>
    %jit3A_5114 = arith.constant 3.000000e+08 : f32
    %broadcast_in_dim3A_5115 = vector.broadcast %jit3A_5114 : f32 to vector<16xf32>
    %select_n3A_5116 = arith.select %eq3A_5113, %broadcast_in_dim3A_5115, %abs3A_5110 : vector<16xi1>, vector<16xf32>
    %lt3A_5117 = arith.cmpf olt, %select_n3A_5116, %select_n3A_5103 : vector<16xf32>
    %select_n3A_5118 = arith.select %lt3A_5117, %select_n3A_5116, %select_n3A_5103 : vector<16xi1>, vector<16xf32>
    %jit3A_5119 = arith.constant 17 : i32
    %broadcast_in_dim3A_5120 = vector.broadcast %jit3A_5119 : i32 to vector<16xi32>
    %select_n3A_5121 = arith.select %lt3A_5117, %broadcast_in_dim3A_5120, %select_n3A_5106 : vector<16xi1>, vector<16xi32>
    %sub3A_5122 = arith.constant 2.50590062 : f32
    %sub3A_5123 = vector.broadcast %sub3A_5122 : f32 to vector<16xf32>
    %sub3A_5124 = arith.subf %get3A_4839, %sub3A_5123 : vector<16xf32>
    %abs3A_5125 = math.absf %sub3A_5124 : vector<16xf32>
    %eq3A_5126 = arith.constant 18 : i32
    %eq3A_5127 = vector.broadcast %eq3A_5126 : i32 to vector<16xi32>
    %eq3A_5128 = arith.cmpi eq, %add3A_4835, %eq3A_5127 : vector<16xi32>
    %jit3A_5129 = arith.constant 3.000000e+08 : f32
    %broadcast_in_dim3A_5130 = vector.broadcast %jit3A_5129 : f32 to vector<16xf32>
    %select_n3A_5131 = arith.select %eq3A_5128, %broadcast_in_dim3A_5130, %abs3A_5125 : vector<16xi1>, vector<16xf32>
    %lt3A_5132 = arith.cmpf olt, %select_n3A_5131, %select_n3A_5118 : vector<16xf32>
    %select_n3A_5133 = arith.select %lt3A_5132, %select_n3A_5131, %select_n3A_5118 : vector<16xi1>, vector<16xf32>
    %jit3A_5134 = arith.constant 18 : i32
    %broadcast_in_dim3A_5135 = vector.broadcast %jit3A_5134 : i32 to vector<16xi32>
    %select_n3A_5136 = arith.select %lt3A_5132, %broadcast_in_dim3A_5135, %select_n3A_5121 : vector<16xi1>, vector<16xi32>
    %sub3A_5137 = arith.constant 0.606744706 : f32
    %sub3A_5138 = vector.broadcast %sub3A_5137 : f32 to vector<16xf32>
    %sub3A_5139 = arith.subf %get3A_4839, %sub3A_5138 : vector<16xf32>
    %abs3A_5140 = math.absf %sub3A_5139 : vector<16xf32>
    %eq3A_5141 = arith.constant 19 : i32
    %eq3A_5142 = vector.broadcast %eq3A_5141 : i32 to vector<16xi32>
    %eq3A_5143 = arith.cmpi eq, %add3A_4835, %eq3A_5142 : vector<16xi32>
    %jit3A_5144 = arith.constant 3.000000e+08 : f32
    %broadcast_in_dim3A_5145 = vector.broadcast %jit3A_5144 : f32 to vector<16xf32>
    %select_n3A_5146 = arith.select %eq3A_5143, %broadcast_in_dim3A_5145, %abs3A_5140 : vector<16xi1>, vector<16xf32>
    %lt3A_5147 = arith.cmpf olt, %select_n3A_5146, %select_n3A_5133 : vector<16xf32>
    %select_n3A_5148 = arith.select %lt3A_5147, %select_n3A_5146, %select_n3A_5133 : vector<16xi1>, vector<16xf32>
    %jit3A_5149 = arith.constant 19 : i32
    %broadcast_in_dim3A_5150 = vector.broadcast %jit3A_5149 : i32 to vector<16xi32>
    %select_n3A_5151 = arith.select %lt3A_5147, %broadcast_in_dim3A_5150, %select_n3A_5136 : vector<16xi1>, vector<16xi32>
    %sub3A_5152 = arith.constant 5.226080e-01 : f32
    %sub3A_5153 = vector.broadcast %sub3A_5152 : f32 to vector<16xf32>
    %sub3A_5154 = arith.subf %get3A_4839, %sub3A_5153 : vector<16xf32>
    %abs3A_5155 = math.absf %sub3A_5154 : vector<16xf32>
    %eq3A_5156 = arith.constant 20 : i32
    %eq3A_5157 = vector.broadcast %eq3A_5156 : i32 to vector<16xi32>
    %eq3A_5158 = arith.cmpi eq, %add3A_4835, %eq3A_5157 : vector<16xi32>
    %jit3A_5159 = arith.constant 3.000000e+08 : f32
    %broadcast_in_dim3A_5160 = vector.broadcast %jit3A_5159 : f32 to vector<16xf32>
    %select_n3A_5161 = arith.select %eq3A_5158, %broadcast_in_dim3A_5160, %abs3A_5155 : vector<16xi1>, vector<16xf32>
    %lt3A_5162 = arith.cmpf olt, %select_n3A_5161, %select_n3A_5148 : vector<16xf32>
    %select_n3A_5163 = arith.select %lt3A_5162, %select_n3A_5161, %select_n3A_5148 : vector<16xi1>, vector<16xf32>
    %jit3A_5164 = arith.constant 20 : i32
    %broadcast_in_dim3A_5165 = vector.broadcast %jit3A_5164 : i32 to vector<16xi32>
    %select_n3A_5166 = arith.select %lt3A_5162, %broadcast_in_dim3A_5165, %select_n3A_5151 : vector<16xi1>, vector<16xi32>
    %sub3A_5167 = arith.constant 1.3474412 : f32
    %sub3A_5168 = vector.broadcast %sub3A_5167 : f32 to vector<16xf32>
    %sub3A_5169 = arith.subf %get3A_4839, %sub3A_5168 : vector<16xf32>
    %abs3A_5170 = math.absf %sub3A_5169 : vector<16xf32>
    %eq3A_5171 = arith.constant 21 : i32
    %eq3A_5172 = vector.broadcast %eq3A_5171 : i32 to vector<16xi32>
    %eq3A_5173 = arith.cmpi eq, %add3A_4835, %eq3A_5172 : vector<16xi32>
    %jit3A_5174 = arith.constant 3.000000e+08 : f32
    %broadcast_in_dim3A_5175 = vector.broadcast %jit3A_5174 : f32 to vector<16xf32>
    %select_n3A_5176 = arith.select %eq3A_5173, %broadcast_in_dim3A_5175, %abs3A_5170 : vector<16xi1>, vector<16xf32>
    %lt3A_5177 = arith.cmpf olt, %select_n3A_5176, %select_n3A_5163 : vector<16xf32>
    %select_n3A_5178 = arith.select %lt3A_5177, %select_n3A_5176, %select_n3A_5163 : vector<16xi1>, vector<16xf32>
    %jit3A_5179 = arith.constant 21 : i32
    %broadcast_in_dim3A_5180 = vector.broadcast %jit3A_5179 : i32 to vector<16xi32>
    %select_n3A_5181 = arith.select %lt3A_5177, %broadcast_in_dim3A_5180, %select_n3A_5166 : vector<16xi1>, vector<16xi32>
    %sub3A_5182 = arith.constant 2.00938439 : f32
    %sub3A_5183 = vector.broadcast %sub3A_5182 : f32 to vector<16xf32>
    %sub3A_5184 = arith.subf %get3A_4839, %sub3A_5183 : vector<16xf32>
    %abs3A_5185 = math.absf %sub3A_5184 : vector<16xf32>
    %eq3A_5186 = arith.constant 22 : i32
    %eq3A_5187 = vector.broadcast %eq3A_5186 : i32 to vector<16xi32>
    %eq3A_5188 = arith.cmpi eq, %add3A_4835, %eq3A_5187 : vector<16xi32>
    %jit3A_5189 = arith.constant 3.000000e+08 : f32
    %broadcast_in_dim3A_5190 = vector.broadcast %jit3A_5189 : f32 to vector<16xf32>
    %select_n3A_5191 = arith.select %eq3A_5188, %broadcast_in_dim3A_5190, %abs3A_5185 : vector<16xi1>, vector<16xf32>
    %lt3A_5192 = arith.cmpf olt, %select_n3A_5191, %select_n3A_5178 : vector<16xf32>
    %select_n3A_5193 = arith.select %lt3A_5192, %select_n3A_5191, %select_n3A_5178 : vector<16xi1>, vector<16xf32>
    %jit3A_5194 = arith.constant 22 : i32
    %broadcast_in_dim3A_5195 = vector.broadcast %jit3A_5194 : i32 to vector<16xi32>
    %select_n3A_5196 = arith.select %lt3A_5192, %broadcast_in_dim3A_5195, %select_n3A_5181 : vector<16xi1>, vector<16xi32>
    %sub3A_5197 = arith.constant 2.87219739 : f32
    %sub3A_5198 = vector.broadcast %sub3A_5197 : f32 to vector<16xf32>
    %sub3A_5199 = arith.subf %get3A_4839, %sub3A_5198 : vector<16xf32>
    %abs3A_5200 = math.absf %sub3A_5199 : vector<16xf32>
    %eq3A_5201 = arith.constant 23 : i32
    %eq3A_5202 = vector.broadcast %eq3A_5201 : i32 to vector<16xi32>
    %eq3A_5203 = arith.cmpi eq, %add3A_4835, %eq3A_5202 : vector<16xi32>
    %jit3A_5204 = arith.constant 3.000000e+08 : f32
    %broadcast_in_dim3A_5205 = vector.broadcast %jit3A_5204 : f32 to vector<16xf32>
    %select_n3A_5206 = arith.select %eq3A_5203, %broadcast_in_dim3A_5205, %abs3A_5200 : vector<16xi1>, vector<16xf32>
    %lt3A_5207 = arith.cmpf olt, %select_n3A_5206, %select_n3A_5193 : vector<16xf32>
    %select_n3A_5208 = arith.select %lt3A_5207, %select_n3A_5206, %select_n3A_5193 : vector<16xi1>, vector<16xf32>
    %jit3A_5209 = arith.constant 23 : i32
    %broadcast_in_dim3A_5210 = vector.broadcast %jit3A_5209 : i32 to vector<16xi32>
    %select_n3A_5211 = arith.select %lt3A_5207, %broadcast_in_dim3A_5210, %select_n3A_5196 : vector<16xi1>, vector<16xi32>
    %sub3A_5212 = arith.constant 2.49999976 : f32
    %sub3A_5213 = vector.broadcast %sub3A_5212 : f32 to vector<16xf32>
    %sub3A_5214 = arith.subf %get3A_4839, %sub3A_5213 : vector<16xf32>
    %abs3A_5215 = math.absf %sub3A_5214 : vector<16xf32>
    %eq3A_5216 = arith.constant 24 : i32
    %eq3A_5217 = vector.broadcast %eq3A_5216 : i32 to vector<16xi32>
    %eq3A_5218 = arith.cmpi eq, %add3A_4835, %eq3A_5217 : vector<16xi32>
    %jit3A_5219 = arith.constant 3.000000e+08 : f32
    %broadcast_in_dim3A_5220 = vector.broadcast %jit3A_5219 : f32 to vector<16xf32>
    %select_n3A_5221 = arith.select %eq3A_5218, %broadcast_in_dim3A_5220, %abs3A_5215 : vector<16xi1>, vector<16xf32>
    %lt3A_5222 = arith.cmpf olt, %select_n3A_5221, %select_n3A_5208 : vector<16xf32>
    %select_n3A_5223 = arith.select %lt3A_5222, %select_n3A_5221, %select_n3A_5208 : vector<16xi1>, vector<16xf32>
    %jit3A_5224 = arith.constant 24 : i32
    %broadcast_in_dim3A_5225 = vector.broadcast %jit3A_5224 : i32 to vector<16xi32>
    %select_n3A_5226 = arith.select %lt3A_5222, %broadcast_in_dim3A_5225, %select_n3A_5211 : vector<16xi1>, vector<16xi32>
    %sub3A_5227 = arith.constant 1.52492988 : f32
    %sub3A_5228 = vector.broadcast %sub3A_5227 : f32 to vector<16xf32>
    %sub3A_5229 = arith.subf %get3A_4839, %sub3A_5228 : vector<16xf32>
    %abs3A_5230 = math.absf %sub3A_5229 : vector<16xf32>
    %eq3A_5231 = arith.constant 25 : i32
    %eq3A_5232 = vector.broadcast %eq3A_5231 : i32 to vector<16xi32>
    %eq3A_5233 = arith.cmpi eq, %add3A_4835, %eq3A_5232 : vector<16xi32>
    %jit3A_5234 = arith.constant 3.000000e+08 : f32
    %broadcast_in_dim3A_5235 = vector.broadcast %jit3A_5234 : f32 to vector<16xf32>
    %select_n3A_5236 = arith.select %eq3A_5233, %broadcast_in_dim3A_5235, %abs3A_5230 : vector<16xi1>, vector<16xf32>
    %lt3A_5237 = arith.cmpf olt, %select_n3A_5236, %select_n3A_5223 : vector<16xf32>
    %select_n3A_5238 = arith.select %lt3A_5237, %select_n3A_5236, %select_n3A_5223 : vector<16xi1>, vector<16xf32>
    %jit3A_5239 = arith.constant 25 : i32
    %broadcast_in_dim3A_5240 = vector.broadcast %jit3A_5239 : i32 to vector<16xi32>
    %select_n3A_5241 = arith.select %lt3A_5237, %broadcast_in_dim3A_5240, %select_n3A_5226 : vector<16xi1>, vector<16xi32>
    %sub3A_5242 = arith.constant 1.89007068 : f32
    %sub3A_5243 = vector.broadcast %sub3A_5242 : f32 to vector<16xf32>
    %sub3A_5244 = arith.subf %get3A_4839, %sub3A_5243 : vector<16xf32>
    %abs3A_5245 = math.absf %sub3A_5244 : vector<16xf32>
    %eq3A_5246 = arith.constant 26 : i32
    %eq3A_5247 = vector.broadcast %eq3A_5246 : i32 to vector<16xi32>
    %eq3A_5248 = arith.cmpi eq, %add3A_4835, %eq3A_5247 : vector<16xi32>
    %jit3A_5249 = arith.constant 3.000000e+08 : f32
    %broadcast_in_dim3A_5250 = vector.broadcast %jit3A_5249 : f32 to vector<16xf32>
    %select_n3A_5251 = arith.select %eq3A_5248, %broadcast_in_dim3A_5250, %abs3A_5245 : vector<16xi1>, vector<16xf32>
    %lt3A_5252 = arith.cmpf olt, %select_n3A_5251, %select_n3A_5238 : vector<16xf32>
    %select_n3A_5253 = arith.select %lt3A_5252, %select_n3A_5251, %select_n3A_5238 : vector<16xi1>, vector<16xf32>
    %jit3A_5254 = arith.constant 26 : i32
    %broadcast_in_dim3A_5255 = vector.broadcast %jit3A_5254 : i32 to vector<16xi32>
    %select_n3A_5256 = arith.select %lt3A_5252, %broadcast_in_dim3A_5255, %select_n3A_5241 : vector<16xi1>, vector<16xi32>
    %sub3A_5257 = arith.constant 2.50510406 : f32
    %sub3A_5258 = vector.broadcast %sub3A_5257 : f32 to vector<16xf32>
    %sub3A_5259 = arith.subf %get3A_4839, %sub3A_5258 : vector<16xf32>
    %abs3A_5260 = math.absf %sub3A_5259 : vector<16xf32>
    %eq3A_5261 = arith.constant 27 : i32
    %eq3A_5262 = vector.broadcast %eq3A_5261 : i32 to vector<16xi32>
    %eq3A_5263 = arith.cmpi eq, %add3A_4835, %eq3A_5262 : vector<16xi32>
    %jit3A_5264 = arith.constant 3.000000e+08 : f32
    %broadcast_in_dim3A_5265 = vector.broadcast %jit3A_5264 : f32 to vector<16xf32>
    %select_n3A_5266 = arith.select %eq3A_5263, %broadcast_in_dim3A_5265, %abs3A_5260 : vector<16xi1>, vector<16xf32>
    %lt3A_5267 = arith.cmpf olt, %select_n3A_5266, %select_n3A_5253 : vector<16xf32>
    %select_n3A_5268 = arith.select %lt3A_5267, %select_n3A_5266, %select_n3A_5253 : vector<16xi1>, vector<16xf32>
    %jit3A_5269 = arith.constant 27 : i32
    %broadcast_in_dim3A_5270 = vector.broadcast %jit3A_5269 : i32 to vector<16xi32>
    %select_n3A_5271 = arith.select %lt3A_5267, %broadcast_in_dim3A_5270, %select_n3A_5256 : vector<16xi1>, vector<16xi32>
    %sub3A_5272 = arith.constant 1.34199488 : f32
    %sub3A_5273 = vector.broadcast %sub3A_5272 : f32 to vector<16xf32>
    %sub3A_5274 = arith.subf %get3A_4839, %sub3A_5273 : vector<16xf32>
    %abs3A_5275 = math.absf %sub3A_5274 : vector<16xf32>
    %eq3A_5276 = arith.constant 28 : i32
    %eq3A_5277 = vector.broadcast %eq3A_5276 : i32 to vector<16xi32>
    %eq3A_5278 = arith.cmpi eq, %add3A_4835, %eq3A_5277 : vector<16xi32>
    %jit3A_5279 = arith.constant 3.000000e+08 : f32
    %broadcast_in_dim3A_5280 = vector.broadcast %jit3A_5279 : f32 to vector<16xf32>
    %select_n3A_5281 = arith.select %eq3A_5278, %broadcast_in_dim3A_5280, %abs3A_5275 : vector<16xi1>, vector<16xf32>
    %lt3A_5282 = arith.cmpf olt, %select_n3A_5281, %select_n3A_5268 : vector<16xf32>
    %select_n3A_5283 = arith.select %lt3A_5282, %select_n3A_5281, %select_n3A_5268 : vector<16xi1>, vector<16xf32>
    %jit3A_5284 = arith.constant 28 : i32
    %broadcast_in_dim3A_5285 = vector.broadcast %jit3A_5284 : i32 to vector<16xi32>
    %select_n3A_5286 = arith.select %lt3A_5282, %broadcast_in_dim3A_5285, %select_n3A_5271 : vector<16xi1>, vector<16xi32>
    %sub3A_5287 = arith.constant 2.28687143 : f32
    %sub3A_5288 = vector.broadcast %sub3A_5287 : f32 to vector<16xf32>
    %sub3A_5289 = arith.subf %get3A_4839, %sub3A_5288 : vector<16xf32>
    %abs3A_5290 = math.absf %sub3A_5289 : vector<16xf32>
    %eq3A_5291 = arith.constant 29 : i32
    %eq3A_5292 = vector.broadcast %eq3A_5291 : i32 to vector<16xi32>
    %eq3A_5293 = arith.cmpi eq, %add3A_4835, %eq3A_5292 : vector<16xi32>
    %jit3A_5294 = arith.constant 3.000000e+08 : f32
    %broadcast_in_dim3A_5295 = vector.broadcast %jit3A_5294 : f32 to vector<16xf32>
    %select_n3A_5296 = arith.select %eq3A_5293, %broadcast_in_dim3A_5295, %abs3A_5290 : vector<16xi1>, vector<16xf32>
    %lt3A_5297 = arith.cmpf olt, %select_n3A_5296, %select_n3A_5283 : vector<16xf32>
    %select_n3A_5298 = arith.select %lt3A_5297, %select_n3A_5296, %select_n3A_5283 : vector<16xi1>, vector<16xf32>
    %jit3A_5299 = arith.constant 29 : i32
    %broadcast_in_dim3A_5300 = vector.broadcast %jit3A_5299 : i32 to vector<16xi32>
    %select_n3A_5301 = arith.select %lt3A_5297, %broadcast_in_dim3A_5300, %select_n3A_5286 : vector<16xi1>, vector<16xi32>
    %sub3A_5302 = arith.constant 1.91076672 : f32
    %sub3A_5303 = vector.broadcast %sub3A_5302 : f32 to vector<16xf32>
    %sub3A_5304 = arith.subf %get3A_4839, %sub3A_5303 : vector<16xf32>
    %abs3A_5305 = math.absf %sub3A_5304 : vector<16xf32>
    %eq3A_5306 = arith.constant 30 : i32
    %eq3A_5307 = vector.broadcast %eq3A_5306 : i32 to vector<16xi32>
    %eq3A_5308 = arith.cmpi eq, %add3A_4835, %eq3A_5307 : vector<16xi32>
    %jit3A_5309 = arith.constant 3.000000e+08 : f32
    %broadcast_in_dim3A_5310 = vector.broadcast %jit3A_5309 : f32 to vector<16xf32>
    %select_n3A_5311 = arith.select %eq3A_5308, %broadcast_in_dim3A_5310, %abs3A_5305 : vector<16xi1>, vector<16xf32>
    %lt3A_5312 = arith.cmpf olt, %select_n3A_5311, %select_n3A_5298 : vector<16xf32>
    %select_n3A_5313 = arith.select %lt3A_5312, %select_n3A_5311, %select_n3A_5298 : vector<16xi1>, vector<16xf32>
    %jit3A_5314 = arith.constant 30 : i32
    %broadcast_in_dim3A_5315 = vector.broadcast %jit3A_5314 : i32 to vector<16xi32>
    %select_n3A_5316 = arith.select %lt3A_5312, %broadcast_in_dim3A_5315, %select_n3A_5301 : vector<16xi1>, vector<16xi32>
    %sub3A_5317 = arith.constant 1.08688772 : f32
    %sub3A_5318 = vector.broadcast %sub3A_5317 : f32 to vector<16xf32>
    %sub3A_5319 = arith.subf %get3A_4839, %sub3A_5318 : vector<16xf32>
    %abs3A_5320 = math.absf %sub3A_5319 : vector<16xf32>
    %eq3A_5321 = arith.constant 31 : i32
    %eq3A_5322 = vector.broadcast %eq3A_5321 : i32 to vector<16xi32>
    %eq3A_5323 = arith.cmpi eq, %add3A_4835, %eq3A_5322 : vector<16xi32>
    %jit3A_5324 = arith.constant 3.000000e+08 : f32
    %broadcast_in_dim3A_5325 = vector.broadcast %jit3A_5324 : f32 to vector<16xf32>
    %select_n3A_5326 = arith.select %eq3A_5323, %broadcast_in_dim3A_5325, %abs3A_5320 : vector<16xi1>, vector<16xf32>
    %lt3A_5327 = arith.cmpf olt, %select_n3A_5326, %select_n3A_5313 : vector<16xf32>
    %select_n3A_5328 = arith.select %lt3A_5327, %select_n3A_5326, %select_n3A_5313 : vector<16xi1>, vector<16xf32>
    %jit3A_5329 = arith.constant 31 : i32
    %broadcast_in_dim3A_5330 = vector.broadcast %jit3A_5329 : i32 to vector<16xi32>
    %select_n3A_5331 = arith.select %lt3A_5327, %broadcast_in_dim3A_5330, %select_n3A_5316 : vector<16xi1>, vector<16xi32>
    %sub3A_5332 = arith.constant 0.0437236503 : f32
    %sub3A_5333 = vector.broadcast %sub3A_5332 : f32 to vector<16xf32>
    %sub3A_5334 = arith.subf %get3A_4839, %sub3A_5333 : vector<16xf32>
    %abs3A_5335 = math.absf %sub3A_5334 : vector<16xf32>
    %eq3A_5336 = arith.constant 32 : i32
    %eq3A_5337 = vector.broadcast %eq3A_5336 : i32 to vector<16xi32>
    %eq3A_5338 = arith.cmpi eq, %add3A_4835, %eq3A_5337 : vector<16xi32>
    %jit3A_5339 = arith.constant 3.000000e+08 : f32
    %broadcast_in_dim3A_5340 = vector.broadcast %jit3A_5339 : f32 to vector<16xf32>
    %select_n3A_5341 = arith.select %eq3A_5338, %broadcast_in_dim3A_5340, %abs3A_5335 : vector<16xi1>, vector<16xf32>
    %lt3A_5342 = arith.cmpf olt, %select_n3A_5341, %select_n3A_5328 : vector<16xf32>
    %select_n3A_5343 = arith.select %lt3A_5342, %select_n3A_5341, %select_n3A_5328 : vector<16xi1>, vector<16xf32>
    %jit3A_5344 = arith.constant 32 : i32
    %broadcast_in_dim3A_5345 = vector.broadcast %jit3A_5344 : i32 to vector<16xi32>
    %select_n3A_5346 = arith.select %lt3A_5342, %broadcast_in_dim3A_5345, %select_n3A_5331 : vector<16xi1>, vector<16xi32>
    %sub3A_5347 = arith.constant 1.62595463 : f32
    %sub3A_5348 = vector.broadcast %sub3A_5347 : f32 to vector<16xf32>
    %sub3A_5349 = arith.subf %get3A_4839, %sub3A_5348 : vector<16xf32>
    %abs3A_5350 = math.absf %sub3A_5349 : vector<16xf32>
    %eq3A_5351 = arith.constant 33 : i32
    %eq3A_5352 = vector.broadcast %eq3A_5351 : i32 to vector<16xi32>
    %eq3A_5353 = arith.cmpi eq, %add3A_4835, %eq3A_5352 : vector<16xi32>
    %jit3A_5354 = arith.constant 3.000000e+08 : f32
    %broadcast_in_dim3A_5355 = vector.broadcast %jit3A_5354 : f32 to vector<16xf32>
    %select_n3A_5356 = arith.select %eq3A_5353, %broadcast_in_dim3A_5355, %abs3A_5350 : vector<16xi1>, vector<16xf32>
    %lt3A_5357 = arith.cmpf olt, %select_n3A_5356, %select_n3A_5343 : vector<16xf32>
    %select_n3A_5358 = arith.select %lt3A_5357, %select_n3A_5356, %select_n3A_5343 : vector<16xi1>, vector<16xf32>
    %jit3A_5359 = arith.constant 33 : i32
    %broadcast_in_dim3A_5360 = vector.broadcast %jit3A_5359 : i32 to vector<16xi32>
    %select_n3A_5361 = arith.select %lt3A_5357, %broadcast_in_dim3A_5360, %select_n3A_5346 : vector<16xi1>, vector<16xi32>
    %sub3A_5362 = arith.constant 0.954466462 : f32
    %sub3A_5363 = vector.broadcast %sub3A_5362 : f32 to vector<16xf32>
    %sub3A_5364 = arith.subf %get3A_4839, %sub3A_5363 : vector<16xf32>
    %abs3A_5365 = math.absf %sub3A_5364 : vector<16xf32>
    %eq3A_5366 = arith.constant 34 : i32
    %eq3A_5367 = vector.broadcast %eq3A_5366 : i32 to vector<16xi32>
    %eq3A_5368 = arith.cmpi eq, %add3A_4835, %eq3A_5367 : vector<16xi32>
    %jit3A_5369 = arith.constant 3.000000e+08 : f32
    %broadcast_in_dim3A_5370 = vector.broadcast %jit3A_5369 : f32 to vector<16xf32>
    %select_n3A_5371 = arith.select %eq3A_5368, %broadcast_in_dim3A_5370, %abs3A_5365 : vector<16xi1>, vector<16xf32>
    %lt3A_5372 = arith.cmpf olt, %select_n3A_5371, %select_n3A_5358 : vector<16xf32>
    %select_n3A_5373 = arith.select %lt3A_5372, %select_n3A_5371, %select_n3A_5358 : vector<16xi1>, vector<16xf32>
    %jit3A_5374 = arith.constant 34 : i32
    %broadcast_in_dim3A_5375 = vector.broadcast %jit3A_5374 : i32 to vector<16xi32>
    %select_n3A_5376 = arith.select %lt3A_5372, %broadcast_in_dim3A_5375, %select_n3A_5361 : vector<16xi1>, vector<16xi32>
    %sub3A_5377 = arith.constant 0.434971035 : f32
    %sub3A_5378 = vector.broadcast %sub3A_5377 : f32 to vector<16xf32>
    %sub3A_5379 = arith.subf %get3A_4839, %sub3A_5378 : vector<16xf32>
    %abs3A_5380 = math.absf %sub3A_5379 : vector<16xf32>
    %eq3A_5381 = arith.constant 35 : i32
    %eq3A_5382 = vector.broadcast %eq3A_5381 : i32 to vector<16xi32>
    %eq3A_5383 = arith.cmpi eq, %add3A_4835, %eq3A_5382 : vector<16xi32>
    %jit3A_5384 = arith.constant 3.000000e+08 : f32
    %broadcast_in_dim3A_5385 = vector.broadcast %jit3A_5384 : f32 to vector<16xf32>
    %select_n3A_5386 = arith.select %eq3A_5383, %broadcast_in_dim3A_5385, %abs3A_5380 : vector<16xi1>, vector<16xf32>
    %lt3A_5387 = arith.cmpf olt, %select_n3A_5386, %select_n3A_5373 : vector<16xf32>
    %select_n3A_5388 = arith.select %lt3A_5387, %select_n3A_5386, %select_n3A_5373 : vector<16xi1>, vector<16xf32>
    %jit3A_5389 = arith.constant 35 : i32
    %broadcast_in_dim3A_5390 = vector.broadcast %jit3A_5389 : i32 to vector<16xi32>
    %select_n3A_5391 = arith.select %lt3A_5387, %broadcast_in_dim3A_5390, %select_n3A_5376 : vector<16xi1>, vector<16xi32>
    %sub3A_5392 = arith.constant 1.64667583 : f32
    %sub3A_5393 = vector.broadcast %sub3A_5392 : f32 to vector<16xf32>
    %sub3A_5394 = arith.subf %get3A_4839, %sub3A_5393 : vector<16xf32>
    %abs3A_5395 = math.absf %sub3A_5394 : vector<16xf32>
    %eq3A_5396 = arith.constant 36 : i32
    %eq3A_5397 = vector.broadcast %eq3A_5396 : i32 to vector<16xi32>
    %eq3A_5398 = arith.cmpi eq, %add3A_4835, %eq3A_5397 : vector<16xi32>
    %jit3A_5399 = arith.constant 3.000000e+08 : f32
    %broadcast_in_dim3A_5400 = vector.broadcast %jit3A_5399 : f32 to vector<16xf32>
    %select_n3A_5401 = arith.select %eq3A_5398, %broadcast_in_dim3A_5400, %abs3A_5395 : vector<16xi1>, vector<16xf32>
    %lt3A_5402 = arith.cmpf olt, %select_n3A_5401, %select_n3A_5388 : vector<16xf32>
    %select_n3A_5403 = arith.select %lt3A_5402, %select_n3A_5401, %select_n3A_5388 : vector<16xi1>, vector<16xf32>
    %jit3A_5404 = arith.constant 36 : i32
    %broadcast_in_dim3A_5405 = vector.broadcast %jit3A_5404 : i32 to vector<16xi32>
    %select_n3A_5406 = arith.select %lt3A_5402, %broadcast_in_dim3A_5405, %select_n3A_5391 : vector<16xi1>, vector<16xi32>
    %sub3A_5407 = arith.constant 0.562443793 : f32
    %sub3A_5408 = vector.broadcast %sub3A_5407 : f32 to vector<16xf32>
    %sub3A_5409 = arith.subf %get3A_4839, %sub3A_5408 : vector<16xf32>
    %abs3A_5410 = math.absf %sub3A_5409 : vector<16xf32>
    %eq3A_5411 = arith.constant 37 : i32
    %eq3A_5412 = vector.broadcast %eq3A_5411 : i32 to vector<16xi32>
    %eq3A_5413 = arith.cmpi eq, %add3A_4835, %eq3A_5412 : vector<16xi32>
    %jit3A_5414 = arith.constant 3.000000e+08 : f32
    %broadcast_in_dim3A_5415 = vector.broadcast %jit3A_5414 : f32 to vector<16xf32>
    %select_n3A_5416 = arith.select %eq3A_5413, %broadcast_in_dim3A_5415, %abs3A_5410 : vector<16xi1>, vector<16xf32>
    %lt3A_5417 = arith.cmpf olt, %select_n3A_5416, %select_n3A_5403 : vector<16xf32>
    %select_n3A_5418 = arith.select %lt3A_5417, %select_n3A_5416, %select_n3A_5403 : vector<16xi1>, vector<16xf32>
    %jit3A_5419 = arith.constant 37 : i32
    %broadcast_in_dim3A_5420 = vector.broadcast %jit3A_5419 : i32 to vector<16xi32>
    %select_n3A_5421 = arith.select %lt3A_5417, %broadcast_in_dim3A_5420, %select_n3A_5406 : vector<16xi1>, vector<16xi32>
    %sub3A_5422 = arith.constant 1.19694448 : f32
    %sub3A_5423 = vector.broadcast %sub3A_5422 : f32 to vector<16xf32>
    %sub3A_5424 = arith.subf %get3A_4839, %sub3A_5423 : vector<16xf32>
    %abs3A_5425 = math.absf %sub3A_5424 : vector<16xf32>
    %eq3A_5426 = arith.constant 38 : i32
    %eq3A_5427 = vector.broadcast %eq3A_5426 : i32 to vector<16xi32>
    %eq3A_5428 = arith.cmpi eq, %add3A_4835, %eq3A_5427 : vector<16xi32>
    %jit3A_5429 = arith.constant 3.000000e+08 : f32
    %broadcast_in_dim3A_5430 = vector.broadcast %jit3A_5429 : f32 to vector<16xf32>
    %select_n3A_5431 = arith.select %eq3A_5428, %broadcast_in_dim3A_5430, %abs3A_5425 : vector<16xi1>, vector<16xf32>
    %lt3A_5432 = arith.cmpf olt, %select_n3A_5431, %select_n3A_5418 : vector<16xf32>
    %select_n3A_5433 = arith.select %lt3A_5432, %select_n3A_5431, %select_n3A_5418 : vector<16xi1>, vector<16xf32>
    %jit3A_5434 = arith.constant 38 : i32
    %broadcast_in_dim3A_5435 = vector.broadcast %jit3A_5434 : i32 to vector<16xi32>
    %select_n3A_5436 = arith.select %lt3A_5432, %broadcast_in_dim3A_5435, %select_n3A_5421 : vector<16xi1>, vector<16xi32>
    %sub3A_5437 = arith.constant 0.720114648 : f32
    %sub3A_5438 = vector.broadcast %sub3A_5437 : f32 to vector<16xf32>
    %sub3A_5439 = arith.subf %get3A_4839, %sub3A_5438 : vector<16xf32>
    %abs3A_5440 = math.absf %sub3A_5439 : vector<16xf32>
    %eq3A_5441 = arith.constant 39 : i32
    %eq3A_5442 = vector.broadcast %eq3A_5441 : i32 to vector<16xi32>
    %eq3A_5443 = arith.cmpi eq, %add3A_4835, %eq3A_5442 : vector<16xi32>
    %jit3A_5444 = arith.constant 3.000000e+08 : f32
    %broadcast_in_dim3A_5445 = vector.broadcast %jit3A_5444 : f32 to vector<16xf32>
    %select_n3A_5446 = arith.select %eq3A_5443, %broadcast_in_dim3A_5445, %abs3A_5440 : vector<16xi1>, vector<16xf32>
    %lt3A_5447 = arith.cmpf olt, %select_n3A_5446, %select_n3A_5433 : vector<16xf32>
    %select_n3A_5448 = arith.select %lt3A_5447, %select_n3A_5446, %select_n3A_5433 : vector<16xi1>, vector<16xf32>
    %jit3A_5449 = arith.constant 39 : i32
    %broadcast_in_dim3A_5450 = vector.broadcast %jit3A_5449 : i32 to vector<16xi32>
    %select_n3A_5451 = arith.select %lt3A_5447, %broadcast_in_dim3A_5450, %select_n3A_5436 : vector<16xi1>, vector<16xi32>
    %sub3A_5452 = arith.constant 0.109964557 : f32
    %sub3A_5453 = vector.broadcast %sub3A_5452 : f32 to vector<16xf32>
    %sub3A_5454 = arith.subf %get3A_4839, %sub3A_5453 : vector<16xf32>
    %abs3A_5455 = math.absf %sub3A_5454 : vector<16xf32>
    %eq3A_5456 = arith.constant 40 : i32
    %eq3A_5457 = vector.broadcast %eq3A_5456 : i32 to vector<16xi32>
    %eq3A_5458 = arith.cmpi eq, %add3A_4835, %eq3A_5457 : vector<16xi32>
    %jit3A_5459 = arith.constant 3.000000e+08 : f32
    %broadcast_in_dim3A_5460 = vector.broadcast %jit3A_5459 : f32 to vector<16xf32>
    %select_n3A_5461 = arith.select %eq3A_5458, %broadcast_in_dim3A_5460, %abs3A_5455 : vector<16xi1>, vector<16xf32>
    %lt3A_5462 = arith.cmpf olt, %select_n3A_5461, %select_n3A_5448 : vector<16xf32>
    %select_n3A_5463 = arith.select %lt3A_5462, %select_n3A_5461, %select_n3A_5448 : vector<16xi1>, vector<16xf32>
    %jit3A_5464 = arith.constant 40 : i32
    %broadcast_in_dim3A_5465 = vector.broadcast %jit3A_5464 : i32 to vector<16xi32>
    %select_n3A_5466 = arith.select %lt3A_5462, %broadcast_in_dim3A_5465, %select_n3A_5451 : vector<16xi1>, vector<16xi32>
    %sub3A_5467 = arith.constant 1.70563424 : f32
    %sub3A_5468 = vector.broadcast %sub3A_5467 : f32 to vector<16xf32>
    %sub3A_5469 = arith.subf %get3A_4839, %sub3A_5468 : vector<16xf32>
    %abs3A_5470 = math.absf %sub3A_5469 : vector<16xf32>
    %eq3A_5471 = arith.constant 41 : i32
    %eq3A_5472 = vector.broadcast %eq3A_5471 : i32 to vector<16xi32>
    %eq3A_5473 = arith.cmpi eq, %add3A_4835, %eq3A_5472 : vector<16xi32>
    %jit3A_5474 = arith.constant 3.000000e+08 : f32
    %broadcast_in_dim3A_5475 = vector.broadcast %jit3A_5474 : f32 to vector<16xf32>
    %select_n3A_5476 = arith.select %eq3A_5473, %broadcast_in_dim3A_5475, %abs3A_5470 : vector<16xi1>, vector<16xf32>
    %lt3A_5477 = arith.cmpf olt, %select_n3A_5476, %select_n3A_5463 : vector<16xf32>
    %select_n3A_5478 = arith.select %lt3A_5477, %select_n3A_5476, %select_n3A_5463 : vector<16xi1>, vector<16xf32>
    %jit3A_5479 = arith.constant 41 : i32
    %broadcast_in_dim3A_5480 = vector.broadcast %jit3A_5479 : i32 to vector<16xi32>
    %select_n3A_5481 = arith.select %lt3A_5477, %broadcast_in_dim3A_5480, %select_n3A_5466 : vector<16xi1>, vector<16xi32>
    %sub3A_5482 = arith.constant 2.76829433 : f32
    %sub3A_5483 = vector.broadcast %sub3A_5482 : f32 to vector<16xf32>
    %sub3A_5484 = arith.subf %get3A_4839, %sub3A_5483 : vector<16xf32>
    %abs3A_5485 = math.absf %sub3A_5484 : vector<16xf32>
    %eq3A_5486 = arith.constant 42 : i32
    %eq3A_5487 = vector.broadcast %eq3A_5486 : i32 to vector<16xi32>
    %eq3A_5488 = arith.cmpi eq, %add3A_4835, %eq3A_5487 : vector<16xi32>
    %jit3A_5489 = arith.constant 3.000000e+08 : f32
    %broadcast_in_dim3A_5490 = vector.broadcast %jit3A_5489 : f32 to vector<16xf32>
    %select_n3A_5491 = arith.select %eq3A_5488, %broadcast_in_dim3A_5490, %abs3A_5485 : vector<16xi1>, vector<16xf32>
    %lt3A_5492 = arith.cmpf olt, %select_n3A_5491, %select_n3A_5478 : vector<16xf32>
    %select_n3A_5493 = arith.select %lt3A_5492, %select_n3A_5491, %select_n3A_5478 : vector<16xi1>, vector<16xf32>
    %jit3A_5494 = arith.constant 42 : i32
    %broadcast_in_dim3A_5495 = vector.broadcast %jit3A_5494 : i32 to vector<16xi32>
    %select_n3A_5496 = arith.select %lt3A_5492, %broadcast_in_dim3A_5495, %select_n3A_5481 : vector<16xi1>, vector<16xi32>
    %sub3A_5497 = arith.constant 0.537165344 : f32
    %sub3A_5498 = vector.broadcast %sub3A_5497 : f32 to vector<16xf32>
    %sub3A_5499 = arith.subf %get3A_4839, %sub3A_5498 : vector<16xf32>
    %abs3A_5500 = math.absf %sub3A_5499 : vector<16xf32>
    %eq3A_5501 = arith.constant 43 : i32
    %eq3A_5502 = vector.broadcast %eq3A_5501 : i32 to vector<16xi32>
    %eq3A_5503 = arith.cmpi eq, %add3A_4835, %eq3A_5502 : vector<16xi32>
    %jit3A_5504 = arith.constant 3.000000e+08 : f32
    %broadcast_in_dim3A_5505 = vector.broadcast %jit3A_5504 : f32 to vector<16xf32>
    %select_n3A_5506 = arith.select %eq3A_5503, %broadcast_in_dim3A_5505, %abs3A_5500 : vector<16xi1>, vector<16xf32>
    %lt3A_5507 = arith.cmpf olt, %select_n3A_5506, %select_n3A_5493 : vector<16xf32>
    %select_n3A_5508 = arith.select %lt3A_5507, %select_n3A_5506, %select_n3A_5493 : vector<16xi1>, vector<16xf32>
    %jit3A_5509 = arith.constant 43 : i32
    %broadcast_in_dim3A_5510 = vector.broadcast %jit3A_5509 : i32 to vector<16xi32>
    %select_n3A_5511 = arith.select %lt3A_5507, %broadcast_in_dim3A_5510, %select_n3A_5496 : vector<16xi1>, vector<16xi32>
    %sub3A_5512 = arith.constant 2.1092329 : f32
    %sub3A_5513 = vector.broadcast %sub3A_5512 : f32 to vector<16xf32>
    %sub3A_5514 = arith.subf %get3A_4839, %sub3A_5513 : vector<16xf32>
    %abs3A_5515 = math.absf %sub3A_5514 : vector<16xf32>
    %eq3A_5516 = arith.constant 44 : i32
    %eq3A_5517 = vector.broadcast %eq3A_5516 : i32 to vector<16xi32>
    %eq3A_5518 = arith.cmpi eq, %add3A_4835, %eq3A_5517 : vector<16xi32>
    %jit3A_5519 = arith.constant 3.000000e+08 : f32
    %broadcast_in_dim3A_5520 = vector.broadcast %jit3A_5519 : f32 to vector<16xf32>
    %select_n3A_5521 = arith.select %eq3A_5518, %broadcast_in_dim3A_5520, %abs3A_5515 : vector<16xi1>, vector<16xf32>
    %lt3A_5522 = arith.cmpf olt, %select_n3A_5521, %select_n3A_5508 : vector<16xf32>
    %select_n3A_5523 = arith.select %lt3A_5522, %select_n3A_5521, %select_n3A_5508 : vector<16xi1>, vector<16xf32>
    %jit3A_5524 = arith.constant 44 : i32
    %broadcast_in_dim3A_5525 = vector.broadcast %jit3A_5524 : i32 to vector<16xi32>
    %select_n3A_5526 = arith.select %lt3A_5522, %broadcast_in_dim3A_5525, %select_n3A_5511 : vector<16xi1>, vector<16xi32>
    %sub3A_5527 = arith.constant 2.16003847 : f32
    %sub3A_5528 = vector.broadcast %sub3A_5527 : f32 to vector<16xf32>
    %sub3A_5529 = arith.subf %get3A_4839, %sub3A_5528 : vector<16xf32>
    %abs3A_5530 = math.absf %sub3A_5529 : vector<16xf32>
    %eq3A_5531 = arith.constant 45 : i32
    %eq3A_5532 = vector.broadcast %eq3A_5531 : i32 to vector<16xi32>
    %eq3A_5533 = arith.cmpi eq, %add3A_4835, %eq3A_5532 : vector<16xi32>
    %jit3A_5534 = arith.constant 3.000000e+08 : f32
    %broadcast_in_dim3A_5535 = vector.broadcast %jit3A_5534 : f32 to vector<16xf32>
    %select_n3A_5536 = arith.select %eq3A_5533, %broadcast_in_dim3A_5535, %abs3A_5530 : vector<16xi1>, vector<16xf32>
    %lt3A_5537 = arith.cmpf olt, %select_n3A_5536, %select_n3A_5523 : vector<16xf32>
    %select_n3A_5538 = arith.select %lt3A_5537, %select_n3A_5536, %select_n3A_5523 : vector<16xi1>, vector<16xf32>
    %jit3A_5539 = arith.constant 45 : i32
    %broadcast_in_dim3A_5540 = vector.broadcast %jit3A_5539 : i32 to vector<16xi32>
    %select_n3A_5541 = arith.select %lt3A_5537, %broadcast_in_dim3A_5540, %select_n3A_5526 : vector<16xi1>, vector<16xi32>
    %sub3A_5542 = arith.constant 0.0931920558 : f32
    %sub3A_5543 = vector.broadcast %sub3A_5542 : f32 to vector<16xf32>
    %sub3A_5544 = arith.subf %get3A_4839, %sub3A_5543 : vector<16xf32>
    %abs3A_5545 = math.absf %sub3A_5544 : vector<16xf32>
    %eq3A_5546 = arith.constant 46 : i32
    %eq3A_5547 = vector.broadcast %eq3A_5546 : i32 to vector<16xi32>
    %eq3A_5548 = arith.cmpi eq, %add3A_4835, %eq3A_5547 : vector<16xi32>
    %jit3A_5549 = arith.constant 3.000000e+08 : f32
    %broadcast_in_dim3A_5550 = vector.broadcast %jit3A_5549 : f32 to vector<16xf32>
    %select_n3A_5551 = arith.select %eq3A_5548, %broadcast_in_dim3A_5550, %abs3A_5545 : vector<16xi1>, vector<16xf32>
    %lt3A_5552 = arith.cmpf olt, %select_n3A_5551, %select_n3A_5538 : vector<16xf32>
    %select_n3A_5553 = arith.select %lt3A_5552, %select_n3A_5551, %select_n3A_5538 : vector<16xi1>, vector<16xf32>
    %jit3A_5554 = arith.constant 46 : i32
    %broadcast_in_dim3A_5555 = vector.broadcast %jit3A_5554 : i32 to vector<16xi32>
    %select_n3A_5556 = arith.select %lt3A_5552, %broadcast_in_dim3A_5555, %select_n3A_5541 : vector<16xi1>, vector<16xi32>
    %sub3A_5557 = arith.constant 1.74847591 : f32
    %sub3A_5558 = vector.broadcast %sub3A_5557 : f32 to vector<16xf32>
    %sub3A_5559 = arith.subf %get3A_4839, %sub3A_5558 : vector<16xf32>
    %abs3A_5560 = math.absf %sub3A_5559 : vector<16xf32>
    %eq3A_5561 = arith.constant 47 : i32
    %eq3A_5562 = vector.broadcast %eq3A_5561 : i32 to vector<16xi32>
    %eq3A_5563 = arith.cmpi eq, %add3A_4835, %eq3A_5562 : vector<16xi32>
    %jit3A_5564 = arith.constant 3.000000e+08 : f32
    %broadcast_in_dim3A_5565 = vector.broadcast %jit3A_5564 : f32 to vector<16xf32>
    %select_n3A_5566 = arith.select %eq3A_5563, %broadcast_in_dim3A_5565, %abs3A_5560 : vector<16xi1>, vector<16xf32>
    %lt3A_5567 = arith.cmpf olt, %select_n3A_5566, %select_n3A_5553 : vector<16xf32>
    %select_n3A_5568 = arith.select %lt3A_5567, %select_n3A_5566, %select_n3A_5553 : vector<16xi1>, vector<16xf32>
    %jit3A_5569 = arith.constant 47 : i32
    %broadcast_in_dim3A_5570 = vector.broadcast %jit3A_5569 : i32 to vector<16xi32>
    %select_n3A_5571 = arith.select %lt3A_5567, %broadcast_in_dim3A_5570, %select_n3A_5556 : vector<16xi1>, vector<16xi32>
    %sub3A_5572 = arith.constant 2.09303284 : f32
    %sub3A_5573 = vector.broadcast %sub3A_5572 : f32 to vector<16xf32>
    %sub3A_5574 = arith.subf %get3A_4839, %sub3A_5573 : vector<16xf32>
    %abs3A_5575 = math.absf %sub3A_5574 : vector<16xf32>
    %eq3A_5576 = arith.constant 48 : i32
    %eq3A_5577 = vector.broadcast %eq3A_5576 : i32 to vector<16xi32>
    %eq3A_5578 = arith.cmpi eq, %add3A_4835, %eq3A_5577 : vector<16xi32>
    %jit3A_5579 = arith.constant 3.000000e+08 : f32
    %broadcast_in_dim3A_5580 = vector.broadcast %jit3A_5579 : f32 to vector<16xf32>
    %select_n3A_5581 = arith.select %eq3A_5578, %broadcast_in_dim3A_5580, %abs3A_5575 : vector<16xi1>, vector<16xf32>
    %lt3A_5582 = arith.cmpf olt, %select_n3A_5581, %select_n3A_5568 : vector<16xf32>
    %select_n3A_5583 = arith.select %lt3A_5582, %select_n3A_5581, %select_n3A_5568 : vector<16xi1>, vector<16xf32>
    %jit3A_5584 = arith.constant 48 : i32
    %broadcast_in_dim3A_5585 = vector.broadcast %jit3A_5584 : i32 to vector<16xi32>
    %select_n3A_5586 = arith.select %lt3A_5582, %broadcast_in_dim3A_5585, %select_n3A_5571 : vector<16xi1>, vector<16xi32>
    %sub3A_5587 = arith.constant 2.72956038 : f32
    %sub3A_5588 = vector.broadcast %sub3A_5587 : f32 to vector<16xf32>
    %sub3A_5589 = arith.subf %get3A_4839, %sub3A_5588 : vector<16xf32>
    %abs3A_5590 = math.absf %sub3A_5589 : vector<16xf32>
    %eq3A_5591 = arith.constant 49 : i32
    %eq3A_5592 = vector.broadcast %eq3A_5591 : i32 to vector<16xi32>
    %eq3A_5593 = arith.cmpi eq, %add3A_4835, %eq3A_5592 : vector<16xi32>
    %jit3A_5594 = arith.constant 3.000000e+08 : f32
    %broadcast_in_dim3A_5595 = vector.broadcast %jit3A_5594 : f32 to vector<16xf32>
    %select_n3A_5596 = arith.select %eq3A_5593, %broadcast_in_dim3A_5595, %abs3A_5590 : vector<16xi1>, vector<16xf32>
    %lt3A_5597 = arith.cmpf olt, %select_n3A_5596, %select_n3A_5583 : vector<16xf32>
    %select_n3A_5598 = arith.select %lt3A_5597, %select_n3A_5596, %select_n3A_5583 : vector<16xi1>, vector<16xf32>
    %jit3A_5599 = arith.constant 49 : i32
    %broadcast_in_dim3A_5600 = vector.broadcast %jit3A_5599 : i32 to vector<16xi32>
    %select_n3A_5601 = arith.select %lt3A_5597, %broadcast_in_dim3A_5600, %select_n3A_5586 : vector<16xi1>, vector<16xi32>
    %gather3A_5602 = tpu.vector_load_idx %arg6[%broadcast_in_dim3A_151, %select_n3A_5601] : memref<8x64xf32, #tpu.memory_space<vmem>>[vector<16xi32>, vector<16xi32>], vector<16xf32>,
    %gather3A_5603 = tpu.vector_load_idx %arg9[%select_n3A_5601] : memref<64xf32, #tpu.memory_space<vmem>>[vector<16xi32>], vector<16xf32>,
    %sub3A_5604 = arith.subf %get3A_4845, %gather3A_5603 : vector<16xf32>
    %sub3A_5605 = arith.subf %get3A_4839, %gather3A_5602 : vector<16xf32>
    %add3A_5606 = arith.constant 9.99999993E-9 : f32
    %add3A_5607 = vector.broadcast %add3A_5606 : f32 to vector<16xf32>
    %add3A_5608 = arith.addf %sub3A_5605, %add3A_5607 : vector<16xf32>
    %div3A_5609 = arith.divf %sub3A_5604, %add3A_5608 : vector<16xf32>
    %broadcast_in_dim3A_5610 = arith.constant 3.000000e+38 : f32
    %broadcast_in_dim3A_5611 = vector.broadcast %broadcast_in_dim3A_5610 : f32 to vector<16xf32>
    %broadcast_in_dim3A_5612 = arith.constant 0 : i32
    %broadcast_in_dim3A_5613 = vector.broadcast %broadcast_in_dim3A_5612 : i32 to vector<16xi32>
    %sub3A_5614 = arith.constant 0.470975518 : f32
    %sub3A_5615 = vector.broadcast %sub3A_5614 : f32 to vector<16xf32>
    %sub3A_5616 = arith.subf %get3A_4843, %sub3A_5615 : vector<16xf32>
    %abs3A_5617 = math.absf %sub3A_5616 : vector<16xf32>
    %eq3A_5618 = arith.constant 0 : i32
    %eq3A_5619 = vector.broadcast %eq3A_5618 : i32 to vector<16xi32>
    %eq3A_5620 = arith.cmpi eq, %add3A_4835, %eq3A_5619 : vector<16xi32>
    %jit3A_5621 = arith.constant 3.000000e+08 : f32
    %broadcast_in_dim3A_5622 = vector.broadcast %jit3A_5621 : f32 to vector<16xf32>
    %select_n3A_5623 = arith.select %eq3A_5620, %broadcast_in_dim3A_5622, %abs3A_5617 : vector<16xi1>, vector<16xf32>
    %lt3A_5624 = arith.cmpf olt, %select_n3A_5623, %broadcast_in_dim3A_5611 : vector<16xf32>
    %select_n3A_5625 = arith.select %lt3A_5624, %select_n3A_5623, %broadcast_in_dim3A_5611 : vector<16xi1>, vector<16xf32>
    %jit3A_5626 = arith.constant 0 : i32
    %broadcast_in_dim3A_5627 = vector.broadcast %jit3A_5626 : i32 to vector<16xi32>
    %select_n3A_5628 = arith.select %lt3A_5624, %broadcast_in_dim3A_5627, %broadcast_in_dim3A_5613 : vector<16xi1>, vector<16xi32>
    %sub3A_5629 = arith.constant 2.106630e+00 : f32
    %sub3A_5630 = vector.broadcast %sub3A_5629 : f32 to vector<16xf32>
    %sub3A_5631 = arith.subf %get3A_4843, %sub3A_5630 : vector<16xf32>
    %abs3A_5632 = math.absf %sub3A_5631 : vector<16xf32>
    %eq3A_5633 = arith.constant 1 : i32
    %eq3A_5634 = vector.broadcast %eq3A_5633 : i32 to vector<16xi32>
    %eq3A_5635 = arith.cmpi eq, %add3A_4835, %eq3A_5634 : vector<16xi32>
    %jit3A_5636 = arith.constant 3.000000e+08 : f32
    %broadcast_in_dim3A_5637 = vector.broadcast %jit3A_5636 : f32 to vector<16xf32>
    %select_n3A_5638 = arith.select %eq3A_5635, %broadcast_in_dim3A_5637, %abs3A_5632 : vector<16xi1>, vector<16xf32>
    %lt3A_5639 = arith.cmpf olt, %select_n3A_5638, %select_n3A_5625 : vector<16xf32>
    %select_n3A_5640 = arith.select %lt3A_5639, %select_n3A_5638, %select_n3A_5625 : vector<16xi1>, vector<16xf32>
    %jit3A_5641 = arith.constant 1 : i32
    %broadcast_in_dim3A_5642 = vector.broadcast %jit3A_5641 : i32 to vector<16xi32>
    %select_n3A_5643 = arith.select %lt3A_5639, %broadcast_in_dim3A_5642, %select_n3A_5628 : vector<16xi1>, vector<16xi32>
    %sub3A_5644 = arith.constant 0.784434795 : f32
    %sub3A_5645 = vector.broadcast %sub3A_5644 : f32 to vector<16xf32>
    %sub3A_5646 = arith.subf %get3A_4843, %sub3A_5645 : vector<16xf32>
    %abs3A_5647 = math.absf %sub3A_5646 : vector<16xf32>
    %eq3A_5648 = arith.constant 2 : i32
    %eq3A_5649 = vector.broadcast %eq3A_5648 : i32 to vector<16xi32>
    %eq3A_5650 = arith.cmpi eq, %add3A_4835, %eq3A_5649 : vector<16xi32>
    %jit3A_5651 = arith.constant 3.000000e+08 : f32
    %broadcast_in_dim3A_5652 = vector.broadcast %jit3A_5651 : f32 to vector<16xf32>
    %select_n3A_5653 = arith.select %eq3A_5650, %broadcast_in_dim3A_5652, %abs3A_5647 : vector<16xi1>, vector<16xf32>
    %lt3A_5654 = arith.cmpf olt, %select_n3A_5653, %select_n3A_5640 : vector<16xf32>
    %select_n3A_5655 = arith.select %lt3A_5654, %select_n3A_5653, %select_n3A_5640 : vector<16xi1>, vector<16xf32>
    %jit3A_5656 = arith.constant 2 : i32
    %broadcast_in_dim3A_5657 = vector.broadcast %jit3A_5656 : i32 to vector<16xi32>
    %select_n3A_5658 = arith.select %lt3A_5654, %broadcast_in_dim3A_5657, %select_n3A_5643 : vector<16xi1>, vector<16xi32>
    %sub3A_5659 = arith.constant 1.35513878 : f32
    %sub3A_5660 = vector.broadcast %sub3A_5659 : f32 to vector<16xf32>
    %sub3A_5661 = arith.subf %get3A_4843, %sub3A_5660 : vector<16xf32>
    %abs3A_5662 = math.absf %sub3A_5661 : vector<16xf32>
    %eq3A_5663 = arith.constant 3 : i32
    %eq3A_5664 = vector.broadcast %eq3A_5663 : i32 to vector<16xi32>
    %eq3A_5665 = arith.cmpi eq, %add3A_4835, %eq3A_5664 : vector<16xi32>
    %jit3A_5666 = arith.constant 3.000000e+08 : f32
    %broadcast_in_dim3A_5667 = vector.broadcast %jit3A_5666 : f32 to vector<16xf32>
    %select_n3A_5668 = arith.select %eq3A_5665, %broadcast_in_dim3A_5667, %abs3A_5662 : vector<16xi1>, vector<16xf32>
    %lt3A_5669 = arith.cmpf olt, %select_n3A_5668, %select_n3A_5655 : vector<16xf32>
    %select_n3A_5670 = arith.select %lt3A_5669, %select_n3A_5668, %select_n3A_5655 : vector<16xi1>, vector<16xf32>
    %jit3A_5671 = arith.constant 3 : i32
    %broadcast_in_dim3A_5672 = vector.broadcast %jit3A_5671 : i32 to vector<16xi32>
    %select_n3A_5673 = arith.select %lt3A_5669, %broadcast_in_dim3A_5672, %select_n3A_5658 : vector<16xi1>, vector<16xi32>
    %sub3A_5674 = arith.constant 1.22419584 : f32
    %sub3A_5675 = vector.broadcast %sub3A_5674 : f32 to vector<16xf32>
    %sub3A_5676 = arith.subf %get3A_4843, %sub3A_5675 : vector<16xf32>
    %abs3A_5677 = math.absf %sub3A_5676 : vector<16xf32>
    %eq3A_5678 = arith.constant 4 : i32
    %eq3A_5679 = vector.broadcast %eq3A_5678 : i32 to vector<16xi32>
    %eq3A_5680 = arith.cmpi eq, %add3A_4835, %eq3A_5679 : vector<16xi32>
    %jit3A_5681 = arith.constant 3.000000e+08 : f32
    %broadcast_in_dim3A_5682 = vector.broadcast %jit3A_5681 : f32 to vector<16xf32>
    %select_n3A_5683 = arith.select %eq3A_5680, %broadcast_in_dim3A_5682, %abs3A_5677 : vector<16xi1>, vector<16xf32>
    %lt3A_5684 = arith.cmpf olt, %select_n3A_5683, %select_n3A_5670 : vector<16xf32>
    %select_n3A_5685 = arith.select %lt3A_5684, %select_n3A_5683, %select_n3A_5670 : vector<16xi1>, vector<16xf32>
    %jit3A_5686 = arith.constant 4 : i32
    %broadcast_in_dim3A_5687 = vector.broadcast %jit3A_5686 : i32 to vector<16xi32>
    %select_n3A_5688 = arith.select %lt3A_5684, %broadcast_in_dim3A_5687, %select_n3A_5673 : vector<16xi1>, vector<16xi32>
    %sub3A_5689 = arith.constant 1.83462358 : f32
    %sub3A_5690 = vector.broadcast %sub3A_5689 : f32 to vector<16xf32>
    %sub3A_5691 = arith.subf %get3A_4843, %sub3A_5690 : vector<16xf32>
    %abs3A_5692 = math.absf %sub3A_5691 : vector<16xf32>
    %eq3A_5693 = arith.constant 5 : i32
    %eq3A_5694 = vector.broadcast %eq3A_5693 : i32 to vector<16xi32>
    %eq3A_5695 = arith.cmpi eq, %add3A_4835, %eq3A_5694 : vector<16xi32>
    %jit3A_5696 = arith.constant 3.000000e+08 : f32
    %broadcast_in_dim3A_5697 = vector.broadcast %jit3A_5696 : f32 to vector<16xf32>
    %select_n3A_5698 = arith.select %eq3A_5695, %broadcast_in_dim3A_5697, %abs3A_5692 : vector<16xi1>, vector<16xf32>
    %lt3A_5699 = arith.cmpf olt, %select_n3A_5698, %select_n3A_5685 : vector<16xf32>
    %select_n3A_5700 = arith.select %lt3A_5699, %select_n3A_5698, %select_n3A_5685 : vector<16xi1>, vector<16xf32>
    %jit3A_5701 = arith.constant 5 : i32
    %broadcast_in_dim3A_5702 = vector.broadcast %jit3A_5701 : i32 to vector<16xi32>
    %select_n3A_5703 = arith.select %lt3A_5699, %broadcast_in_dim3A_5702, %select_n3A_5688 : vector<16xi1>, vector<16xi32>
    %sub3A_5704 = arith.constant 1.74924183 : f32
    %sub3A_5705 = vector.broadcast %sub3A_5704 : f32 to vector<16xf32>
    %sub3A_5706 = arith.subf %get3A_4843, %sub3A_5705 : vector<16xf32>
    %abs3A_5707 = math.absf %sub3A_5706 : vector<16xf32>
    %eq3A_5708 = arith.constant 6 : i32
    %eq3A_5709 = vector.broadcast %eq3A_5708 : i32 to vector<16xi32>
    %eq3A_5710 = arith.cmpi eq, %add3A_4835, %eq3A_5709 : vector<16xi32>
    %jit3A_5711 = arith.constant 3.000000e+08 : f32
    %broadcast_in_dim3A_5712 = vector.broadcast %jit3A_5711 : f32 to vector<16xf32>
    %select_n3A_5713 = arith.select %eq3A_5710, %broadcast_in_dim3A_5712, %abs3A_5707 : vector<16xi1>, vector<16xf32>
    %lt3A_5714 = arith.cmpf olt, %select_n3A_5713, %select_n3A_5700 : vector<16xf32>
    %select_n3A_5715 = arith.select %lt3A_5714, %select_n3A_5713, %select_n3A_5700 : vector<16xi1>, vector<16xf32>
    %jit3A_5716 = arith.constant 6 : i32
    %broadcast_in_dim3A_5717 = vector.broadcast %jit3A_5716 : i32 to vector<16xi32>
    %select_n3A_5718 = arith.select %lt3A_5714, %broadcast_in_dim3A_5717, %select_n3A_5703 : vector<16xi1>, vector<16xi32>
    %sub3A_5719 = arith.constant 0.643526613 : f32
    %sub3A_5720 = vector.broadcast %sub3A_5719 : f32 to vector<16xf32>
    %sub3A_5721 = arith.subf %get3A_4843, %sub3A_5720 : vector<16xf32>
    %abs3A_5722 = math.absf %sub3A_5721 : vector<16xf32>
    %eq3A_5723 = arith.constant 7 : i32
    %eq3A_5724 = vector.broadcast %eq3A_5723 : i32 to vector<16xi32>
    %eq3A_5725 = arith.cmpi eq, %add3A_4835, %eq3A_5724 : vector<16xi32>
    %jit3A_5726 = arith.constant 3.000000e+08 : f32
    %broadcast_in_dim3A_5727 = vector.broadcast %jit3A_5726 : f32 to vector<16xf32>
    %select_n3A_5728 = arith.select %eq3A_5725, %broadcast_in_dim3A_5727, %abs3A_5722 : vector<16xi1>, vector<16xf32>
    %lt3A_5729 = arith.cmpf olt, %select_n3A_5728, %select_n3A_5715 : vector<16xf32>
    %select_n3A_5730 = arith.select %lt3A_5729, %select_n3A_5728, %select_n3A_5715 : vector<16xi1>, vector<16xf32>
    %jit3A_5731 = arith.constant 7 : i32
    %broadcast_in_dim3A_5732 = vector.broadcast %jit3A_5731 : i32 to vector<16xi32>
    %select_n3A_5733 = arith.select %lt3A_5729, %broadcast_in_dim3A_5732, %select_n3A_5718 : vector<16xi1>, vector<16xi32>
    %sub3A_5734 = arith.constant 0.566319287 : f32
    %sub3A_5735 = vector.broadcast %sub3A_5734 : f32 to vector<16xf32>
    %sub3A_5736 = arith.subf %get3A_4843, %sub3A_5735 : vector<16xf32>
    %abs3A_5737 = math.absf %sub3A_5736 : vector<16xf32>
    %eq3A_5738 = arith.constant 8 : i32
    %eq3A_5739 = vector.broadcast %eq3A_5738 : i32 to vector<16xi32>
    %eq3A_5740 = arith.cmpi eq, %add3A_4835, %eq3A_5739 : vector<16xi32>
    %jit3A_5741 = arith.constant 3.000000e+08 : f32
    %broadcast_in_dim3A_5742 = vector.broadcast %jit3A_5741 : f32 to vector<16xf32>
    %select_n3A_5743 = arith.select %eq3A_5740, %broadcast_in_dim3A_5742, %abs3A_5737 : vector<16xi1>, vector<16xf32>
    %lt3A_5744 = arith.cmpf olt, %select_n3A_5743, %select_n3A_5730 : vector<16xf32>
    %select_n3A_5745 = arith.select %lt3A_5744, %select_n3A_5743, %select_n3A_5730 : vector<16xi1>, vector<16xf32>
    %jit3A_5746 = arith.constant 8 : i32
    %broadcast_in_dim3A_5747 = vector.broadcast %jit3A_5746 : i32 to vector<16xi32>
    %select_n3A_5748 = arith.select %lt3A_5744, %broadcast_in_dim3A_5747, %select_n3A_5733 : vector<16xi1>, vector<16xi32>
    %sub3A_5749 = arith.constant 2.10629392 : f32
    %sub3A_5750 = vector.broadcast %sub3A_5749 : f32 to vector<16xf32>
    %sub3A_5751 = arith.subf %get3A_4843, %sub3A_5750 : vector<16xf32>
    %abs3A_5752 = math.absf %sub3A_5751 : vector<16xf32>
    %eq3A_5753 = arith.constant 9 : i32
    %eq3A_5754 = vector.broadcast %eq3A_5753 : i32 to vector<16xi32>
    %eq3A_5755 = arith.cmpi eq, %add3A_4835, %eq3A_5754 : vector<16xi32>
    %jit3A_5756 = arith.constant 3.000000e+08 : f32
    %broadcast_in_dim3A_5757 = vector.broadcast %jit3A_5756 : f32 to vector<16xf32>
    %select_n3A_5758 = arith.select %eq3A_5755, %broadcast_in_dim3A_5757, %abs3A_5752 : vector<16xi1>, vector<16xf32>
    %lt3A_5759 = arith.cmpf olt, %select_n3A_5758, %select_n3A_5745 : vector<16xf32>
    %select_n3A_5760 = arith.select %lt3A_5759, %select_n3A_5758, %select_n3A_5745 : vector<16xi1>, vector<16xf32>
    %jit3A_5761 = arith.constant 9 : i32
    %broadcast_in_dim3A_5762 = vector.broadcast %jit3A_5761 : i32 to vector<16xi32>
    %select_n3A_5763 = arith.select %lt3A_5759, %broadcast_in_dim3A_5762, %select_n3A_5748 : vector<16xi1>, vector<16xi32>
    %sub3A_5764 = arith.constant 1.41245306 : f32
    %sub3A_5765 = vector.broadcast %sub3A_5764 : f32 to vector<16xf32>
    %sub3A_5766 = arith.subf %get3A_4843, %sub3A_5765 : vector<16xf32>
    %abs3A_5767 = math.absf %sub3A_5766 : vector<16xf32>
    %eq3A_5768 = arith.constant 10 : i32
    %eq3A_5769 = vector.broadcast %eq3A_5768 : i32 to vector<16xi32>
    %eq3A_5770 = arith.cmpi eq, %add3A_4835, %eq3A_5769 : vector<16xi32>
    %jit3A_5771 = arith.constant 3.000000e+08 : f32
    %broadcast_in_dim3A_5772 = vector.broadcast %jit3A_5771 : f32 to vector<16xf32>
    %select_n3A_5773 = arith.select %eq3A_5770, %broadcast_in_dim3A_5772, %abs3A_5767 : vector<16xi1>, vector<16xf32>
    %lt3A_5774 = arith.cmpf olt, %select_n3A_5773, %select_n3A_5760 : vector<16xf32>
    %select_n3A_5775 = arith.select %lt3A_5774, %select_n3A_5773, %select_n3A_5760 : vector<16xi1>, vector<16xf32>
    %jit3A_5776 = arith.constant 10 : i32
    %broadcast_in_dim3A_5777 = vector.broadcast %jit3A_5776 : i32 to vector<16xi32>
    %select_n3A_5778 = arith.select %lt3A_5774, %broadcast_in_dim3A_5777, %select_n3A_5763 : vector<16xi1>, vector<16xi32>
    %sub3A_5779 = arith.constant 1.45515859 : f32
    %sub3A_5780 = vector.broadcast %sub3A_5779 : f32 to vector<16xf32>
    %sub3A_5781 = arith.subf %get3A_4843, %sub3A_5780 : vector<16xf32>
    %abs3A_5782 = math.absf %sub3A_5781 : vector<16xf32>
    %eq3A_5783 = arith.constant 11 : i32
    %eq3A_5784 = vector.broadcast %eq3A_5783 : i32 to vector<16xi32>
    %eq3A_5785 = arith.cmpi eq, %add3A_4835, %eq3A_5784 : vector<16xi32>
    %jit3A_5786 = arith.constant 3.000000e+08 : f32
    %broadcast_in_dim3A_5787 = vector.broadcast %jit3A_5786 : f32 to vector<16xf32>
    %select_n3A_5788 = arith.select %eq3A_5785, %broadcast_in_dim3A_5787, %abs3A_5782 : vector<16xi1>, vector<16xf32>
    %lt3A_5789 = arith.cmpf olt, %select_n3A_5788, %select_n3A_5775 : vector<16xf32>
    %select_n3A_5790 = arith.select %lt3A_5789, %select_n3A_5788, %select_n3A_5775 : vector<16xi1>, vector<16xf32>
    %jit3A_5791 = arith.constant 11 : i32
    %broadcast_in_dim3A_5792 = vector.broadcast %jit3A_5791 : i32 to vector<16xi32>
    %select_n3A_5793 = arith.select %lt3A_5789, %broadcast_in_dim3A_5792, %select_n3A_5778 : vector<16xi1>, vector<16xi32>
    %sub3A_5794 = arith.constant 0.303463161 : f32
    %sub3A_5795 = vector.broadcast %sub3A_5794 : f32 to vector<16xf32>
    %sub3A_5796 = arith.subf %get3A_4843, %sub3A_5795 : vector<16xf32>
    %abs3A_5797 = math.absf %sub3A_5796 : vector<16xf32>
    %eq3A_5798 = arith.constant 12 : i32
    %eq3A_5799 = vector.broadcast %eq3A_5798 : i32 to vector<16xi32>
    %eq3A_5800 = arith.cmpi eq, %add3A_4835, %eq3A_5799 : vector<16xi32>
    %jit3A_5801 = arith.constant 3.000000e+08 : f32
    %broadcast_in_dim3A_5802 = vector.broadcast %jit3A_5801 : f32 to vector<16xf32>
    %select_n3A_5803 = arith.select %eq3A_5800, %broadcast_in_dim3A_5802, %abs3A_5797 : vector<16xi1>, vector<16xf32>
    %lt3A_5804 = arith.cmpf olt, %select_n3A_5803, %select_n3A_5790 : vector<16xf32>
    %select_n3A_5805 = arith.select %lt3A_5804, %select_n3A_5803, %select_n3A_5790 : vector<16xi1>, vector<16xf32>
    %jit3A_5806 = arith.constant 12 : i32
    %broadcast_in_dim3A_5807 = vector.broadcast %jit3A_5806 : i32 to vector<16xi32>
    %select_n3A_5808 = arith.select %lt3A_5804, %broadcast_in_dim3A_5807, %select_n3A_5793 : vector<16xi1>, vector<16xi32>
    %sub3A_5809 = arith.constant 1.0805583 : f32
    %sub3A_5810 = vector.broadcast %sub3A_5809 : f32 to vector<16xf32>
    %sub3A_5811 = arith.subf %get3A_4843, %sub3A_5810 : vector<16xf32>
    %abs3A_5812 = math.absf %sub3A_5811 : vector<16xf32>
    %eq3A_5813 = arith.constant 13 : i32
    %eq3A_5814 = vector.broadcast %eq3A_5813 : i32 to vector<16xi32>
    %eq3A_5815 = arith.cmpi eq, %add3A_4835, %eq3A_5814 : vector<16xi32>
    %jit3A_5816 = arith.constant 3.000000e+08 : f32
    %broadcast_in_dim3A_5817 = vector.broadcast %jit3A_5816 : f32 to vector<16xf32>
    %select_n3A_5818 = arith.select %eq3A_5815, %broadcast_in_dim3A_5817, %abs3A_5812 : vector<16xi1>, vector<16xf32>
    %lt3A_5819 = arith.cmpf olt, %select_n3A_5818, %select_n3A_5805 : vector<16xf32>
    %select_n3A_5820 = arith.select %lt3A_5819, %select_n3A_5818, %select_n3A_5805 : vector<16xi1>, vector<16xf32>
    %jit3A_5821 = arith.constant 13 : i32
    %broadcast_in_dim3A_5822 = vector.broadcast %jit3A_5821 : i32 to vector<16xi32>
    %select_n3A_5823 = arith.select %lt3A_5819, %broadcast_in_dim3A_5822, %select_n3A_5808 : vector<16xi1>, vector<16xi32>
    %sub3A_5824 = arith.constant 0.0836733207 : f32
    %sub3A_5825 = vector.broadcast %sub3A_5824 : f32 to vector<16xf32>
    %sub3A_5826 = arith.subf %get3A_4843, %sub3A_5825 : vector<16xf32>
    %abs3A_5827 = math.absf %sub3A_5826 : vector<16xf32>
    %eq3A_5828 = arith.constant 14 : i32
    %eq3A_5829 = vector.broadcast %eq3A_5828 : i32 to vector<16xi32>
    %eq3A_5830 = arith.cmpi eq, %add3A_4835, %eq3A_5829 : vector<16xi32>
    %jit3A_5831 = arith.constant 3.000000e+08 : f32
    %broadcast_in_dim3A_5832 = vector.broadcast %jit3A_5831 : f32 to vector<16xf32>
    %select_n3A_5833 = arith.select %eq3A_5830, %broadcast_in_dim3A_5832, %abs3A_5827 : vector<16xi1>, vector<16xf32>
    %lt3A_5834 = arith.cmpf olt, %select_n3A_5833, %select_n3A_5820 : vector<16xf32>
    %select_n3A_5835 = arith.select %lt3A_5834, %select_n3A_5833, %select_n3A_5820 : vector<16xi1>, vector<16xf32>
    %jit3A_5836 = arith.constant 14 : i32
    %broadcast_in_dim3A_5837 = vector.broadcast %jit3A_5836 : i32 to vector<16xi32>
    %select_n3A_5838 = arith.select %lt3A_5834, %broadcast_in_dim3A_5837, %select_n3A_5823 : vector<16xi1>, vector<16xi32>
    %sub3A_5839 = arith.constant 0.712279617 : f32
    %sub3A_5840 = vector.broadcast %sub3A_5839 : f32 to vector<16xf32>
    %sub3A_5841 = arith.subf %get3A_4843, %sub3A_5840 : vector<16xf32>
    %abs3A_5842 = math.absf %sub3A_5841 : vector<16xf32>
    %eq3A_5843 = arith.constant 15 : i32
    %eq3A_5844 = vector.broadcast %eq3A_5843 : i32 to vector<16xi32>
    %eq3A_5845 = arith.cmpi eq, %add3A_4835, %eq3A_5844 : vector<16xi32>
    %jit3A_5846 = arith.constant 3.000000e+08 : f32
    %broadcast_in_dim3A_5847 = vector.broadcast %jit3A_5846 : f32 to vector<16xf32>
    %select_n3A_5848 = arith.select %eq3A_5845, %broadcast_in_dim3A_5847, %abs3A_5842 : vector<16xi1>, vector<16xf32>
    %lt3A_5849 = arith.cmpf olt, %select_n3A_5848, %select_n3A_5835 : vector<16xf32>
    %select_n3A_5850 = arith.select %lt3A_5849, %select_n3A_5848, %select_n3A_5835 : vector<16xi1>, vector<16xf32>
    %jit3A_5851 = arith.constant 15 : i32
    %broadcast_in_dim3A_5852 = vector.broadcast %jit3A_5851 : i32 to vector<16xi32>
    %select_n3A_5853 = arith.select %lt3A_5849, %broadcast_in_dim3A_5852, %select_n3A_5838 : vector<16xi1>, vector<16xi32>
    %sub3A_5854 = arith.constant 1.67667174 : f32
    %sub3A_5855 = vector.broadcast %sub3A_5854 : f32 to vector<16xf32>
    %sub3A_5856 = arith.subf %get3A_4843, %sub3A_5855 : vector<16xf32>
    %abs3A_5857 = math.absf %sub3A_5856 : vector<16xf32>
    %eq3A_5858 = arith.constant 16 : i32
    %eq3A_5859 = vector.broadcast %eq3A_5858 : i32 to vector<16xi32>
    %eq3A_5860 = arith.cmpi eq, %add3A_4835, %eq3A_5859 : vector<16xi32>
    %jit3A_5861 = arith.constant 3.000000e+08 : f32
    %broadcast_in_dim3A_5862 = vector.broadcast %jit3A_5861 : f32 to vector<16xf32>
    %select_n3A_5863 = arith.select %eq3A_5860, %broadcast_in_dim3A_5862, %abs3A_5857 : vector<16xi1>, vector<16xf32>
    %lt3A_5864 = arith.cmpf olt, %select_n3A_5863, %select_n3A_5850 : vector<16xf32>
    %select_n3A_5865 = arith.select %lt3A_5864, %select_n3A_5863, %select_n3A_5850 : vector<16xi1>, vector<16xf32>
    %jit3A_5866 = arith.constant 16 : i32
    %broadcast_in_dim3A_5867 = vector.broadcast %jit3A_5866 : i32 to vector<16xi32>
    %select_n3A_5868 = arith.select %lt3A_5864, %broadcast_in_dim3A_5867, %select_n3A_5853 : vector<16xi1>, vector<16xi32>
    %sub3A_5869 = arith.constant 0.609653472 : f32
    %sub3A_5870 = vector.broadcast %sub3A_5869 : f32 to vector<16xf32>
    %sub3A_5871 = arith.subf %get3A_4843, %sub3A_5870 : vector<16xf32>
    %abs3A_5872 = math.absf %sub3A_5871 : vector<16xf32>
    %eq3A_5873 = arith.constant 17 : i32
    %eq3A_5874 = vector.broadcast %eq3A_5873 : i32 to vector<16xi32>
    %eq3A_5875 = arith.cmpi eq, %add3A_4835, %eq3A_5874 : vector<16xi32>
    %jit3A_5876 = arith.constant 3.000000e+08 : f32
    %broadcast_in_dim3A_5877 = vector.broadcast %jit3A_5876 : f32 to vector<16xf32>
    %select_n3A_5878 = arith.select %eq3A_5875, %broadcast_in_dim3A_5877, %abs3A_5872 : vector<16xi1>, vector<16xf32>
    %lt3A_5879 = arith.cmpf olt, %select_n3A_5878, %select_n3A_5865 : vector<16xf32>
    %select_n3A_5880 = arith.select %lt3A_5879, %select_n3A_5878, %select_n3A_5865 : vector<16xi1>, vector<16xf32>
    %jit3A_5881 = arith.constant 17 : i32
    %broadcast_in_dim3A_5882 = vector.broadcast %jit3A_5881 : i32 to vector<16xi32>
    %select_n3A_5883 = arith.select %lt3A_5879, %broadcast_in_dim3A_5882, %select_n3A_5868 : vector<16xi1>, vector<16xi32>
    %sub3A_5884 = arith.constant 1.705006 : f32
    %sub3A_5885 = vector.broadcast %sub3A_5884 : f32 to vector<16xf32>
    %sub3A_5886 = arith.subf %get3A_4843, %sub3A_5885 : vector<16xf32>
    %abs3A_5887 = math.absf %sub3A_5886 : vector<16xf32>
    %eq3A_5888 = arith.constant 18 : i32
    %eq3A_5889 = vector.broadcast %eq3A_5888 : i32 to vector<16xi32>
    %eq3A_5890 = arith.cmpi eq, %add3A_4835, %eq3A_5889 : vector<16xi32>
    %jit3A_5891 = arith.constant 3.000000e+08 : f32
    %broadcast_in_dim3A_5892 = vector.broadcast %jit3A_5891 : f32 to vector<16xf32>
    %select_n3A_5893 = arith.select %eq3A_5890, %broadcast_in_dim3A_5892, %abs3A_5887 : vector<16xi1>, vector<16xf32>
    %lt3A_5894 = arith.cmpf olt, %select_n3A_5893, %select_n3A_5880 : vector<16xf32>
    %select_n3A_5895 = arith.select %lt3A_5894, %select_n3A_5893, %select_n3A_5880 : vector<16xi1>, vector<16xf32>
    %jit3A_5896 = arith.constant 18 : i32
    %broadcast_in_dim3A_5897 = vector.broadcast %jit3A_5896 : i32 to vector<16xi32>
    %select_n3A_5898 = arith.select %lt3A_5894, %broadcast_in_dim3A_5897, %select_n3A_5883 : vector<16xi1>, vector<16xi32>
    %sub3A_5899 = arith.constant 2.5404861 : f32
    %sub3A_5900 = vector.broadcast %sub3A_5899 : f32 to vector<16xf32>
    %sub3A_5901 = arith.subf %get3A_4843, %sub3A_5900 : vector<16xf32>
    %abs3A_5902 = math.absf %sub3A_5901 : vector<16xf32>
    %eq3A_5903 = arith.constant 19 : i32
    %eq3A_5904 = vector.broadcast %eq3A_5903 : i32 to vector<16xi32>
    %eq3A_5905 = arith.cmpi eq, %add3A_4835, %eq3A_5904 : vector<16xi32>
    %jit3A_5906 = arith.constant 3.000000e+08 : f32
    %broadcast_in_dim3A_5907 = vector.broadcast %jit3A_5906 : f32 to vector<16xf32>
    %select_n3A_5908 = arith.select %eq3A_5905, %broadcast_in_dim3A_5907, %abs3A_5902 : vector<16xi1>, vector<16xf32>
    %lt3A_5909 = arith.cmpf olt, %select_n3A_5908, %select_n3A_5895 : vector<16xf32>
    %select_n3A_5910 = arith.select %lt3A_5909, %select_n3A_5908, %select_n3A_5895 : vector<16xi1>, vector<16xf32>
    %jit3A_5911 = arith.constant 19 : i32
    %broadcast_in_dim3A_5912 = vector.broadcast %jit3A_5911 : i32 to vector<16xi32>
    %select_n3A_5913 = arith.select %lt3A_5909, %broadcast_in_dim3A_5912, %select_n3A_5898 : vector<16xi1>, vector<16xi32>
    %sub3A_5914 = arith.constant 2.52263522 : f32
    %sub3A_5915 = vector.broadcast %sub3A_5914 : f32 to vector<16xf32>
    %sub3A_5916 = arith.subf %get3A_4843, %sub3A_5915 : vector<16xf32>
    %abs3A_5917 = math.absf %sub3A_5916 : vector<16xf32>
    %eq3A_5918 = arith.constant 20 : i32
    %eq3A_5919 = vector.broadcast %eq3A_5918 : i32 to vector<16xi32>
    %eq3A_5920 = arith.cmpi eq, %add3A_4835, %eq3A_5919 : vector<16xi32>
    %jit3A_5921 = arith.constant 3.000000e+08 : f32
    %broadcast_in_dim3A_5922 = vector.broadcast %jit3A_5921 : f32 to vector<16xf32>
    %select_n3A_5923 = arith.select %eq3A_5920, %broadcast_in_dim3A_5922, %abs3A_5917 : vector<16xi1>, vector<16xf32>
    %lt3A_5924 = arith.cmpf olt, %select_n3A_5923, %select_n3A_5910 : vector<16xf32>
    %select_n3A_5925 = arith.select %lt3A_5924, %select_n3A_5923, %select_n3A_5910 : vector<16xi1>, vector<16xf32>
    %jit3A_5926 = arith.constant 20 : i32
    %broadcast_in_dim3A_5927 = vector.broadcast %jit3A_5926 : i32 to vector<16xi32>
    %select_n3A_5928 = arith.select %lt3A_5924, %broadcast_in_dim3A_5927, %select_n3A_5913 : vector<16xi1>, vector<16xi32>
    %sub3A_5929 = arith.constant 1.31401598 : f32
    %sub3A_5930 = vector.broadcast %sub3A_5929 : f32 to vector<16xf32>
    %sub3A_5931 = arith.subf %get3A_4843, %sub3A_5930 : vector<16xf32>
    %abs3A_5932 = math.absf %sub3A_5931 : vector<16xf32>
    %eq3A_5933 = arith.constant 21 : i32
    %eq3A_5934 = vector.broadcast %eq3A_5933 : i32 to vector<16xi32>
    %eq3A_5935 = arith.cmpi eq, %add3A_4835, %eq3A_5934 : vector<16xi32>
    %jit3A_5936 = arith.constant 3.000000e+08 : f32
    %broadcast_in_dim3A_5937 = vector.broadcast %jit3A_5936 : f32 to vector<16xf32>
    %select_n3A_5938 = arith.select %eq3A_5935, %broadcast_in_dim3A_5937, %abs3A_5932 : vector<16xi1>, vector<16xf32>
    %lt3A_5939 = arith.cmpf olt, %select_n3A_5938, %select_n3A_5925 : vector<16xf32>
    %select_n3A_5940 = arith.select %lt3A_5939, %select_n3A_5938, %select_n3A_5925 : vector<16xi1>, vector<16xf32>
    %jit3A_5941 = arith.constant 21 : i32
    %broadcast_in_dim3A_5942 = vector.broadcast %jit3A_5941 : i32 to vector<16xi32>
    %select_n3A_5943 = arith.select %lt3A_5939, %broadcast_in_dim3A_5942, %select_n3A_5928 : vector<16xi1>, vector<16xi32>
    %sub3A_5944 = arith.constant 2.09118152 : f32
    %sub3A_5945 = vector.broadcast %sub3A_5944 : f32 to vector<16xf32>
    %sub3A_5946 = arith.subf %get3A_4843, %sub3A_5945 : vector<16xf32>
    %abs3A_5947 = math.absf %sub3A_5946 : vector<16xf32>
    %eq3A_5948 = arith.constant 22 : i32
    %eq3A_5949 = vector.broadcast %eq3A_5948 : i32 to vector<16xi32>
    %eq3A_5950 = arith.cmpi eq, %add3A_4835, %eq3A_5949 : vector<16xi32>
    %jit3A_5951 = arith.constant 3.000000e+08 : f32
    %broadcast_in_dim3A_5952 = vector.broadcast %jit3A_5951 : f32 to vector<16xf32>
    %select_n3A_5953 = arith.select %eq3A_5950, %broadcast_in_dim3A_5952, %abs3A_5947 : vector<16xi1>, vector<16xf32>
    %lt3A_5954 = arith.cmpf olt, %select_n3A_5953, %select_n3A_5940 : vector<16xf32>
    %select_n3A_5955 = arith.select %lt3A_5954, %select_n3A_5953, %select_n3A_5940 : vector<16xi1>, vector<16xf32>
    %jit3A_5956 = arith.constant 22 : i32
    %broadcast_in_dim3A_5957 = vector.broadcast %jit3A_5956 : i32 to vector<16xi32>
    %select_n3A_5958 = arith.select %lt3A_5954, %broadcast_in_dim3A_5957, %select_n3A_5943 : vector<16xi1>, vector<16xi32>
    %sub3A_5959 = arith.constant 2.72842574 : f32
    %sub3A_5960 = vector.broadcast %sub3A_5959 : f32 to vector<16xf32>
    %sub3A_5961 = arith.subf %get3A_4843, %sub3A_5960 : vector<16xf32>
    %abs3A_5962 = math.absf %sub3A_5961 : vector<16xf32>
    %eq3A_5963 = arith.constant 23 : i32
    %eq3A_5964 = vector.broadcast %eq3A_5963 : i32 to vector<16xi32>
    %eq3A_5965 = arith.cmpi eq, %add3A_4835, %eq3A_5964 : vector<16xi32>
    %jit3A_5966 = arith.constant 3.000000e+08 : f32
    %broadcast_in_dim3A_5967 = vector.broadcast %jit3A_5966 : f32 to vector<16xf32>
    %select_n3A_5968 = arith.select %eq3A_5965, %broadcast_in_dim3A_5967, %abs3A_5962 : vector<16xi1>, vector<16xf32>
    %lt3A_5969 = arith.cmpf olt, %select_n3A_5968, %select_n3A_5955 : vector<16xf32>
    %select_n3A_5970 = arith.select %lt3A_5969, %select_n3A_5968, %select_n3A_5955 : vector<16xi1>, vector<16xf32>
    %jit3A_5971 = arith.constant 23 : i32
    %broadcast_in_dim3A_5972 = vector.broadcast %jit3A_5971 : i32 to vector<16xi32>
    %select_n3A_5973 = arith.select %lt3A_5969, %broadcast_in_dim3A_5972, %select_n3A_5958 : vector<16xi1>, vector<16xi32>
    %sub3A_5974 = arith.constant 0.989088237 : f32
    %sub3A_5975 = vector.broadcast %sub3A_5974 : f32 to vector<16xf32>
    %sub3A_5976 = arith.subf %get3A_4843, %sub3A_5975 : vector<16xf32>
    %abs3A_5977 = math.absf %sub3A_5976 : vector<16xf32>
    %eq3A_5978 = arith.constant 24 : i32
    %eq3A_5979 = vector.broadcast %eq3A_5978 : i32 to vector<16xi32>
    %eq3A_5980 = arith.cmpi eq, %add3A_4835, %eq3A_5979 : vector<16xi32>
    %jit3A_5981 = arith.constant 3.000000e+08 : f32
    %broadcast_in_dim3A_5982 = vector.broadcast %jit3A_5981 : f32 to vector<16xf32>
    %select_n3A_5983 = arith.select %eq3A_5980, %broadcast_in_dim3A_5982, %abs3A_5977 : vector<16xi1>, vector<16xf32>
    %lt3A_5984 = arith.cmpf olt, %select_n3A_5983, %select_n3A_5970 : vector<16xf32>
    %select_n3A_5985 = arith.select %lt3A_5984, %select_n3A_5983, %select_n3A_5970 : vector<16xi1>, vector<16xf32>
    %jit3A_5986 = arith.constant 24 : i32
    %broadcast_in_dim3A_5987 = vector.broadcast %jit3A_5986 : i32 to vector<16xi32>
    %select_n3A_5988 = arith.select %lt3A_5984, %broadcast_in_dim3A_5987, %select_n3A_5973 : vector<16xi1>, vector<16xi32>
    %sub3A_5989 = arith.constant 0.556705892 : f32
    %sub3A_5990 = vector.broadcast %sub3A_5989 : f32 to vector<16xf32>
    %sub3A_5991 = arith.subf %get3A_4843, %sub3A_5990 : vector<16xf32>
    %abs3A_5992 = math.absf %sub3A_5991 : vector<16xf32>
    %eq3A_5993 = arith.constant 25 : i32
    %eq3A_5994 = vector.broadcast %eq3A_5993 : i32 to vector<16xi32>
    %eq3A_5995 = arith.cmpi eq, %add3A_4835, %eq3A_5994 : vector<16xi32>
    %jit3A_5996 = arith.constant 3.000000e+08 : f32
    %broadcast_in_dim3A_5997 = vector.broadcast %jit3A_5996 : f32 to vector<16xf32>
    %select_n3A_5998 = arith.select %eq3A_5995, %broadcast_in_dim3A_5997, %abs3A_5992 : vector<16xi1>, vector<16xf32>
    %lt3A_5999 = arith.cmpf olt, %select_n3A_5998, %select_n3A_5985 : vector<16xf32>
    %select_n3A_6000 = arith.select %lt3A_5999, %select_n3A_5998, %select_n3A_5985 : vector<16xi1>, vector<16xf32>
    %jit3A_6001 = arith.constant 25 : i32
    %broadcast_in_dim3A_6002 = vector.broadcast %jit3A_6001 : i32 to vector<16xi32>
    %select_n3A_6003 = arith.select %lt3A_5999, %broadcast_in_dim3A_6002, %select_n3A_5988 : vector<16xi1>, vector<16xi32>
    %sub3A_6004 = arith.constant 0.699081659 : f32
    %sub3A_6005 = vector.broadcast %sub3A_6004 : f32 to vector<16xf32>
    %sub3A_6006 = arith.subf %get3A_4843, %sub3A_6005 : vector<16xf32>
    %abs3A_6007 = math.absf %sub3A_6006 : vector<16xf32>
    %eq3A_6008 = arith.constant 26 : i32
    %eq3A_6009 = vector.broadcast %eq3A_6008 : i32 to vector<16xi32>
    %eq3A_6010 = arith.cmpi eq, %add3A_4835, %eq3A_6009 : vector<16xi32>
    %jit3A_6011 = arith.constant 3.000000e+08 : f32
    %broadcast_in_dim3A_6012 = vector.broadcast %jit3A_6011 : f32 to vector<16xf32>
    %select_n3A_6013 = arith.select %eq3A_6010, %broadcast_in_dim3A_6012, %abs3A_6007 : vector<16xi1>, vector<16xf32>
    %lt3A_6014 = arith.cmpf olt, %select_n3A_6013, %select_n3A_6000 : vector<16xf32>
    %select_n3A_6015 = arith.select %lt3A_6014, %select_n3A_6013, %select_n3A_6000 : vector<16xi1>, vector<16xf32>
    %jit3A_6016 = arith.constant 26 : i32
    %broadcast_in_dim3A_6017 = vector.broadcast %jit3A_6016 : i32 to vector<16xi32>
    %select_n3A_6018 = arith.select %lt3A_6014, %broadcast_in_dim3A_6017, %select_n3A_6003 : vector<16xi1>, vector<16xi32>
    %sub3A_6019 = arith.constant 2.50052118 : f32
    %sub3A_6020 = vector.broadcast %sub3A_6019 : f32 to vector<16xf32>
    %sub3A_6021 = arith.subf %get3A_4843, %sub3A_6020 : vector<16xf32>
    %abs3A_6022 = math.absf %sub3A_6021 : vector<16xf32>
    %eq3A_6023 = arith.constant 27 : i32
    %eq3A_6024 = vector.broadcast %eq3A_6023 : i32 to vector<16xi32>
    %eq3A_6025 = arith.cmpi eq, %add3A_4835, %eq3A_6024 : vector<16xi32>
    %jit3A_6026 = arith.constant 3.000000e+08 : f32
    %broadcast_in_dim3A_6027 = vector.broadcast %jit3A_6026 : f32 to vector<16xf32>
    %select_n3A_6028 = arith.select %eq3A_6025, %broadcast_in_dim3A_6027, %abs3A_6022 : vector<16xi1>, vector<16xf32>
    %lt3A_6029 = arith.cmpf olt, %select_n3A_6028, %select_n3A_6015 : vector<16xf32>
    %select_n3A_6030 = arith.select %lt3A_6029, %select_n3A_6028, %select_n3A_6015 : vector<16xi1>, vector<16xf32>
    %jit3A_6031 = arith.constant 27 : i32
    %broadcast_in_dim3A_6032 = vector.broadcast %jit3A_6031 : i32 to vector<16xi32>
    %select_n3A_6033 = arith.select %lt3A_6029, %broadcast_in_dim3A_6032, %select_n3A_6018 : vector<16xi1>, vector<16xi32>
    %sub3A_6034 = arith.constant 0.0317432061 : f32
    %sub3A_6035 = vector.broadcast %sub3A_6034 : f32 to vector<16xf32>
    %sub3A_6036 = arith.subf %get3A_4843, %sub3A_6035 : vector<16xf32>
    %abs3A_6037 = math.absf %sub3A_6036 : vector<16xf32>
    %eq3A_6038 = arith.constant 28 : i32
    %eq3A_6039 = vector.broadcast %eq3A_6038 : i32 to vector<16xi32>
    %eq3A_6040 = arith.cmpi eq, %add3A_4835, %eq3A_6039 : vector<16xi32>
    %jit3A_6041 = arith.constant 3.000000e+08 : f32
    %broadcast_in_dim3A_6042 = vector.broadcast %jit3A_6041 : f32 to vector<16xf32>
    %select_n3A_6043 = arith.select %eq3A_6040, %broadcast_in_dim3A_6042, %abs3A_6037 : vector<16xi1>, vector<16xf32>
    %lt3A_6044 = arith.cmpf olt, %select_n3A_6043, %select_n3A_6030 : vector<16xf32>
    %select_n3A_6045 = arith.select %lt3A_6044, %select_n3A_6043, %select_n3A_6030 : vector<16xi1>, vector<16xf32>
    %jit3A_6046 = arith.constant 28 : i32
    %broadcast_in_dim3A_6047 = vector.broadcast %jit3A_6046 : i32 to vector<16xi32>
    %select_n3A_6048 = arith.select %lt3A_6044, %broadcast_in_dim3A_6047, %select_n3A_6033 : vector<16xi1>, vector<16xi32>
    %sub3A_6049 = arith.constant 0.768091857 : f32
    %sub3A_6050 = vector.broadcast %sub3A_6049 : f32 to vector<16xf32>
    %sub3A_6051 = arith.subf %get3A_4843, %sub3A_6050 : vector<16xf32>
    %abs3A_6052 = math.absf %sub3A_6051 : vector<16xf32>
    %eq3A_6053 = arith.constant 29 : i32
    %eq3A_6054 = vector.broadcast %eq3A_6053 : i32 to vector<16xi32>
    %eq3A_6055 = arith.cmpi eq, %add3A_4835, %eq3A_6054 : vector<16xi32>
    %jit3A_6056 = arith.constant 3.000000e+08 : f32
    %broadcast_in_dim3A_6057 = vector.broadcast %jit3A_6056 : f32 to vector<16xf32>
    %select_n3A_6058 = arith.select %eq3A_6055, %broadcast_in_dim3A_6057, %abs3A_6052 : vector<16xi1>, vector<16xf32>
    %lt3A_6059 = arith.cmpf olt, %select_n3A_6058, %select_n3A_6045 : vector<16xf32>
    %select_n3A_6060 = arith.select %lt3A_6059, %select_n3A_6058, %select_n3A_6045 : vector<16xi1>, vector<16xf32>
    %jit3A_6061 = arith.constant 29 : i32
    %broadcast_in_dim3A_6062 = vector.broadcast %jit3A_6061 : i32 to vector<16xi32>
    %select_n3A_6063 = arith.select %lt3A_6059, %broadcast_in_dim3A_6062, %select_n3A_6048 : vector<16xi1>, vector<16xi32>
    %sub3A_6064 = arith.constant 0.512412369 : f32
    %sub3A_6065 = vector.broadcast %sub3A_6064 : f32 to vector<16xf32>
    %sub3A_6066 = arith.subf %get3A_4843, %sub3A_6065 : vector<16xf32>
    %abs3A_6067 = math.absf %sub3A_6066 : vector<16xf32>
    %eq3A_6068 = arith.constant 30 : i32
    %eq3A_6069 = vector.broadcast %eq3A_6068 : i32 to vector<16xi32>
    %eq3A_6070 = arith.cmpi eq, %add3A_4835, %eq3A_6069 : vector<16xi32>
    %jit3A_6071 = arith.constant 3.000000e+08 : f32
    %broadcast_in_dim3A_6072 = vector.broadcast %jit3A_6071 : f32 to vector<16xf32>
    %select_n3A_6073 = arith.select %eq3A_6070, %broadcast_in_dim3A_6072, %abs3A_6067 : vector<16xi1>, vector<16xf32>
    %lt3A_6074 = arith.cmpf olt, %select_n3A_6073, %select_n3A_6060 : vector<16xf32>
    %select_n3A_6075 = arith.select %lt3A_6074, %select_n3A_6073, %select_n3A_6060 : vector<16xi1>, vector<16xf32>
    %jit3A_6076 = arith.constant 30 : i32
    %broadcast_in_dim3A_6077 = vector.broadcast %jit3A_6076 : i32 to vector<16xi32>
    %select_n3A_6078 = arith.select %lt3A_6074, %broadcast_in_dim3A_6077, %select_n3A_6063 : vector<16xi1>, vector<16xi32>
    %sub3A_6079 = arith.constant 0.0462428704 : f32
    %sub3A_6080 = vector.broadcast %sub3A_6079 : f32 to vector<16xf32>
    %sub3A_6081 = arith.subf %get3A_4843, %sub3A_6080 : vector<16xf32>
    %abs3A_6082 = math.absf %sub3A_6081 : vector<16xf32>
    %eq3A_6083 = arith.constant 31 : i32
    %eq3A_6084 = vector.broadcast %eq3A_6083 : i32 to vector<16xi32>
    %eq3A_6085 = arith.cmpi eq, %add3A_4835, %eq3A_6084 : vector<16xi32>
    %jit3A_6086 = arith.constant 3.000000e+08 : f32
    %broadcast_in_dim3A_6087 = vector.broadcast %jit3A_6086 : f32 to vector<16xf32>
    %select_n3A_6088 = arith.select %eq3A_6085, %broadcast_in_dim3A_6087, %abs3A_6082 : vector<16xi1>, vector<16xf32>
    %lt3A_6089 = arith.cmpf olt, %select_n3A_6088, %select_n3A_6075 : vector<16xf32>
    %select_n3A_6090 = arith.select %lt3A_6089, %select_n3A_6088, %select_n3A_6075 : vector<16xi1>, vector<16xf32>
    %jit3A_6091 = arith.constant 31 : i32
    %broadcast_in_dim3A_6092 = vector.broadcast %jit3A_6091 : i32 to vector<16xi32>
    %select_n3A_6093 = arith.select %lt3A_6089, %broadcast_in_dim3A_6092, %select_n3A_6078 : vector<16xi1>, vector<16xi32>
    %sub3A_6094 = arith.constant 0.796836316 : f32
    %sub3A_6095 = vector.broadcast %sub3A_6094 : f32 to vector<16xf32>
    %sub3A_6096 = arith.subf %get3A_4843, %sub3A_6095 : vector<16xf32>
    %abs3A_6097 = math.absf %sub3A_6096 : vector<16xf32>
    %eq3A_6098 = arith.constant 32 : i32
    %eq3A_6099 = vector.broadcast %eq3A_6098 : i32 to vector<16xi32>
    %eq3A_6100 = arith.cmpi eq, %add3A_4835, %eq3A_6099 : vector<16xi32>
    %jit3A_6101 = arith.constant 3.000000e+08 : f32
    %broadcast_in_dim3A_6102 = vector.broadcast %jit3A_6101 : f32 to vector<16xf32>
    %select_n3A_6103 = arith.select %eq3A_6100, %broadcast_in_dim3A_6102, %abs3A_6097 : vector<16xi1>, vector<16xf32>
    %lt3A_6104 = arith.cmpf olt, %select_n3A_6103, %select_n3A_6090 : vector<16xf32>
    %select_n3A_6105 = arith.select %lt3A_6104, %select_n3A_6103, %select_n3A_6090 : vector<16xi1>, vector<16xf32>
    %jit3A_6106 = arith.constant 32 : i32
    %broadcast_in_dim3A_6107 = vector.broadcast %jit3A_6106 : i32 to vector<16xi32>
    %select_n3A_6108 = arith.select %lt3A_6104, %broadcast_in_dim3A_6107, %select_n3A_6093 : vector<16xi1>, vector<16xi32>
    %sub3A_6109 = arith.constant 2.48184943 : f32
    %sub3A_6110 = vector.broadcast %sub3A_6109 : f32 to vector<16xf32>
    %sub3A_6111 = arith.subf %get3A_4843, %sub3A_6110 : vector<16xf32>
    %abs3A_6112 = math.absf %sub3A_6111 : vector<16xf32>
    %eq3A_6113 = arith.constant 33 : i32
    %eq3A_6114 = vector.broadcast %eq3A_6113 : i32 to vector<16xi32>
    %eq3A_6115 = arith.cmpi eq, %add3A_4835, %eq3A_6114 : vector<16xi32>
    %jit3A_6116 = arith.constant 3.000000e+08 : f32
    %broadcast_in_dim3A_6117 = vector.broadcast %jit3A_6116 : f32 to vector<16xf32>
    %select_n3A_6118 = arith.select %eq3A_6115, %broadcast_in_dim3A_6117, %abs3A_6112 : vector<16xi1>, vector<16xf32>
    %lt3A_6119 = arith.cmpf olt, %select_n3A_6118, %select_n3A_6105 : vector<16xf32>
    %select_n3A_6120 = arith.select %lt3A_6119, %select_n3A_6118, %select_n3A_6105 : vector<16xi1>, vector<16xf32>
    %jit3A_6121 = arith.constant 33 : i32
    %broadcast_in_dim3A_6122 = vector.broadcast %jit3A_6121 : i32 to vector<16xi32>
    %select_n3A_6123 = arith.select %lt3A_6119, %broadcast_in_dim3A_6122, %select_n3A_6108 : vector<16xi1>, vector<16xi32>
    %sub3A_6124 = arith.constant 2.50373864 : f32
    %sub3A_6125 = vector.broadcast %sub3A_6124 : f32 to vector<16xf32>
    %sub3A_6126 = arith.subf %get3A_4843, %sub3A_6125 : vector<16xf32>
    %abs3A_6127 = math.absf %sub3A_6126 : vector<16xf32>
    %eq3A_6128 = arith.constant 34 : i32
    %eq3A_6129 = vector.broadcast %eq3A_6128 : i32 to vector<16xi32>
    %eq3A_6130 = arith.cmpi eq, %add3A_4835, %eq3A_6129 : vector<16xi32>
    %jit3A_6131 = arith.constant 3.000000e+08 : f32
    %broadcast_in_dim3A_6132 = vector.broadcast %jit3A_6131 : f32 to vector<16xf32>
    %select_n3A_6133 = arith.select %eq3A_6130, %broadcast_in_dim3A_6132, %abs3A_6127 : vector<16xi1>, vector<16xf32>
    %lt3A_6134 = arith.cmpf olt, %select_n3A_6133, %select_n3A_6120 : vector<16xf32>
    %select_n3A_6135 = arith.select %lt3A_6134, %select_n3A_6133, %select_n3A_6120 : vector<16xi1>, vector<16xf32>
    %jit3A_6136 = arith.constant 34 : i32
    %broadcast_in_dim3A_6137 = vector.broadcast %jit3A_6136 : i32 to vector<16xi32>
    %select_n3A_6138 = arith.select %lt3A_6134, %broadcast_in_dim3A_6137, %select_n3A_6123 : vector<16xi1>, vector<16xi32>
    %sub3A_6139 = arith.constant 2.6062541 : f32
    %sub3A_6140 = vector.broadcast %sub3A_6139 : f32 to vector<16xf32>
    %sub3A_6141 = arith.subf %get3A_4843, %sub3A_6140 : vector<16xf32>
    %abs3A_6142 = math.absf %sub3A_6141 : vector<16xf32>
    %eq3A_6143 = arith.constant 35 : i32
    %eq3A_6144 = vector.broadcast %eq3A_6143 : i32 to vector<16xi32>
    %eq3A_6145 = arith.cmpi eq, %add3A_4835, %eq3A_6144 : vector<16xi32>
    %jit3A_6146 = arith.constant 3.000000e+08 : f32
    %broadcast_in_dim3A_6147 = vector.broadcast %jit3A_6146 : f32 to vector<16xf32>
    %select_n3A_6148 = arith.select %eq3A_6145, %broadcast_in_dim3A_6147, %abs3A_6142 : vector<16xi1>, vector<16xf32>
    %lt3A_6149 = arith.cmpf olt, %select_n3A_6148, %select_n3A_6135 : vector<16xf32>
    %select_n3A_6150 = arith.select %lt3A_6149, %select_n3A_6148, %select_n3A_6135 : vector<16xi1>, vector<16xf32>
    %jit3A_6151 = arith.constant 35 : i32
    %broadcast_in_dim3A_6152 = vector.broadcast %jit3A_6151 : i32 to vector<16xi32>
    %select_n3A_6153 = arith.select %lt3A_6149, %broadcast_in_dim3A_6152, %select_n3A_6138 : vector<16xi1>, vector<16xi32>
    %sub3A_6154 = arith.constant 2.97994471 : f32
    %sub3A_6155 = vector.broadcast %sub3A_6154 : f32 to vector<16xf32>
    %sub3A_6156 = arith.subf %get3A_4843, %sub3A_6155 : vector<16xf32>
    %abs3A_6157 = math.absf %sub3A_6156 : vector<16xf32>
    %eq3A_6158 = arith.constant 36 : i32
    %eq3A_6159 = vector.broadcast %eq3A_6158 : i32 to vector<16xi32>
    %eq3A_6160 = arith.cmpi eq, %add3A_4835, %eq3A_6159 : vector<16xi32>
    %jit3A_6161 = arith.constant 3.000000e+08 : f32
    %broadcast_in_dim3A_6162 = vector.broadcast %jit3A_6161 : f32 to vector<16xf32>
    %select_n3A_6163 = arith.select %eq3A_6160, %broadcast_in_dim3A_6162, %abs3A_6157 : vector<16xi1>, vector<16xf32>
    %lt3A_6164 = arith.cmpf olt, %select_n3A_6163, %select_n3A_6150 : vector<16xf32>
    %select_n3A_6165 = arith.select %lt3A_6164, %select_n3A_6163, %select_n3A_6150 : vector<16xi1>, vector<16xf32>
    %jit3A_6166 = arith.constant 36 : i32
    %broadcast_in_dim3A_6167 = vector.broadcast %jit3A_6166 : i32 to vector<16xi32>
    %select_n3A_6168 = arith.select %lt3A_6164, %broadcast_in_dim3A_6167, %select_n3A_6153 : vector<16xi1>, vector<16xi32>
    %sub3A_6169 = arith.constant 0.15014255 : f32
    %sub3A_6170 = vector.broadcast %sub3A_6169 : f32 to vector<16xf32>
    %sub3A_6171 = arith.subf %get3A_4843, %sub3A_6170 : vector<16xf32>
    %abs3A_6172 = math.absf %sub3A_6171 : vector<16xf32>
    %eq3A_6173 = arith.constant 37 : i32
    %eq3A_6174 = vector.broadcast %eq3A_6173 : i32 to vector<16xi32>
    %eq3A_6175 = arith.cmpi eq, %add3A_4835, %eq3A_6174 : vector<16xi32>
    %jit3A_6176 = arith.constant 3.000000e+08 : f32
    %broadcast_in_dim3A_6177 = vector.broadcast %jit3A_6176 : f32 to vector<16xf32>
    %select_n3A_6178 = arith.select %eq3A_6175, %broadcast_in_dim3A_6177, %abs3A_6172 : vector<16xi1>, vector<16xf32>
    %lt3A_6179 = arith.cmpf olt, %select_n3A_6178, %select_n3A_6165 : vector<16xf32>
    %select_n3A_6180 = arith.select %lt3A_6179, %select_n3A_6178, %select_n3A_6165 : vector<16xi1>, vector<16xf32>
    %jit3A_6181 = arith.constant 37 : i32
    %broadcast_in_dim3A_6182 = vector.broadcast %jit3A_6181 : i32 to vector<16xi32>
    %select_n3A_6183 = arith.select %lt3A_6179, %broadcast_in_dim3A_6182, %select_n3A_6168 : vector<16xi1>, vector<16xi32>
    %sub3A_6184 = arith.constant 0.327118516 : f32
    %sub3A_6185 = vector.broadcast %sub3A_6184 : f32 to vector<16xf32>
    %sub3A_6186 = arith.subf %get3A_4843, %sub3A_6185 : vector<16xf32>
    %abs3A_6187 = math.absf %sub3A_6186 : vector<16xf32>
    %eq3A_6188 = arith.constant 38 : i32
    %eq3A_6189 = vector.broadcast %eq3A_6188 : i32 to vector<16xi32>
    %eq3A_6190 = arith.cmpi eq, %add3A_4835, %eq3A_6189 : vector<16xi32>
    %jit3A_6191 = arith.constant 3.000000e+08 : f32
    %broadcast_in_dim3A_6192 = vector.broadcast %jit3A_6191 : f32 to vector<16xf32>
    %select_n3A_6193 = arith.select %eq3A_6190, %broadcast_in_dim3A_6192, %abs3A_6187 : vector<16xi1>, vector<16xf32>
    %lt3A_6194 = arith.cmpf olt, %select_n3A_6193, %select_n3A_6180 : vector<16xf32>
    %select_n3A_6195 = arith.select %lt3A_6194, %select_n3A_6193, %select_n3A_6180 : vector<16xi1>, vector<16xf32>
    %jit3A_6196 = arith.constant 38 : i32
    %broadcast_in_dim3A_6197 = vector.broadcast %jit3A_6196 : i32 to vector<16xi32>
    %select_n3A_6198 = arith.select %lt3A_6194, %broadcast_in_dim3A_6197, %select_n3A_6183 : vector<16xi1>, vector<16xi32>
    %sub3A_6199 = arith.constant 0.0483509637 : f32
    %sub3A_6200 = vector.broadcast %sub3A_6199 : f32 to vector<16xf32>
    %sub3A_6201 = arith.subf %get3A_4843, %sub3A_6200 : vector<16xf32>
    %abs3A_6202 = math.absf %sub3A_6201 : vector<16xf32>
    %eq3A_6203 = arith.constant 39 : i32
    %eq3A_6204 = vector.broadcast %eq3A_6203 : i32 to vector<16xi32>
    %eq3A_6205 = arith.cmpi eq, %add3A_4835, %eq3A_6204 : vector<16xi32>
    %jit3A_6206 = arith.constant 3.000000e+08 : f32
    %broadcast_in_dim3A_6207 = vector.broadcast %jit3A_6206 : f32 to vector<16xf32>
    %select_n3A_6208 = arith.select %eq3A_6205, %broadcast_in_dim3A_6207, %abs3A_6202 : vector<16xi1>, vector<16xf32>
    %lt3A_6209 = arith.cmpf olt, %select_n3A_6208, %select_n3A_6195 : vector<16xf32>
    %select_n3A_6210 = arith.select %lt3A_6209, %select_n3A_6208, %select_n3A_6195 : vector<16xi1>, vector<16xf32>
    %jit3A_6211 = arith.constant 39 : i32
    %broadcast_in_dim3A_6212 = vector.broadcast %jit3A_6211 : i32 to vector<16xi32>
    %select_n3A_6213 = arith.select %lt3A_6209, %broadcast_in_dim3A_6212, %select_n3A_6198 : vector<16xi1>, vector<16xi32>
    %sub3A_6214 = arith.constant 2.65102935 : f32
    %sub3A_6215 = vector.broadcast %sub3A_6214 : f32 to vector<16xf32>
    %sub3A_6216 = arith.subf %get3A_4843, %sub3A_6215 : vector<16xf32>
    %abs3A_6217 = math.absf %sub3A_6216 : vector<16xf32>
    %eq3A_6218 = arith.constant 40 : i32
    %eq3A_6219 = vector.broadcast %eq3A_6218 : i32 to vector<16xi32>
    %eq3A_6220 = arith.cmpi eq, %add3A_4835, %eq3A_6219 : vector<16xi32>
    %jit3A_6221 = arith.constant 3.000000e+08 : f32
    %broadcast_in_dim3A_6222 = vector.broadcast %jit3A_6221 : f32 to vector<16xf32>
    %select_n3A_6223 = arith.select %eq3A_6220, %broadcast_in_dim3A_6222, %abs3A_6217 : vector<16xi1>, vector<16xf32>
    %lt3A_6224 = arith.cmpf olt, %select_n3A_6223, %select_n3A_6210 : vector<16xf32>
    %select_n3A_6225 = arith.select %lt3A_6224, %select_n3A_6223, %select_n3A_6210 : vector<16xi1>, vector<16xf32>
    %jit3A_6226 = arith.constant 40 : i32
    %broadcast_in_dim3A_6227 = vector.broadcast %jit3A_6226 : i32 to vector<16xi32>
    %select_n3A_6228 = arith.select %lt3A_6224, %broadcast_in_dim3A_6227, %select_n3A_6213 : vector<16xi1>, vector<16xi32>
    %sub3A_6229 = arith.constant 0.60257715 : f32
    %sub3A_6230 = vector.broadcast %sub3A_6229 : f32 to vector<16xf32>
    %sub3A_6231 = arith.subf %get3A_4843, %sub3A_6230 : vector<16xf32>
    %abs3A_6232 = math.absf %sub3A_6231 : vector<16xf32>
    %eq3A_6233 = arith.constant 41 : i32
    %eq3A_6234 = vector.broadcast %eq3A_6233 : i32 to vector<16xi32>
    %eq3A_6235 = arith.cmpi eq, %add3A_4835, %eq3A_6234 : vector<16xi32>
    %jit3A_6236 = arith.constant 3.000000e+08 : f32
    %broadcast_in_dim3A_6237 = vector.broadcast %jit3A_6236 : f32 to vector<16xf32>
    %select_n3A_6238 = arith.select %eq3A_6235, %broadcast_in_dim3A_6237, %abs3A_6232 : vector<16xi1>, vector<16xf32>
    %lt3A_6239 = arith.cmpf olt, %select_n3A_6238, %select_n3A_6225 : vector<16xf32>
    %select_n3A_6240 = arith.select %lt3A_6239, %select_n3A_6238, %select_n3A_6225 : vector<16xi1>, vector<16xf32>
    %jit3A_6241 = arith.constant 41 : i32
    %broadcast_in_dim3A_6242 = vector.broadcast %jit3A_6241 : i32 to vector<16xi32>
    %select_n3A_6243 = arith.select %lt3A_6239, %broadcast_in_dim3A_6242, %select_n3A_6228 : vector<16xi1>, vector<16xi32>
    %sub3A_6244 = arith.constant 1.30795157 : f32
    %sub3A_6245 = vector.broadcast %sub3A_6244 : f32 to vector<16xf32>
    %sub3A_6246 = arith.subf %get3A_4843, %sub3A_6245 : vector<16xf32>
    %abs3A_6247 = math.absf %sub3A_6246 : vector<16xf32>
    %eq3A_6248 = arith.constant 42 : i32
    %eq3A_6249 = vector.broadcast %eq3A_6248 : i32 to vector<16xi32>
    %eq3A_6250 = arith.cmpi eq, %add3A_4835, %eq3A_6249 : vector<16xi32>
    %jit3A_6251 = arith.constant 3.000000e+08 : f32
    %broadcast_in_dim3A_6252 = vector.broadcast %jit3A_6251 : f32 to vector<16xf32>
    %select_n3A_6253 = arith.select %eq3A_6250, %broadcast_in_dim3A_6252, %abs3A_6247 : vector<16xi1>, vector<16xf32>
    %lt3A_6254 = arith.cmpf olt, %select_n3A_6253, %select_n3A_6240 : vector<16xf32>
    %select_n3A_6255 = arith.select %lt3A_6254, %select_n3A_6253, %select_n3A_6240 : vector<16xi1>, vector<16xf32>
    %jit3A_6256 = arith.constant 42 : i32
    %broadcast_in_dim3A_6257 = vector.broadcast %jit3A_6256 : i32 to vector<16xi32>
    %select_n3A_6258 = arith.select %lt3A_6254, %broadcast_in_dim3A_6257, %select_n3A_6243 : vector<16xi1>, vector<16xi32>
    %sub3A_6259 = arith.constant 1.82871604 : f32
    %sub3A_6260 = vector.broadcast %sub3A_6259 : f32 to vector<16xf32>
    %sub3A_6261 = arith.subf %get3A_4843, %sub3A_6260 : vector<16xf32>
    %abs3A_6262 = math.absf %sub3A_6261 : vector<16xf32>
    %eq3A_6263 = arith.constant 43 : i32
    %eq3A_6264 = vector.broadcast %eq3A_6263 : i32 to vector<16xi32>
    %eq3A_6265 = arith.cmpi eq, %add3A_4835, %eq3A_6264 : vector<16xi32>
    %jit3A_6266 = arith.constant 3.000000e+08 : f32
    %broadcast_in_dim3A_6267 = vector.broadcast %jit3A_6266 : f32 to vector<16xf32>
    %select_n3A_6268 = arith.select %eq3A_6265, %broadcast_in_dim3A_6267, %abs3A_6262 : vector<16xi1>, vector<16xf32>
    %lt3A_6269 = arith.cmpf olt, %select_n3A_6268, %select_n3A_6255 : vector<16xf32>
    %select_n3A_6270 = arith.select %lt3A_6269, %select_n3A_6268, %select_n3A_6255 : vector<16xi1>, vector<16xf32>
    %jit3A_6271 = arith.constant 43 : i32
    %broadcast_in_dim3A_6272 = vector.broadcast %jit3A_6271 : i32 to vector<16xi32>
    %select_n3A_6273 = arith.select %lt3A_6269, %broadcast_in_dim3A_6272, %select_n3A_6258 : vector<16xi1>, vector<16xi32>
    %sub3A_6274 = arith.constant 2.43090653 : f32
    %sub3A_6275 = vector.broadcast %sub3A_6274 : f32 to vector<16xf32>
    %sub3A_6276 = arith.subf %get3A_4843, %sub3A_6275 : vector<16xf32>
    %abs3A_6277 = math.absf %sub3A_6276 : vector<16xf32>
    %eq3A_6278 = arith.constant 44 : i32
    %eq3A_6279 = vector.broadcast %eq3A_6278 : i32 to vector<16xi32>
    %eq3A_6280 = arith.cmpi eq, %add3A_4835, %eq3A_6279 : vector<16xi32>
    %jit3A_6281 = arith.constant 3.000000e+08 : f32
    %broadcast_in_dim3A_6282 = vector.broadcast %jit3A_6281 : f32 to vector<16xf32>
    %select_n3A_6283 = arith.select %eq3A_6280, %broadcast_in_dim3A_6282, %abs3A_6277 : vector<16xi1>, vector<16xf32>
    %lt3A_6284 = arith.cmpf olt, %select_n3A_6283, %select_n3A_6270 : vector<16xf32>
    %select_n3A_6285 = arith.select %lt3A_6284, %select_n3A_6283, %select_n3A_6270 : vector<16xi1>, vector<16xf32>
    %jit3A_6286 = arith.constant 44 : i32
    %broadcast_in_dim3A_6287 = vector.broadcast %jit3A_6286 : i32 to vector<16xi32>
    %select_n3A_6288 = arith.select %lt3A_6284, %broadcast_in_dim3A_6287, %select_n3A_6273 : vector<16xi1>, vector<16xi32>
    %sub3A_6289 = arith.constant 2.8050077 : f32
    %sub3A_6290 = vector.broadcast %sub3A_6289 : f32 to vector<16xf32>
    %sub3A_6291 = arith.subf %get3A_4843, %sub3A_6290 : vector<16xf32>
    %abs3A_6292 = math.absf %sub3A_6291 : vector<16xf32>
    %eq3A_6293 = arith.constant 45 : i32
    %eq3A_6294 = vector.broadcast %eq3A_6293 : i32 to vector<16xi32>
    %eq3A_6295 = arith.cmpi eq, %add3A_4835, %eq3A_6294 : vector<16xi32>
    %jit3A_6296 = arith.constant 3.000000e+08 : f32
    %broadcast_in_dim3A_6297 = vector.broadcast %jit3A_6296 : f32 to vector<16xf32>
    %select_n3A_6298 = arith.select %eq3A_6295, %broadcast_in_dim3A_6297, %abs3A_6292 : vector<16xi1>, vector<16xf32>
    %lt3A_6299 = arith.cmpf olt, %select_n3A_6298, %select_n3A_6285 : vector<16xf32>
    %select_n3A_6300 = arith.select %lt3A_6299, %select_n3A_6298, %select_n3A_6285 : vector<16xi1>, vector<16xf32>
    %jit3A_6301 = arith.constant 45 : i32
    %broadcast_in_dim3A_6302 = vector.broadcast %jit3A_6301 : i32 to vector<16xi32>
    %select_n3A_6303 = arith.select %lt3A_6299, %broadcast_in_dim3A_6302, %select_n3A_6288 : vector<16xi1>, vector<16xi32>
    %sub3A_6304 = arith.constant 2.25249028 : f32
    %sub3A_6305 = vector.broadcast %sub3A_6304 : f32 to vector<16xf32>
    %sub3A_6306 = arith.subf %get3A_4843, %sub3A_6305 : vector<16xf32>
    %abs3A_6307 = math.absf %sub3A_6306 : vector<16xf32>
    %eq3A_6308 = arith.constant 46 : i32
    %eq3A_6309 = vector.broadcast %eq3A_6308 : i32 to vector<16xi32>
    %eq3A_6310 = arith.cmpi eq, %add3A_4835, %eq3A_6309 : vector<16xi32>
    %jit3A_6311 = arith.constant 3.000000e+08 : f32
    %broadcast_in_dim3A_6312 = vector.broadcast %jit3A_6311 : f32 to vector<16xf32>
    %select_n3A_6313 = arith.select %eq3A_6310, %broadcast_in_dim3A_6312, %abs3A_6307 : vector<16xi1>, vector<16xf32>
    %lt3A_6314 = arith.cmpf olt, %select_n3A_6313, %select_n3A_6300 : vector<16xf32>
    %select_n3A_6315 = arith.select %lt3A_6314, %select_n3A_6313, %select_n3A_6300 : vector<16xi1>, vector<16xf32>
    %jit3A_6316 = arith.constant 46 : i32
    %broadcast_in_dim3A_6317 = vector.broadcast %jit3A_6316 : i32 to vector<16xi32>
    %select_n3A_6318 = arith.select %lt3A_6314, %broadcast_in_dim3A_6317, %select_n3A_6303 : vector<16xi1>, vector<16xi32>
    %sub3A_6319 = arith.constant 0.109302051 : f32
    %sub3A_6320 = vector.broadcast %sub3A_6319 : f32 to vector<16xf32>
    %sub3A_6321 = arith.subf %get3A_4843, %sub3A_6320 : vector<16xf32>
    %abs3A_6322 = math.absf %sub3A_6321 : vector<16xf32>
    %eq3A_6323 = arith.constant 47 : i32
    %eq3A_6324 = vector.broadcast %eq3A_6323 : i32 to vector<16xi32>
    %eq3A_6325 = arith.cmpi eq, %add3A_4835, %eq3A_6324 : vector<16xi32>
    %jit3A_6326 = arith.constant 3.000000e+08 : f32
    %broadcast_in_dim3A_6327 = vector.broadcast %jit3A_6326 : f32 to vector<16xf32>
    %select_n3A_6328 = arith.select %eq3A_6325, %broadcast_in_dim3A_6327, %abs3A_6322 : vector<16xi1>, vector<16xf32>
    %lt3A_6329 = arith.cmpf olt, %select_n3A_6328, %select_n3A_6315 : vector<16xf32>
    %select_n3A_6330 = arith.select %lt3A_6329, %select_n3A_6328, %select_n3A_6315 : vector<16xi1>, vector<16xf32>
    %jit3A_6331 = arith.constant 47 : i32
    %broadcast_in_dim3A_6332 = vector.broadcast %jit3A_6331 : i32 to vector<16xi32>
    %select_n3A_6333 = arith.select %lt3A_6329, %broadcast_in_dim3A_6332, %select_n3A_6318 : vector<16xi1>, vector<16xi32>
    %sub3A_6334 = arith.constant 2.41320539 : f32
    %sub3A_6335 = vector.broadcast %sub3A_6334 : f32 to vector<16xf32>
    %sub3A_6336 = arith.subf %get3A_4843, %sub3A_6335 : vector<16xf32>
    %abs3A_6337 = math.absf %sub3A_6336 : vector<16xf32>
    %eq3A_6338 = arith.constant 48 : i32
    %eq3A_6339 = vector.broadcast %eq3A_6338 : i32 to vector<16xi32>
    %eq3A_6340 = arith.cmpi eq, %add3A_4835, %eq3A_6339 : vector<16xi32>
    %jit3A_6341 = arith.constant 3.000000e+08 : f32
    %broadcast_in_dim3A_6342 = vector.broadcast %jit3A_6341 : f32 to vector<16xf32>
    %select_n3A_6343 = arith.select %eq3A_6340, %broadcast_in_dim3A_6342, %abs3A_6337 : vector<16xi1>, vector<16xf32>
    %lt3A_6344 = arith.cmpf olt, %select_n3A_6343, %select_n3A_6330 : vector<16xf32>
    %select_n3A_6345 = arith.select %lt3A_6344, %select_n3A_6343, %select_n3A_6330 : vector<16xi1>, vector<16xf32>
    %jit3A_6346 = arith.constant 48 : i32
    %broadcast_in_dim3A_6347 = vector.broadcast %jit3A_6346 : i32 to vector<16xi32>
    %select_n3A_6348 = arith.select %lt3A_6344, %broadcast_in_dim3A_6347, %select_n3A_6333 : vector<16xi1>, vector<16xi32>
    %sub3A_6349 = arith.constant 2.9543035 : f32
    %sub3A_6350 = vector.broadcast %sub3A_6349 : f32 to vector<16xf32>
    %sub3A_6351 = arith.subf %get3A_4843, %sub3A_6350 : vector<16xf32>
    %abs3A_6352 = math.absf %sub3A_6351 : vector<16xf32>
    %eq3A_6353 = arith.constant 49 : i32
    %eq3A_6354 = vector.broadcast %eq3A_6353 : i32 to vector<16xi32>
    %eq3A_6355 = arith.cmpi eq, %add3A_4835, %eq3A_6354 : vector<16xi32>
    %jit3A_6356 = arith.constant 3.000000e+08 : f32
    %broadcast_in_dim3A_6357 = vector.broadcast %jit3A_6356 : f32 to vector<16xf32>
    %select_n3A_6358 = arith.select %eq3A_6355, %broadcast_in_dim3A_6357, %abs3A_6352 : vector<16xi1>, vector<16xf32>
    %lt3A_6359 = arith.cmpf olt, %select_n3A_6358, %select_n3A_6345 : vector<16xf32>
    %select_n3A_6360 = arith.select %lt3A_6359, %select_n3A_6358, %select_n3A_6345 : vector<16xi1>, vector<16xf32>
    %jit3A_6361 = arith.constant 49 : i32
    %broadcast_in_dim3A_6362 = vector.broadcast %jit3A_6361 : i32 to vector<16xi32>
    %select_n3A_6363 = arith.select %lt3A_6359, %broadcast_in_dim3A_6362, %select_n3A_6348 : vector<16xi1>, vector<16xi32>
    %broadcast_in_dim3A_6364 = arith.constant 1 : i32
    %broadcast_in_dim3A_6365 = vector.broadcast %broadcast_in_dim3A_6364 : i32 to vector<16xi32>
    %gather3A_6366 = tpu.vector_load_idx %arg6[%broadcast_in_dim3A_6365, %select_n3A_6363] : memref<8x64xf32, #tpu.memory_space<vmem>>[vector<16xi32>, vector<16xi32>], vector<16xf32>,
    %gather3A_6367 = tpu.vector_load_idx %arg10[%select_n3A_6363] : memref<64xf32, #tpu.memory_space<vmem>>[vector<16xi32>], vector<16xf32>,
    %sub3A_6368 = arith.subf %get3A_4847, %gather3A_6367 : vector<16xf32>
    %sub3A_6369 = arith.subf %get3A_4843, %gather3A_6366 : vector<16xf32>
    %add3A_6370 = arith.constant 9.99999993E-9 : f32
    %add3A_6371 = vector.broadcast %add3A_6370 : f32 to vector<16xf32>
    %add3A_6372 = arith.addf %sub3A_6369, %add3A_6371 : vector<16xf32>
    %div3A_6373 = arith.divf %sub3A_6368, %add3A_6372 : vector<16xf32>
    %add3A_6374 = arith.addf %div3A_5609, %div3A_6373 : vector<16xf32>
    %jit3A_6375 = arith.constant -2.000000e+02 : f32
    %jit3A_6376 = arith.constant 2.000000e+02 : f32
    %max3A_6377 = vector.broadcast %jit3A_6375 : f32 to vector<16xf32>
    %max3A_6378 = arith.maximumf %max3A_6377, %add3A_6374 : vector<16xf32>
    %min3A_6379 = vector.broadcast %jit3A_6376 : f32 to vector<16xf32>
    %min3A_6380 = arith.minimumf %min3A_6379, %max3A_6378 : vector<16xf32>
    %get3A_6381 = arith.constant 4 : i32
    %get3A_6382 = arith.index_cast %get3A_6381 : i32 to index
    %get3A_6383 = arith.constant 48 : index
    %get3A_6384 = tpu.vector_load %arg6[%get3A_6382, %get3A_6383] {strides = array<i32>} : memref<8x64xf32, #tpu.memory_space<vmem>>, vector<16xf32>,
    %sub3A_6385 = arith.subf %get3A_6384, %min3A_6380 : vector<16xf32>
    %lt3A_6386 = arith.constant 50 : i32
    %lt3A_6387 = vector.broadcast %lt3A_6386 : i32 to vector<16xi32>
    %lt3A_6388 = arith.cmpi slt, %add3A_4835, %lt3A_6387 : vector<16xi32>
    %jit3A_6389 = arith.constant 0.000000e+00 : f32
    %broadcast_in_dim3A_6390 = vector.broadcast %jit3A_6389 : f32 to vector<16xf32>
    %select_n3A_6391 = arith.select %lt3A_6388, %sub3A_6385, %broadcast_in_dim3A_6390 : vector<16xi1>, vector<16xf32>
    %mul3A_6392 = arith.mulf %select_n3A_6391, %select_n3A_6391 : vector<16xf32>
    %add3A_6393 = arith.addf %add3A_4831, %mul3A_6392 : vector<16xf32>
    %reduce_sum3A = arith.constant true
    %reduce_sum3A_6394 = vector.broadcast %reduce_sum3A : i1 to vector<16xi1>
    %reduce_sum3A_6395 = tpu.scan <sum>, %add3A_6393 masked %reduce_sum3A_6394 : vector<16xf32>, vector<16xi1> -> vector<16xf32>
    %reduce_sum3A_6396 = vector.extract %reduce_sum3A_6395[15] : f32 from vector<16xf32>
    %mul3A_6397 = arith.constant 5.000000e-01 : f32
    %mul3A_6398 = arith.mulf %mul3A_6397, %reduce_sum3A_6396 : f32
    %dma_wait3A = arith.constant 0 : i32
    %dma_wait3A_6399 = arith.constant 0 : i32
    %dma_wait3A_6400 = tpu.memref_slice %arg5[%dma_wait3A, %dma_wait3A_6399] : memref<512x100xf32, #tpu.memory_space<vmem>> -> memref<8x100xf32, #tpu.memory_space<vmem>>
    %dma_wait3A_6401 = arith.constant 0 : i32
    %dma_wait3A_6402 = tpu.memref_slice %arg2[%mul3A_2, %dma_wait3A_6401] : memref<16384x100xf32, #tpu.memory_space<hbm>> -> memref<8x100xf32, #tpu.memory_space<hbm>>
    %dma_wait3A_6403 = arith.constant 0 : i32
    %dma_wait3A_6404 = arith.constant 0 : i32
    %dma_wait3A_6405 = tpu.memref_slice %arg5[%dma_wait3A_6403, %dma_wait3A_6404] : memref<512x100xf32, #tpu.memory_space<vmem>> -> memref<8x100xf32, #tpu.memory_space<vmem>>
    %dma_wait3A_6406 = arith.constant 0 : i32
    %dma_wait3A_6407 = tpu.memref_slice %arg2[%mul3A_2, %dma_wait3A_6406] : memref<16384x100xf32, #tpu.memory_space<hbm>> -> memref<8x100xf32, #tpu.memory_space<hbm>>
    tpu.wait_dma2 semaphore(%arg11 : memref<!tpu.dma_semaphore, #tpu.memory_space<semaphore_mem>>) src(%dma_wait3A_6407 : memref<8x100xf32, #tpu.memory_space<hbm>>) dst(%dma_wait3A_6405 : memref<8x100xf32, #tpu.memory_space<vmem>>)
    %broadcast_in_dim3A_6408 = arith.constant 0.000000e+00 : f32
    %broadcast_in_dim3A_6409 = vector.broadcast %broadcast_in_dim3A_6408 : f32 to vector<16xf32>
    %swap3A_6410 = arith.constant 0 : index
    %swap3A_6411 = tpu.vector_load %arg8[%swap3A_6410] {strides = array<i32>} : memref<512xf32, #tpu.memory_space<vmem>>, vector<16xf32>,
    tpu.vector_store %arg8[%swap3A_6410], %broadcast_in_dim3A_6409 {strides = array<i32>} : memref<512xf32, #tpu.memory_space<vmem>>, vector<16xf32>,
    "tpu.region"() ({
      %run_scoped3A = tpu.sem_alloc : memref<!tpu.dma_semaphore, #tpu.memory_space<semaphore_mem>>
      %dma_start3A_6412 = tpu.memref_slice %arg4[%mul3A_2] : memref<16384xf32, #tpu.memory_space<hbm>> -> memref<512xf32, #tpu.memory_space<hbm>>
      %dma_start3A_6413 = tpu.memref_slice %arg4[%mul3A_2] : memref<16384xf32, #tpu.memory_space<hbm>> -> memref<512xf32, #tpu.memory_space<hbm>>
      tpu.enqueue_dma source(%arg8 : memref<512xf32, #tpu.memory_space<vmem>>) target(%dma_start3A_6413 : memref<512xf32, #tpu.memory_space<hbm>>) target_semaphore(%run_scoped3A : memref<!tpu.dma_semaphore, #tpu.memory_space<semaphore_mem>>)
      %dma_wait3A_6414 = tpu.memref_slice %arg4[%mul3A_2] : memref<16384xf32, #tpu.memory_space<hbm>> -> memref<512xf32, #tpu.memory_space<hbm>>
      %dma_wait3A_6415 = tpu.memref_slice %arg4[%mul3A_2] : memref<16384xf32, #tpu.memory_space<hbm>> -> memref<512xf32, #tpu.memory_space<hbm>>
      tpu.wait_dma2 semaphore(%run_scoped3A : memref<!tpu.dma_semaphore, #tpu.memory_space<semaphore_mem>>) src(%arg8 : memref<512xf32, #tpu.memory_space<vmem>>) dst(%dma_wait3A_6415 : memref<512xf32, #tpu.memory_space<hbm>>)
      tpu.yield
    }) : () -> ()
    return
  }
}

</mosaic_0001>

<sc_bundles>
// kernel: kernel.3.cloned.1.call-start
scs
__scs_entry_jumppad:
0x0: {  	(pc) =	sbr.rel $0x88, $3  }
0x1: {  	(tag) =	ssettag $0x0;
	lr =	simm.s32 $0x1  }
0x2: {  	[smem:$0x3FA0] =	sst lr;
	_ =	strace $0xD0000000  }
0x3: {  	_ = 	snop  }
0x4: {  	_ = 	snop  }
0x5: {  	_ = 	snop  }
0x6: {  	_ = 	snop  }
0x7: {  	_ = 	snop  }
__scs_overlays_trampoline_lowered:
0x8: {  	[smem:$0x3FAF] =	sst s0  }
0x9: {  	[smem:$0x3FB0] =	sst s1  }
0xa: {  	[smem:$0x3FB1] =	sst s2  }
0xb: {  	[smem:$0x3FB2] =	sst s3  }
0xc: {  	[smem:$0x3FB3] =	sst s4  }
0xd: {  	[smem:$0x3FB4] =	sst s5  }
0xe: {  	[smem:$0x3FB5] =	sst s6  }
0xf: {  	[smem:$0x3FB6] =	sst s7  }
0x10: {  	[smem:$0x3FB7] =	sst s8  }
0x11: {  	[smem:$0x3FB8] =	sst s9;
	s0 =	simm.s32 @!p0 $0x0  }
0x12: {  	s1 =	sld [smem:$0x3F9E];
	s0 =	simm.s32 @p0 $0x1  }
0x13: {  	[smem:$0x3FB9] =	sst s0;
	s0 =	simm.s32 @!p1 $0x0  }
0x14: {  	s2 =	sld [smem:$0x3F9D];
	s0 =	simm.s32 @p1 $0x1  }
0x15: {  	[smem:$0x3FBA] =	sst s0;
	s0 =	simm.s32 @!p2 $0x0  }
0x16: {  	s3 =	sld [smem:$0x3FDB];
	s0 =	simm.s32 @p2 $0x1  }
0x17: {  	s4 =	simm.s32 $0x1BF5;
	[smem:$0x3FBC] =	sst s0  }
0x18: {  	s0 =	sld [smem:$0x3F9F];
	_ =	swait.ge [sflag:s4], $0x0  }
0x19: {  	s7 =	sld [smem:$0x3FA0]  }
0x1a: {  	s8 =	sadd.s32 $0xFFFFE003, lr  }
0x1b: {  	s9 =	sadd.s32 $0xFFFFFEF7, lr;
	s5 =	simm.s32 $0xFFFFFFFF;
	p2 =	slt.u32 s8, $0xFFFFF086  }
0x1c: {  	p1 =	slt.u32 s9, $0xF7A;
	s5 =	simm.s32 @!p2 $0x0  }
0x1d: {  	s5 =	simm.s32 @p1 $0x1;
	p0 =	seq.s32 s7, s2  }
0x1e: {  	s7 =	smul.u32 @!p0 $0xF7A, s2;
	p2 =	seq.s32 @!p0 s5, $0x0  }
0x1f: {  	s9 =	smul.u32 $0xF7A, s1;
	s8 =	simm.s32 @!p0 $0x1BF5;
	p2 =	por !p2, p0  }
0x20: {  	[sflag:s8] =	ssyncset.s32 @!p0 $0xFFFFF086;
	s6 =	sadd.s32 @!p0 s3, s7;
	s7 =	simm.s32 @!p0 $0x108  }
0x21: {  	s3 =	sadd.s32 s3, s9;
	s6 =	sadd.s32 @!p0 $0x88, s6;
	s7 =	simm.s32 @p2 $0x1082  }
0x22: {  	[simem:s7], [sflag:s8] =	dma.local @!p0 [hbm:s6], $0xF7A  }
0x23: {  	s9 =	sor.u32 $0xD0000000, s2;
	s6 =	simm.s32 $0x108;
	_ =	swait.ge @!p0 [sflag:s8], $0x0  }
0x24: {  	s3 =	sadd.s32 $0x88, s3;
	s6 =	simm.s32 @!p1 $0x1082;
	[sflag:s4] =	ssyncset.s32 $0xFFFFF086  }
0x25: {  	[simem:s6], [sflag:s4] =	dma.local [hbm:s3], $0xF7A  }
0x26: {  	[smem:$0x3FA0] =	sst s1;
	(tag) =	ssettag s2;
	_ =	strace s9  }
0x27: {  	s1 =	sld [smem:$0x3FB0]  }
0x28: {  	s2 =	sld [smem:$0x3FB1]  }
0x29: {  	s4 =	sld [smem:$0x3FB3]  }
0x2a: {  	p0 =	seq.s32 s5, $0x0;
	s5 =	sld [smem:$0x3FB4]  }
0x2b: {  	s6 =	sld [smem:$0x3FB5]  }
0x2c: {  	s7 =	sld [smem:$0x3FB6]  }
0x2d: {  	s3 =	simm.s32 $0x108;
	s8 =	sld [smem:$0x3FB7]  }
0x2e: {  	s3 =	simm.s32 @!p0 $0x1082;
	s9 =	sld [smem:$0x3FB8]  }
0x2f: {  	lr =	sadd.s32 s0, s3;
	s0 =	sld [smem:$0x3FAF]  }
0x30: {  	s3 =	sld [smem:$0x3FB2]  }
0x31: {  	[smem:$0x3FBB] =	sst s10  }
0x32: {  	s10 =	sld [smem:$0x3FB9];
	_ =	sdelay $0x3  }
0x33: {  	p0 =	seq.s32 s10, $0x1;
	s10 =	sld [smem:$0x3FBB];
	_ =	sdelay $0x3  }
0x34: {  	[smem:$0x3FBB] =	sst s10  }
0x35: {  	s10 =	sld [smem:$0x3FBA];
	_ =	sdelay $0x3  }
0x36: {  	p1 =	seq.s32 s10, $0x1;
	s10 =	sld [smem:$0x3FBB];
	_ =	sdelay $0x3  }
0x37: {  	[smem:$0x3FBB] =	sst s10  }
0x38: {  	s10 =	sld [smem:$0x3FBC]  }
0x39: {  	_ = 	snop;
	(pc) =	sbr.ind lr, $3  }
0x3a: {  	_ = 	snop  }
0x3b: {  	_ = 	snop  }
0x3c: {  	p2 =	seq.s32 s10, $0x1;
	s10 =	sld [smem:$0x3FBB]  }
0x3d: {  	_ =	shalt  }
0x3e: {  	_ =	shalt  }
0x3f: {  	_ =	shalt  }
0x40: {  	_ =	shalt  }
0x41: {  	_ =	shalt  }
0x42: {  	_ =	shalt  }
0x43: {  	_ =	shalt  }
0x44: {  	_ =	shalt  }
0x45: {  	_ =	shalt  }
0x46: {  	_ =	shalt  }
0x47: {  	_ =	shalt  }
0x48: {  	_ =	shalt  }
0x49: {  	_ =	shalt  }
0x4a: {  	_ =	shalt  }
0x4b: {  	_ =	shalt  }
0x4c: {  	_ =	shalt  }
0x4d: {  	_ =	shalt  }
0x4e: {  	_ =	shalt  }
0x4f: {  	_ =	shalt  }
0x50: {  	_ =	shalt  }
0x51: {  	_ =	shalt  }
0x52: {  	_ =	shalt  }
0x53: {  	_ =	shalt  }
0x54: {  	_ =	shalt  }
0x55: {  	_ =	shalt  }
0x56: {  	_ =	shalt  }
0x57: {  	_ =	shalt  }
0x58: {  	_ =	shalt  }
0x59: {  	_ =	shalt  }
0x5a: {  	_ =	shalt  }
0x5b: {  	_ =	shalt  }
0x5c: {  	_ =	shalt  }
0x5d: {  	_ =	shalt  }
0x5e: {  	_ =	shalt  }
0x5f: {  	_ =	shalt  }
0x60: {  	_ =	shalt  }
0x61: {  	_ =	shalt  }
0x62: {  	_ =	shalt  }
0x63: {  	_ =	shalt  }
0x64: {  	_ =	shalt  }
0x65: {  	_ =	shalt  }
0x66: {  	_ =	shalt  }
0x67: {  	_ =	shalt  }
0x68: {  	_ =	shalt  }
0x69: {  	_ =	shalt  }
0x6a: {  	_ =	shalt  }
0x6b: {  	_ =	shalt  }
0x6c: {  	_ =	shalt  }
0x6d: {  	_ =	shalt  }
0x6e: {  	_ =	shalt  }
0x6f: {  	_ =	shalt  }
0x70: {  	_ =	shalt  }
0x71: {  	_ =	shalt  }
0x72: {  	_ =	shalt  }
0x73: {  	_ =	shalt  }
0x74: {  	_ =	shalt  }
0x75: {  	_ =	shalt  }
0x76: {  	_ =	shalt  }
0x77: {  	_ =	shalt  }
0x78: {  	_ =	shalt  }
0x79: {  	_ =	shalt  }
0x7a: {  	_ =	shalt  }
0x7b: {  	_ =	shalt  }
0x7c: {  	_ =	shalt  }
0x7d: {  	_ =	shalt  }
0x7e: {  	_ =	shalt  }
0x7f: {  	_ =	shalt  }
0x80: {  	_ =	shalt  }
0x81: {  	_ =	shalt  }
0x82: {  	_ =	shalt  }
0x83: {  	_ =	shalt  }
0x84: {  	_ =	shalt  }
0x85: {  	_ =	shalt  }
0x86: {  	_ =	shalt  }
0x87: {  	_ =	shalt  }
.Lfunc_end0:
.L_simem_size_0:
called_computation_lowered:
.L_overlay_start_0:
0x88: {  	s2 =	sld [smem:$0x3FD9]  }
0x89: {  	s3 =	sld [smem:$0x3FFE];
	_ =	sdelay $0x1  }
0x8a: {  	s1 =	srdreg.scid  }
0x8b: {  	s0 =	sand.u32 $0x1, s1  }
0x8c: {  	s17 =	sshll.u32 s0, $0xA;
	s2 =	sadd.s32 s3, s2  }
0x8d: {  	s2 =	sadd.s32 s2, s17  }
0x8e: {  	[smem:$0x3FC7] =	sst s2  }
0x8f: {  	_ = 	snop  }
0x90: {  	s2 =	sld [smem:$0x3FD0];
	(tm) =	ssettm $0x1  }
0x91: {  	s18 =	sld [smem:$0x3FFB];
	_ =	sdelay $0x3  }
0x92: {  	_ =	strace s18  }
0x93: {  	s3 =	sld [smem:$0x3FFC];
	_ =	sdelay $0x3  }
0x94: {  	_ =	strace s3  }
0x95: {  	s3 =	sld [smem:$0x3FFD];
	_ =	sdelay $0x3  }
0x96: {  	_ =	strace s3  }
0x97: {  	_ =	strace $0x8FFFFFFF  }
0x98: {  	s19 =	sld [smem:$0x3FDB];
	_ =	sdelay $0x1  }
0x99: {  	s4 =	simm.s32 $_scs_section_size  }
0x9a: {  	s5 =	simm.s32 $_size__tile_overlayer_lowered;
	s6 =	simm.s32 $_tile_overlayer_lowered  }
0x9b: {  	s22 =	simm.s32 $0x1BFF;
	s21 =	sshll.u32 s6, $0x1;
	s3 =	sadd.s32 s4, s19  }
0x9c: {  	s7 =	simm.s32 $0x0;
	s20 =	sshll.u32 s5, $0x1;
	s5 =	sadd.s32 s21, s3  }
0x9d: {  	[timem:s7], [sflag:s22] =	dma.local [hbm:s5], s20  }
0x9e: {  	_ =	swait.ge [sflag:s22], s20  }
0x9f: {  	s4 =	ssub.s32 $0x0, s20;
	[sflag:s22] =	ssyncset.done $0x0  }
0xa0: {  	[sflag:s22] =	ssyncadd.s32 s4;
	_ =	sdelay $0x1  }
0xa1: {  	s23 =	simm.s32 $0x1B8B  }
0xa2: {  	_ =	swait.ge [sflag:s23], $0x1  }
0xa3: {  	[sflag:s23] =	ssyncset.done $0x0  }
0xa4: {  	s25 =	simm.s32 $0x1B8E;
	s24 =	sld [smem:$0x3FFE];
	[sflag:s23] =	ssyncadd.s32 $0xFFFFFFFF  }
0xa5: {  	s26 =	simm.s32 $execute0_lowered;
	[smem:$0x3FD2] =	sst s25  }
0xa6: {  	s5 =	sshll.u32 s26, $0x1;
	_ =	strace $0x80000046;
	[dreg:$0x1] =	wrdreg $0xFFFFFFFF  }
0xa7: {  	s28 =	simm.s32 $_size_execute0_lowered;
	s3 =	sadd.s32 s3, s5;
	[dreg:$0x0] =	wrdreg $0x0  }
0xa8: {  	s5 =	sshll.u32 s28, $0x1;
	[dreg:$0x2] =	wrdreg s3  }
0xa9: {  	[dreg:$0x3] =	wrdreg s5  }
0xaa: {  	[dreg:$0x4] =	wrdreg $0xC0  }
0xab: {  	_ =	task [dreg:s7], $0x5FFFF  }
0xac: {  	[dreg:$0x1] =	wrdreg $0xFFFFFFFF  }
0xad: {  	[dreg:$0x0] =	wrdreg $0x60  }
0xae: {  	[dreg:$0x2] =	wrdreg s24  }
0xaf: {  	[dreg:$0x3] =	wrdreg s2  }
0xb0: {  	[dreg:$0x4] =	wrdreg $0x9  }
0xb1: {  	_ =	task.clear_ibuf [dreg:s7], $0x5FFFF;
	_ =	strace $0x90000046  }
0xb2: {  	s29 =	simm.s32 $0x9;
	_ =	strace $0x80000048  }
0xb3: {  	_ =	swait.ge [sflag:s29], $0x1  }
0xb4: {  	[sflag:s29] =	ssyncadd.s32 $0xFFFFFFFF  }
0xb5: {  	_ =	strace $0x90000048  }
0xb6: {  	_ =	sfence  }
0xb7: {  	s30 =	sld [smem:$0x0];
	_ =	sdelay $0x2  }
0xb8: {  	s31 =	sshll.u32 s1, $0xD;
	s1 =	sshrl.u32 s1, $0x2  }
0xb9: {  	s3 =	sand.u32 $0x4000, s31;
	s1 =	sadd.s32 s1, s30  }
0xba: {  	s0 =	sor.u32 s3, s0;
	s1 =	sshll.u32 s1, $0x11  }
0xbb: {  	s0 =	sor.u32 s1, s0  }
0xbc: {  	s0 =	sadd.s32 $0x8F2B, s0  }
0xbd: {  	[sflag:s0] =	ssyncadd.remote.s32 $0x1  }
0xbe: {  	_ =	sfence.sel $0xFFFF  }
0xbf: {  	[dreg:$0x0] =	wrdreg $0xFFFFFFFF;
	(pc) =	sbr.abs _section_cstart, $3  }
0xc0: {  	[dreg:$0x1] =	wrdreg $0xFFFFFFFF  }
0xc1: {  	_ =	task.clear_ibuf [dreg:s7], $0x2FFFF;
	_ =	strace $0x9FFFFFFF  }
0xc2: {  	(tm) =	ssettm $0x7FFFFFFF  }
0xc3: {  	_ =	shalt  }
tec
execute0_lowered:
.L_overlay_start_1:
0x0: {  	(tag) =	ssettag $0x1  }
0x1: {  	s2 =	rddreg [dreg:$0x0]  }
0x2: {  	s4 =	rddreg [dreg:$0x1]  }
0x3: {  	s0 =	rddreg [dreg:$0x2]  }
0x4: {  	s1 =	simm.s32 $0x0;
	s30 =	srdreg.scid;
	s9 =	simm.s32 $0x10000  }
0x5: {  	s3 =	simm.s32 $0x2;
	[smem:$0x7FF] =	sst s1;
	s7 =	sadd.s32 $0x600, s2  }
0x6: {  	s8 =	sadd.s32 $0x40600, s2;
	s5 =	sand.u32 $0x1, s30;
	s2 =	stileid.u32  }
0x7: {  	_ =	strace $0x80000047;
	s6 =	ssub.s32 $0x2, s5;
	s10 =	sshll.u32 s2, $0xA  }
0x8: {  	[tilespmem:s9], [sflag:$0x2] =	stream.linear.gather [hbm4b:s8+s1], $0x400, $0x38;
	[tilespmem:$0x10B00] =	vst v63  }
0x9: {  	s5 =	sshll.u32 s5, $0x9;
	s11 =	sshrl.u32 s6, $0x1;
	_ =	swait.ge [sflag:s3], $0x400  }
0xa: {  	s5 =	sor.u32 s5, s10;
	s6 =	ssub.s32 s6, s11;
	[sflag:s3] =	ssyncset.done $0x0  }
0xb: {  	s10 =	simm.s32 $0x10400;
	s31 =	smax.u32 s6, $0x1;
	[sflag:s3] =	ssyncadd.s32 $0xFFFFFC00  }
0xc: {  	[tilespmem:s10], [sflag:$0x2] =	stream.linear.gather [hbm4b:s7+s1], $0x400, $0x38;
	[tilespmem:$0x10B00] =	vst v63  }
0xd: {  	p0 =	sne.s32 s31, $0x1;
	_ =	swait.ge [sflag:s3], $0x400  }
.Ltmp0:
0xe: {  	s12 =	sshll.u32 s5, $0x4;
	[sflag:s3] =	ssyncset.done $0x0;
	(pc) =	sbr.rel @!p0 .LBB2_2-.Ltmp0, $4  }
0xf: {  	s5 =	sshrl.u32 s5, $0x3;
	s11 =	sadd.s32 s7, s12;
	[sflag:s3] =	ssyncadd.s32 $0xFFFFFC00  }
0x10: {  	[tilespmem:s1], [sflag:$0x1] =	stream.linear.gather [hbm4b:s11+s1], $0x400, $0x38;
	[tilespmem:$0x10B00] =	vst v63  }
0x11: {  	s4 =	sadd.s32 s4, s5;
	v1 =	vld [tilespmem:$0x10190]  }
0x12: {  	v0 =	vimm.f32 $0.0e+00;
	s5 =	simm.s32 $0x1;
	s6 =	simm.s32 $0x10800;
	s12 =	sadd.s32 $0xFFFFFFFF, s31;
	v2 =	vld [tilespmem:$0x10420]  }
.LBB2_1:
0x13: {  	p0 =	sne.s32 s12, $0x1;
	s12 =	sadd.s32 $0xFFFFFFFF, s12;
	v3 =	vld [tilespmem:$0x10110]  }
0x14: {  	v4 =	vld [tilespmem:$0x10410]  }
0x15: {  	v5 =	vld [tilespmem:$0x10430]  }
0x16: {  	v6 =	vld [tilespmem:$0x10120]  }
0x17: {  	v7 =	vld [tilespmem:$0x101A0]  }
0x18: {  	v8 =	vld [tilespmem:$0x10130]  }
0x19: {  	v4 =	vmax.f32 v4, $-1.000000000e+01;
	v9 =	vld [tilespmem:$0x101B0]  }
0x1a: {  	v10 =	vld [tilespmem:$0x10400];
	v4 =	vmin.f32 v4, $1.000000000e+01;
	v5 =	vmax.f32 v5, $-1.000000000e+01  }
0x1b: {  	v2 =	vmax.f32 v2, $-1.000000000e+01;
	v11 =	vld [tilespmem:$0x10100];
	v3 =	vmul.f32 v4, v3;
	v1 =	vmul.f32 v1, v4  }
0x1c: {  	v2 =	vmin.f32 v2, $1.000000000e+01;
	v5 =	vmin.f32 v5, $1.000000000e+01;
	v4 =	vld [tilespmem:$0x10180]  }
0x1d: {  	v6 =	vmul.f32 v2, v6;
	v2 =	vmul.f32 v7, v2;
	v1 =	vmax.f32 v1, $-1.000000000e+06  }
0x1e: {  	v3 =	vmax.f32 v3, $-1.000000000e+06;
	v7 =	vmul.f32 v5, v8;
	v5 =	vmul.f32 v9, v5  }
0x1f: {  	v6 =	vmax.f32 v6, $-1.000000000e+06;
	v3 =	vmin.f32 v3, $1.000000000e+06;
	v2 =	vmax.f32 v2, $-1.000000000e+06  }
0x20: {  	v8 =	vmax.f32 v10, $-1.000000000e+01;
	v2 =	vmin.f32 v2, $1.000000000e+06;
	[tilespmem:$0x10A10] =	vst v3;
	v3 =	vmin.f32 v6, $1.000000000e+06  }
0x21: {  	v6 =	vmin.f32 v8, $1.000000000e+01;
	v5 =	vmax.f32 v5, $-1.000000000e+06;
	[tilespmem:$0x10A20] =	vst v3;
	v3 =	vmax.f32 v7, $-1.000000000e+06  }
0x22: {  	v1 =	vmin.f32 v1, $1.000000000e+06;
	v7 =	vmul.f32 v6, v11;
	[tilespmem:$0x10AA0] =	vst v2;
	v2 =	vmin.f32 v5, $1.000000000e+06  }
0x23: {  	v4 =	vmul.f32 v4, v6;
	v3 =	vmin.f32 v3, $1.000000000e+06;
	[tilespmem:$0x10AB0] =	vst v2  }
0x24: {  	v2 =	vmax.f32 v7, $-1.000000000e+06;
	[tilespmem:$0x10A90] =	vst v1  }
0x25: {  	v1 =	vmin.f32 v2, $1.000000000e+06;
	v2 =	vmax.f32 v4, $-1.000000000e+06;
	[tilespmem:$0x10A30] =	vst v3  }
0x26: {  	[tilespmem:$0x10A00] =	vst v1;
	v1 =	vmin.f32 v2, $1.000000000e+06  }
0x27: {  	[tilespmem:$0x10A80] =	vst v1  }
0x28: {  	_ =	swait.ge [sflag:s5], $0x400  }
0x29: {  	[sflag:s5] =	ssyncset.done $0x0  }
0x2a: {  	[sflag:s5] =	ssyncadd.s32 $0xFFFFFC00  }
0x2b: {  	[tilespmem:$0x10800] =	vst v0  }
0x2c: {  	[hbm4b:s4+s1] =	stream.linear.scatter [tilespmem:s6], [sflag:$0x2], $0x200, $0x38;
	[tilespmem:$0x10B00] =	vst v63  }
0x2d: {  	_ =	swait.ge [sflag:s3], $0x200  }
0x2e: {  	[sflag:s3] =	ssyncset.done $0x0  }
0x2f: {  	[sflag:s3] =	ssyncadd.s32 $0xFFFFFE00  }
0x30: {  	[tilespmem:s9], [sflag:$0x2] =	stream.linear.gather [hbm4b:s8+s1], $0x400, $0x38;
	[tilespmem:$0x10B00] =	vst v63  }
0x31: {  	_ =	swait.ge [sflag:s3], $0x400  }
0x32: {  	[sflag:s3] =	ssyncset.done $0x0  }
0x33: {  	[sflag:s3] =	ssyncadd.s32 $0xFFFFFC00  }
0x34: {  	[tilespmem:s10], [sflag:$0x2] =	stream.linear.gather [hbm4b:s7+s1], $0x400, $0x38;
	[tilespmem:$0x10B00] =	vst v63  }
0x35: {  	_ =	swait.ge [sflag:s3], $0x400  }
.Ltmp1:
0x36: {  	[sflag:s3] =	ssyncset.done $0x0;
	(pc) =	sbr.rel @p0 .LBB2_1-.Ltmp1, $4  }
0x37: {  	[sflag:s3] =	ssyncadd.s32 $0xFFFFFC00  }
0x38: {  	[tilespmem:s1], [sflag:$0x1] =	stream.linear.gather [hbm4b:s11+s1], $0x400, $0x38;
	[tilespmem:$0x10B00] =	vst v63  }
0x39: {  	v1 =	vld [tilespmem:$0x10190]  }
0x3a: {  	v2 =	vld [tilespmem:$0x10420]  }
.LBB2_2:
0x3b: {  	v4 =	vld [tilespmem:$0x10410]  }
0x3c: {  	v5 =	vld [tilespmem:$0x10430]  }
0x3d: {  	v6 =	vld [tilespmem:$0x10120]  }
0x3e: {  	v10 =	vld [tilespmem:$0x10400]  }
0x3f: {  	v7 =	vld [tilespmem:$0x101A0]  }
0x40: {  	v3 =	vld [tilespmem:$0x10110]  }
0x41: {  	v9 =	vld [tilespmem:$0x101B0];
	v2 =	vmax.f32 v2, $-1.000000000e+01  }
0x42: {  	v4 =	vmax.f32 v4, $-1.000000000e+01;
	v2 =	vmin.f32 v2, $1.000000000e+01  }
0x43: {  	v8 =	vld [tilespmem:$0x10130];
	v5 =	vmax.f32 v5, $-1.000000000e+01;
	v52 =	vmax.f32 v10, $-1.000000000e+01;
	v49 =	vmul.f32 v2, v6  }
0x44: {  	v11 =	vld [tilespmem:$0x10100];
	v4 =	vmin.f32 v4, $1.000000000e+01;
	v48 =	vmin.f32 v5, $1.000000000e+01;
	v2 =	vmul.f32 v7, v2  }
0x45: {  	v50 =	vld [tilespmem:$0x10180];
	v3 =	vmul.f32 v4, v3;
	v1 =	vmul.f32 v1, v4;
	v5 =	vmax.f32 v49, $-1.000000000e+06  }
0x46: {  	v4 =	vmul.f32 v9, v48;
	v2 =	vmax.f32 v2, $-1.000000000e+06;
	v53 =	vmin.f32 v5, $1.000000000e+06  }
0x47: {  	v54 =	vmin.f32 v52, $1.000000000e+01;
	v3 =	vmax.f32 v3, $-1.000000000e+06;
	v2 =	vmin.f32 v2, $1.000000000e+06;
	[tilespmem:$0x10A20] =	vst v53  }
0x48: {  	v51 =	vmul.f32 v48, v8;
	v55 =	vmax.f32 v4, $-1.000000000e+06;
	v3 =	vmin.f32 v3, $1.000000000e+06;
	[tilespmem:$0x10AA0] =	vst v2  }
0x49: {  	v56 =	vmul.f32 v54, v11;
	v1 =	vmax.f32 v1, $-1.000000000e+06;
	v57 =	vmin.f32 v55, $1.000000000e+06;
	[tilespmem:$0x10A10] =	vst v3  }
0x4a: {  	v58 =	vmax.f32 v51, $-1.000000000e+06;
	v5 =	vmul.f32 v50, v54;
	v1 =	vmin.f32 v1, $1.000000000e+06;
	[tilespmem:$0x10AB0] =	vst v57  }
0x4b: {  	v60 =	vmax.f32 v56, $-1.000000000e+06;
	v59 =	vmin.f32 v58, $1.000000000e+06;
	[tilespmem:$0x10A90] =	vst v1  }
0x4c: {  	v61 =	vmin.f32 v60, $1.000000000e+06;
	v62 =	vmax.f32 v5, $-1.000000000e+06;
	[tilespmem:$0x10A30] =	vst v59  }
0x4d: {  	[tilespmem:$0x10A00] =	vst v61;
	v63 =	vmin.f32 v62, $1.000000000e+06  }
0x4e: {  	[tilespmem:$0x10A80] =	vst v63  }
0x4f: {  	_ =	swait.ge [sflag:s5], $0x400  }
0x50: {  	[sflag:s5] =	ssyncset.done $0x0  }
0x51: {  	[sflag:s5] =	ssyncadd.s32 $0xFFFFFC00  }
0x52: {  	[tilespmem:$0x10800] =	vst v0  }
0x53: {  	[hbm4b:s4+s1] =	stream.linear.scatter [tilespmem:s6], [sflag:$0x2], $0x200, $0x38;
	[tilespmem:$0x10B00] =	vst v63  }
0x54: {  	_ =	swait.ge [sflag:s3], $0x200  }
0x55: {  	[sflag:s3] =	ssyncset.done $0x0  }
0x56: {  	[sflag:s3] =	ssyncadd.s32 $0xFFFFFE00  }
0x57: {  	_ =	sfence.sel $0x180000  }
0x58: {  	[bflag:$0x0] =	sbarrier.arrive $0xFFFF  }
0x59: {  	p0 =	sne.s32 s2, $0x0;
	_ =	strace $0x90000047  }
0x5a: {  	s0 =	sadd.s32 @!p0 $0x100000, s0;
	[bflag:$0x2] =	sbarrier.arrive $0xFFFF  }
0x5b: {  	[sflag:s0] =	ssyncadd.tile.s32 @!p0 $0x1;
	_ =	shalt  }
.Lfunc_end2:
_tile_overlayer_lowered:
.L_overlay_start_2:
0x5c: {  	(tag) =	ssettag $0x2  }
0x5d: {  	s0 =	rddreg [dreg:$0x0];
	s2 =	stileid.u32  }
0x5e: {  	s1 =	rddreg [dreg:$0x1];
	p0 =	sne.s32 s2, $0x0  }
0x5f: {  	s3 =	rddreg [dreg:$0x2];
	[bflag:$0x3] =	sbarrier.arrive $0xFFFF;
	s2 =	simm.s32 @!p0 $0x1C02  }
0x60: {  	[timem:s3], [sflag:s2] =	dma.local @!p0 [hbm:s0], s1  }
0x61: {  	s0 =	simm.s32 @!p0 $0x2  }
0x62: {  	_ =	swait.ge @!p0 [sflag:s0], s1  }
0x63: {  	s1 =	ssub.s32 @!p0 $0x0, s1;
	[sflag:s0] =	ssyncset.done @!p0 $0x0  }
0x64: {  	[sflag:s0] =	ssyncadd.s32 @!p0 s1  }
0x65: {  	[bflag:$0x3] =	sbarrier.arrive $0xFFFF  }
0x66: {  	_ =	shalt  }

</sc_bundles>
